<compile_context>
chip_gen: v7x
topology: tpu7x:2x2x1
jax: 0.10.2.dev20260603
libtpu: 0.0.44.dev20260713+nightly
codegen_flags: <defaults>
</compile_context>

<pallas_src>
import jax
import jax.numpy as jnp
from jax import lax
from jax.experimental import pallas as pl
from jax.experimental.pallas import tpu as pltpu
from jax.experimental.pallas import tpu_sc as plsc

N, E, D, H, C, G = 10000, 160000, 256, 256, 10, 64
NP = 10240
NT = 16
CHUNK = 64
ICH = 128
NROW = 80
EP = NT * NROW * ICH
NBUF = 4
PD = 2
NPASS = 2
PROW = NROW // NPASS
PV = PROW * 2
EWC = 128
EW_NCH = 40
EW_PER_W = EW_NCH * EWC
ROWS_PER_TILE = NP // NT
R = 1024
GRID = NP // R


def _mesh():
    return plsc.VectorSubcoreMesh(core_axis_name="c", subcore_axis_name="s")


def _mp_body(ta, tb, src3, dst3, outa, outb, acc_sh, src_v, dst_v, rows_v,
             zero_v, gsem, ssem):
    c = lax.axis_index("c")
    s = lax.axis_index("s")

    def run(tab, out):
        def gath(r, h, b):
            return pltpu.async_copy(
                tab.at[src_v.at[r, pl.ds(h * CHUNK, CHUNK)]],
                rows_v.at[b], gsem)

        def scat_desc(b):
            return pltpu.make_async_copy(
                rows_v.at[b],
                acc_sh.at[dst_v.at[0, pl.ds(0, CHUNK)]],
                ssem)

        def stage_idx(p):
            pltpu.sync_copy(src3.at[s, pl.ds(p * PROW, PROW)], src_v)
            pltpu.sync_copy(dst3.at[s, pl.ds(p * PROW, PROW)], dst_v)

        def pass_body(k, _):
            for j in range(4):
                r = 2 * k + j // 2
                h = j % 2
                pltpu.make_async_copy(
                    tab.at[src_v.at[r, pl.ds(h * CHUNK, CHUNK)]],
                    rows_v.at[j], gsem).wait()

                pltpu.async_copy(
                    rows_v.at[j],
                    acc_sh.at[dst_v.at[r, pl.ds(h * CHUNK, CHUNK)]],
                    ssem, add=True)

                @pl.when(4 * k + j >= PD)
                def _():
                    scat_desc((j + PD) % NBUF).wait()

                r2 = 2 * k + 1 + j // 2
                b2 = (j + PD) % NBUF

                @pl.when(4 * k + j + PD < PV)
                def _():
                    gath(r2, h, b2)

            return 0

        stage_idx(0)
        for b in range(PD):
            gath(0, b, b)

        for i in range(16):
            for j in range(8):
                zero_v[i, pl.ds(j * 16, 16)] = jnp.zeros((16,), jnp.float32)

        def zloop(r, _):
            pltpu.sync_copy(zero_v,
                            acc_sh.at[pl.ds(s * ROWS_PER_TILE + r * 16, 16)])
            return 0

        lax.fori_loop(0, ROWS_PER_TILE // 16, zloop, 0)
        plsc.subcore_barrier()

        for p in range(NPASS):
            if p > 0:
                stage_idx(p)
                for b in range(PD):
                    gath(0, b, b)
            lax.fori_loop(0, PROW // 2, pass_body, 0)
            for b in range(PD):
                scat_desc(b).wait()
        plsc.subcore_barrier()
        for r in range(0, ROWS_PER_TILE, 64):
            pltpu.sync_copy(acc_sh.at[pl.ds(s * ROWS_PER_TILE + r, 64)],
                            out.at[pl.ds(s * ROWS_PER_TILE + r, 64)])

    @pl.when(c == 0)
    def _():
        run(ta, outa)

    @pl.when(c == 1)
    def _():
        run(tb, outb)


@jax.jit
def _mp(ta, tb, src3, dst3):
    return pl.kernel(
        _mp_body,
        out_type=(
            jax.ShapeDtypeStruct((NP, 128), jnp.float32),
            jax.ShapeDtypeStruct((NP, 128), jnp.float32),
        ),
        mesh=_mesh(),
        scratch_types=[
            pltpu.VMEM_SHARED((NP, 128), jnp.float32),
            pltpu.VMEM((PROW, ICH), jnp.int32),
            pltpu.VMEM((PROW, ICH), jnp.int32),
            pltpu.VMEM((NBUF, CHUNK, 128), jnp.float32),
            pltpu.VMEM((16, 128), jnp.float32),
            pltpu.SemaphoreType.DMA,
            pltpu.SemaphoreType.DMA,
        ],
    )(ta, tb, src3, dst3)


def _ew_body(att, src2, dst2, ew, s_v, d_v, a_v, b_v, o_v, sem_a, sem_b):
    c = lax.axis_index("c")
    s = lax.axis_index("s")
    w = c * 16 + s

    pltpu.sync_copy(src2.at[w], s_v)
    pltpu.sync_copy(dst2.at[w], d_v)

    def body(j, _):
        cp_a = pltpu.async_copy(att.at[s_v.at[j]], a_v, sem_a)
        cp_b = pltpu.async_copy(att.at[d_v.at[j]], b_v, sem_b)
        cp_a.wait()
        cp_b.wait()
        for k in range(EWC // 16):
            o_v[j, pl.ds(k * 16, 16)] = (a_v[pl.ds(k * 16, 16)] *
                                         b_v[pl.ds(k * 16, 16)])
        return 0

    lax.fori_loop(0, EW_NCH, body, 0)
    pltpu.sync_copy(o_v, ew.at[pl.ds(w * EW_NCH, EW_NCH)])


@jax.jit
def _ew(att, src2, dst2):
    return pl.kernel(
        _ew_body,
        out_type=jax.ShapeDtypeStruct((32 * EW_NCH, EWC), jnp.float32),
        mesh=_mesh(),
        scratch_types=[
            pltpu.VMEM((EW_NCH, EWC), jnp.int32),
            pltpu.VMEM((EW_NCH, EWC), jnp.int32),
            pltpu.VMEM((EWC,), jnp.float32),
            pltpu.VMEM((EWC,), jnp.float32),
            pltpu.VMEM((EW_NCH, EWC), jnp.float32),
            pltpu.SemaphoreType.DMA,
            pltpu.SemaphoreType.DMA,
        ],
    )(att, src2, dst2)


def _tca_body(acc1a, acc1b, xr, bf, gum, Wg, bg, Wib, bib,
              asn_o, u0a_o, u0b_o, g1_o):
    i = pl.program_id(0)
    agg = jnp.concatenate([acc1a[...], acc1b[...]], axis=1)
    z1 = jnp.maximum(agg @ Wg[...] + bg[...], 0.0)
    score = z1 @ Wib[...] + bib[...]
    m = jnp.max(score, axis=1, keepdims=True)
    e = jnp.exp(score - m)
    a1 = e / jnp.sum(e, axis=1, keepdims=True)
    t = a1 + gum[...]
    m2 = jnp.max(t, axis=1, keepdims=True)
    e2 = jnp.exp(t - m2)
    asn = e2 / jnp.sum(e2, axis=1, keepdims=True)
    asn_o[...] = asn
    x = xr[...]
    u0 = asn[:, 0:1] * x
    u0a_o[...] = u0[:, :128]
    u0b_o[...] = u0[:, 128:]
    oh = jnp.where(bf[...] == lax.broadcasted_iota(jnp.int32, (R, G), 1),
                   1.0, 0.0)
    contrib = lax.dot_general(oh, z1, (((0,), (0,)), ((), ())),
                              preferred_element_type=jnp.float32)

    @pl.when(i == 0)
    def _():
        g1_o[...] = jnp.zeros_like(g1_o)

    g1_o[...] += contrib


@jax.jit
def _tca(acc1a, acc1b, xp, bf, gum, Wg, bg, Wib, bib):
    row = lambda i: (i, 0)
    const = lambda i: (0, 0)
    return pl.pallas_call(
        _tca_body,
        grid=(GRID,),
        in_specs=[
            pl.BlockSpec((R, 128), row),
            pl.BlockSpec((R, 128), row),
            pl.BlockSpec((R, D), row),
            pl.BlockSpec((R, 1), row),
            pl.BlockSpec((R, 2), row),
            pl.BlockSpec((D, H), const),
            pl.BlockSpec((1, H), const),
            pl.BlockSpec((H, 2), const),
            pl.BlockSpec((1, 2), const),
        ],
        out_specs=[
            pl.BlockSpec((R, 2), row),
            pl.BlockSpec((R, 128), row),
            pl.BlockSpec((R, 128), row),
            pl.BlockSpec((G, H), const),
        ],
        out_shape=[
            jax.ShapeDtypeStruct((NP, 2), jnp.float32),
            jax.ShapeDtypeStruct((NP, 128), jnp.float32),
            jax.ShapeDtypeStruct((NP, 128), jnp.float32),
            jax.ShapeDtypeStruct((G, H), jnp.float32),
        ],
    )(acc1a, acc1b, xp, bf, gum, Wg, bg, Wib, bib)


def _tcb_body(accAa, accAb, acc1a, acc1b, asn, bf, Wctx, bctx, Wobj, bobj,
              g1r, Pr, yr, Wm1, bm1, Wm3, bm3, Wco1, bco1, Wco2, bco2,
              Wo1, bo1, Wo2, bo2, Wc1, bc1, Wc2, bc2, Wcs1, bcs1, Wcs2, bcs2,
              gM_o, gR_o, h1_o, hM_o, p1_o, pM_o, hco_o, hres_o, hcos_o, ys_o):
    i = pl.program_id(0)
    a = asn[...]
    accA = jnp.concatenate([accAa[...], accAb[...]], axis=1)
    acc1 = jnp.concatenate([acc1a[...], acc1b[...]], axis=1)
    aggO = a[:, 0:1] * accA
    aggC = a[:, 1:2] * (acc1 - accA)
    zM = jnp.maximum(aggO @ Wctx[...] + bctx[...], 0.0)
    zR = jnp.maximum(aggC @ Wobj[...] + bobj[...], 0.0)
    oh = jnp.where(bf[...] == lax.broadcasted_iota(jnp.int32, (R, G), 1),
                   1.0, 0.0)
    cM = lax.dot_general(oh, zM, (((0,), (0,)), ((), ())),
                         preferred_element_type=jnp.float32)
    cR = lax.dot_general(oh, zR, (((0,), (0,)), ((), ())),
                         preferred_element_type=jnp.float32)

    @pl.when(i == 0)
    def _():
        gM_o[...] = jnp.zeros_like(gM_o)
        gR_o[...] = jnp.zeros_like(gR_o)

    gM_o[...] += cM
    gR_o[...] += cR

    @pl.when(i == GRID - 1)
    def _():
        gM = gM_o[...]
        gR = gR_o[...]
        g1 = g1r[...]
        P = Pr[...]
        g_co = P @ gR + gM
        g_co_s = gR + P @ gM
        relu = lambda v: jnp.maximum(v, 0.0)
        h1_o[...] = g1 @ Wm1[...] + bm1[...]
        hM_o[...] = relu(gM @ Wo1[...] + bo1[...]) @ Wo2[...] + bo2[...]
        p1_o[...] = g1 @ Wm3[...] + bm3[...]
        pM_o[...] = gM @ Wm3[...] + bm3[...]
        hco_o[...] = relu(g_co @ Wco1[...] + bco1[...]) @ Wco2[...] + bco2[...]
        hres_o[...] = relu(gR @ Wc1[...] + bc1[...]) @ Wc2[...] + bc2[...]
        hcos_o[...] = relu(g_co_s @ Wcs1[...] + bcs1[...]) @ Wcs2[...] + bcs2[...]
        ys_o[...] = P @ yr[...]


@jax.jit
def _tcb(accAa, accAb, acc1a, acc1b, asn, bf, Wctx, bctx, Wobj, bobj,
         g1, P, yf, Wm1, bm1, Wm3, bm3, Wco1, bco1, Wco2, bco2,
         Wo1, bo1, Wo2, bo2, Wc1, bc1, Wc2, bc2, Wcs1, bcs1, Wcs2, bcs2):
    row = lambda i: (i, 0)
    const = lambda i: (0, 0)
    wspec = lambda shape: pl.BlockSpec(shape, const)
    return pl.pallas_call(
        _tcb_body,
        grid=(GRID,),
        in_specs=[
            pl.BlockSpec((R, 128), row),
            pl.BlockSpec((R, 128), row),
            pl.BlockSpec((R, 128), row),
            pl.BlockSpec((R, 128), row),
            pl.BlockSpec((R, 2), row),
            pl.BlockSpec((R, 1), row),
            wspec((D, H)), wspec((1, H)), wspec((D, H)), wspec((1, H)),
            wspec((G, H)), wspec((G, G)), wspec((G, 1)),
            wspec((H, C)), wspec((1, C)),
            wspec((H, H)), wspec((1, H)),
            wspec((H, H)), wspec((1, H)), wspec((H, C)), wspec((1, C)),
            wspec((H, H)), wspec((1, H)), wspec((H, C)), wspec((1, C)),
            wspec((H, H)), wspec((1, H)), wspec((H, C)), wspec((1, C)),
            wspec((H, H)), wspec((1, H)), wspec((H, C)), wspec((1, C)),
        ],
        out_specs=[
            wspec((G, H)), wspec((G, H)),
            wspec((G, C)), wspec((G, C)), wspec((G, H)), wspec((G, H)),
            wspec((G, C)), wspec((G, C)), wspec((G, C)), wspec((G, 1)),
        ],
        out_shape=[
            jax.ShapeDtypeStruct((G, H), jnp.float32),
            jax.ShapeDtypeStruct((G, H), jnp.float32),
            jax.ShapeDtypeStruct((G, C), jnp.float32),
            jax.ShapeDtypeStruct((G, C), jnp.float32),
            jax.ShapeDtypeStruct((G, H), jnp.float32),
            jax.ShapeDtypeStruct((G, H), jnp.float32),
            jax.ShapeDtypeStruct((G, C), jnp.float32),
            jax.ShapeDtypeStruct((G, C), jnp.float32),
            jax.ShapeDtypeStruct((G, C), jnp.float32),
            jax.ShapeDtypeStruct((G, 1), jnp.float32),
        ],
    )(accAa, accAb, acc1a, acc1b, asn, bf, Wctx, bctx, Wobj, bobj,
      g1, P, yf, Wm1, bm1, Wm3, bm3, Wco1, bco1, Wco2, bco2,
      Wo1, bo1, Wo2, bo2, Wc1, bc1, Wc2, bc2, Wcs1, bcs1, Wcs2, bcs2)


def kernel(x, edge_index, batch, y, W_g1, b_g1, W_ctx, b_ctx, W_obj, b_obj,
           W_ib, b_ib, W_m1, b_m1, W_m3, b_m3, W_co1, b_co1, W_co2, b_co2,
           W_o1, b_o1, W_o2, b_o2, W_c1, b_c1, W_c2, b_c2, W_cs1, b_cs1,
           W_cs2, b_cs2):
    f32 = jnp.float32

    xp = jnp.pad(x, ((0, NP - N), (0, 0)))
    xa = xp[:, :128]
    xb = xp[:, 128:]

    src = edge_index[0]
    dst = edge_index[1]
    src_p = jnp.pad(src, (0, EP - E))
    dst_p = jnp.pad(dst, (0, EP - E), constant_values=N)
    src3 = src_p.reshape(NT, NROW, ICH)
    dst3 = dst_p.reshape(NT, NROW, ICH)
    src2 = src_p.reshape(32, EW_NCH, EWC)
    dst2 = dst_p.reshape(32, EW_NCH, EWC)

    bf = jnp.pad(batch, (0, NP - N), constant_values=-1).reshape(NP, 1)

    u = jax.random.uniform(jax.random.key(42), (N, 2), minval=1e-10,
                           maxval=1.0)
    gum = -jnp.log(-jnp.log(u))
    gum = jnp.pad(gum, ((0, NP - N), (0, 0)))

    random_idx = jax.random.permutation(jax.random.key(7), G)
    P = (random_idx[:, None] == jnp.arange(G)[None, :]).astype(f32)
    yf = y.astype(f32)

    rb = lambda b: b.reshape(1, -1)

    acc1a, acc1b = _mp(xa, xb, src3, dst3)

    asn, u0a, u0b, g1 = _tca(
        acc1a, acc1b, xp, bf, gum, W_g1, rb(b_g1), W_ib, rb(b_ib))

    accAa, accAb = _mp(u0a, u0b, src3, dst3)

    att0 = asn[:, 0]
    ew = _ew(att0, src2, dst2)

    (gM, gR, h1, hM, p1, pM, hco, hres, hcos, ysf) = _tcb(
        accAa, accAb, acc1a, acc1b, asn, bf, W_ctx, rb(b_ctx), W_obj,
        rb(b_obj), g1, P, yf, W_m1, rb(b_m1), W_m3, rb(b_m3),
        W_co1, rb(b_co1), W_co2, rb(b_co2), W_o1, rb(b_o1), W_o2, rb(b_o2),
        W_c1, rb(b_c1), W_c2, rb(b_c2), W_cs1, rb(b_cs1), W_cs2, rb(b_cs2))

    assignment = asn[:N]
    edge_weight_o = ew.reshape(-1)[:E].reshape(E, 1)
    y_shuf = ysf[:, 0].astype(jnp.int32)

    return (h1, g1, hM, gM, p1, pM, assignment, hco, hres, edge_weight_o,
            hcos, y_shuf)

# --- scband reference (transcript-rebuilt; emitter-appended) ---
"""Pipeline reference for scband-encoder-89747636617486 (READ-ONLY COPY).

The authoritative reference and input builder live on the scoring server;
editing this copy changes nothing except your own understanding.
"""

import jax, jax.numpy as jnp
import numpy as np

N, E, D, H, C, G = 10000, 160000, 256, 256, 10, 64

def _li(key, fan_in, shape):
    return jax.random.normal(key, shape, dtype=jnp.float32) * (1.0 / np.sqrt(fan_in))

def setup_inputs(seed: int = 0):
    key = jax.random.key(seed)
    ks = jax.random.split(key, 20)
    inp = {}
    inp["x"] = jax.random.normal(ks[0], (N, D), dtype=jnp.float32)
    inp["edge_index"] = jax.random.randint(ks[1], (2, E), 0, N, dtype=jnp.int32)
    inp["batch"] = jnp.sort(jax.random.randint(ks[2], (N,), 0, G, dtype=jnp.int32))
    inp["y"] = jax.random.randint(ks[3], (G, 1), 0, C, dtype=jnp.int32)
    inp["W_g1"] = _li(ks[4], D, (D, H)); inp["b_g1"] = jnp.zeros((H,), jnp.float32)
    inp["W_ctx"] = _li(ks[5], D, (D, H)); inp["b_ctx"] = jnp.zeros((H,), jnp.float32)
    inp["W_obj"] = _li(ks[6], D, (D, H)); inp["b_obj"] = jnp.zeros((H,), jnp.float32)
    inp["W_ib"] = _li(ks[7], H, (H, 2)); inp["b_ib"] = jnp.zeros((2,), jnp.float32)
    inp["W_m1"] = _li(ks[8], H, (H, C)); inp["b_m1"] = jnp.zeros((C,), jnp.float32)
    inp["W_m3"] = _li(ks[9], H, (H, H)); inp["b_m3"] = jnp.zeros((H,), jnp.float32)
    inp["W_co1"] = _li(ks[10], H, (H, H)); inp["b_co1"] = jnp.zeros((H,), jnp.float32)
    inp["W_co2"] = _li(ks[11], H, (H, C)); inp["b_co2"] = jnp.zeros((C,), jnp.float32)
    inp["W_o1"] = _li(ks[12], H, (H, H)); inp["b_o1"] = jnp.zeros((H,), jnp.float32)
    inp["W_o2"] = _li(ks[13], H, (H, C)); inp["b_o2"] = jnp.zeros((C,), jnp.float32)
    inp["W_c1"] = _li(ks[14], H, (H, H)); inp["b_c1"] = jnp.zeros((H,), jnp.float32)
    inp["W_c2"] = _li(ks[15], H, (H, C)); inp["b_c2"] = jnp.zeros((C,), jnp.float32)
    inp["W_cs1"] = _li(ks[16], H, (H, H)); inp["b_cs1"] = jnp.zeros((H,), jnp.float32)
    inp["W_cs2"] = _li(ks[17], H, (H, C)); inp["b_cs2"] = jnp.zeros((C,), jnp.float32)
    return inp

def _gcn(x, src, dst, batch, W, b, edge_atten=None):
    msg = x[src]
    if edge_atten is not None:
        msg = msg * edge_atten
    agg = jax.ops.segment_sum(msg, dst, num_segments=N)
    z = jax.nn.relu(agg @ W + b)
    g = jax.ops.segment_sum(z, batch, num_segments=G)
    return z, g

def _fc(h, W1, b1, W2, b2):
    # FC: Linear -> Dropout(eval: identity) -> ReLU -> Linear
    return jax.nn.relu(h @ W1 + b1) @ W2 + b2

def reference(x, edge_index, batch, y, W_g1, b_g1, W_ctx, b_ctx, W_obj, b_obj, W_ib, b_ib, W_m1, b_m1, W_m3, b_m3, W_co1, b_co1, W_co2, b_co2, W_o1, b_o1, W_o2, b_o2, W_c1, b_c1, W_c2, b_c2, W_cs1, b_cs1, W_cs2, b_cs2):
    src, dst = edge_index[0], edge_index[1]
    z1, g1 = _gcn(x, src, dst, batch, W_g1, b_g1)
    IB_score = z1 @ W_ib + b_ib
    assignment = jax.nn.softmax(IB_score, axis=1)
    # gumbel_softmax(assignment, tau=1, dim=-1), soft
    u = jax.random.uniform(jax.random.key(42), assignment.shape, minval=1e-10, maxval=1.0)
    gum = -jnp.log(-jnp.log(u))
    assignment = jax.nn.softmax((assignment + gum) / 1.0, axis=-1)
    att0 = assignment[:, 0]; att1 = assignment[:, 1]
    edge_weight_o = (att0[src] * att0[dst])[:, None]
    edge_weight_c = (att1[src] * att1[dst])[:, None]
    z_M, _ = _gcn(x, src, dst, batch, W_ctx, b_ctx, edge_atten=edge_weight_o)
    z_res, _ = _gcn(x, src, dst, batch, W_obj, b_obj, edge_atten=edge_weight_c)
    g_M = jax.ops.segment_sum(z_M, batch, num_segments=G)
    g_res = jax.ops.segment_sum(z_res, batch, num_segments=G)
    random_idx = jax.random.permutation(jax.random.key(7), G)
    g_co = g_res[random_idx] + g_M
    g_co_s = g_res + g_M[random_idx]
    y_shuf = y.squeeze(1).astype(jnp.int32)[random_idx]
    h_co = _fc(g_co, W_co1, b_co1, W_co2, b_co2)
    h_M = _fc(g_M, W_o1, b_o1, W_o2, b_o2)
    h1 = g1 @ W_m1 + b_m1
    h_res = _fc(g_res, W_c1, b_c1, W_c2, b_c2)
    h_co_s = _fc(g_co_s, W_cs1, b_cs1, W_cs2, b_cs2)
    proj_M = jax.lax.stop_gradient(g_M) @ W_m3 + b_m3
    proj1 = jax.lax.stop_gradient(g1) @ W_m3 + b_m3
    return (h1, g1, h_M, g_M, proj1, proj_M, assignment, h_co, h_res, edge_weight_o, h_co_s, y_shuf)

if __name__ == "__main__":
    import jax
    _d = setup_inputs()
    print(jax.jit(kernel)(*tuple(_d.values())))

</pallas_src>

<mosaic_0001>
#map = affine_map<(d0, d1) -> (0, 0)>
#map1 = affine_map<(d0, d1) -> (0, 0, 0)>
module attributes {stable_mosaic.version = 14 : i64} {
  func.func @_mp_body(%arg0: i32, %arg1: i32, %arg2: memref<10240x128xf32, #tpu.memory_space<hbm>>, %arg3: memref<10240x128xf32, #tpu.memory_space<hbm>>, %arg4: memref<16x80x128xi32, #tpu.memory_space<hbm>>, %arg5: memref<16x80x128xi32, #tpu.memory_space<hbm>>, %arg6: memref<10240x128xf32, #tpu.memory_space<hbm>>, %arg7: memref<10240x128xf32, #tpu.memory_space<hbm>>, %arg8: memref<10240x128xf32, #tpu.memory_space<vmem_shared>>, %arg9: memref<40x128xi32, #tpu.memory_space<vmem>>, %arg10: memref<40x128xi32, #tpu.memory_space<vmem>>, %arg11: memref<4x64x128xf32, #tpu.memory_space<vmem>>, %arg12: memref<16x128xf32, #tpu.memory_space<vmem>>, %arg13: memref<!tpu.dma_semaphore, #tpu.memory_space<semaphore_mem>>, %arg14: memref<!tpu.dma_semaphore, #tpu.memory_space<semaphore_mem>>) attributes {dimension_semantics = [#tpu.dimension_semantics<core_parallel>, #tpu.dimension_semantics<subcore_parallel>], iteration_bounds = array<i64: 2, 16>, scalar_prefetch = 0 : i64, scratch_operands = 7 : i64, tpu.core_type = #tpu.core_type<sc_vector_subcore>, window_params = [{transform_indices = #map}, {transform_indices = #map}, {transform_indices = #map1}, {transform_indices = #map1}, {transform_indices = #map}, {transform_indices = #map}]} {
    %eq3A = arith.constant 0 : i32
    %eq3A_0 = arith.cmpi eq, %arg0, %eq3A : i32
    %convert_element_type3A = arith.extui %eq3A_0 : i1 to i32
    %cond3A = arith.constant 0 : i32
    %cond3A_1 = arith.cmpi ne, %convert_element_type3A, %cond3A : i32
    scf.if %cond3A_1 {
      "tpu.region"() ({
        %run_scoped3A = tpu.sem_alloc : memref<!tpu.dma_semaphore, #tpu.memory_space<semaphore_mem>>
        %dma_start3A_1222 = arith.constant 0 : i32
        %dma_start3A_1223 = arith.constant 0 : i32
        %dma_start3A_1224 = tpu.memref_slice %arg4[%arg1, %dma_start3A_1222, %dma_start3A_1223] : memref<16x80x128xi32, #tpu.memory_space<hbm>> -> memref<1x40x128xi32, #tpu.memory_space<hbm>>
        %dma_start3A_1225 = tpu.memref_squeeze %dma_start3A_1224 : memref<1x40x128xi32, #tpu.memory_space<hbm>> -> memref<40x128xi32, #tpu.memory_space<hbm>>
        %dma_start3A_1226 = arith.constant 0 : i32
        %dma_start3A_1227 = arith.constant 0 : i32
        %dma_start3A_1228 = tpu.memref_slice %arg4[%arg1, %dma_start3A_1226, %dma_start3A_1227] : memref<16x80x128xi32, #tpu.memory_space<hbm>> -> memref<1x40x128xi32, #tpu.memory_space<hbm>>
        %dma_start3A_1229 = tpu.memref_squeeze %dma_start3A_1228 : memref<1x40x128xi32, #tpu.memory_space<hbm>> -> memref<40x128xi32, #tpu.memory_space<hbm>>
        tpu.enqueue_dma source(%dma_start3A_1229 : memref<40x128xi32, #tpu.memory_space<hbm>>) target(%arg9 : memref<40x128xi32, #tpu.memory_space<vmem>>) target_semaphore(%run_scoped3A : memref<!tpu.dma_semaphore, #tpu.memory_space<semaphore_mem>>)
        %dma_wait3A_1230 = arith.constant 0 : i32
        %dma_wait3A_1231 = arith.constant 0 : i32
        %dma_wait3A_1232 = tpu.memref_slice %arg4[%arg1, %dma_wait3A_1230, %dma_wait3A_1231] : memref<16x80x128xi32, #tpu.memory_space<hbm>> -> memref<1x40x128xi32, #tpu.memory_space<hbm>>
        %dma_wait3A_1233 = tpu.memref_squeeze %dma_wait3A_1232 : memref<1x40x128xi32, #tpu.memory_space<hbm>> -> memref<40x128xi32, #tpu.memory_space<hbm>>
        %dma_wait3A_1234 = arith.constant 0 : i32
        %dma_wait3A_1235 = arith.constant 0 : i32
        %dma_wait3A_1236 = tpu.memref_slice %arg4[%arg1, %dma_wait3A_1234, %dma_wait3A_1235] : memref<16x80x128xi32, #tpu.memory_space<hbm>> -> memref<1x40x128xi32, #tpu.memory_space<hbm>>
        %dma_wait3A_1237 = tpu.memref_squeeze %dma_wait3A_1236 : memref<1x40x128xi32, #tpu.memory_space<hbm>> -> memref<40x128xi32, #tpu.memory_space<hbm>>
        tpu.wait_dma2 semaphore(%run_scoped3A : memref<!tpu.dma_semaphore, #tpu.memory_space<semaphore_mem>>) src(%dma_wait3A_1237 : memref<40x128xi32, #tpu.memory_space<hbm>>) dst(%arg9 : memref<40x128xi32, #tpu.memory_space<vmem>>)
        tpu.yield
      }) : () -> ()
      "tpu.region"() ({
        %run_scoped3A = tpu.sem_alloc : memref<!tpu.dma_semaphore, #tpu.memory_space<semaphore_mem>>
        %dma_start3A_1222 = arith.constant 0 : i32
        %dma_start3A_1223 = arith.constant 0 : i32
        %dma_start3A_1224 = tpu.memref_slice %arg5[%arg1, %dma_start3A_1222, %dma_start3A_1223] : memref<16x80x128xi32, #tpu.memory_space<hbm>> -> memref<1x40x128xi32, #tpu.memory_space<hbm>>
        %dma_start3A_1225 = tpu.memref_squeeze %dma_start3A_1224 : memref<1x40x128xi32, #tpu.memory_space<hbm>> -> memref<40x128xi32, #tpu.memory_space<hbm>>
        %dma_start3A_1226 = arith.constant 0 : i32
        %dma_start3A_1227 = arith.constant 0 : i32
        %dma_start3A_1228 = tpu.memref_slice %arg5[%arg1, %dma_start3A_1226, %dma_start3A_1227] : memref<16x80x128xi32, #tpu.memory_space<hbm>> -> memref<1x40x128xi32, #tpu.memory_space<hbm>>
        %dma_start3A_1229 = tpu.memref_squeeze %dma_start3A_1228 : memref<1x40x128xi32, #tpu.memory_space<hbm>> -> memref<40x128xi32, #tpu.memory_space<hbm>>
        tpu.enqueue_dma source(%dma_start3A_1229 : memref<40x128xi32, #tpu.memory_space<hbm>>) target(%arg10 : memref<40x128xi32, #tpu.memory_space<vmem>>) target_semaphore(%run_scoped3A : memref<!tpu.dma_semaphore, #tpu.memory_space<semaphore_mem>>)
        %dma_wait3A_1230 = arith.constant 0 : i32
        %dma_wait3A_1231 = arith.constant 0 : i32
        %dma_wait3A_1232 = tpu.memref_slice %arg5[%arg1, %dma_wait3A_1230, %dma_wait3A_1231] : memref<16x80x128xi32, #tpu.memory_space<hbm>> -> memref<1x40x128xi32, #tpu.memory_space<hbm>>
        %dma_wait3A_1233 = tpu.memref_squeeze %dma_wait3A_1232 : memref<1x40x128xi32, #tpu.memory_space<hbm>> -> memref<40x128xi32, #tpu.memory_space<hbm>>
        %dma_wait3A_1234 = arith.constant 0 : i32
        %dma_wait3A_1235 = arith.constant 0 : i32
        %dma_wait3A_1236 = tpu.memref_slice %arg5[%arg1, %dma_wait3A_1234, %dma_wait3A_1235] : memref<16x80x128xi32, #tpu.memory_space<hbm>> -> memref<1x40x128xi32, #tpu.memory_space<hbm>>
        %dma_wait3A_1237 = tpu.memref_squeeze %dma_wait3A_1236 : memref<1x40x128xi32, #tpu.memory_space<hbm>> -> memref<40x128xi32, #tpu.memory_space<hbm>>
        tpu.wait_dma2 semaphore(%run_scoped3A : memref<!tpu.dma_semaphore, #tpu.memory_space<semaphore_mem>>) src(%dma_wait3A_1237 : memref<40x128xi32, #tpu.memory_space<hbm>>) dst(%arg10 : memref<40x128xi32, #tpu.memory_space<vmem>>)
        tpu.yield
      }) : () -> ()
      %dma_start3A = arith.constant 0 : i32
      %dma_start3A_7 = arith.constant 0 : i32
      %dma_start3A_8 = arith.constant 0 : i32
      %dma_start3A_9 = arith.constant 0 : i32
      %dma_start3A_10 = tpu.memref_slice %arg11[%dma_start3A_7, %dma_start3A_8, %dma_start3A_9] : memref<4x64x128xf32, #tpu.memory_space<vmem>> -> memref<1x64x128xf32, #tpu.memory_space<vmem>>
      %dma_start3A_11 = tpu.memref_squeeze %dma_start3A_10 : memref<1x64x128xf32, #tpu.memory_space<vmem>> -> memref<64x128xf32, #tpu.memory_space<vmem>>
      %dma_start3A_12 = arith.constant 0 : i32
      %dma_start3A_13 = tpu.memref_slice %arg9[%dma_start3A, %dma_start3A_12] : memref<40x128xi32, #tpu.memory_space<vmem>> -> memref<1x64xi32, #tpu.memory_space<vmem>>
      %dma_start3A_14 = tpu.memref_squeeze %dma_start3A_13 : memref<1x64xi32, #tpu.memory_space<vmem>> -> memref<64xi32, #tpu.memory_space<vmem>>
      %dma_start3A_15 = arith.constant 0 : i32
      %dma_start3A_16 = arith.constant 0 : i32
      %dma_start3A_17 = tpu.memref_slice %arg2[%dma_start3A_15, %dma_start3A_16] : memref<10240x128xf32, #tpu.memory_space<hbm>> -> memref<10240x128xf32, #tpu.memory_space<hbm>>
      tpu.enqueue_indirect_dma source(%dma_start3A_17 : memref<10240x128xf32, #tpu.memory_space<hbm>>) target(%dma_start3A_11 : memref<64x128xf32, #tpu.memory_space<vmem>>) offsets(%dma_start3A_14 : memref<64xi32, #tpu.memory_space<vmem>>) semaphore(%arg13 : memref<!tpu.dma_semaphore, #tpu.memory_space<semaphore_mem>>)
      %dma_start3A_18 = arith.constant 0 : i32
      %dma_start3A_19 = arith.constant 1 : i32
      %dma_start3A_20 = arith.constant 0 : i32
      %dma_start3A_21 = arith.constant 0 : i32
      %dma_start3A_22 = tpu.memref_slice %arg11[%dma_start3A_19, %dma_start3A_20, %dma_start3A_21] : memref<4x64x128xf32, #tpu.memory_space<vmem>> -> memref<1x64x128xf32, #tpu.memory_space<vmem>>
      %dma_start3A_23 = tpu.memref_squeeze %dma_start3A_22 : memref<1x64x128xf32, #tpu.memory_space<vmem>> -> memref<64x128xf32, #tpu.memory_space<vmem>>
      %dma_start3A_24 = arith.constant 64 : i32
      %dma_start3A_25 = tpu.memref_slice %arg9[%dma_start3A_18, %dma_start3A_24] : memref<40x128xi32, #tpu.memory_space<vmem>> -> memref<1x64xi32, #tpu.memory_space<vmem>>
      %dma_start3A_26 = tpu.memref_squeeze %dma_start3A_25 : memref<1x64xi32, #tpu.memory_space<vmem>> -> memref<64xi32, #tpu.memory_space<vmem>>
      %dma_start3A_27 = arith.constant 0 : i32
      %dma_start3A_28 = arith.constant 0 : i32
      %dma_start3A_29 = tpu.memref_slice %arg2[%dma_start3A_27, %dma_start3A_28] : memref<10240x128xf32, #tpu.memory_space<hbm>> -> memref<10240x128xf32, #tpu.memory_space<hbm>>
      tpu.enqueue_indirect_dma source(%dma_start3A_29 : memref<10240x128xf32, #tpu.memory_space<hbm>>) target(%dma_start3A_23 : memref<64x128xf32, #tpu.memory_space<vmem>>) offsets(%dma_start3A_26 : memref<64xi32, #tpu.memory_space<vmem>>) semaphore(%arg13 : memref<!tpu.dma_semaphore, #tpu.memory_space<semaphore_mem>>)
      %broadcast_in_dim3A = arith.constant 0.000000e+00 : f32
      %broadcast_in_dim3A_30 = vector.broadcast %broadcast_in_dim3A : f32 to vector<16xf32>
      %swap3A = arith.constant 0 : i32
      %swap3A_31 = arith.index_cast %swap3A : i32 to index
      %swap3A_32 = arith.constant 0 : index
      %swap3A_33 = tpu.vector_load %arg12[%swap3A_31, %swap3A_32] {strides = array<i32>} : memref<16x128xf32, #tpu.memory_space<vmem>>, vector<1x16xf32>,
      %swap3A_34 = vector.shape_cast %swap3A_33 : vector<1x16xf32> to vector<16xf32>
      %swap3A_35 = vector.shape_cast %broadcast_in_dim3A_30 : vector<16xf32> to vector<1x16xf32>
      tpu.vector_store %arg12[%swap3A_31, %swap3A_32], %swap3A_35 {strides = array<i32>} : memref<16x128xf32, #tpu.memory_space<vmem>>, vector<1x16xf32>,
      %broadcast_in_dim3A_36 = arith.constant 0.000000e+00 : f32
      %broadcast_in_dim3A_37 = vector.broadcast %broadcast_in_dim3A_36 : f32 to vector<16xf32>
      %swap3A_38 = arith.constant 0 : i32
      %swap3A_39 = arith.index_cast %swap3A_38 : i32 to index
      %swap3A_40 = arith.constant 16 : index
      %swap3A_41 = tpu.vector_load %arg12[%swap3A_39, %swap3A_40] {strides = array<i32>} : memref<16x128xf32, #tpu.memory_space<vmem>>, vector<1x16xf32>,
      %swap3A_42 = vector.shape_cast %swap3A_41 : vector<1x16xf32> to vector<16xf32>
      %swap3A_43 = vector.shape_cast %broadcast_in_dim3A_37 : vector<16xf32> to vector<1x16xf32>
      tpu.vector_store %arg12[%swap3A_39, %swap3A_40], %swap3A_43 {strides = array<i32>} : memref<16x128xf32, #tpu.memory_space<vmem>>, vector<1x16xf32>,
      %broadcast_in_dim3A_44 = arith.constant 0.000000e+00 : f32
      %broadcast_in_dim3A_45 = vector.broadcast %broadcast_in_dim3A_44 : f32 to vector<16xf32>
      %swap3A_46 = arith.constant 0 : i32
      %swap3A_47 = arith.index_cast %swap3A_46 : i32 to index
      %swap3A_48 = arith.constant 32 : index
      %swap3A_49 = tpu.vector_load %arg12[%swap3A_47, %swap3A_48] {strides = array<i32>} : memref<16x128xf32, #tpu.memory_space<vmem>>, vector<1x16xf32>,
      %swap3A_50 = vector.shape_cast %swap3A_49 : vector<1x16xf32> to vector<16xf32>
      %swap3A_51 = vector.shape_cast %broadcast_in_dim3A_45 : vector<16xf32> to vector<1x16xf32>
      tpu.vector_store %arg12[%swap3A_47, %swap3A_48], %swap3A_51 {strides = array<i32>} : memref<16x128xf32, #tpu.memory_space<vmem>>, vector<1x16xf32>,
      %broadcast_in_dim3A_52 = arith.constant 0.000000e+00 : f32
      %broadcast_in_dim3A_53 = vector.broadcast %broadcast_in_dim3A_52 : f32 to vector<16xf32>
      %swap3A_54 = arith.constant 0 : i32
      %swap3A_55 = arith.index_cast %swap3A_54 : i32 to index
      %swap3A_56 = arith.constant 48 : index
      %swap3A_57 = tpu.vector_load %arg12[%swap3A_55, %swap3A_56] {strides = array<i32>} : memref<16x128xf32, #tpu.memory_space<vmem>>, vector<1x16xf32>,
      %swap3A_58 = vector.shape_cast %swap3A_57 : vector<1x16xf32> to vector<16xf32>
      %swap3A_59 = vector.shape_cast %broadcast_in_dim3A_53 : vector<16xf32> to vector<1x16xf32>
      tpu.vector_store %arg12[%swap3A_55, %swap3A_56], %swap3A_59 {strides = array<i32>} : memref<16x128xf32, #tpu.memory_space<vmem>>, vector<1x16xf32>,
      %broadcast_in_dim3A_60 = arith.constant 0.000000e+00 : f32
      %broadcast_in_dim3A_61 = vector.broadcast %broadcast_in_dim3A_60 : f32 to vector<16xf32>
      %swap3A_62 = arith.constant 0 : i32
      %swap3A_63 = arith.index_cast %swap3A_62 : i32 to index
      %swap3A_64 = arith.constant 64 : index
      %swap3A_65 = tpu.vector_load %arg12[%swap3A_63, %swap3A_64] {strides = array<i32>} : memref<16x128xf32, #tpu.memory_space<vmem>>, vector<1x16xf32>,
      %swap3A_66 = vector.shape_cast %swap3A_65 : vector<1x16xf32> to vector<16xf32>
      %swap3A_67 = vector.shape_cast %broadcast_in_dim3A_61 : vector<16xf32> to vector<1x16xf32>
      tpu.vector_store %arg12[%swap3A_63, %swap3A_64], %swap3A_67 {strides = array<i32>} : memref<16x128xf32, #tpu.memory_space<vmem>>, vector<1x16xf32>,
      %broadcast_in_dim3A_68 = arith.constant 0.000000e+00 : f32
      %broadcast_in_dim3A_69 = vector.broadcast %broadcast_in_dim3A_68 : f32 to vector<16xf32>
      %swap3A_70 = arith.constant 0 : i32
      %swap3A_71 = arith.index_cast %swap3A_70 : i32 to index
      %swap3A_72 = arith.constant 80 : index
      %swap3A_73 = tpu.vector_load %arg12[%swap3A_71, %swap3A_72] {strides = array<i32>} : memref<16x128xf32, #tpu.memory_space<vmem>>, vector<1x16xf32>,
      %swap3A_74 = vector.shape_cast %swap3A_73 : vector<1x16xf32> to vector<16xf32>
      %swap3A_75 = vector.shape_cast %broadcast_in_dim3A_69 : vector<16xf32> to vector<1x16xf32>
      tpu.vector_store %arg12[%swap3A_71, %swap3A_72], %swap3A_75 {strides = array<i32>} : memref<16x128xf32, #tpu.memory_space<vmem>>, vector<1x16xf32>,
      %broadcast_in_dim3A_76 = arith.constant 0.000000e+00 : f32
      %broadcast_in_dim3A_77 = vector.broadcast %broadcast_in_dim3A_76 : f32 to vector<16xf32>
      %swap3A_78 = arith.constant 0 : i32
      %swap3A_79 = arith.index_cast %swap3A_78 : i32 to index
      %swap3A_80 = arith.constant 96 : index
      %swap3A_81 = tpu.vector_load %arg12[%swap3A_79, %swap3A_80] {strides = array<i32>} : memref<16x128xf32, #tpu.memory_space<vmem>>, vector<1x16xf32>,
      %swap3A_82 = vector.shape_cast %swap3A_81 : vector<1x16xf32> to vector<16xf32>
      %swap3A_83 = vector.shape_cast %broadcast_in_dim3A_77 : vector<16xf32> to vector<1x16xf32>
      tpu.vector_store %arg12[%swap3A_79, %swap3A_80], %swap3A_83 {strides = array<i32>} : memref<16x128xf32, #tpu.memory_space<vmem>>, vector<1x16xf32>,
      %broadcast_in_dim3A_84 = arith.constant 0.000000e+00 : f32
      %broadcast_in_dim3A_85 = vector.broadcast %broadcast_in_dim3A_84 : f32 to vector<16xf32>
      %swap3A_86 = arith.constant 0 : i32
      %swap3A_87 = arith.index_cast %swap3A_86 : i32 to index
      %swap3A_88 = arith.constant 112 : index
      %swap3A_89 = tpu.vector_load %arg12[%swap3A_87, %swap3A_88] {strides = array<i32>} : memref<16x128xf32, #tpu.memory_space<vmem>>, vector<1x16xf32>,
      %swap3A_90 = vector.shape_cast %swap3A_89 : vector<1x16xf32> to vector<16xf32>
      %swap3A_91 = vector.shape_cast %broadcast_in_dim3A_85 : vector<16xf32> to vector<1x16xf32>
      tpu.vector_store %arg12[%swap3A_87, %swap3A_88], %swap3A_91 {strides = array<i32>} : memref<16x128xf32, #tpu.memory_space<vmem>>, vector<1x16xf32>,
      %broadcast_in_dim3A_92 = arith.constant 0.000000e+00 : f32
      %broadcast_in_dim3A_93 = vector.broadcast %broadcast_in_dim3A_92 : f32 to vector<16xf32>
      %swap3A_94 = arith.constant 1 : i32
      %swap3A_95 = arith.index_cast %swap3A_94 : i32 to index
      %swap3A_96 = arith.constant 0 : index
      %swap3A_97 = tpu.vector_load %arg12[%swap3A_95, %swap3A_96] {strides = array<i32>} : memref<16x128xf32, #tpu.memory_space<vmem>>, vector<1x16xf32>,
      %swap3A_98 = vector.shape_cast %swap3A_97 : vector<1x16xf32> to vector<16xf32>
      %swap3A_99 = vector.shape_cast %broadcast_in_dim3A_93 : vector<16xf32> to vector<1x16xf32>
      tpu.vector_store %arg12[%swap3A_95, %swap3A_96], %swap3A_99 {strides = array<i32>} : memref<16x128xf32, #tpu.memory_space<vmem>>, vector<1x16xf32>,
      %broadcast_in_dim3A_100 = arith.constant 0.000000e+00 : f32
      %broadcast_in_dim3A_101 = vector.broadcast %broadcast_in_dim3A_100 : f32 to vector<16xf32>
      %swap3A_102 = arith.constant 1 : i32
      %swap3A_103 = arith.index_cast %swap3A_102 : i32 to index
      %swap3A_104 = arith.constant 16 : index
      %swap3A_105 = tpu.vector_load %arg12[%swap3A_103, %swap3A_104] {strides = array<i32>} : memref<16x128xf32, #tpu.memory_space<vmem>>, vector<1x16xf32>,
      %swap3A_106 = vector.shape_cast %swap3A_105 : vector<1x16xf32> to vector<16xf32>
      %swap3A_107 = vector.shape_cast %broadcast_in_dim3A_101 : vector<16xf32> to vector<1x16xf32>
      tpu.vector_store %arg12[%swap3A_103, %swap3A_104], %swap3A_107 {strides = array<i32>} : memref<16x128xf32, #tpu.memory_space<vmem>>, vector<1x16xf32>,
      %broadcast_in_dim3A_108 = arith.constant 0.000000e+00 : f32
      %broadcast_in_dim3A_109 = vector.broadcast %broadcast_in_dim3A_108 : f32 to vector<16xf32>
      %swap3A_110 = arith.constant 1 : i32
      %swap3A_111 = arith.index_cast %swap3A_110 : i32 to index
      %swap3A_112 = arith.constant 32 : index
      %swap3A_113 = tpu.vector_load %arg12[%swap3A_111, %swap3A_112] {strides = array<i32>} : memref<16x128xf32, #tpu.memory_space<vmem>>, vector<1x16xf32>,
      %swap3A_114 = vector.shape_cast %swap3A_113 : vector<1x16xf32> to vector<16xf32>
      %swap3A_115 = vector.shape_cast %broadcast_in_dim3A_109 : vector<16xf32> to vector<1x16xf32>
      tpu.vector_store %arg12[%swap3A_111, %swap3A_112], %swap3A_115 {strides = array<i32>} : memref<16x128xf32, #tpu.memory_space<vmem>>, vector<1x16xf32>,
      %broadcast_in_dim3A_116 = arith.constant 0.000000e+00 : f32
      %broadcast_in_dim3A_117 = vector.broadcast %broadcast_in_dim3A_116 : f32 to vector<16xf32>
      %swap3A_118 = arith.constant 1 : i32
      %swap3A_119 = arith.index_cast %swap3A_118 : i32 to index
      %swap3A_120 = arith.constant 48 : index
      %swap3A_121 = tpu.vector_load %arg12[%swap3A_119, %swap3A_120] {strides = array<i32>} : memref<16x128xf32, #tpu.memory_space<vmem>>, vector<1x16xf32>,
      %swap3A_122 = vector.shape_cast %swap3A_121 : vector<1x16xf32> to vector<16xf32>
      %swap3A_123 = vector.shape_cast %broadcast_in_dim3A_117 : vector<16xf32> to vector<1x16xf32>
      tpu.vector_store %arg12[%swap3A_119, %swap3A_120], %swap3A_123 {strides = array<i32>} : memref<16x128xf32, #tpu.memory_space<vmem>>, vector<1x16xf32>,
      %broadcast_in_dim3A_124 = arith.constant 0.000000e+00 : f32
      %broadcast_in_dim3A_125 = vector.broadcast %broadcast_in_dim3A_124 : f32 to vector<16xf32>
      %swap3A_126 = arith.constant 1 : i32
      %swap3A_127 = arith.index_cast %swap3A_126 : i32 to index
      %swap3A_128 = arith.constant 64 : index
      %swap3A_129 = tpu.vector_load %arg12[%swap3A_127, %swap3A_128] {strides = array<i32>} : memref<16x128xf32, #tpu.memory_space<vmem>>, vector<1x16xf32>,
      %swap3A_130 = vector.shape_cast %swap3A_129 : vector<1x16xf32> to vector<16xf32>
      %swap3A_131 = vector.shape_cast %broadcast_in_dim3A_125 : vector<16xf32> to vector<1x16xf32>
      tpu.vector_store %arg12[%swap3A_127, %swap3A_128], %swap3A_131 {strides = array<i32>} : memref<16x128xf32, #tpu.memory_space<vmem>>, vector<1x16xf32>,
      %broadcast_in_dim3A_132 = arith.constant 0.000000e+00 : f32
      %broadcast_in_dim3A_133 = vector.broadcast %broadcast_in_dim3A_132 : f32 to vector<16xf32>
      %swap3A_134 = arith.constant 1 : i32
      %swap3A_135 = arith.index_cast %swap3A_134 : i32 to index
      %swap3A_136 = arith.constant 80 : index
      %swap3A_137 = tpu.vector_load %arg12[%swap3A_135, %swap3A_136] {strides = array<i32>} : memref<16x128xf32, #tpu.memory_space<vmem>>, vector<1x16xf32>,
      %swap3A_138 = vector.shape_cast %swap3A_137 : vector<1x16xf32> to vector<16xf32>
      %swap3A_139 = vector.shape_cast %broadcast_in_dim3A_133 : vector<16xf32> to vector<1x16xf32>
      tpu.vector_store %arg12[%swap3A_135, %swap3A_136], %swap3A_139 {strides = array<i32>} : memref<16x128xf32, #tpu.memory_space<vmem>>, vector<1x16xf32>,
      %broadcast_in_dim3A_140 = arith.constant 0.000000e+00 : f32
      %broadcast_in_dim3A_141 = vector.broadcast %broadcast_in_dim3A_140 : f32 to vector<16xf32>
      %swap3A_142 = arith.constant 1 : i32
      %swap3A_143 = arith.index_cast %swap3A_142 : i32 to index
      %swap3A_144 = arith.constant 96 : index
      %swap3A_145 = tpu.vector_load %arg12[%swap3A_143, %swap3A_144] {strides = array<i32>} : memref<16x128xf32, #tpu.memory_space<vmem>>, vector<1x16xf32>,
      %swap3A_146 = vector.shape_cast %swap3A_145 : vector<1x16xf32> to vector<16xf32>
      %swap3A_147 = vector.shape_cast %broadcast_in_dim3A_141 : vector<16xf32> to vector<1x16xf32>
      tpu.vector_store %arg12[%swap3A_143, %swap3A_144], %swap3A_147 {strides = array<i32>} : memref<16x128xf32, #tpu.memory_space<vmem>>, vector<1x16xf32>,
      %broadcast_in_dim3A_148 = arith.constant 0.000000e+00 : f32
      %broadcast_in_dim3A_149 = vector.broadcast %broadcast_in_dim3A_148 : f32 to vector<16xf32>
      %swap3A_150 = arith.constant 1 : i32
      %swap3A_151 = arith.index_cast %swap3A_150 : i32 to index
      %swap3A_152 = arith.constant 112 : index
      %swap3A_153 = tpu.vector_load %arg12[%swap3A_151, %swap3A_152] {strides = array<i32>} : memref<16x128xf32, #tpu.memory_space<vmem>>, vector<1x16xf32>,
      %swap3A_154 = vector.shape_cast %swap3A_153 : vector<1x16xf32> to vector<16xf32>
      %swap3A_155 = vector.shape_cast %broadcast_in_dim3A_149 : vector<16xf32> to vector<1x16xf32>
      tpu.vector_store %arg12[%swap3A_151, %swap3A_152], %swap3A_155 {strides = array<i32>} : memref<16x128xf32, #tpu.memory_space<vmem>>, vector<1x16xf32>,
      %broadcast_in_dim3A_156 = arith.constant 0.000000e+00 : f32
      %broadcast_in_dim3A_157 = vector.broadcast %broadcast_in_dim3A_156 : f32 to vector<16xf32>
      %swap3A_158 = arith.constant 2 : i32
      %swap3A_159 = arith.index_cast %swap3A_158 : i32 to index
      %swap3A_160 = arith.constant 0 : index
      %swap3A_161 = tpu.vector_load %arg12[%swap3A_159, %swap3A_160] {strides = array<i32>} : memref<16x128xf32, #tpu.memory_space<vmem>>, vector<1x16xf32>,
      %swap3A_162 = vector.shape_cast %swap3A_161 : vector<1x16xf32> to vector<16xf32>
      %swap3A_163 = vector.shape_cast %broadcast_in_dim3A_157 : vector<16xf32> to vector<1x16xf32>
      tpu.vector_store %arg12[%swap3A_159, %swap3A_160], %swap3A_163 {strides = array<i32>} : memref<16x128xf32, #tpu.memory_space<vmem>>, vector<1x16xf32>,
      %broadcast_in_dim3A_164 = arith.constant 0.000000e+00 : f32
      %broadcast_in_dim3A_165 = vector.broadcast %broadcast_in_dim3A_164 : f32 to vector<16xf32>
      %swap3A_166 = arith.constant 2 : i32
      %swap3A_167 = arith.index_cast %swap3A_166 : i32 to index
      %swap3A_168 = arith.constant 16 : index
      %swap3A_169 = tpu.vector_load %arg12[%swap3A_167, %swap3A_168] {strides = array<i32>} : memref<16x128xf32, #tpu.memory_space<vmem>>, vector<1x16xf32>,
      %swap3A_170 = vector.shape_cast %swap3A_169 : vector<1x16xf32> to vector<16xf32>
      %swap3A_171 = vector.shape_cast %broadcast_in_dim3A_165 : vector<16xf32> to vector<1x16xf32>
      tpu.vector_store %arg12[%swap3A_167, %swap3A_168], %swap3A_171 {strides = array<i32>} : memref<16x128xf32, #tpu.memory_space<vmem>>, vector<1x16xf32>,
      %broadcast_in_dim3A_172 = arith.constant 0.000000e+00 : f32
      %broadcast_in_dim3A_173 = vector.broadcast %broadcast_in_dim3A_172 : f32 to vector<16xf32>
      %swap3A_174 = arith.constant 2 : i32
      %swap3A_175 = arith.index_cast %swap3A_174 : i32 to index
      %swap3A_176 = arith.constant 32 : index
      %swap3A_177 = tpu.vector_load %arg12[%swap3A_175, %swap3A_176] {strides = array<i32>} : memref<16x128xf32, #tpu.memory_space<vmem>>, vector<1x16xf32>,
      %swap3A_178 = vector.shape_cast %swap3A_177 : vector<1x16xf32> to vector<16xf32>
      %swap3A_179 = vector.shape_cast %broadcast_in_dim3A_173 : vector<16xf32> to vector<1x16xf32>
      tpu.vector_store %arg12[%swap3A_175, %swap3A_176], %swap3A_179 {strides = array<i32>} : memref<16x128xf32, #tpu.memory_space<vmem>>, vector<1x16xf32>,
      %broadcast_in_dim3A_180 = arith.constant 0.000000e+00 : f32
      %broadcast_in_dim3A_181 = vector.broadcast %broadcast_in_dim3A_180 : f32 to vector<16xf32>
      %swap3A_182 = arith.constant 2 : i32
      %swap3A_183 = arith.index_cast %swap3A_182 : i32 to index
      %swap3A_184 = arith.constant 48 : index
      %swap3A_185 = tpu.vector_load %arg12[%swap3A_183, %swap3A_184] {strides = array<i32>} : memref<16x128xf32, #tpu.memory_space<vmem>>, vector<1x16xf32>,
      %swap3A_186 = vector.shape_cast %swap3A_185 : vector<1x16xf32> to vector<16xf32>
      %swap3A_187 = vector.shape_cast %broadcast_in_dim3A_181 : vector<16xf32> to vector<1x16xf32>
      tpu.vector_store %arg12[%swap3A_183, %swap3A_184], %swap3A_187 {strides = array<i32>} : memref<16x128xf32, #tpu.memory_space<vmem>>, vector<1x16xf32>,
      %broadcast_in_dim3A_188 = arith.constant 0.000000e+00 : f32
      %broadcast_in_dim3A_189 = vector.broadcast %broadcast_in_dim3A_188 : f32 to vector<16xf32>
      %swap3A_190 = arith.constant 2 : i32
      %swap3A_191 = arith.index_cast %swap3A_190 : i32 to index
      %swap3A_192 = arith.constant 64 : index
      %swap3A_193 = tpu.vector_load %arg12[%swap3A_191, %swap3A_192] {strides = array<i32>} : memref<16x128xf32, #tpu.memory_space<vmem>>, vector<1x16xf32>,
      %swap3A_194 = vector.shape_cast %swap3A_193 : vector<1x16xf32> to vector<16xf32>
      %swap3A_195 = vector.shape_cast %broadcast_in_dim3A_189 : vector<16xf32> to vector<1x16xf32>
      tpu.vector_store %arg12[%swap3A_191, %swap3A_192], %swap3A_195 {strides = array<i32>} : memref<16x128xf32, #tpu.memory_space<vmem>>, vector<1x16xf32>,
      %broadcast_in_dim3A_196 = arith.constant 0.000000e+00 : f32
      %broadcast_in_dim3A_197 = vector.broadcast %broadcast_in_dim3A_196 : f32 to vector<16xf32>
      %swap3A_198 = arith.constant 2 : i32
      %swap3A_199 = arith.index_cast %swap3A_198 : i32 to index
      %swap3A_200 = arith.constant 80 : index
      %swap3A_201 = tpu.vector_load %arg12[%swap3A_199, %swap3A_200] {strides = array<i32>} : memref<16x128xf32, #tpu.memory_space<vmem>>, vector<1x16xf32>,
      %swap3A_202 = vector.shape_cast %swap3A_201 : vector<1x16xf32> to vector<16xf32>
      %swap3A_203 = vector.shape_cast %broadcast_in_dim3A_197 : vector<16xf32> to vector<1x16xf32>
      tpu.vector_store %arg12[%swap3A_199, %swap3A_200], %swap3A_203 {strides = array<i32>} : memref<16x128xf32, #tpu.memory_space<vmem>>, vector<1x16xf32>,
      %broadcast_in_dim3A_204 = arith.constant 0.000000e+00 : f32
      %broadcast_in_dim3A_205 = vector.broadcast %broadcast_in_dim3A_204 : f32 to vector<16xf32>
      %swap3A_206 = arith.constant 2 : i32
      %swap3A_207 = arith.index_cast %swap3A_206 : i32 to index
      %swap3A_208 = arith.constant 96 : index
      %swap3A_209 = tpu.vector_load %arg12[%swap3A_207, %swap3A_208] {strides = array<i32>} : memref<16x128xf32, #tpu.memory_space<vmem>>, vector<1x16xf32>,
      %swap3A_210 = vector.shape_cast %swap3A_209 : vector<1x16xf32> to vector<16xf32>
      %swap3A_211 = vector.shape_cast %broadcast_in_dim3A_205 : vector<16xf32> to vector<1x16xf32>
      tpu.vector_store %arg12[%swap3A_207, %swap3A_208], %swap3A_211 {strides = array<i32>} : memref<16x128xf32, #tpu.memory_space<vmem>>, vector<1x16xf32>,
      %broadcast_in_dim3A_212 = arith.constant 0.000000e+00 : f32
      %broadcast_in_dim3A_213 = vector.broadcast %broadcast_in_dim3A_212 : f32 to vector<16xf32>
      %swap3A_214 = arith.constant 2 : i32
      %swap3A_215 = arith.index_cast %swap3A_214 : i32 to index
      %swap3A_216 = arith.constant 112 : index
      %swap3A_217 = tpu.vector_load %arg12[%swap3A_215, %swap3A_216] {strides = array<i32>} : memref<16x128xf32, #tpu.memory_space<vmem>>, vector<1x16xf32>,
      %swap3A_218 = vector.shape_cast %swap3A_217 : vector<1x16xf32> to vector<16xf32>
      %swap3A_219 = vector.shape_cast %broadcast_in_dim3A_213 : vector<16xf32> to vector<1x16xf32>
      tpu.vector_store %arg12[%swap3A_215, %swap3A_216], %swap3A_219 {strides = array<i32>} : memref<16x128xf32, #tpu.memory_space<vmem>>, vector<1x16xf32>,
      %broadcast_in_dim3A_220 = arith.constant 0.000000e+00 : f32
      %broadcast_in_dim3A_221 = vector.broadcast %broadcast_in_dim3A_220 : f32 to vector<16xf32>
      %swap3A_222 = arith.constant 3 : i32
      %swap3A_223 = arith.index_cast %swap3A_222 : i32 to index
      %swap3A_224 = arith.constant 0 : index
      %swap3A_225 = tpu.vector_load %arg12[%swap3A_223, %swap3A_224] {strides = array<i32>} : memref<16x128xf32, #tpu.memory_space<vmem>>, vector<1x16xf32>,
      %swap3A_226 = vector.shape_cast %swap3A_225 : vector<1x16xf32> to vector<16xf32>
      %swap3A_227 = vector.shape_cast %broadcast_in_dim3A_221 : vector<16xf32> to vector<1x16xf32>
      tpu.vector_store %arg12[%swap3A_223, %swap3A_224], %swap3A_227 {strides = array<i32>} : memref<16x128xf32, #tpu.memory_space<vmem>>, vector<1x16xf32>,
      %broadcast_in_dim3A_228 = arith.constant 0.000000e+00 : f32
      %broadcast_in_dim3A_229 = vector.broadcast %broadcast_in_dim3A_228 : f32 to vector<16xf32>
      %swap3A_230 = arith.constant 3 : i32
      %swap3A_231 = arith.index_cast %swap3A_230 : i32 to index
      %swap3A_232 = arith.constant 16 : index
      %swap3A_233 = tpu.vector_load %arg12[%swap3A_231, %swap3A_232] {strides = array<i32>} : memref<16x128xf32, #tpu.memory_space<vmem>>, vector<1x16xf32>,
      %swap3A_234 = vector.shape_cast %swap3A_233 : vector<1x16xf32> to vector<16xf32>
      %swap3A_235 = vector.shape_cast %broadcast_in_dim3A_229 : vector<16xf32> to vector<1x16xf32>
      tpu.vector_store %arg12[%swap3A_231, %swap3A_232], %swap3A_235 {strides = array<i32>} : memref<16x128xf32, #tpu.memory_space<vmem>>, vector<1x16xf32>,
      %broadcast_in_dim3A_236 = arith.constant 0.000000e+00 : f32
      %broadcast_in_dim3A_237 = vector.broadcast %broadcast_in_dim3A_236 : f32 to vector<16xf32>
      %swap3A_238 = arith.constant 3 : i32
      %swap3A_239 = arith.index_cast %swap3A_238 : i32 to index
      %swap3A_240 = arith.constant 32 : index
      %swap3A_241 = tpu.vector_load %arg12[%swap3A_239, %swap3A_240] {strides = array<i32>} : memref<16x128xf32, #tpu.memory_space<vmem>>, vector<1x16xf32>,
      %swap3A_242 = vector.shape_cast %swap3A_241 : vector<1x16xf32> to vector<16xf32>
      %swap3A_243 = vector.shape_cast %broadcast_in_dim3A_237 : vector<16xf32> to vector<1x16xf32>
      tpu.vector_store %arg12[%swap3A_239, %swap3A_240], %swap3A_243 {strides = array<i32>} : memref<16x128xf32, #tpu.memory_space<vmem>>, vector<1x16xf32>,
      %broadcast_in_dim3A_244 = arith.constant 0.000000e+00 : f32
      %broadcast_in_dim3A_245 = vector.broadcast %broadcast_in_dim3A_244 : f32 to vector<16xf32>
      %swap3A_246 = arith.constant 3 : i32
      %swap3A_247 = arith.index_cast %swap3A_246 : i32 to index
      %swap3A_248 = arith.constant 48 : index
      %swap3A_249 = tpu.vector_load %arg12[%swap3A_247, %swap3A_248] {strides = array<i32>} : memref<16x128xf32, #tpu.memory_space<vmem>>, vector<1x16xf32>,
      %swap3A_250 = vector.shape_cast %swap3A_249 : vector<1x16xf32> to vector<16xf32>
      %swap3A_251 = vector.shape_cast %broadcast_in_dim3A_245 : vector<16xf32> to vector<1x16xf32>
      tpu.vector_store %arg12[%swap3A_247, %swap3A_248], %swap3A_251 {strides = array<i32>} : memref<16x128xf32, #tpu.memory_space<vmem>>, vector<1x16xf32>,
      %broadcast_in_dim3A_252 = arith.constant 0.000000e+00 : f32
      %broadcast_in_dim3A_253 = vector.broadcast %broadcast_in_dim3A_252 : f32 to vector<16xf32>
      %swap3A_254 = arith.constant 3 : i32
      %swap3A_255 = arith.index_cast %swap3A_254 : i32 to index
      %swap3A_256 = arith.constant 64 : index
      %swap3A_257 = tpu.vector_load %arg12[%swap3A_255, %swap3A_256] {strides = array<i32>} : memref<16x128xf32, #tpu.memory_space<vmem>>, vector<1x16xf32>,
      %swap3A_258 = vector.shape_cast %swap3A_257 : vector<1x16xf32> to vector<16xf32>
      %swap3A_259 = vector.shape_cast %broadcast_in_dim3A_253 : vector<16xf32> to vector<1x16xf32>
      tpu.vector_store %arg12[%swap3A_255, %swap3A_256], %swap3A_259 {strides = array<i32>} : memref<16x128xf32, #tpu.memory_space<vmem>>, vector<1x16xf32>,
      %broadcast_in_dim3A_260 = arith.constant 0.000000e+00 : f32
      %broadcast_in_dim3A_261 = vector.broadcast %broadcast_in_dim3A_260 : f32 to vector<16xf32>
      %swap3A_262 = arith.constant 3 : i32
      %swap3A_263 = arith.index_cast %swap3A_262 : i32 to index
      %swap3A_264 = arith.constant 80 : index
      %swap3A_265 = tpu.vector_load %arg12[%swap3A_263, %swap3A_264] {strides = array<i32>} : memref<16x128xf32, #tpu.memory_space<vmem>>, vector<1x16xf32>,
      %swap3A_266 = vector.shape_cast %swap3A_265 : vector<1x16xf32> to vector<16xf32>
      %swap3A_267 = vector.shape_cast %broadcast_in_dim3A_261 : vector<16xf32> to vector<1x16xf32>
      tpu.vector_store %arg12[%swap3A_263, %swap3A_264], %swap3A_267 {strides = array<i32>} : memref<16x128xf32, #tpu.memory_space<vmem>>, vector<1x16xf32>,
      %broadcast_in_dim3A_268 = arith.constant 0.000000e+00 : f32
      %broadcast_in_dim3A_269 = vector.broadcast %broadcast_in_dim3A_268 : f32 to vector<16xf32>
      %swap3A_270 = arith.constant 3 : i32
      %swap3A_271 = arith.index_cast %swap3A_270 : i32 to index
      %swap3A_272 = arith.constant 96 : index
      %swap3A_273 = tpu.vector_load %arg12[%swap3A_271, %swap3A_272] {strides = array<i32>} : memref<16x128xf32, #tpu.memory_space<vmem>>, vector<1x16xf32>,
      %swap3A_274 = vector.shape_cast %swap3A_273 : vector<1x16xf32> to vector<16xf32>
      %swap3A_275 = vector.shape_cast %broadcast_in_dim3A_269 : vector<16xf32> to vector<1x16xf32>
      tpu.vector_store %arg12[%swap3A_271, %swap3A_272], %swap3A_275 {strides = array<i32>} : memref<16x128xf32, #tpu.memory_space<vmem>>, vector<1x16xf32>,
      %broadcast_in_dim3A_276 = arith.constant 0.000000e+00 : f32
      %broadcast_in_dim3A_277 = vector.broadcast %broadcast_in_dim3A_276 : f32 to vector<16xf32>
      %swap3A_278 = arith.constant 3 : i32
      %swap3A_279 = arith.index_cast %swap3A_278 : i32 to index
      %swap3A_280 = arith.constant 112 : index
      %swap3A_281 = tpu.vector_load %arg12[%swap3A_279, %swap3A_280] {strides = array<i32>} : memref<16x128xf32, #tpu.memory_space<vmem>>, vector<1x16xf32>,
      %swap3A_282 = vector.shape_cast %swap3A_281 : vector<1x16xf32> to vector<16xf32>
      %swap3A_283 = vector.shape_cast %broadcast_in_dim3A_277 : vector<16xf32> to vector<1x16xf32>
      tpu.vector_store %arg12[%swap3A_279, %swap3A_280], %swap3A_283 {strides = array<i32>} : memref<16x128xf32, #tpu.memory_space<vmem>>, vector<1x16xf32>,
      %broadcast_in_dim3A_284 = arith.constant 0.000000e+00 : f32
      %broadcast_in_dim3A_285 = vector.broadcast %broadcast_in_dim3A_284 : f32 to vector<16xf32>
      %swap3A_286 = arith.constant 4 : i32
      %swap3A_287 = arith.index_cast %swap3A_286 : i32 to index
      %swap3A_288 = arith.constant 0 : index
      %swap3A_289 = tpu.vector_load %arg12[%swap3A_287, %swap3A_288] {strides = array<i32>} : memref<16x128xf32, #tpu.memory_space<vmem>>, vector<1x16xf32>,
      %swap3A_290 = vector.shape_cast %swap3A_289 : vector<1x16xf32> to vector<16xf32>
      %swap3A_291 = vector.shape_cast %broadcast_in_dim3A_285 : vector<16xf32> to vector<1x16xf32>
      tpu.vector_store %arg12[%swap3A_287, %swap3A_288], %swap3A_291 {strides = array<i32>} : memref<16x128xf32, #tpu.memory_space<vmem>>, vector<1x16xf32>,
      %broadcast_in_dim3A_292 = arith.constant 0.000000e+00 : f32
      %broadcast_in_dim3A_293 = vector.broadcast %broadcast_in_dim3A_292 : f32 to vector<16xf32>
      %swap3A_294 = arith.constant 4 : i32
      %swap3A_295 = arith.index_cast %swap3A_294 : i32 to index
      %swap3A_296 = arith.constant 16 : index
      %swap3A_297 = tpu.vector_load %arg12[%swap3A_295, %swap3A_296] {strides = array<i32>} : memref<16x128xf32, #tpu.memory_space<vmem>>, vector<1x16xf32>,
      %swap3A_298 = vector.shape_cast %swap3A_297 : vector<1x16xf32> to vector<16xf32>
      %swap3A_299 = vector.shape_cast %broadcast_in_dim3A_293 : vector<16xf32> to vector<1x16xf32>
      tpu.vector_store %arg12[%swap3A_295, %swap3A_296], %swap3A_299 {strides = array<i32>} : memref<16x128xf32, #tpu.memory_space<vmem>>, vector<1x16xf32>,
      %broadcast_in_dim3A_300 = arith.constant 0.000000e+00 : f32
      %broadcast_in_dim3A_301 = vector.broadcast %broadcast_in_dim3A_300 : f32 to vector<16xf32>
      %swap3A_302 = arith.constant 4 : i32
      %swap3A_303 = arith.index_cast %swap3A_302 : i32 to index
      %swap3A_304 = arith.constant 32 : index
      %swap3A_305 = tpu.vector_load %arg12[%swap3A_303, %swap3A_304] {strides = array<i32>} : memref<16x128xf32, #tpu.memory_space<vmem>>, vector<1x16xf32>,
      %swap3A_306 = vector.shape_cast %swap3A_305 : vector<1x16xf32> to vector<16xf32>
      %swap3A_307 = vector.shape_cast %broadcast_in_dim3A_301 : vector<16xf32> to vector<1x16xf32>
      tpu.vector_store %arg12[%swap3A_303, %swap3A_304], %swap3A_307 {strides = array<i32>} : memref<16x128xf32, #tpu.memory_space<vmem>>, vector<1x16xf32>,
      %broadcast_in_dim3A_308 = arith.constant 0.000000e+00 : f32
      %broadcast_in_dim3A_309 = vector.broadcast %broadcast_in_dim3A_308 : f32 to vector<16xf32>
      %swap3A_310 = arith.constant 4 : i32
      %swap3A_311 = arith.index_cast %swap3A_310 : i32 to index
      %swap3A_312 = arith.constant 48 : index
      %swap3A_313 = tpu.vector_load %arg12[%swap3A_311, %swap3A_312] {strides = array<i32>} : memref<16x128xf32, #tpu.memory_space<vmem>>, vector<1x16xf32>,
      %swap3A_314 = vector.shape_cast %swap3A_313 : vector<1x16xf32> to vector<16xf32>
      %swap3A_315 = vector.shape_cast %broadcast_in_dim3A_309 : vector<16xf32> to vector<1x16xf32>
      tpu.vector_store %arg12[%swap3A_311, %swap3A_312], %swap3A_315 {strides = array<i32>} : memref<16x128xf32, #tpu.memory_space<vmem>>, vector<1x16xf32>,
      %broadcast_in_dim3A_316 = arith.constant 0.000000e+00 : f32
      %broadcast_in_dim3A_317 = vector.broadcast %broadcast_in_dim3A_316 : f32 to vector<16xf32>
      %swap3A_318 = arith.constant 4 : i32
      %swap3A_319 = arith.index_cast %swap3A_318 : i32 to index
      %swap3A_320 = arith.constant 64 : index
      %swap3A_321 = tpu.vector_load %arg12[%swap3A_319, %swap3A_320] {strides = array<i32>} : memref<16x128xf32, #tpu.memory_space<vmem>>, vector<1x16xf32>,
      %swap3A_322 = vector.shape_cast %swap3A_321 : vector<1x16xf32> to vector<16xf32>
      %swap3A_323 = vector.shape_cast %broadcast_in_dim3A_317 : vector<16xf32> to vector<1x16xf32>
      tpu.vector_store %arg12[%swap3A_319, %swap3A_320], %swap3A_323 {strides = array<i32>} : memref<16x128xf32, #tpu.memory_space<vmem>>, vector<1x16xf32>,
      %broadcast_in_dim3A_324 = arith.constant 0.000000e+00 : f32
      %broadcast_in_dim3A_325 = vector.broadcast %broadcast_in_dim3A_324 : f32 to vector<16xf32>
      %swap3A_326 = arith.constant 4 : i32
      %swap3A_327 = arith.index_cast %swap3A_326 : i32 to index
      %swap3A_328 = arith.constant 80 : index
      %swap3A_329 = tpu.vector_load %arg12[%swap3A_327, %swap3A_328] {strides = array<i32>} : memref<16x128xf32, #tpu.memory_space<vmem>>, vector<1x16xf32>,
      %swap3A_330 = vector.shape_cast %swap3A_329 : vector<1x16xf32> to vector<16xf32>
      %swap3A_331 = vector.shape_cast %broadcast_in_dim3A_325 : vector<16xf32> to vector<1x16xf32>
      tpu.vector_store %arg12[%swap3A_327, %swap3A_328], %swap3A_331 {strides = array<i32>} : memref<16x128xf32, #tpu.memory_space<vmem>>, vector<1x16xf32>,
      %broadcast_in_dim3A_332 = arith.constant 0.000000e+00 : f32
      %broadcast_in_dim3A_333 = vector.broadcast %broadcast_in_dim3A_332 : f32 to vector<16xf32>
      %swap3A_334 = arith.constant 4 : i32
      %swap3A_335 = arith.index_cast %swap3A_334 : i32 to index
      %swap3A_336 = arith.constant 96 : index
      %swap3A_337 = tpu.vector_load %arg12[%swap3A_335, %swap3A_336] {strides = array<i32>} : memref<16x128xf32, #tpu.memory_space<vmem>>, vector<1x16xf32>,
      %swap3A_338 = vector.shape_cast %swap3A_337 : vector<1x16xf32> to vector<16xf32>
      %swap3A_339 = vector.shape_cast %broadcast_in_dim3A_333 : vector<16xf32> to vector<1x16xf32>
      tpu.vector_store %arg12[%swap3A_335, %swap3A_336], %swap3A_339 {strides = array<i32>} : memref<16x128xf32, #tpu.memory_space<vmem>>, vector<1x16xf32>,
      %broadcast_in_dim3A_340 = arith.constant 0.000000e+00 : f32
      %broadcast_in_dim3A_341 = vector.broadcast %broadcast_in_dim3A_340 : f32 to vector<16xf32>
      %swap3A_342 = arith.constant 4 : i32
      %swap3A_343 = arith.index_cast %swap3A_342 : i32 to index
      %swap3A_344 = arith.constant 112 : index
      %swap3A_345 = tpu.vector_load %arg12[%swap3A_343, %swap3A_344] {strides = array<i32>} : memref<16x128xf32, #tpu.memory_space<vmem>>, vector<1x16xf32>,
      %swap3A_346 = vector.shape_cast %swap3A_345 : vector<1x16xf32> to vector<16xf32>
      %swap3A_347 = vector.shape_cast %broadcast_in_dim3A_341 : vector<16xf32> to vector<1x16xf32>
      tpu.vector_store %arg12[%swap3A_343, %swap3A_344], %swap3A_347 {strides = array<i32>} : memref<16x128xf32, #tpu.memory_space<vmem>>, vector<1x16xf32>,
      %broadcast_in_dim3A_348 = arith.constant 0.000000e+00 : f32
      %broadcast_in_dim3A_349 = vector.broadcast %broadcast_in_dim3A_348 : f32 to vector<16xf32>
      %swap3A_350 = arith.constant 5 : i32
      %swap3A_351 = arith.index_cast %swap3A_350 : i32 to index
      %swap3A_352 = arith.constant 0 : index
      %swap3A_353 = tpu.vector_load %arg12[%swap3A_351, %swap3A_352] {strides = array<i32>} : memref<16x128xf32, #tpu.memory_space<vmem>>, vector<1x16xf32>,
      %swap3A_354 = vector.shape_cast %swap3A_353 : vector<1x16xf32> to vector<16xf32>
      %swap3A_355 = vector.shape_cast %broadcast_in_dim3A_349 : vector<16xf32> to vector<1x16xf32>
      tpu.vector_store %arg12[%swap3A_351, %swap3A_352], %swap3A_355 {strides = array<i32>} : memref<16x128xf32, #tpu.memory_space<vmem>>, vector<1x16xf32>,
      %broadcast_in_dim3A_356 = arith.constant 0.000000e+00 : f32
      %broadcast_in_dim3A_357 = vector.broadcast %broadcast_in_dim3A_356 : f32 to vector<16xf32>
      %swap3A_358 = arith.constant 5 : i32
      %swap3A_359 = arith.index_cast %swap3A_358 : i32 to index
      %swap3A_360 = arith.constant 16 : index
      %swap3A_361 = tpu.vector_load %arg12[%swap3A_359, %swap3A_360] {strides = array<i32>} : memref<16x128xf32, #tpu.memory_space<vmem>>, vector<1x16xf32>,
      %swap3A_362 = vector.shape_cast %swap3A_361 : vector<1x16xf32> to vector<16xf32>
      %swap3A_363 = vector.shape_cast %broadcast_in_dim3A_357 : vector<16xf32> to vector<1x16xf32>
      tpu.vector_store %arg12[%swap3A_359, %swap3A_360], %swap3A_363 {strides = array<i32>} : memref<16x128xf32, #tpu.memory_space<vmem>>, vector<1x16xf32>,
      %broadcast_in_dim3A_364 = arith.constant 0.000000e+00 : f32
      %broadcast_in_dim3A_365 = vector.broadcast %broadcast_in_dim3A_364 : f32 to vector<16xf32>
      %swap3A_366 = arith.constant 5 : i32
      %swap3A_367 = arith.index_cast %swap3A_366 : i32 to index
      %swap3A_368 = arith.constant 32 : index
      %swap3A_369 = tpu.vector_load %arg12[%swap3A_367, %swap3A_368] {strides = array<i32>} : memref<16x128xf32, #tpu.memory_space<vmem>>, vector<1x16xf32>,
      %swap3A_370 = vector.shape_cast %swap3A_369 : vector<1x16xf32> to vector<16xf32>
      %swap3A_371 = vector.shape_cast %broadcast_in_dim3A_365 : vector<16xf32> to vector<1x16xf32>
      tpu.vector_store %arg12[%swap3A_367, %swap3A_368], %swap3A_371 {strides = array<i32>} : memref<16x128xf32, #tpu.memory_space<vmem>>, vector<1x16xf32>,
      %broadcast_in_dim3A_372 = arith.constant 0.000000e+00 : f32
      %broadcast_in_dim3A_373 = vector.broadcast %broadcast_in_dim3A_372 : f32 to vector<16xf32>
      %swap3A_374 = arith.constant 5 : i32
      %swap3A_375 = arith.index_cast %swap3A_374 : i32 to index
      %swap3A_376 = arith.constant 48 : index
      %swap3A_377 = tpu.vector_load %arg12[%swap3A_375, %swap3A_376] {strides = array<i32>} : memref<16x128xf32, #tpu.memory_space<vmem>>, vector<1x16xf32>,
      %swap3A_378 = vector.shape_cast %swap3A_377 : vector<1x16xf32> to vector<16xf32>
      %swap3A_379 = vector.shape_cast %broadcast_in_dim3A_373 : vector<16xf32> to vector<1x16xf32>
      tpu.vector_store %arg12[%swap3A_375, %swap3A_376], %swap3A_379 {strides = array<i32>} : memref<16x128xf32, #tpu.memory_space<vmem>>, vector<1x16xf32>,
      %broadcast_in_dim3A_380 = arith.constant 0.000000e+00 : f32
      %broadcast_in_dim3A_381 = vector.broadcast %broadcast_in_dim3A_380 : f32 to vector<16xf32>
      %swap3A_382 = arith.constant 5 : i32
      %swap3A_383 = arith.index_cast %swap3A_382 : i32 to index
      %swap3A_384 = arith.constant 64 : index
      %swap3A_385 = tpu.vector_load %arg12[%swap3A_383, %swap3A_384] {strides = array<i32>} : memref<16x128xf32, #tpu.memory_space<vmem>>, vector<1x16xf32>,
      %swap3A_386 = vector.shape_cast %swap3A_385 : vector<1x16xf32> to vector<16xf32>
      %swap3A_387 = vector.shape_cast %broadcast_in_dim3A_381 : vector<16xf32> to vector<1x16xf32>
      tpu.vector_store %arg12[%swap3A_383, %swap3A_384], %swap3A_387 {strides = array<i32>} : memref<16x128xf32, #tpu.memory_space<vmem>>, vector<1x16xf32>,
      %broadcast_in_dim3A_388 = arith.constant 0.000000e+00 : f32
      %broadcast_in_dim3A_389 = vector.broadcast %broadcast_in_dim3A_388 : f32 to vector<16xf32>
      %swap3A_390 = arith.constant 5 : i32
      %swap3A_391 = arith.index_cast %swap3A_390 : i32 to index
      %swap3A_392 = arith.constant 80 : index
      %swap3A_393 = tpu.vector_load %arg12[%swap3A_391, %swap3A_392] {strides = array<i32>} : memref<16x128xf32, #tpu.memory_space<vmem>>, vector<1x16xf32>,
      %swap3A_394 = vector.shape_cast %swap3A_393 : vector<1x16xf32> to vector<16xf32>
      %swap3A_395 = vector.shape_cast %broadcast_in_dim3A_389 : vector<16xf32> to vector<1x16xf32>
      tpu.vector_store %arg12[%swap3A_391, %swap3A_392], %swap3A_395 {strides = array<i32>} : memref<16x128xf32, #tpu.memory_space<vmem>>, vector<1x16xf32>,
      %broadcast_in_dim3A_396 = arith.constant 0.000000e+00 : f32
      %broadcast_in_dim3A_397 = vector.broadcast %broadcast_in_dim3A_396 : f32 to vector<16xf32>
      %swap3A_398 = arith.constant 5 : i32
      %swap3A_399 = arith.index_cast %swap3A_398 : i32 to index
      %swap3A_400 = arith.constant 96 : index
      %swap3A_401 = tpu.vector_load %arg12[%swap3A_399, %swap3A_400] {strides = array<i32>} : memref<16x128xf32, #tpu.memory_space<vmem>>, vector<1x16xf32>,
      %swap3A_402 = vector.shape_cast %swap3A_401 : vector<1x16xf32> to vector<16xf32>
      %swap3A_403 = vector.shape_cast %broadcast_in_dim3A_397 : vector<16xf32> to vector<1x16xf32>
      tpu.vector_store %arg12[%swap3A_399, %swap3A_400], %swap3A_403 {strides = array<i32>} : memref<16x128xf32, #tpu.memory_space<vmem>>, vector<1x16xf32>,
      %broadcast_in_dim3A_404 = arith.constant 0.000000e+00 : f32
      %broadcast_in_dim3A_405 = vector.broadcast %broadcast_in_dim3A_404 : f32 to vector<16xf32>
      %swap3A_406 = arith.constant 5 : i32
      %swap3A_407 = arith.index_cast %swap3A_406 : i32 to index
      %swap3A_408 = arith.constant 112 : index
      %swap3A_409 = tpu.vector_load %arg12[%swap3A_407, %swap3A_408] {strides = array<i32>} : memref<16x128xf32, #tpu.memory_space<vmem>>, vector<1x16xf32>,
      %swap3A_410 = vector.shape_cast %swap3A_409 : vector<1x16xf32> to vector<16xf32>
      %swap3A_411 = vector.shape_cast %broadcast_in_dim3A_405 : vector<16xf32> to vector<1x16xf32>
      tpu.vector_store %arg12[%swap3A_407, %swap3A_408], %swap3A_411 {strides = array<i32>} : memref<16x128xf32, #tpu.memory_space<vmem>>, vector<1x16xf32>,
      %broadcast_in_dim3A_412 = arith.constant 0.000000e+00 : f32
      %broadcast_in_dim3A_413 = vector.broadcast %broadcast_in_dim3A_412 : f32 to vector<16xf32>
      %swap3A_414 = arith.constant 6 : i32
      %swap3A_415 = arith.index_cast %swap3A_414 : i32 to index
      %swap3A_416 = arith.constant 0 : index
      %swap3A_417 = tpu.vector_load %arg12[%swap3A_415, %swap3A_416] {strides = array<i32>} : memref<16x128xf32, #tpu.memory_space<vmem>>, vector<1x16xf32>,
      %swap3A_418 = vector.shape_cast %swap3A_417 : vector<1x16xf32> to vector<16xf32>
      %swap3A_419 = vector.shape_cast %broadcast_in_dim3A_413 : vector<16xf32> to vector<1x16xf32>
      tpu.vector_store %arg12[%swap3A_415, %swap3A_416], %swap3A_419 {strides = array<i32>} : memref<16x128xf32, #tpu.memory_space<vmem>>, vector<1x16xf32>,
      %broadcast_in_dim3A_420 = arith.constant 0.000000e+00 : f32
      %broadcast_in_dim3A_421 = vector.broadcast %broadcast_in_dim3A_420 : f32 to vector<16xf32>
      %swap3A_422 = arith.constant 6 : i32
      %swap3A_423 = arith.index_cast %swap3A_422 : i32 to index
      %swap3A_424 = arith.constant 16 : index
      %swap3A_425 = tpu.vector_load %arg12[%swap3A_423, %swap3A_424] {strides = array<i32>} : memref<16x128xf32, #tpu.memory_space<vmem>>, vector<1x16xf32>,
      %swap3A_426 = vector.shape_cast %swap3A_425 : vector<1x16xf32> to vector<16xf32>
      %swap3A_427 = vector.shape_cast %broadcast_in_dim3A_421 : vector<16xf32> to vector<1x16xf32>
      tpu.vector_store %arg12[%swap3A_423, %swap3A_424], %swap3A_427 {strides = array<i32>} : memref<16x128xf32, #tpu.memory_space<vmem>>, vector<1x16xf32>,
      %broadcast_in_dim3A_428 = arith.constant 0.000000e+00 : f32
      %broadcast_in_dim3A_429 = vector.broadcast %broadcast_in_dim3A_428 : f32 to vector<16xf32>
      %swap3A_430 = arith.constant 6 : i32
      %swap3A_431 = arith.index_cast %swap3A_430 : i32 to index
      %swap3A_432 = arith.constant 32 : index
      %swap3A_433 = tpu.vector_load %arg12[%swap3A_431, %swap3A_432] {strides = array<i32>} : memref<16x128xf32, #tpu.memory_space<vmem>>, vector<1x16xf32>,
      %swap3A_434 = vector.shape_cast %swap3A_433 : vector<1x16xf32> to vector<16xf32>
      %swap3A_435 = vector.shape_cast %broadcast_in_dim3A_429 : vector<16xf32> to vector<1x16xf32>
      tpu.vector_store %arg12[%swap3A_431, %swap3A_432], %swap3A_435 {strides = array<i32>} : memref<16x128xf32, #tpu.memory_space<vmem>>, vector<1x16xf32>,
      %broadcast_in_dim3A_436 = arith.constant 0.000000e+00 : f32
      %broadcast_in_dim3A_437 = vector.broadcast %broadcast_in_dim3A_436 : f32 to vector<16xf32>
      %swap3A_438 = arith.constant 6 : i32
      %swap3A_439 = arith.index_cast %swap3A_438 : i32 to index
      %swap3A_440 = arith.constant 48 : index
      %swap3A_441 = tpu.vector_load %arg12[%swap3A_439, %swap3A_440] {strides = array<i32>} : memref<16x128xf32, #tpu.memory_space<vmem>>, vector<1x16xf32>,
      %swap3A_442 = vector.shape_cast %swap3A_441 : vector<1x16xf32> to vector<16xf32>
      %swap3A_443 = vector.shape_cast %broadcast_in_dim3A_437 : vector<16xf32> to vector<1x16xf32>
      tpu.vector_store %arg12[%swap3A_439, %swap3A_440], %swap3A_443 {strides = array<i32>} : memref<16x128xf32, #tpu.memory_space<vmem>>, vector<1x16xf32>,
      %broadcast_in_dim3A_444 = arith.constant 0.000000e+00 : f32
      %broadcast_in_dim3A_445 = vector.broadcast %broadcast_in_dim3A_444 : f32 to vector<16xf32>
      %swap3A_446 = arith.constant 6 : i32
      %swap3A_447 = arith.index_cast %swap3A_446 : i32 to index
      %swap3A_448 = arith.constant 64 : index
      %swap3A_449 = tpu.vector_load %arg12[%swap3A_447, %swap3A_448] {strides = array<i32>} : memref<16x128xf32, #tpu.memory_space<vmem>>, vector<1x16xf32>,
      %swap3A_450 = vector.shape_cast %swap3A_449 : vector<1x16xf32> to vector<16xf32>
      %swap3A_451 = vector.shape_cast %broadcast_in_dim3A_445 : vector<16xf32> to vector<1x16xf32>
      tpu.vector_store %arg12[%swap3A_447, %swap3A_448], %swap3A_451 {strides = array<i32>} : memref<16x128xf32, #tpu.memory_space<vmem>>, vector<1x16xf32>,
      %broadcast_in_dim3A_452 = arith.constant 0.000000e+00 : f32
      %broadcast_in_dim3A_453 = vector.broadcast %broadcast_in_dim3A_452 : f32 to vector<16xf32>
      %swap3A_454 = arith.constant 6 : i32
      %swap3A_455 = arith.index_cast %swap3A_454 : i32 to index
      %swap3A_456 = arith.constant 80 : index
      %swap3A_457 = tpu.vector_load %arg12[%swap3A_455, %swap3A_456] {strides = array<i32>} : memref<16x128xf32, #tpu.memory_space<vmem>>, vector<1x16xf32>,
      %swap3A_458 = vector.shape_cast %swap3A_457 : vector<1x16xf32> to vector<16xf32>
      %swap3A_459 = vector.shape_cast %broadcast_in_dim3A_453 : vector<16xf32> to vector<1x16xf32>
      tpu.vector_store %arg12[%swap3A_455, %swap3A_456], %swap3A_459 {strides = array<i32>} : memref<16x128xf32, #tpu.memory_space<vmem>>, vector<1x16xf32>,
      %broadcast_in_dim3A_460 = arith.constant 0.000000e+00 : f32
      %broadcast_in_dim3A_461 = vector.broadcast %broadcast_in_dim3A_460 : f32 to vector<16xf32>
      %swap3A_462 = arith.constant 6 : i32
      %swap3A_463 = arith.index_cast %swap3A_462 : i32 to index
      %swap3A_464 = arith.constant 96 : index
      %swap3A_465 = tpu.vector_load %arg12[%swap3A_463, %swap3A_464] {strides = array<i32>} : memref<16x128xf32, #tpu.memory_space<vmem>>, vector<1x16xf32>,
      %swap3A_466 = vector.shape_cast %swap3A_465 : vector<1x16xf32> to vector<16xf32>
      %swap3A_467 = vector.shape_cast %broadcast_in_dim3A_461 : vector<16xf32> to vector<1x16xf32>
      tpu.vector_store %arg12[%swap3A_463, %swap3A_464], %swap3A_467 {strides = array<i32>} : memref<16x128xf32, #tpu.memory_space<vmem>>, vector<1x16xf32>,
      %broadcast_in_dim3A_468 = arith.constant 0.000000e+00 : f32
      %broadcast_in_dim3A_469 = vector.broadcast %broadcast_in_dim3A_468 : f32 to vector<16xf32>
      %swap3A_470 = arith.constant 6 : i32
      %swap3A_471 = arith.index_cast %swap3A_470 : i32 to index
      %swap3A_472 = arith.constant 112 : index
      %swap3A_473 = tpu.vector_load %arg12[%swap3A_471, %swap3A_472] {strides = array<i32>} : memref<16x128xf32, #tpu.memory_space<vmem>>, vector<1x16xf32>,
      %swap3A_474 = vector.shape_cast %swap3A_473 : vector<1x16xf32> to vector<16xf32>
      %swap3A_475 = vector.shape_cast %broadcast_in_dim3A_469 : vector<16xf32> to vector<1x16xf32>
      tpu.vector_store %arg12[%swap3A_471, %swap3A_472], %swap3A_475 {strides = array<i32>} : memref<16x128xf32, #tpu.memory_space<vmem>>, vector<1x16xf32>,
      %broadcast_in_dim3A_476 = arith.constant 0.000000e+00 : f32
      %broadcast_in_dim3A_477 = vector.broadcast %broadcast_in_dim3A_476 : f32 to vector<16xf32>
      %swap3A_478 = arith.constant 7 : i32
      %swap3A_479 = arith.index_cast %swap3A_478 : i32 to index
      %swap3A_480 = arith.constant 0 : index
      %swap3A_481 = tpu.vector_load %arg12[%swap3A_479, %swap3A_480] {strides = array<i32>} : memref<16x128xf32, #tpu.memory_space<vmem>>, vector<1x16xf32>,
      %swap3A_482 = vector.shape_cast %swap3A_481 : vector<1x16xf32> to vector<16xf32>
      %swap3A_483 = vector.shape_cast %broadcast_in_dim3A_477 : vector<16xf32> to vector<1x16xf32>
      tpu.vector_store %arg12[%swap3A_479, %swap3A_480], %swap3A_483 {strides = array<i32>} : memref<16x128xf32, #tpu.memory_space<vmem>>, vector<1x16xf32>,
      %broadcast_in_dim3A_484 = arith.constant 0.000000e+00 : f32
      %broadcast_in_dim3A_485 = vector.broadcast %broadcast_in_dim3A_484 : f32 to vector<16xf32>
      %swap3A_486 = arith.constant 7 : i32
      %swap3A_487 = arith.index_cast %swap3A_486 : i32 to index
      %swap3A_488 = arith.constant 16 : index
      %swap3A_489 = tpu.vector_load %arg12[%swap3A_487, %swap3A_488] {strides = array<i32>} : memref<16x128xf32, #tpu.memory_space<vmem>>, vector<1x16xf32>,
      %swap3A_490 = vector.shape_cast %swap3A_489 : vector<1x16xf32> to vector<16xf32>
      %swap3A_491 = vector.shape_cast %broadcast_in_dim3A_485 : vector<16xf32> to vector<1x16xf32>
      tpu.vector_store %arg12[%swap3A_487, %swap3A_488], %swap3A_491 {strides = array<i32>} : memref<16x128xf32, #tpu.memory_space<vmem>>, vector<1x16xf32>,
      %broadcast_in_dim3A_492 = arith.constant 0.000000e+00 : f32
      %broadcast_in_dim3A_493 = vector.broadcast %broadcast_in_dim3A_492 : f32 to vector<16xf32>
      %swap3A_494 = arith.constant 7 : i32
      %swap3A_495 = arith.index_cast %swap3A_494 : i32 to index
      %swap3A_496 = arith.constant 32 : index
      %swap3A_497 = tpu.vector_load %arg12[%swap3A_495, %swap3A_496] {strides = array<i32>} : memref<16x128xf32, #tpu.memory_space<vmem>>, vector<1x16xf32>,
      %swap3A_498 = vector.shape_cast %swap3A_497 : vector<1x16xf32> to vector<16xf32>
      %swap3A_499 = vector.shape_cast %broadcast_in_dim3A_493 : vector<16xf32> to vector<1x16xf32>
      tpu.vector_store %arg12[%swap3A_495, %swap3A_496], %swap3A_499 {strides = array<i32>} : memref<16x128xf32, #tpu.memory_space<vmem>>, vector<1x16xf32>,
      %broadcast_in_dim3A_500 = arith.constant 0.000000e+00 : f32
      %broadcast_in_dim3A_501 = vector.broadcast %broadcast_in_dim3A_500 : f32 to vector<16xf32>
      %swap3A_502 = arith.constant 7 : i32
      %swap3A_503 = arith.index_cast %swap3A_502 : i32 to index
      %swap3A_504 = arith.constant 48 : index
      %swap3A_505 = tpu.vector_load %arg12[%swap3A_503, %swap3A_504] {strides = array<i32>} : memref<16x128xf32, #tpu.memory_space<vmem>>, vector<1x16xf32>,
      %swap3A_506 = vector.shape_cast %swap3A_505 : vector<1x16xf32> to vector<16xf32>
      %swap3A_507 = vector.shape_cast %broadcast_in_dim3A_501 : vector<16xf32> to vector<1x16xf32>
      tpu.vector_store %arg12[%swap3A_503, %swap3A_504], %swap3A_507 {strides = array<i32>} : memref<16x128xf32, #tpu.memory_space<vmem>>, vector<1x16xf32>,
      %broadcast_in_dim3A_508 = arith.constant 0.000000e+00 : f32
      %broadcast_in_dim3A_509 = vector.broadcast %broadcast_in_dim3A_508 : f32 to vector<16xf32>
      %swap3A_510 = arith.constant 7 : i32
      %swap3A_511 = arith.index_cast %swap3A_510 : i32 to index
      %swap3A_512 = arith.constant 64 : index
      %swap3A_513 = tpu.vector_load %arg12[%swap3A_511, %swap3A_512] {strides = array<i32>} : memref<16x128xf32, #tpu.memory_space<vmem>>, vector<1x16xf32>,
      %swap3A_514 = vector.shape_cast %swap3A_513 : vector<1x16xf32> to vector<16xf32>
      %swap3A_515 = vector.shape_cast %broadcast_in_dim3A_509 : vector<16xf32> to vector<1x16xf32>
      tpu.vector_store %arg12[%swap3A_511, %swap3A_512], %swap3A_515 {strides = array<i32>} : memref<16x128xf32, #tpu.memory_space<vmem>>, vector<1x16xf32>,
      %broadcast_in_dim3A_516 = arith.constant 0.000000e+00 : f32
      %broadcast_in_dim3A_517 = vector.broadcast %broadcast_in_dim3A_516 : f32 to vector<16xf32>
      %swap3A_518 = arith.constant 7 : i32
      %swap3A_519 = arith.index_cast %swap3A_518 : i32 to index
      %swap3A_520 = arith.constant 80 : index
      %swap3A_521 = tpu.vector_load %arg12[%swap3A_519, %swap3A_520] {strides = array<i32>} : memref<16x128xf32, #tpu.memory_space<vmem>>, vector<1x16xf32>,
      %swap3A_522 = vector.shape_cast %swap3A_521 : vector<1x16xf32> to vector<16xf32>
      %swap3A_523 = vector.shape_cast %broadcast_in_dim3A_517 : vector<16xf32> to vector<1x16xf32>
      tpu.vector_store %arg12[%swap3A_519, %swap3A_520], %swap3A_523 {strides = array<i32>} : memref<16x128xf32, #tpu.memory_space<vmem>>, vector<1x16xf32>,
      %broadcast_in_dim3A_524 = arith.constant 0.000000e+00 : f32
      %broadcast_in_dim3A_525 = vector.broadcast %broadcast_in_dim3A_524 : f32 to vector<16xf32>
      %swap3A_526 = arith.constant 7 : i32
      %swap3A_527 = arith.index_cast %swap3A_526 : i32 to index
      %swap3A_528 = arith.constant 96 : index
      %swap3A_529 = tpu.vector_load %arg12[%swap3A_527, %swap3A_528] {strides = array<i32>} : memref<16x128xf32, #tpu.memory_space<vmem>>, vector<1x16xf32>,
      %swap3A_530 = vector.shape_cast %swap3A_529 : vector<1x16xf32> to vector<16xf32>
      %swap3A_531 = vector.shape_cast %broadcast_in_dim3A_525 : vector<16xf32> to vector<1x16xf32>
      tpu.vector_store %arg12[%swap3A_527, %swap3A_528], %swap3A_531 {strides = array<i32>} : memref<16x128xf32, #tpu.memory_space<vmem>>, vector<1x16xf32>,
      %broadcast_in_dim3A_532 = arith.constant 0.000000e+00 : f32
      %broadcast_in_dim3A_533 = vector.broadcast %broadcast_in_dim3A_532 : f32 to vector<16xf32>
      %swap3A_534 = arith.constant 7 : i32
      %swap3A_535 = arith.index_cast %swap3A_534 : i32 to index
      %swap3A_536 = arith.constant 112 : index
      %swap3A_537 = tpu.vector_load %arg12[%swap3A_535, %swap3A_536] {strides = array<i32>} : memref<16x128xf32, #tpu.memory_space<vmem>>, vector<1x16xf32>,
      %swap3A_538 = vector.shape_cast %swap3A_537 : vector<1x16xf32> to vector<16xf32>
      %swap3A_539 = vector.shape_cast %broadcast_in_dim3A_533 : vector<16xf32> to vector<1x16xf32>
      tpu.vector_store %arg12[%swap3A_535, %swap3A_536], %swap3A_539 {strides = array<i32>} : memref<16x128xf32, #tpu.memory_space<vmem>>, vector<1x16xf32>,
      %broadcast_in_dim3A_540 = arith.constant 0.000000e+00 : f32
      %broadcast_in_dim3A_541 = vector.broadcast %broadcast_in_dim3A_540 : f32 to vector<16xf32>
      %swap3A_542 = arith.constant 8 : i32
      %swap3A_543 = arith.index_cast %swap3A_542 : i32 to index
      %swap3A_544 = arith.constant 0 : index
      %swap3A_545 = tpu.vector_load %arg12[%swap3A_543, %swap3A_544] {strides = array<i32>} : memref<16x128xf32, #tpu.memory_space<vmem>>, vector<1x16xf32>,
      %swap3A_546 = vector.shape_cast %swap3A_545 : vector<1x16xf32> to vector<16xf32>
      %swap3A_547 = vector.shape_cast %broadcast_in_dim3A_541 : vector<16xf32> to vector<1x16xf32>
      tpu.vector_store %arg12[%swap3A_543, %swap3A_544], %swap3A_547 {strides = array<i32>} : memref<16x128xf32, #tpu.memory_space<vmem>>, vector<1x16xf32>,
      %broadcast_in_dim3A_548 = arith.constant 0.000000e+00 : f32
      %broadcast_in_dim3A_549 = vector.broadcast %broadcast_in_dim3A_548 : f32 to vector<16xf32>
      %swap3A_550 = arith.constant 8 : i32
      %swap3A_551 = arith.index_cast %swap3A_550 : i32 to index
      %swap3A_552 = arith.constant 16 : index
      %swap3A_553 = tpu.vector_load %arg12[%swap3A_551, %swap3A_552] {strides = array<i32>} : memref<16x128xf32, #tpu.memory_space<vmem>>, vector<1x16xf32>,
      %swap3A_554 = vector.shape_cast %swap3A_553 : vector<1x16xf32> to vector<16xf32>
      %swap3A_555 = vector.shape_cast %broadcast_in_dim3A_549 : vector<16xf32> to vector<1x16xf32>
      tpu.vector_store %arg12[%swap3A_551, %swap3A_552], %swap3A_555 {strides = array<i32>} : memref<16x128xf32, #tpu.memory_space<vmem>>, vector<1x16xf32>,
      %broadcast_in_dim3A_556 = arith.constant 0.000000e+00 : f32
      %broadcast_in_dim3A_557 = vector.broadcast %broadcast_in_dim3A_556 : f32 to vector<16xf32>
      %swap3A_558 = arith.constant 8 : i32
      %swap3A_559 = arith.index_cast %swap3A_558 : i32 to index
      %swap3A_560 = arith.constant 32 : index
      %swap3A_561 = tpu.vector_load %arg12[%swap3A_559, %swap3A_560] {strides = array<i32>} : memref<16x128xf32, #tpu.memory_space<vmem>>, vector<1x16xf32>,
      %swap3A_562 = vector.shape_cast %swap3A_561 : vector<1x16xf32> to vector<16xf32>
      %swap3A_563 = vector.shape_cast %broadcast_in_dim3A_557 : vector<16xf32> to vector<1x16xf32>
      tpu.vector_store %arg12[%swap3A_559, %swap3A_560], %swap3A_563 {strides = array<i32>} : memref<16x128xf32, #tpu.memory_space<vmem>>, vector<1x16xf32>,
      %broadcast_in_dim3A_564 = arith.constant 0.000000e+00 : f32
      %broadcast_in_dim3A_565 = vector.broadcast %broadcast_in_dim3A_564 : f32 to vector<16xf32>
      %swap3A_566 = arith.constant 8 : i32
      %swap3A_567 = arith.index_cast %swap3A_566 : i32 to index
      %swap3A_568 = arith.constant 48 : index
      %swap3A_569 = tpu.vector_load %arg12[%swap3A_567, %swap3A_568] {strides = array<i32>} : memref<16x128xf32, #tpu.memory_space<vmem>>, vector<1x16xf32>,
      %swap3A_570 = vector.shape_cast %swap3A_569 : vector<1x16xf32> to vector<16xf32>
      %swap3A_571 = vector.shape_cast %broadcast_in_dim3A_565 : vector<16xf32> to vector<1x16xf32>
      tpu.vector_store %arg12[%swap3A_567, %swap3A_568], %swap3A_571 {strides = array<i32>} : memref<16x128xf32, #tpu.memory_space<vmem>>, vector<1x16xf32>,
      %broadcast_in_dim3A_572 = arith.constant 0.000000e+00 : f32
      %broadcast_in_dim3A_573 = vector.broadcast %broadcast_in_dim3A_572 : f32 to vector<16xf32>
      %swap3A_574 = arith.constant 8 : i32
      %swap3A_575 = arith.index_cast %swap3A_574 : i32 to index
      %swap3A_576 = arith.constant 64 : index
      %swap3A_577 = tpu.vector_load %arg12[%swap3A_575, %swap3A_576] {strides = array<i32>} : memref<16x128xf32, #tpu.memory_space<vmem>>, vector<1x16xf32>,
      %swap3A_578 = vector.shape_cast %swap3A_577 : vector<1x16xf32> to vector<16xf32>
      %swap3A_579 = vector.shape_cast %broadcast_in_dim3A_573 : vector<16xf32> to vector<1x16xf32>
      tpu.vector_store %arg12[%swap3A_575, %swap3A_576], %swap3A_579 {strides = array<i32>} : memref<16x128xf32, #tpu.memory_space<vmem>>, vector<1x16xf32>,
      %broadcast_in_dim3A_580 = arith.constant 0.000000e+00 : f32
      %broadcast_in_dim3A_581 = vector.broadcast %broadcast_in_dim3A_580 : f32 to vector<16xf32>
      %swap3A_582 = arith.constant 8 : i32
      %swap3A_583 = arith.index_cast %swap3A_582 : i32 to index
      %swap3A_584 = arith.constant 80 : index
      %swap3A_585 = tpu.vector_load %arg12[%swap3A_583, %swap3A_584] {strides = array<i32>} : memref<16x128xf32, #tpu.memory_space<vmem>>, vector<1x16xf32>,
      %swap3A_586 = vector.shape_cast %swap3A_585 : vector<1x16xf32> to vector<16xf32>
      %swap3A_587 = vector.shape_cast %broadcast_in_dim3A_581 : vector<16xf32> to vector<1x16xf32>
      tpu.vector_store %arg12[%swap3A_583, %swap3A_584], %swap3A_587 {strides = array<i32>} : memref<16x128xf32, #tpu.memory_space<vmem>>, vector<1x16xf32>,
      %broadcast_in_dim3A_588 = arith.constant 0.000000e+00 : f32
      %broadcast_in_dim3A_589 = vector.broadcast %broadcast_in_dim3A_588 : f32 to vector<16xf32>
      %swap3A_590 = arith.constant 8 : i32
      %swap3A_591 = arith.index_cast %swap3A_590 : i32 to index
      %swap3A_592 = arith.constant 96 : index
      %swap3A_593 = tpu.vector_load %arg12[%swap3A_591, %swap3A_592] {strides = array<i32>} : memref<16x128xf32, #tpu.memory_space<vmem>>, vector<1x16xf32>,
      %swap3A_594 = vector.shape_cast %swap3A_593 : vector<1x16xf32> to vector<16xf32>
      %swap3A_595 = vector.shape_cast %broadcast_in_dim3A_589 : vector<16xf32> to vector<1x16xf32>
      tpu.vector_store %arg12[%swap3A_591, %swap3A_592], %swap3A_595 {strides = array<i32>} : memref<16x128xf32, #tpu.memory_space<vmem>>, vector<1x16xf32>,
      %broadcast_in_dim3A_596 = arith.constant 0.000000e+00 : f32
      %broadcast_in_dim3A_597 = vector.broadcast %broadcast_in_dim3A_596 : f32 to vector<16xf32>
      %swap3A_598 = arith.constant 8 : i32
      %swap3A_599 = arith.index_cast %swap3A_598 : i32 to index
      %swap3A_600 = arith.constant 112 : index
      %swap3A_601 = tpu.vector_load %arg12[%swap3A_599, %swap3A_600] {strides = array<i32>} : memref<16x128xf32, #tpu.memory_space<vmem>>, vector<1x16xf32>,
      %swap3A_602 = vector.shape_cast %swap3A_601 : vector<1x16xf32> to vector<16xf32>
      %swap3A_603 = vector.shape_cast %broadcast_in_dim3A_597 : vector<16xf32> to vector<1x16xf32>
      tpu.vector_store %arg12[%swap3A_599, %swap3A_600], %swap3A_603 {strides = array<i32>} : memref<16x128xf32, #tpu.memory_space<vmem>>, vector<1x16xf32>,
      %broadcast_in_dim3A_604 = arith.constant 0.000000e+00 : f32
      %broadcast_in_dim3A_605 = vector.broadcast %broadcast_in_dim3A_604 : f32 to vector<16xf32>
      %swap3A_606 = arith.constant 9 : i32
      %swap3A_607 = arith.index_cast %swap3A_606 : i32 to index
      %swap3A_608 = arith.constant 0 : index
      %swap3A_609 = tpu.vector_load %arg12[%swap3A_607, %swap3A_608] {strides = array<i32>} : memref<16x128xf32, #tpu.memory_space<vmem>>, vector<1x16xf32>,
      %swap3A_610 = vector.shape_cast %swap3A_609 : vector<1x16xf32> to vector<16xf32>
      %swap3A_611 = vector.shape_cast %broadcast_in_dim3A_605 : vector<16xf32> to vector<1x16xf32>
      tpu.vector_store %arg12[%swap3A_607, %swap3A_608], %swap3A_611 {strides = array<i32>} : memref<16x128xf32, #tpu.memory_space<vmem>>, vector<1x16xf32>,
      %broadcast_in_dim3A_612 = arith.constant 0.000000e+00 : f32
      %broadcast_in_dim3A_613 = vector.broadcast %broadcast_in_dim3A_612 : f32 to vector<16xf32>
      %swap3A_614 = arith.constant 9 : i32
      %swap3A_615 = arith.index_cast %swap3A_614 : i32 to index
      %swap3A_616 = arith.constant 16 : index
      %swap3A_617 = tpu.vector_load %arg12[%swap3A_615, %swap3A_616] {strides = array<i32>} : memref<16x128xf32, #tpu.memory_space<vmem>>, vector<1x16xf32>,
      %swap3A_618 = vector.shape_cast %swap3A_617 : vector<1x16xf32> to vector<16xf32>
      %swap3A_619 = vector.shape_cast %broadcast_in_dim3A_613 : vector<16xf32> to vector<1x16xf32>
      tpu.vector_store %arg12[%swap3A_615, %swap3A_616], %swap3A_619 {strides = array<i32>} : memref<16x128xf32, #tpu.memory_space<vmem>>, vector<1x16xf32>,
      %broadcast_in_dim3A_620 = arith.constant 0.000000e+00 : f32
      %broadcast_in_dim3A_621 = vector.broadcast %broadcast_in_dim3A_620 : f32 to vector<16xf32>
      %swap3A_622 = arith.constant 9 : i32
      %swap3A_623 = arith.index_cast %swap3A_622 : i32 to index
      %swap3A_624 = arith.constant 32 : index
      %swap3A_625 = tpu.vector_load %arg12[%swap3A_623, %swap3A_624] {strides = array<i32>} : memref<16x128xf32, #tpu.memory_space<vmem>>, vector<1x16xf32>,
      %swap3A_626 = vector.shape_cast %swap3A_625 : vector<1x16xf32> to vector<16xf32>
      %swap3A_627 = vector.shape_cast %broadcast_in_dim3A_621 : vector<16xf32> to vector<1x16xf32>
      tpu.vector_store %arg12[%swap3A_623, %swap3A_624], %swap3A_627 {strides = array<i32>} : memref<16x128xf32, #tpu.memory_space<vmem>>, vector<1x16xf32>,
      %broadcast_in_dim3A_628 = arith.constant 0.000000e+00 : f32
      %broadcast_in_dim3A_629 = vector.broadcast %broadcast_in_dim3A_628 : f32 to vector<16xf32>
      %swap3A_630 = arith.constant 9 : i32
      %swap3A_631 = arith.index_cast %swap3A_630 : i32 to index
      %swap3A_632 = arith.constant 48 : index
      %swap3A_633 = tpu.vector_load %arg12[%swap3A_631, %swap3A_632] {strides = array<i32>} : memref<16x128xf32, #tpu.memory_space<vmem>>, vector<1x16xf32>,
      %swap3A_634 = vector.shape_cast %swap3A_633 : vector<1x16xf32> to vector<16xf32>
      %swap3A_635 = vector.shape_cast %broadcast_in_dim3A_629 : vector<16xf32> to vector<1x16xf32>
      tpu.vector_store %arg12[%swap3A_631, %swap3A_632], %swap3A_635 {strides = array<i32>} : memref<16x128xf32, #tpu.memory_space<vmem>>, vector<1x16xf32>,
      %broadcast_in_dim3A_636 = arith.constant 0.000000e+00 : f32
      %broadcast_in_dim3A_637 = vector.broadcast %broadcast_in_dim3A_636 : f32 to vector<16xf32>
      %swap3A_638 = arith.constant 9 : i32
      %swap3A_639 = arith.index_cast %swap3A_638 : i32 to index
      %swap3A_640 = arith.constant 64 : index
      %swap3A_641 = tpu.vector_load %arg12[%swap3A_639, %swap3A_640] {strides = array<i32>} : memref<16x128xf32, #tpu.memory_space<vmem>>, vector<1x16xf32>,
      %swap3A_642 = vector.shape_cast %swap3A_641 : vector<1x16xf32> to vector<16xf32>
      %swap3A_643 = vector.shape_cast %broadcast_in_dim3A_637 : vector<16xf32> to vector<1x16xf32>
      tpu.vector_store %arg12[%swap3A_639, %swap3A_640], %swap3A_643 {strides = array<i32>} : memref<16x128xf32, #tpu.memory_space<vmem>>, vector<1x16xf32>,
      %broadcast_in_dim3A_644 = arith.constant 0.000000e+00 : f32
      %broadcast_in_dim3A_645 = vector.broadcast %broadcast_in_dim3A_644 : f32 to vector<16xf32>
      %swap3A_646 = arith.constant 9 : i32
      %swap3A_647 = arith.index_cast %swap3A_646 : i32 to index
      %swap3A_648 = arith.constant 80 : index
      %swap3A_649 = tpu.vector_load %arg12[%swap3A_647, %swap3A_648] {strides = array<i32>} : memref<16x128xf32, #tpu.memory_space<vmem>>, vector<1x16xf32>,
      %swap3A_650 = vector.shape_cast %swap3A_649 : vector<1x16xf32> to vector<16xf32>
      %swap3A_651 = vector.shape_cast %broadcast_in_dim3A_645 : vector<16xf32> to vector<1x16xf32>
      tpu.vector_store %arg12[%swap3A_647, %swap3A_648], %swap3A_651 {strides = array<i32>} : memref<16x128xf32, #tpu.memory_space<vmem>>, vector<1x16xf32>,
      %broadcast_in_dim3A_652 = arith.constant 0.000000e+00 : f32
      %broadcast_in_dim3A_653 = vector.broadcast %broadcast_in_dim3A_652 : f32 to vector<16xf32>
      %swap3A_654 = arith.constant 9 : i32
      %swap3A_655 = arith.index_cast %swap3A_654 : i32 to index
      %swap3A_656 = arith.constant 96 : index
      %swap3A_657 = tpu.vector_load %arg12[%swap3A_655, %swap3A_656] {strides = array<i32>} : memref<16x128xf32, #tpu.memory_space<vmem>>, vector<1x16xf32>,
      %swap3A_658 = vector.shape_cast %swap3A_657 : vector<1x16xf32> to vector<16xf32>
      %swap3A_659 = vector.shape_cast %broadcast_in_dim3A_653 : vector<16xf32> to vector<1x16xf32>
      tpu.vector_store %arg12[%swap3A_655, %swap3A_656], %swap3A_659 {strides = array<i32>} : memref<16x128xf32, #tpu.memory_space<vmem>>, vector<1x16xf32>,
      %broadcast_in_dim3A_660 = arith.constant 0.000000e+00 : f32
      %broadcast_in_dim3A_661 = vector.broadcast %broadcast_in_dim3A_660 : f32 to vector<16xf32>
      %swap3A_662 = arith.constant 9 : i32
      %swap3A_663 = arith.index_cast %swap3A_662 : i32 to index
      %swap3A_664 = arith.constant 112 : index
      %swap3A_665 = tpu.vector_load %arg12[%swap3A_663, %swap3A_664] {strides = array<i32>} : memref<16x128xf32, #tpu.memory_space<vmem>>, vector<1x16xf32>,
      %swap3A_666 = vector.shape_cast %swap3A_665 : vector<1x16xf32> to vector<16xf32>
      %swap3A_667 = vector.shape_cast %broadcast_in_dim3A_661 : vector<16xf32> to vector<1x16xf32>
      tpu.vector_store %arg12[%swap3A_663, %swap3A_664], %swap3A_667 {strides = array<i32>} : memref<16x128xf32, #tpu.memory_space<vmem>>, vector<1x16xf32>,
      %broadcast_in_dim3A_668 = arith.constant 0.000000e+00 : f32
      %broadcast_in_dim3A_669 = vector.broadcast %broadcast_in_dim3A_668 : f32 to vector<16xf32>
      %swap3A_670 = arith.constant 10 : i32
      %swap3A_671 = arith.index_cast %swap3A_670 : i32 to index
      %swap3A_672 = arith.constant 0 : index
      %swap3A_673 = tpu.vector_load %arg12[%swap3A_671, %swap3A_672] {strides = array<i32>} : memref<16x128xf32, #tpu.memory_space<vmem>>, vector<1x16xf32>,
      %swap3A_674 = vector.shape_cast %swap3A_673 : vector<1x16xf32> to vector<16xf32>
      %swap3A_675 = vector.shape_cast %broadcast_in_dim3A_669 : vector<16xf32> to vector<1x16xf32>
      tpu.vector_store %arg12[%swap3A_671, %swap3A_672], %swap3A_675 {strides = array<i32>} : memref<16x128xf32, #tpu.memory_space<vmem>>, vector<1x16xf32>,
      %broadcast_in_dim3A_676 = arith.constant 0.000000e+00 : f32
      %broadcast_in_dim3A_677 = vector.broadcast %broadcast_in_dim3A_676 : f32 to vector<16xf32>
      %swap3A_678 = arith.constant 10 : i32
      %swap3A_679 = arith.index_cast %swap3A_678 : i32 to index
      %swap3A_680 = arith.constant 16 : index
      %swap3A_681 = tpu.vector_load %arg12[%swap3A_679, %swap3A_680] {strides = array<i32>} : memref<16x128xf32, #tpu.memory_space<vmem>>, vector<1x16xf32>,
      %swap3A_682 = vector.shape_cast %swap3A_681 : vector<1x16xf32> to vector<16xf32>
      %swap3A_683 = vector.shape_cast %broadcast_in_dim3A_677 : vector<16xf32> to vector<1x16xf32>
      tpu.vector_store %arg12[%swap3A_679, %swap3A_680], %swap3A_683 {strides = array<i32>} : memref<16x128xf32, #tpu.memory_space<vmem>>, vector<1x16xf32>,
      %broadcast_in_dim3A_684 = arith.constant 0.000000e+00 : f32
      %broadcast_in_dim3A_685 = vector.broadcast %broadcast_in_dim3A_684 : f32 to vector<16xf32>
      %swap3A_686 = arith.constant 10 : i32
      %swap3A_687 = arith.index_cast %swap3A_686 : i32 to index
      %swap3A_688 = arith.constant 32 : index
      %swap3A_689 = tpu.vector_load %arg12[%swap3A_687, %swap3A_688] {strides = array<i32>} : memref<16x128xf32, #tpu.memory_space<vmem>>, vector<1x16xf32>,
      %swap3A_690 = vector.shape_cast %swap3A_689 : vector<1x16xf32> to vector<16xf32>
      %swap3A_691 = vector.shape_cast %broadcast_in_dim3A_685 : vector<16xf32> to vector<1x16xf32>
      tpu.vector_store %arg12[%swap3A_687, %swap3A_688], %swap3A_691 {strides = array<i32>} : memref<16x128xf32, #tpu.memory_space<vmem>>, vector<1x16xf32>,
      %broadcast_in_dim3A_692 = arith.constant 0.000000e+00 : f32
      %broadcast_in_dim3A_693 = vector.broadcast %broadcast_in_dim3A_692 : f32 to vector<16xf32>
      %swap3A_694 = arith.constant 10 : i32
      %swap3A_695 = arith.index_cast %swap3A_694 : i32 to index
      %swap3A_696 = arith.constant 48 : index
      %swap3A_697 = tpu.vector_load %arg12[%swap3A_695, %swap3A_696] {strides = array<i32>} : memref<16x128xf32, #tpu.memory_space<vmem>>, vector<1x16xf32>,
      %swap3A_698 = vector.shape_cast %swap3A_697 : vector<1x16xf32> to vector<16xf32>
      %swap3A_699 = vector.shape_cast %broadcast_in_dim3A_693 : vector<16xf32> to vector<1x16xf32>
      tpu.vector_store %arg12[%swap3A_695, %swap3A_696], %swap3A_699 {strides = array<i32>} : memref<16x128xf32, #tpu.memory_space<vmem>>, vector<1x16xf32>,
      %broadcast_in_dim3A_700 = arith.constant 0.000000e+00 : f32
      %broadcast_in_dim3A_701 = vector.broadcast %broadcast_in_dim3A_700 : f32 to vector<16xf32>
      %swap3A_702 = arith.constant 10 : i32
      %swap3A_703 = arith.index_cast %swap3A_702 : i32 to index
      %swap3A_704 = arith.constant 64 : index
      %swap3A_705 = tpu.vector_load %arg12[%swap3A_703, %swap3A_704] {strides = array<i32>} : memref<16x128xf32, #tpu.memory_space<vmem>>, vector<1x16xf32>,
      %swap3A_706 = vector.shape_cast %swap3A_705 : vector<1x16xf32> to vector<16xf32>
      %swap3A_707 = vector.shape_cast %broadcast_in_dim3A_701 : vector<16xf32> to vector<1x16xf32>
      tpu.vector_store %arg12[%swap3A_703, %swap3A_704], %swap3A_707 {strides = array<i32>} : memref<16x128xf32, #tpu.memory_space<vmem>>, vector<1x16xf32>,
      %broadcast_in_dim3A_708 = arith.constant 0.000000e+00 : f32
      %broadcast_in_dim3A_709 = vector.broadcast %broadcast_in_dim3A_708 : f32 to vector<16xf32>
      %swap3A_710 = arith.constant 10 : i32
      %swap3A_711 = arith.index_cast %swap3A_710 : i32 to index
      %swap3A_712 = arith.constant 80 : index
      %swap3A_713 = tpu.vector_load %arg12[%swap3A_711, %swap3A_712] {strides = array<i32>} : memref<16x128xf32, #tpu.memory_space<vmem>>, vector<1x16xf32>,
      %swap3A_714 = vector.shape_cast %swap3A_713 : vector<1x16xf32> to vector<16xf32>
      %swap3A_715 = vector.shape_cast %broadcast_in_dim3A_709 : vector<16xf32> to vector<1x16xf32>
      tpu.vector_store %arg12[%swap3A_711, %swap3A_712], %swap3A_715 {strides = array<i32>} : memref<16x128xf32, #tpu.memory_space<vmem>>, vector<1x16xf32>,
      %broadcast_in_dim3A_716 = arith.constant 0.000000e+00 : f32
      %broadcast_in_dim3A_717 = vector.broadcast %broadcast_in_dim3A_716 : f32 to vector<16xf32>
      %swap3A_718 = arith.constant 10 : i32
      %swap3A_719 = arith.index_cast %swap3A_718 : i32 to index
      %swap3A_720 = arith.constant 96 : index
      %swap3A_721 = tpu.vector_load %arg12[%swap3A_719, %swap3A_720] {strides = array<i32>} : memref<16x128xf32, #tpu.memory_space<vmem>>, vector<1x16xf32>,
      %swap3A_722 = vector.shape_cast %swap3A_721 : vector<1x16xf32> to vector<16xf32>
      %swap3A_723 = vector.shape_cast %broadcast_in_dim3A_717 : vector<16xf32> to vector<1x16xf32>
      tpu.vector_store %arg12[%swap3A_719, %swap3A_720], %swap3A_723 {strides = array<i32>} : memref<16x128xf32, #tpu.memory_space<vmem>>, vector<1x16xf32>,
      %broadcast_in_dim3A_724 = arith.constant 0.000000e+00 : f32
      %broadcast_in_dim3A_725 = vector.broadcast %broadcast_in_dim3A_724 : f32 to vector<16xf32>
      %swap3A_726 = arith.constant 10 : i32
      %swap3A_727 = arith.index_cast %swap3A_726 : i32 to index
      %swap3A_728 = arith.constant 112 : index
      %swap3A_729 = tpu.vector_load %arg12[%swap3A_727, %swap3A_728] {strides = array<i32>} : memref<16x128xf32, #tpu.memory_space<vmem>>, vector<1x16xf32>,
      %swap3A_730 = vector.shape_cast %swap3A_729 : vector<1x16xf32> to vector<16xf32>
      %swap3A_731 = vector.shape_cast %broadcast_in_dim3A_725 : vector<16xf32> to vector<1x16xf32>
      tpu.vector_store %arg12[%swap3A_727, %swap3A_728], %swap3A_731 {strides = array<i32>} : memref<16x128xf32, #tpu.memory_space<vmem>>, vector<1x16xf32>,
      %broadcast_in_dim3A_732 = arith.constant 0.000000e+00 : f32
      %broadcast_in_dim3A_733 = vector.broadcast %broadcast_in_dim3A_732 : f32 to vector<16xf32>
      %swap3A_734 = arith.constant 11 : i32
      %swap3A_735 = arith.index_cast %swap3A_734 : i32 to index
      %swap3A_736 = arith.constant 0 : index
      %swap3A_737 = tpu.vector_load %arg12[%swap3A_735, %swap3A_736] {strides = array<i32>} : memref<16x128xf32, #tpu.memory_space<vmem>>, vector<1x16xf32>,
      %swap3A_738 = vector.shape_cast %swap3A_737 : vector<1x16xf32> to vector<16xf32>
      %swap3A_739 = vector.shape_cast %broadcast_in_dim3A_733 : vector<16xf32> to vector<1x16xf32>
      tpu.vector_store %arg12[%swap3A_735, %swap3A_736], %swap3A_739 {strides = array<i32>} : memref<16x128xf32, #tpu.memory_space<vmem>>, vector<1x16xf32>,
      %broadcast_in_dim3A_740 = arith.constant 0.000000e+00 : f32
      %broadcast_in_dim3A_741 = vector.broadcast %broadcast_in_dim3A_740 : f32 to vector<16xf32>
      %swap3A_742 = arith.constant 11 : i32
      %swap3A_743 = arith.index_cast %swap3A_742 : i32 to index
      %swap3A_744 = arith.constant 16 : index
      %swap3A_745 = tpu.vector_load %arg12[%swap3A_743, %swap3A_744] {strides = array<i32>} : memref<16x128xf32, #tpu.memory_space<vmem>>, vector<1x16xf32>,
      %swap3A_746 = vector.shape_cast %swap3A_745 : vector<1x16xf32> to vector<16xf32>
      %swap3A_747 = vector.shape_cast %broadcast_in_dim3A_741 : vector<16xf32> to vector<1x16xf32>
      tpu.vector_store %arg12[%swap3A_743, %swap3A_744], %swap3A_747 {strides = array<i32>} : memref<16x128xf32, #tpu.memory_space<vmem>>, vector<1x16xf32>,
      %broadcast_in_dim3A_748 = arith.constant 0.000000e+00 : f32
      %broadcast_in_dim3A_749 = vector.broadcast %broadcast_in_dim3A_748 : f32 to vector<16xf32>
      %swap3A_750 = arith.constant 11 : i32
      %swap3A_751 = arith.index_cast %swap3A_750 : i32 to index
      %swap3A_752 = arith.constant 32 : index
      %swap3A_753 = tpu.vector_load %arg12[%swap3A_751, %swap3A_752] {strides = array<i32>} : memref<16x128xf32, #tpu.memory_space<vmem>>, vector<1x16xf32>,
      %swap3A_754 = vector.shape_cast %swap3A_753 : vector<1x16xf32> to vector<16xf32>
      %swap3A_755 = vector.shape_cast %broadcast_in_dim3A_749 : vector<16xf32> to vector<1x16xf32>
      tpu.vector_store %arg12[%swap3A_751, %swap3A_752], %swap3A_755 {strides = array<i32>} : memref<16x128xf32, #tpu.memory_space<vmem>>, vector<1x16xf32>,
      %broadcast_in_dim3A_756 = arith.constant 0.000000e+00 : f32
      %broadcast_in_dim3A_757 = vector.broadcast %broadcast_in_dim3A_756 : f32 to vector<16xf32>
      %swap3A_758 = arith.constant 11 : i32
      %swap3A_759 = arith.index_cast %swap3A_758 : i32 to index
      %swap3A_760 = arith.constant 48 : index
      %swap3A_761 = tpu.vector_load %arg12[%swap3A_759, %swap3A_760] {strides = array<i32>} : memref<16x128xf32, #tpu.memory_space<vmem>>, vector<1x16xf32>,
      %swap3A_762 = vector.shape_cast %swap3A_761 : vector<1x16xf32> to vector<16xf32>
      %swap3A_763 = vector.shape_cast %broadcast_in_dim3A_757 : vector<16xf32> to vector<1x16xf32>
      tpu.vector_store %arg12[%swap3A_759, %swap3A_760], %swap3A_763 {strides = array<i32>} : memref<16x128xf32, #tpu.memory_space<vmem>>, vector<1x16xf32>,
      %broadcast_in_dim3A_764 = arith.constant 0.000000e+00 : f32
      %broadcast_in_dim3A_765 = vector.broadcast %broadcast_in_dim3A_764 : f32 to vector<16xf32>
      %swap3A_766 = arith.constant 11 : i32
      %swap3A_767 = arith.index_cast %swap3A_766 : i32 to index
      %swap3A_768 = arith.constant 64 : index
      %swap3A_769 = tpu.vector_load %arg12[%swap3A_767, %swap3A_768] {strides = array<i32>} : memref<16x128xf32, #tpu.memory_space<vmem>>, vector<1x16xf32>,
      %swap3A_770 = vector.shape_cast %swap3A_769 : vector<1x16xf32> to vector<16xf32>
      %swap3A_771 = vector.shape_cast %broadcast_in_dim3A_765 : vector<16xf32> to vector<1x16xf32>
      tpu.vector_store %arg12[%swap3A_767, %swap3A_768], %swap3A_771 {strides = array<i32>} : memref<16x128xf32, #tpu.memory_space<vmem>>, vector<1x16xf32>,
      %broadcast_in_dim3A_772 = arith.constant 0.000000e+00 : f32
      %broadcast_in_dim3A_773 = vector.broadcast %broadcast_in_dim3A_772 : f32 to vector<16xf32>
      %swap3A_774 = arith.constant 11 : i32
      %swap3A_775 = arith.index_cast %swap3A_774 : i32 to index
      %swap3A_776 = arith.constant 80 : index
      %swap3A_777 = tpu.vector_load %arg12[%swap3A_775, %swap3A_776] {strides = array<i32>} : memref<16x128xf32, #tpu.memory_space<vmem>>, vector<1x16xf32>,
      %swap3A_778 = vector.shape_cast %swap3A_777 : vector<1x16xf32> to vector<16xf32>
      %swap3A_779 = vector.shape_cast %broadcast_in_dim3A_773 : vector<16xf32> to vector<1x16xf32>
      tpu.vector_store %arg12[%swap3A_775, %swap3A_776], %swap3A_779 {strides = array<i32>} : memref<16x128xf32, #tpu.memory_space<vmem>>, vector<1x16xf32>,
      %broadcast_in_dim3A_780 = arith.constant 0.000000e+00 : f32
      %broadcast_in_dim3A_781 = vector.broadcast %broadcast_in_dim3A_780 : f32 to vector<16xf32>
      %swap3A_782 = arith.constant 11 : i32
      %swap3A_783 = arith.index_cast %swap3A_782 : i32 to index
      %swap3A_784 = arith.constant 96 : index
      %swap3A_785 = tpu.vector_load %arg12[%swap3A_783, %swap3A_784] {strides = array<i32>} : memref<16x128xf32, #tpu.memory_space<vmem>>, vector<1x16xf32>,
      %swap3A_786 = vector.shape_cast %swap3A_785 : vector<1x16xf32> to vector<16xf32>
      %swap3A_787 = vector.shape_cast %broadcast_in_dim3A_781 : vector<16xf32> to vector<1x16xf32>
      tpu.vector_store %arg12[%swap3A_783, %swap3A_784], %swap3A_787 {strides = array<i32>} : memref<16x128xf32, #tpu.memory_space<vmem>>, vector<1x16xf32>,
      %broadcast_in_dim3A_788 = arith.constant 0.000000e+00 : f32
      %broadcast_in_dim3A_789 = vector.broadcast %broadcast_in_dim3A_788 : f32 to vector<16xf32>
      %swap3A_790 = arith.constant 11 : i32
      %swap3A_791 = arith.index_cast %swap3A_790 : i32 to index
      %swap3A_792 = arith.constant 112 : index
      %swap3A_793 = tpu.vector_load %arg12[%swap3A_791, %swap3A_792] {strides = array<i32>} : memref<16x128xf32, #tpu.memory_space<vmem>>, vector<1x16xf32>,
      %swap3A_794 = vector.shape_cast %swap3A_793 : vector<1x16xf32> to vector<16xf32>
      %swap3A_795 = vector.shape_cast %broadcast_in_dim3A_789 : vector<16xf32> to vector<1x16xf32>
      tpu.vector_store %arg12[%swap3A_791, %swap3A_792], %swap3A_795 {strides = array<i32>} : memref<16x128xf32, #tpu.memory_space<vmem>>, vector<1x16xf32>,
      %broadcast_in_dim3A_796 = arith.constant 0.000000e+00 : f32
      %broadcast_in_dim3A_797 = vector.broadcast %broadcast_in_dim3A_796 : f32 to vector<16xf32>
      %swap3A_798 = arith.constant 12 : i32
      %swap3A_799 = arith.index_cast %swap3A_798 : i32 to index
      %swap3A_800 = arith.constant 0 : index
      %swap3A_801 = tpu.vector_load %arg12[%swap3A_799, %swap3A_800] {strides = array<i32>} : memref<16x128xf32, #tpu.memory_space<vmem>>, vector<1x16xf32>,
      %swap3A_802 = vector.shape_cast %swap3A_801 : vector<1x16xf32> to vector<16xf32>
      %swap3A_803 = vector.shape_cast %broadcast_in_dim3A_797 : vector<16xf32> to vector<1x16xf32>
      tpu.vector_store %arg12[%swap3A_799, %swap3A_800], %swap3A_803 {strides = array<i32>} : memref<16x128xf32, #tpu.memory_space<vmem>>, vector<1x16xf32>,
      %broadcast_in_dim3A_804 = arith.constant 0.000000e+00 : f32
      %broadcast_in_dim3A_805 = vector.broadcast %broadcast_in_dim3A_804 : f32 to vector<16xf32>
      %swap3A_806 = arith.constant 12 : i32
      %swap3A_807 = arith.index_cast %swap3A_806 : i32 to index
      %swap3A_808 = arith.constant 16 : index
      %swap3A_809 = tpu.vector_load %arg12[%swap3A_807, %swap3A_808] {strides = array<i32>} : memref<16x128xf32, #tpu.memory_space<vmem>>, vector<1x16xf32>,
      %swap3A_810 = vector.shape_cast %swap3A_809 : vector<1x16xf32> to vector<16xf32>
      %swap3A_811 = vector.shape_cast %broadcast_in_dim3A_805 : vector<16xf32> to vector<1x16xf32>
      tpu.vector_store %arg12[%swap3A_807, %swap3A_808], %swap3A_811 {strides = array<i32>} : memref<16x128xf32, #tpu.memory_space<vmem>>, vector<1x16xf32>,
      %broadcast_in_dim3A_812 = arith.constant 0.000000e+00 : f32
      %broadcast_in_dim3A_813 = vector.broadcast %broadcast_in_dim3A_812 : f32 to vector<16xf32>
      %swap3A_814 = arith.constant 12 : i32
      %swap3A_815 = arith.index_cast %swap3A_814 : i32 to index
      %swap3A_816 = arith.constant 32 : index
      %swap3A_817 = tpu.vector_load %arg12[%swap3A_815, %swap3A_816] {strides = array<i32>} : memref<16x128xf32, #tpu.memory_space<vmem>>, vector<1x16xf32>,
      %swap3A_818 = vector.shape_cast %swap3A_817 : vector<1x16xf32> to vector<16xf32>
      %swap3A_819 = vector.shape_cast %broadcast_in_dim3A_813 : vector<16xf32> to vector<1x16xf32>
      tpu.vector_store %arg12[%swap3A_815, %swap3A_816], %swap3A_819 {strides = array<i32>} : memref<16x128xf32, #tpu.memory_space<vmem>>, vector<1x16xf32>,
      %broadcast_in_dim3A_820 = arith.constant 0.000000e+00 : f32
      %broadcast_in_dim3A_821 = vector.broadcast %broadcast_in_dim3A_820 : f32 to vector<16xf32>
      %swap3A_822 = arith.constant 12 : i32
      %swap3A_823 = arith.index_cast %swap3A_822 : i32 to index
      %swap3A_824 = arith.constant 48 : index
      %swap3A_825 = tpu.vector_load %arg12[%swap3A_823, %swap3A_824] {strides = array<i32>} : memref<16x128xf32, #tpu.memory_space<vmem>>, vector<1x16xf32>,
      %swap3A_826 = vector.shape_cast %swap3A_825 : vector<1x16xf32> to vector<16xf32>
      %swap3A_827 = vector.shape_cast %broadcast_in_dim3A_821 : vector<16xf32> to vector<1x16xf32>
      tpu.vector_store %arg12[%swap3A_823, %swap3A_824], %swap3A_827 {strides = array<i32>} : memref<16x128xf32, #tpu.memory_space<vmem>>, vector<1x16xf32>,
      %broadcast_in_dim3A_828 = arith.constant 0.000000e+00 : f32
      %broadcast_in_dim3A_829 = vector.broadcast %broadcast_in_dim3A_828 : f32 to vector<16xf32>
      %swap3A_830 = arith.constant 12 : i32
      %swap3A_831 = arith.index_cast %swap3A_830 : i32 to index
      %swap3A_832 = arith.constant 64 : index
      %swap3A_833 = tpu.vector_load %arg12[%swap3A_831, %swap3A_832] {strides = array<i32>} : memref<16x128xf32, #tpu.memory_space<vmem>>, vector<1x16xf32>,
      %swap3A_834 = vector.shape_cast %swap3A_833 : vector<1x16xf32> to vector<16xf32>
      %swap3A_835 = vector.shape_cast %broadcast_in_dim3A_829 : vector<16xf32> to vector<1x16xf32>
      tpu.vector_store %arg12[%swap3A_831, %swap3A_832], %swap3A_835 {strides = array<i32>} : memref<16x128xf32, #tpu.memory_space<vmem>>, vector<1x16xf32>,
      %broadcast_in_dim3A_836 = arith.constant 0.000000e+00 : f32
      %broadcast_in_dim3A_837 = vector.broadcast %broadcast_in_dim3A_836 : f32 to vector<16xf32>
      %swap3A_838 = arith.constant 12 : i32
      %swap3A_839 = arith.index_cast %swap3A_838 : i32 to index
      %swap3A_840 = arith.constant 80 : index
      %swap3A_841 = tpu.vector_load %arg12[%swap3A_839, %swap3A_840] {strides = array<i32>} : memref<16x128xf32, #tpu.memory_space<vmem>>, vector<1x16xf32>,
      %swap3A_842 = vector.shape_cast %swap3A_841 : vector<1x16xf32> to vector<16xf32>
      %swap3A_843 = vector.shape_cast %broadcast_in_dim3A_837 : vector<16xf32> to vector<1x16xf32>
      tpu.vector_store %arg12[%swap3A_839, %swap3A_840], %swap3A_843 {strides = array<i32>} : memref<16x128xf32, #tpu.memory_space<vmem>>, vector<1x16xf32>,
      %broadcast_in_dim3A_844 = arith.constant 0.000000e+00 : f32
      %broadcast_in_dim3A_845 = vector.broadcast %broadcast_in_dim3A_844 : f32 to vector<16xf32>
      %swap3A_846 = arith.constant 12 : i32
      %swap3A_847 = arith.index_cast %swap3A_846 : i32 to index
      %swap3A_848 = arith.constant 96 : index
      %swap3A_849 = tpu.vector_load %arg12[%swap3A_847, %swap3A_848] {strides = array<i32>} : memref<16x128xf32, #tpu.memory_space<vmem>>, vector<1x16xf32>,
      %swap3A_850 = vector.shape_cast %swap3A_849 : vector<1x16xf32> to vector<16xf32>
      %swap3A_851 = vector.shape_cast %broadcast_in_dim3A_845 : vector<16xf32> to vector<1x16xf32>
      tpu.vector_store %arg12[%swap3A_847, %swap3A_848], %swap3A_851 {strides = array<i32>} : memref<16x128xf32, #tpu.memory_space<vmem>>, vector<1x16xf32>,
      %broadcast_in_dim3A_852 = arith.constant 0.000000e+00 : f32
      %broadcast_in_dim3A_853 = vector.broadcast %broadcast_in_dim3A_852 : f32 to vector<16xf32>
      %swap3A_854 = arith.constant 12 : i32
      %swap3A_855 = arith.index_cast %swap3A_854 : i32 to index
      %swap3A_856 = arith.constant 112 : index
      %swap3A_857 = tpu.vector_load %arg12[%swap3A_855, %swap3A_856] {strides = array<i32>} : memref<16x128xf32, #tpu.memory_space<vmem>>, vector<1x16xf32>,
      %swap3A_858 = vector.shape_cast %swap3A_857 : vector<1x16xf32> to vector<16xf32>
      %swap3A_859 = vector.shape_cast %broadcast_in_dim3A_853 : vector<16xf32> to vector<1x16xf32>
      tpu.vector_store %arg12[%swap3A_855, %swap3A_856], %swap3A_859 {strides = array<i32>} : memref<16x128xf32, #tpu.memory_space<vmem>>, vector<1x16xf32>,
      %broadcast_in_dim3A_860 = arith.constant 0.000000e+00 : f32
      %broadcast_in_dim3A_861 = vector.broadcast %broadcast_in_dim3A_860 : f32 to vector<16xf32>
      %swap3A_862 = arith.constant 13 : i32
      %swap3A_863 = arith.index_cast %swap3A_862 : i32 to index
      %swap3A_864 = arith.constant 0 : index
      %swap3A_865 = tpu.vector_load %arg12[%swap3A_863, %swap3A_864] {strides = array<i32>} : memref<16x128xf32, #tpu.memory_space<vmem>>, vector<1x16xf32>,
      %swap3A_866 = vector.shape_cast %swap3A_865 : vector<1x16xf32> to vector<16xf32>
      %swap3A_867 = vector.shape_cast %broadcast_in_dim3A_861 : vector<16xf32> to vector<1x16xf32>
      tpu.vector_store %arg12[%swap3A_863, %swap3A_864], %swap3A_867 {strides = array<i32>} : memref<16x128xf32, #tpu.memory_space<vmem>>, vector<1x16xf32>,
      %broadcast_in_dim3A_868 = arith.constant 0.000000e+00 : f32
      %broadcast_in_dim3A_869 = vector.broadcast %broadcast_in_dim3A_868 : f32 to vector<16xf32>
      %swap3A_870 = arith.constant 13 : i32
      %swap3A_871 = arith.index_cast %swap3A_870 : i32 to index
      %swap3A_872 = arith.constant 16 : index
      %swap3A_873 = tpu.vector_load %arg12[%swap3A_871, %swap3A_872] {strides = array<i32>} : memref<16x128xf32, #tpu.memory_space<vmem>>, vector<1x16xf32>,
      %swap3A_874 = vector.shape_cast %swap3A_873 : vector<1x16xf32> to vector<16xf32>
      %swap3A_875 = vector.shape_cast %broadcast_in_dim3A_869 : vector<16xf32> to vector<1x16xf32>
      tpu.vector_store %arg12[%swap3A_871, %swap3A_872], %swap3A_875 {strides = array<i32>} : memref<16x128xf32, #tpu.memory_space<vmem>>, vector<1x16xf32>,
      %broadcast_in_dim3A_876 = arith.constant 0.000000e+00 : f32
      %broadcast_in_dim3A_877 = vector.broadcast %broadcast_in_dim3A_876 : f32 to vector<16xf32>
      %swap3A_878 = arith.constant 13 : i32
      %swap3A_879 = arith.index_cast %swap3A_878 : i32 to index
      %swap3A_880 = arith.constant 32 : index
      %swap3A_881 = tpu.vector_load %arg12[%swap3A_879, %swap3A_880] {strides = array<i32>} : memref<16x128xf32, #tpu.memory_space<vmem>>, vector<1x16xf32>,
      %swap3A_882 = vector.shape_cast %swap3A_881 : vector<1x16xf32> to vector<16xf32>
      %swap3A_883 = vector.shape_cast %broadcast_in_dim3A_877 : vector<16xf32> to vector<1x16xf32>
      tpu.vector_store %arg12[%swap3A_879, %swap3A_880], %swap3A_883 {strides = array<i32>} : memref<16x128xf32, #tpu.memory_space<vmem>>, vector<1x16xf32>,
      %broadcast_in_dim3A_884 = arith.constant 0.000000e+00 : f32
      %broadcast_in_dim3A_885 = vector.broadcast %broadcast_in_dim3A_884 : f32 to vector<16xf32>
      %swap3A_886 = arith.constant 13 : i32
      %swap3A_887 = arith.index_cast %swap3A_886 : i32 to index
      %swap3A_888 = arith.constant 48 : index
      %swap3A_889 = tpu.vector_load %arg12[%swap3A_887, %swap3A_888] {strides = array<i32>} : memref<16x128xf32, #tpu.memory_space<vmem>>, vector<1x16xf32>,
      %swap3A_890 = vector.shape_cast %swap3A_889 : vector<1x16xf32> to vector<16xf32>
      %swap3A_891 = vector.shape_cast %broadcast_in_dim3A_885 : vector<16xf32> to vector<1x16xf32>
      tpu.vector_store %arg12[%swap3A_887, %swap3A_888], %swap3A_891 {strides = array<i32>} : memref<16x128xf32, #tpu.memory_space<vmem>>, vector<1x16xf32>,
      %broadcast_in_dim3A_892 = arith.constant 0.000000e+00 : f32
      %broadcast_in_dim3A_893 = vector.broadcast %broadcast_in_dim3A_892 : f32 to vector<16xf32>
      %swap3A_894 = arith.constant 13 : i32
      %swap3A_895 = arith.index_cast %swap3A_894 : i32 to index
      %swap3A_896 = arith.constant 64 : index
      %swap3A_897 = tpu.vector_load %arg12[%swap3A_895, %swap3A_896] {strides = array<i32>} : memref<16x128xf32, #tpu.memory_space<vmem>>, vector<1x16xf32>,
      %swap3A_898 = vector.shape_cast %swap3A_897 : vector<1x16xf32> to vector<16xf32>
      %swap3A_899 = vector.shape_cast %broadcast_in_dim3A_893 : vector<16xf32> to vector<1x16xf32>
      tpu.vector_store %arg12[%swap3A_895, %swap3A_896], %swap3A_899 {strides = array<i32>} : memref<16x128xf32, #tpu.memory_space<vmem>>, vector<1x16xf32>,
      %broadcast_in_dim3A_900 = arith.constant 0.000000e+00 : f32
      %broadcast_in_dim3A_901 = vector.broadcast %broadcast_in_dim3A_900 : f32 to vector<16xf32>
      %swap3A_902 = arith.constant 13 : i32
      %swap3A_903 = arith.index_cast %swap3A_902 : i32 to index
      %swap3A_904 = arith.constant 80 : index
      %swap3A_905 = tpu.vector_load %arg12[%swap3A_903, %swap3A_904] {strides = array<i32>} : memref<16x128xf32, #tpu.memory_space<vmem>>, vector<1x16xf32>,
      %swap3A_906 = vector.shape_cast %swap3A_905 : vector<1x16xf32> to vector<16xf32>
      %swap3A_907 = vector.shape_cast %broadcast_in_dim3A_901 : vector<16xf32> to vector<1x16xf32>
      tpu.vector_store %arg12[%swap3A_903, %swap3A_904], %swap3A_907 {strides = array<i32>} : memref<16x128xf32, #tpu.memory_space<vmem>>, vector<1x16xf32>,
      %broadcast_in_dim3A_908 = arith.constant 0.000000e+00 : f32
      %broadcast_in_dim3A_909 = vector.broadcast %broadcast_in_dim3A_908 : f32 to vector<16xf32>
      %swap3A_910 = arith.constant 13 : i32
      %swap3A_911 = arith.index_cast %swap3A_910 : i32 to index
      %swap3A_912 = arith.constant 96 : index
      %swap3A_913 = tpu.vector_load %arg12[%swap3A_911, %swap3A_912] {strides = array<i32>} : memref<16x128xf32, #tpu.memory_space<vmem>>, vector<1x16xf32>,
      %swap3A_914 = vector.shape_cast %swap3A_913 : vector<1x16xf32> to vector<16xf32>
      %swap3A_915 = vector.shape_cast %broadcast_in_dim3A_909 : vector<16xf32> to vector<1x16xf32>
      tpu.vector_store %arg12[%swap3A_911, %swap3A_912], %swap3A_915 {strides = array<i32>} : memref<16x128xf32, #tpu.memory_space<vmem>>, vector<1x16xf32>,
      %broadcast_in_dim3A_916 = arith.constant 0.000000e+00 : f32
      %broadcast_in_dim3A_917 = vector.broadcast %broadcast_in_dim3A_916 : f32 to vector<16xf32>
      %swap3A_918 = arith.constant 13 : i32
      %swap3A_919 = arith.index_cast %swap3A_918 : i32 to index
      %swap3A_920 = arith.constant 112 : index
      %swap3A_921 = tpu.vector_load %arg12[%swap3A_919, %swap3A_920] {strides = array<i32>} : memref<16x128xf32, #tpu.memory_space<vmem>>, vector<1x16xf32>,
      %swap3A_922 = vector.shape_cast %swap3A_921 : vector<1x16xf32> to vector<16xf32>
      %swap3A_923 = vector.shape_cast %broadcast_in_dim3A_917 : vector<16xf32> to vector<1x16xf32>
      tpu.vector_store %arg12[%swap3A_919, %swap3A_920], %swap3A_923 {strides = array<i32>} : memref<16x128xf32, #tpu.memory_space<vmem>>, vector<1x16xf32>,
      %broadcast_in_dim3A_924 = arith.constant 0.000000e+00 : f32
      %broadcast_in_dim3A_925 = vector.broadcast %broadcast_in_dim3A_924 : f32 to vector<16xf32>
      %swap3A_926 = arith.constant 14 : i32
      %swap3A_927 = arith.index_cast %swap3A_926 : i32 to index
      %swap3A_928 = arith.constant 0 : index
      %swap3A_929 = tpu.vector_load %arg12[%swap3A_927, %swap3A_928] {strides = array<i32>} : memref<16x128xf32, #tpu.memory_space<vmem>>, vector<1x16xf32>,
      %swap3A_930 = vector.shape_cast %swap3A_929 : vector<1x16xf32> to vector<16xf32>
      %swap3A_931 = vector.shape_cast %broadcast_in_dim3A_925 : vector<16xf32> to vector<1x16xf32>
      tpu.vector_store %arg12[%swap3A_927, %swap3A_928], %swap3A_931 {strides = array<i32>} : memref<16x128xf32, #tpu.memory_space<vmem>>, vector<1x16xf32>,
      %broadcast_in_dim3A_932 = arith.constant 0.000000e+00 : f32
      %broadcast_in_dim3A_933 = vector.broadcast %broadcast_in_dim3A_932 : f32 to vector<16xf32>
      %swap3A_934 = arith.constant 14 : i32
      %swap3A_935 = arith.index_cast %swap3A_934 : i32 to index
      %swap3A_936 = arith.constant 16 : index
      %swap3A_937 = tpu.vector_load %arg12[%swap3A_935, %swap3A_936] {strides = array<i32>} : memref<16x128xf32, #tpu.memory_space<vmem>>, vector<1x16xf32>,
      %swap3A_938 = vector.shape_cast %swap3A_937 : vector<1x16xf32> to vector<16xf32>
      %swap3A_939 = vector.shape_cast %broadcast_in_dim3A_933 : vector<16xf32> to vector<1x16xf32>
      tpu.vector_store %arg12[%swap3A_935, %swap3A_936], %swap3A_939 {strides = array<i32>} : memref<16x128xf32, #tpu.memory_space<vmem>>, vector<1x16xf32>,
      %broadcast_in_dim3A_940 = arith.constant 0.000000e+00 : f32
      %broadcast_in_dim3A_941 = vector.broadcast %broadcast_in_dim3A_940 : f32 to vector<16xf32>
      %swap3A_942 = arith.constant 14 : i32
      %swap3A_943 = arith.index_cast %swap3A_942 : i32 to index
      %swap3A_944 = arith.constant 32 : index
      %swap3A_945 = tpu.vector_load %arg12[%swap3A_943, %swap3A_944] {strides = array<i32>} : memref<16x128xf32, #tpu.memory_space<vmem>>, vector<1x16xf32>,
      %swap3A_946 = vector.shape_cast %swap3A_945 : vector<1x16xf32> to vector<16xf32>
      %swap3A_947 = vector.shape_cast %broadcast_in_dim3A_941 : vector<16xf32> to vector<1x16xf32>
      tpu.vector_store %arg12[%swap3A_943, %swap3A_944], %swap3A_947 {strides = array<i32>} : memref<16x128xf32, #tpu.memory_space<vmem>>, vector<1x16xf32>,
      %broadcast_in_dim3A_948 = arith.constant 0.000000e+00 : f32
      %broadcast_in_dim3A_949 = vector.broadcast %broadcast_in_dim3A_948 : f32 to vector<16xf32>
      %swap3A_950 = arith.constant 14 : i32
      %swap3A_951 = arith.index_cast %swap3A_950 : i32 to index
      %swap3A_952 = arith.constant 48 : index
      %swap3A_953 = tpu.vector_load %arg12[%swap3A_951, %swap3A_952] {strides = array<i32>} : memref<16x128xf32, #tpu.memory_space<vmem>>, vector<1x16xf32>,
      %swap3A_954 = vector.shape_cast %swap3A_953 : vector<1x16xf32> to vector<16xf32>
      %swap3A_955 = vector.shape_cast %broadcast_in_dim3A_949 : vector<16xf32> to vector<1x16xf32>
      tpu.vector_store %arg12[%swap3A_951, %swap3A_952], %swap3A_955 {strides = array<i32>} : memref<16x128xf32, #tpu.memory_space<vmem>>, vector<1x16xf32>,
      %broadcast_in_dim3A_956 = arith.constant 0.000000e+00 : f32
      %broadcast_in_dim3A_957 = vector.broadcast %broadcast_in_dim3A_956 : f32 to vector<16xf32>
      %swap3A_958 = arith.constant 14 : i32
      %swap3A_959 = arith.index_cast %swap3A_958 : i32 to index
      %swap3A_960 = arith.constant 64 : index
      %swap3A_961 = tpu.vector_load %arg12[%swap3A_959, %swap3A_960] {strides = array<i32>} : memref<16x128xf32, #tpu.memory_space<vmem>>, vector<1x16xf32>,
      %swap3A_962 = vector.shape_cast %swap3A_961 : vector<1x16xf32> to vector<16xf32>
      %swap3A_963 = vector.shape_cast %broadcast_in_dim3A_957 : vector<16xf32> to vector<1x16xf32>
      tpu.vector_store %arg12[%swap3A_959, %swap3A_960], %swap3A_963 {strides = array<i32>} : memref<16x128xf32, #tpu.memory_space<vmem>>, vector<1x16xf32>,
      %broadcast_in_dim3A_964 = arith.constant 0.000000e+00 : f32
      %broadcast_in_dim3A_965 = vector.broadcast %broadcast_in_dim3A_964 : f32 to vector<16xf32>
      %swap3A_966 = arith.constant 14 : i32
      %swap3A_967 = arith.index_cast %swap3A_966 : i32 to index
      %swap3A_968 = arith.constant 80 : index
      %swap3A_969 = tpu.vector_load %arg12[%swap3A_967, %swap3A_968] {strides = array<i32>} : memref<16x128xf32, #tpu.memory_space<vmem>>, vector<1x16xf32>,
      %swap3A_970 = vector.shape_cast %swap3A_969 : vector<1x16xf32> to vector<16xf32>
      %swap3A_971 = vector.shape_cast %broadcast_in_dim3A_965 : vector<16xf32> to vector<1x16xf32>
      tpu.vector_store %arg12[%swap3A_967, %swap3A_968], %swap3A_971 {strides = array<i32>} : memref<16x128xf32, #tpu.memory_space<vmem>>, vector<1x16xf32>,
      %broadcast_in_dim3A_972 = arith.constant 0.000000e+00 : f32
      %broadcast_in_dim3A_973 = vector.broadcast %broadcast_in_dim3A_972 : f32 to vector<16xf32>
      %swap3A_974 = arith.constant 14 : i32
      %swap3A_975 = arith.index_cast %swap3A_974 : i32 to index
      %swap3A_976 = arith.constant 96 : index
      %swap3A_977 = tpu.vector_load %arg12[%swap3A_975, %swap3A_976] {strides = array<i32>} : memref<16x128xf32, #tpu.memory_space<vmem>>, vector<1x16xf32>,
      %swap3A_978 = vector.shape_cast %swap3A_977 : vector<1x16xf32> to vector<16xf32>
      %swap3A_979 = vector.shape_cast %broadcast_in_dim3A_973 : vector<16xf32> to vector<1x16xf32>
      tpu.vector_store %arg12[%swap3A_975, %swap3A_976], %swap3A_979 {strides = array<i32>} : memref<16x128xf32, #tpu.memory_space<vmem>>, vector<1x16xf32>,
      %broadcast_in_dim3A_980 = arith.constant 0.000000e+00 : f32
      %broadcast_in_dim3A_981 = vector.broadcast %broadcast_in_dim3A_980 : f32 to vector<16xf32>
      %swap3A_982 = arith.constant 14 : i32
      %swap3A_983 = arith.index_cast %swap3A_982 : i32 to index
      %swap3A_984 = arith.constant 112 : index
      %swap3A_985 = tpu.vector_load %arg12[%swap3A_983, %swap3A_984] {strides = array<i32>} : memref<16x128xf32, #tpu.memory_space<vmem>>, vector<1x16xf32>,
      %swap3A_986 = vector.shape_cast %swap3A_985 : vector<1x16xf32> to vector<16xf32>
      %swap3A_987 = vector.shape_cast %broadcast_in_dim3A_981 : vector<16xf32> to vector<1x16xf32>
      tpu.vector_store %arg12[%swap3A_983, %swap3A_984], %swap3A_987 {strides = array<i32>} : memref<16x128xf32, #tpu.memory_space<vmem>>, vector<1x16xf32>,
      %broadcast_in_dim3A_988 = arith.constant 0.000000e+00 : f32
      %broadcast_in_dim3A_989 = vector.broadcast %broadcast_in_dim3A_988 : f32 to vector<16xf32>
      %swap3A_990 = arith.constant 15 : i32
      %swap3A_991 = arith.index_cast %swap3A_990 : i32 to index
      %swap3A_992 = arith.constant 0 : index
      %swap3A_993 = tpu.vector_load %arg12[%swap3A_991, %swap3A_992] {strides = array<i32>} : memref<16x128xf32, #tpu.memory_space<vmem>>, vector<1x16xf32>,
      %swap3A_994 = vector.shape_cast %swap3A_993 : vector<1x16xf32> to vector<16xf32>
      %swap3A_995 = vector.shape_cast %broadcast_in_dim3A_989 : vector<16xf32> to vector<1x16xf32>
      tpu.vector_store %arg12[%swap3A_991, %swap3A_992], %swap3A_995 {strides = array<i32>} : memref<16x128xf32, #tpu.memory_space<vmem>>, vector<1x16xf32>,
      %broadcast_in_dim3A_996 = arith.constant 0.000000e+00 : f32
      %broadcast_in_dim3A_997 = vector.broadcast %broadcast_in_dim3A_996 : f32 to vector<16xf32>
      %swap3A_998 = arith.constant 15 : i32
      %swap3A_999 = arith.index_cast %swap3A_998 : i32 to index
      %swap3A_1000 = arith.constant 16 : index
      %swap3A_1001 = tpu.vector_load %arg12[%swap3A_999, %swap3A_1000] {strides = array<i32>} : memref<16x128xf32, #tpu.memory_space<vmem>>, vector<1x16xf32>,
      %swap3A_1002 = vector.shape_cast %swap3A_1001 : vector<1x16xf32> to vector<16xf32>
      %swap3A_1003 = vector.shape_cast %broadcast_in_dim3A_997 : vector<16xf32> to vector<1x16xf32>
      tpu.vector_store %arg12[%swap3A_999, %swap3A_1000], %swap3A_1003 {strides = array<i32>} : memref<16x128xf32, #tpu.memory_space<vmem>>, vector<1x16xf32>,
      %broadcast_in_dim3A_1004 = arith.constant 0.000000e+00 : f32
      %broadcast_in_dim3A_1005 = vector.broadcast %broadcast_in_dim3A_1004 : f32 to vector<16xf32>
      %swap3A_1006 = arith.constant 15 : i32
      %swap3A_1007 = arith.index_cast %swap3A_1006 : i32 to index
      %swap3A_1008 = arith.constant 32 : index
      %swap3A_1009 = tpu.vector_load %arg12[%swap3A_1007, %swap3A_1008] {strides = array<i32>} : memref<16x128xf32, #tpu.memory_space<vmem>>, vector<1x16xf32>,
      %swap3A_1010 = vector.shape_cast %swap3A_1009 : vector<1x16xf32> to vector<16xf32>
      %swap3A_1011 = vector.shape_cast %broadcast_in_dim3A_1005 : vector<16xf32> to vector<1x16xf32>
      tpu.vector_store %arg12[%swap3A_1007, %swap3A_1008], %swap3A_1011 {strides = array<i32>} : memref<16x128xf32, #tpu.memory_space<vmem>>, vector<1x16xf32>,
      %broadcast_in_dim3A_1012 = arith.constant 0.000000e+00 : f32
      %broadcast_in_dim3A_1013 = vector.broadcast %broadcast_in_dim3A_1012 : f32 to vector<16xf32>
      %swap3A_1014 = arith.constant 15 : i32
      %swap3A_1015 = arith.index_cast %swap3A_1014 : i32 to index
      %swap3A_1016 = arith.constant 48 : index
      %swap3A_1017 = tpu.vector_load %arg12[%swap3A_1015, %swap3A_1016] {strides = array<i32>} : memref<16x128xf32, #tpu.memory_space<vmem>>, vector<1x16xf32>,
      %swap3A_1018 = vector.shape_cast %swap3A_1017 : vector<1x16xf32> to vector<16xf32>
      %swap3A_1019 = vector.shape_cast %broadcast_in_dim3A_1013 : vector<16xf32> to vector<1x16xf32>
      tpu.vector_store %arg12[%swap3A_1015, %swap3A_1016], %swap3A_1019 {strides = array<i32>} : memref<16x128xf32, #tpu.memory_space<vmem>>, vector<1x16xf32>,
      %broadcast_in_dim3A_1020 = arith.constant 0.000000e+00 : f32
      %broadcast_in_dim3A_1021 = vector.broadcast %broadcast_in_dim3A_1020 : f32 to vector<16xf32>
      %swap3A_1022 = arith.constant 15 : i32
      %swap3A_1023 = arith.index_cast %swap3A_1022 : i32 to index
      %swap3A_1024 = arith.constant 64 : index
      %swap3A_1025 = tpu.vector_load %arg12[%swap3A_1023, %swap3A_1024] {strides = array<i32>} : memref<16x128xf32, #tpu.memory_space<vmem>>, vector<1x16xf32>,
      %swap3A_1026 = vector.shape_cast %swap3A_1025 : vector<1x16xf32> to vector<16xf32>
      %swap3A_1027 = vector.shape_cast %broadcast_in_dim3A_1021 : vector<16xf32> to vector<1x16xf32>
      tpu.vector_store %arg12[%swap3A_1023, %swap3A_1024], %swap3A_1027 {strides = array<i32>} : memref<16x128xf32, #tpu.memory_space<vmem>>, vector<1x16xf32>,
      %broadcast_in_dim3A_1028 = arith.constant 0.000000e+00 : f32
      %broadcast_in_dim3A_1029 = vector.broadcast %broadcast_in_dim3A_1028 : f32 to vector<16xf32>
      %swap3A_1030 = arith.constant 15 : i32
      %swap3A_1031 = arith.index_cast %swap3A_1030 : i32 to index
      %swap3A_1032 = arith.constant 80 : index
      %swap3A_1033 = tpu.vector_load %arg12[%swap3A_1031, %swap3A_1032] {strides = array<i32>} : memref<16x128xf32, #tpu.memory_space<vmem>>, vector<1x16xf32>,
      %swap3A_1034 = vector.shape_cast %swap3A_1033 : vector<1x16xf32> to vector<16xf32>
      %swap3A_1035 = vector.shape_cast %broadcast_in_dim3A_1029 : vector<16xf32> to vector<1x16xf32>
      tpu.vector_store %arg12[%swap3A_1031, %swap3A_1032], %swap3A_1035 {strides = array<i32>} : memref<16x128xf32, #tpu.memory_space<vmem>>, vector<1x16xf32>,
      %broadcast_in_dim3A_1036 = arith.constant 0.000000e+00 : f32
      %broadcast_in_dim3A_1037 = vector.broadcast %broadcast_in_dim3A_1036 : f32 to vector<16xf32>
      %swap3A_1038 = arith.constant 15 : i32
      %swap3A_1039 = arith.index_cast %swap3A_1038 : i32 to index
      %swap3A_1040 = arith.constant 96 : index
      %swap3A_1041 = tpu.vector_load %arg12[%swap3A_1039, %swap3A_1040] {strides = array<i32>} : memref<16x128xf32, #tpu.memory_space<vmem>>, vector<1x16xf32>,
      %swap3A_1042 = vector.shape_cast %swap3A_1041 : vector<1x16xf32> to vector<16xf32>
      %swap3A_1043 = vector.shape_cast %broadcast_in_dim3A_1037 : vector<16xf32> to vector<1x16xf32>
      tpu.vector_store %arg12[%swap3A_1039, %swap3A_1040], %swap3A_1043 {strides = array<i32>} : memref<16x128xf32, #tpu.memory_space<vmem>>, vector<1x16xf32>,
      %broadcast_in_dim3A_1044 = arith.constant 0.000000e+00 : f32
      %broadcast_in_dim3A_1045 = vector.broadcast %broadcast_in_dim3A_1044 : f32 to vector<16xf32>
      %swap3A_1046 = arith.constant 15 : i32
      %swap3A_1047 = arith.index_cast %swap3A_1046 : i32 to index
      %swap3A_1048 = arith.constant 112 : index
      %swap3A_1049 = tpu.vector_load %arg12[%swap3A_1047, %swap3A_1048] {strides = array<i32>} : memref<16x128xf32, #tpu.memory_space<vmem>>, vector<1x16xf32>,
      %swap3A_1050 = vector.shape_cast %swap3A_1049 : vector<1x16xf32> to vector<16xf32>
      %swap3A_1051 = vector.shape_cast %broadcast_in_dim3A_1045 : vector<16xf32> to vector<1x16xf32>
      tpu.vector_store %arg12[%swap3A_1047, %swap3A_1048], %swap3A_1051 {strides = array<i32>} : memref<16x128xf32, #tpu.memory_space<vmem>>, vector<1x16xf32>,
      %scan3A = arith.constant 0 : i32
      %scan3A_1052 = arith.constant 0 : i32
      %scan3A_1053 = arith.constant 40 : i32
      %scan3A_1054 = arith.addi %scan3A_1052, %scan3A_1053 : i32
      %scan3A_1055 = arith.constant 1 : i32
      %scan3A_1056 = scf.for %scan3A_1222 = %scan3A_1052 to %scan3A_1054 step %scan3A_1055 iter_args(%scan3A_1223 = %scan3A) -> (i32)  : i32 {
        %mul3A_1224 = arith.constant 640 : i32
        %mul3A_1225 = arith.muli %arg1, %mul3A_1224 : i32
        %mul3A_1226 = arith.constant 16 : i32
        %mul3A_1227 = arith.muli %scan3A_1222, %mul3A_1226 : i32
        %add3A_1228 = arith.addi %mul3A_1225, %mul3A_1227 : i32
        "tpu.region"() ({
          %run_scoped3A = tpu.sem_alloc : memref<!tpu.dma_semaphore, #tpu.memory_space<semaphore_mem>>
          %dma_start3A_1230 = arith.constant 0 : i32
          %dma_start3A_1231 = tpu.memref_slice %arg8[%add3A_1228, %dma_start3A_1230] : memref<10240x128xf32, #tpu.memory_space<vmem_shared>> -> memref<16x128xf32, #tpu.memory_space<vmem_shared>>
          %dma_start3A_1232 = arith.constant 0 : i32
          %dma_start3A_1233 = tpu.memref_slice %arg8[%add3A_1228, %dma_start3A_1232] : memref<10240x128xf32, #tpu.memory_space<vmem_shared>> -> memref<16x128xf32, #tpu.memory_space<vmem_shared>>
          tpu.enqueue_dma source(%arg12 : memref<16x128xf32, #tpu.memory_space<vmem>>) target(%dma_start3A_1233 : memref<16x128xf32, #tpu.memory_space<vmem_shared>>) target_semaphore(%run_scoped3A : memref<!tpu.dma_semaphore, #tpu.memory_space<semaphore_mem>>)
          %dma_wait3A_1234 = arith.constant 0 : i32
          %dma_wait3A_1235 = tpu.memref_slice %arg8[%add3A_1228, %dma_wait3A_1234] : memref<10240x128xf32, #tpu.memory_space<vmem_shared>> -> memref<16x128xf32, #tpu.memory_space<vmem_shared>>
          %dma_wait3A_1236 = arith.constant 0 : i32
          %dma_wait3A_1237 = tpu.memref_slice %arg8[%add3A_1228, %dma_wait3A_1236] : memref<10240x128xf32, #tpu.memory_space<vmem_shared>> -> memref<16x128xf32, #tpu.memory_space<vmem_shared>>
          tpu.wait_dma2 semaphore(%run_scoped3A : memref<!tpu.dma_semaphore, #tpu.memory_space<semaphore_mem>>) src(%arg12 : memref<16x128xf32, #tpu.memory_space<vmem>>) dst(%dma_wait3A_1237 : memref<16x128xf32, #tpu.memory_space<vmem_shared>>)
          tpu.yield
        }) : () -> ()
        %scan3A_1229 = arith.constant 0 : i32
        scf.yield %scan3A_1229 : i32
      }
      %scan3A_1057 = arith.constant 40 : i32
      %barrier3A = arith.constant 0 : index
      tpu.barrier barrier_id(%barrier3A)
      %scan3A_1058 = arith.constant 0 : i32
      %scan3A_1059 = arith.constant 0 : i32
      %scan3A_1060 = arith.constant 20 : i32
      %scan3A_1061 = arith.addi %scan3A_1059, %scan3A_1060 : i32
      %scan3A_1062 = arith.constant 1 : i32
      %scan3A_1063 = scf.for %scan3A_1222 = %scan3A_1059 to %scan3A_1061 step %scan3A_1062 iter_args(%scan3A_1223 = %scan3A_1058) -> (i32)  : i32 {
        %mul3A_1224 = arith.constant 2 : i32
        %mul3A_1225 = arith.muli %mul3A_1224, %scan3A_1222 : i32
        %add3A_1226 = arith.constant 0 : i32
        %add3A_1227 = arith.addi %mul3A_1225, %add3A_1226 : i32
        %dma_wait3A_1228 = arith.constant 0 : i32
        %dma_wait3A_1229 = arith.constant 0 : i32
        %dma_wait3A_1230 = arith.constant 0 : i32
        %dma_wait3A_1231 = tpu.memref_slice %arg11[%dma_wait3A_1228, %dma_wait3A_1229, %dma_wait3A_1230] : memref<4x64x128xf32, #tpu.memory_space<vmem>> -> memref<1x64x128xf32, #tpu.memory_space<vmem>>
        %dma_wait3A_1232 = tpu.memref_squeeze %dma_wait3A_1231 : memref<1x64x128xf32, #tpu.memory_space<vmem>> -> memref<64x128xf32, #tpu.memory_space<vmem>>
        %dma_wait3A_1233 = arith.constant 0 : i32
        %dma_wait3A_1234 = tpu.memref_slice %arg9[%add3A_1227, %dma_wait3A_1233] : memref<40x128xi32, #tpu.memory_space<vmem>> -> memref<1x64xi32, #tpu.memory_space<vmem>>
        %dma_wait3A_1235 = tpu.memref_squeeze %dma_wait3A_1234 : memref<1x64xi32, #tpu.memory_space<vmem>> -> memref<64xi32, #tpu.memory_space<vmem>>
        %dma_wait3A_1236 = arith.constant 0 : i32
        %dma_wait3A_1237 = arith.constant 0 : i32
        %dma_wait3A_1238 = tpu.memref_slice %arg2[%dma_wait3A_1236, %dma_wait3A_1237] : memref<10240x128xf32, #tpu.memory_space<hbm>> -> memref<10240x128xf32, #tpu.memory_space<hbm>>
        tpu.wait_indirect_dma semaphore(%arg13 : memref<!tpu.dma_semaphore, #tpu.memory_space<semaphore_mem>>) src(%dma_wait3A_1238 : memref<10240x128xf32, #tpu.memory_space<hbm>>) dst(%dma_wait3A_1232 : memref<64x128xf32, #tpu.memory_space<vmem>>)
        %dma_start3A_1239 = arith.constant 0 : i32
        %dma_start3A_1240 = arith.constant 0 : i32
        %dma_start3A_1241 = arith.constant 0 : i32
        %dma_start3A_1242 = tpu.memref_slice %arg11[%dma_start3A_1239, %dma_start3A_1240, %dma_start3A_1241] : memref<4x64x128xf32, #tpu.memory_space<vmem>> -> memref<1x64x128xf32, #tpu.memory_space<vmem>>
        %dma_start3A_1243 = tpu.memref_squeeze %dma_start3A_1242 : memref<1x64x128xf32, #tpu.memory_space<vmem>> -> memref<64x128xf32, #tpu.memory_space<vmem>>
        %dma_start3A_1244 = arith.constant 0 : i32
        %dma_start3A_1245 = tpu.memref_slice %arg10[%add3A_1227, %dma_start3A_1244] : memref<40x128xi32, #tpu.memory_space<vmem>> -> memref<1x64xi32, #tpu.memory_space<vmem>>
        %dma_start3A_1246 = tpu.memref_squeeze %dma_start3A_1245 : memref<1x64xi32, #tpu.memory_space<vmem>> -> memref<64xi32, #tpu.memory_space<vmem>>
        %dma_start3A_1247 = arith.constant 0 : i32
        %dma_start3A_1248 = arith.constant 0 : i32
        %dma_start3A_1249 = tpu.memref_slice %arg8[%dma_start3A_1247, %dma_start3A_1248] : memref<10240x128xf32, #tpu.memory_space<vmem_shared>> -> memref<10240x128xf32, #tpu.memory_space<vmem_shared>>
        tpu.enqueue_indirect_dma source(%dma_start3A_1243 : memref<64x128xf32, #tpu.memory_space<vmem>>) target(%dma_start3A_1249 : memref<10240x128xf32, #tpu.memory_space<vmem_shared>>) offsets(%dma_start3A_1246 : memref<64xi32, #tpu.memory_space<vmem>>) semaphore(%arg14 : memref<!tpu.dma_semaphore, #tpu.memory_space<semaphore_mem>>) {add = true}
        %mul3A_1250 = arith.constant 4 : i32
        %mul3A_1251 = arith.muli %mul3A_1250, %scan3A_1222 : i32
        %add3A_1252 = arith.constant 0 : i32
        %add3A_1253 = arith.addi %mul3A_1251, %add3A_1252 : i32
        %ge3A = arith.constant 2 : i32
        %ge3A_1254 = arith.cmpi sge, %add3A_1253, %ge3A : i32
        %convert_element_type3A_1255 = arith.extui %ge3A_1254 : i1 to i32
        %cond3A_1256 = arith.constant 0 : i32
        %cond3A_1257 = arith.cmpi ne, %convert_element_type3A_1255, %cond3A_1256 : i32
        scf.if %cond3A_1257 {
          %dma_wait3A_1431 = arith.constant 2 : i32
          %dma_wait3A_1432 = arith.constant 0 : i32
          %dma_wait3A_1433 = arith.constant 0 : i32
          %dma_wait3A_1434 = arith.constant 0 : i32
          %dma_wait3A_1435 = tpu.memref_slice %arg11[%dma_wait3A_1431, %dma_wait3A_1433, %dma_wait3A_1434] : memref<4x64x128xf32, #tpu.memory_space<vmem>> -> memref<1x64x128xf32, #tpu.memory_space<vmem>>
          %dma_wait3A_1436 = tpu.memref_squeeze %dma_wait3A_1435 : memref<1x64x128xf32, #tpu.memory_space<vmem>> -> memref<64x128xf32, #tpu.memory_space<vmem>>
          %dma_wait3A_1437 = arith.constant 0 : i32
          %dma_wait3A_1438 = tpu.memref_slice %arg10[%dma_wait3A_1432, %dma_wait3A_1437] : memref<40x128xi32, #tpu.memory_space<vmem>> -> memref<1x64xi32, #tpu.memory_space<vmem>>
          %dma_wait3A_1439 = tpu.memref_squeeze %dma_wait3A_1438 : memref<1x64xi32, #tpu.memory_space<vmem>> -> memref<64xi32, #tpu.memory_space<vmem>>
          %dma_wait3A_1440 = arith.constant 0 : i32
          %dma_wait3A_1441 = arith.constant 0 : i32
          %dma_wait3A_1442 = tpu.memref_slice %arg8[%dma_wait3A_1440, %dma_wait3A_1441] : memref<10240x128xf32, #tpu.memory_space<vmem_shared>> -> memref<10240x128xf32, #tpu.memory_space<vmem_shared>>
          tpu.wait_indirect_dma semaphore(%arg14 : memref<!tpu.dma_semaphore, #tpu.memory_space<semaphore_mem>>) src(%dma_wait3A_1436 : memref<64x128xf32, #tpu.memory_space<vmem>>) dst(%dma_wait3A_1442 : memref<10240x128xf32, #tpu.memory_space<vmem_shared>>)
        } else {
        }
        %mul3A_1258 = arith.constant 2 : i32
        %mul3A_1259 = arith.muli %mul3A_1258, %scan3A_1222 : i32
        %add3A_1260 = arith.constant 1 : i32
        %add3A_1261 = arith.addi %mul3A_1259, %add3A_1260 : i32
        %add3A_1262 = arith.constant 0 : i32
        %add3A_1263 = arith.addi %add3A_1261, %add3A_1262 : i32
        %mul3A_1264 = arith.constant 4 : i32
        %mul3A_1265 = arith.muli %mul3A_1264, %scan3A_1222 : i32
        %add3A_1266 = arith.constant 0 : i32
        %add3A_1267 = arith.addi %mul3A_1265, %add3A_1266 : i32
        %add3A_1268 = arith.constant 2 : i32
        %add3A_1269 = arith.addi %add3A_1267, %add3A_1268 : i32
        %lt3A = arith.constant 80 : i32
        %lt3A_1270 = arith.cmpi slt, %add3A_1269, %lt3A : i32
        %convert_element_type3A_1271 = arith.extui %lt3A_1270 : i1 to i32
        %cond3A_1272 = arith.constant 0 : i32
        %cond3A_1273 = arith.cmpi ne, %convert_element_type3A_1271, %cond3A_1272 : i32
        scf.if %cond3A_1273 {
          %dma_start3A_1431 = arith.constant 2 : i32
          %dma_start3A_1432 = arith.constant 0 : i32
          %dma_start3A_1433 = arith.constant 0 : i32
          %dma_start3A_1434 = tpu.memref_slice %arg11[%dma_start3A_1431, %dma_start3A_1432, %dma_start3A_1433] : memref<4x64x128xf32, #tpu.memory_space<vmem>> -> memref<1x64x128xf32, #tpu.memory_space<vmem>>
          %dma_start3A_1435 = tpu.memref_squeeze %dma_start3A_1434 : memref<1x64x128xf32, #tpu.memory_space<vmem>> -> memref<64x128xf32, #tpu.memory_space<vmem>>
          %dma_start3A_1436 = arith.constant 0 : i32
          %dma_start3A_1437 = tpu.memref_slice %arg9[%add3A_1263, %dma_start3A_1436] : memref<40x128xi32, #tpu.memory_space<vmem>> -> memref<1x64xi32, #tpu.memory_space<vmem>>
          %dma_start3A_1438 = tpu.memref_squeeze %dma_start3A_1437 : memref<1x64xi32, #tpu.memory_space<vmem>> -> memref<64xi32, #tpu.memory_space<vmem>>
          %dma_start3A_1439 = arith.constant 0 : i32
          %dma_start3A_1440 = arith.constant 0 : i32
          %dma_start3A_1441 = tpu.memref_slice %arg2[%dma_start3A_1439, %dma_start3A_1440] : memref<10240x128xf32, #tpu.memory_space<hbm>> -> memref<10240x128xf32, #tpu.memory_space<hbm>>
          tpu.enqueue_indirect_dma source(%dma_start3A_1441 : memref<10240x128xf32, #tpu.memory_space<hbm>>) target(%dma_start3A_1435 : memref<64x128xf32, #tpu.memory_space<vmem>>) offsets(%dma_start3A_1438 : memref<64xi32, #tpu.memory_space<vmem>>) semaphore(%arg13 : memref<!tpu.dma_semaphore, #tpu.memory_space<semaphore_mem>>)
        } else {
        }
        %mul3A_1274 = arith.constant 2 : i32
        %mul3A_1275 = arith.muli %mul3A_1274, %scan3A_1222 : i32
        %add3A_1276 = arith.constant 0 : i32
        %add3A_1277 = arith.addi %mul3A_1275, %add3A_1276 : i32
        %dma_wait3A_1278 = arith.constant 1 : i32
        %dma_wait3A_1279 = arith.constant 0 : i32
        %dma_wait3A_1280 = arith.constant 0 : i32
        %dma_wait3A_1281 = tpu.memref_slice %arg11[%dma_wait3A_1278, %dma_wait3A_1279, %dma_wait3A_1280] : memref<4x64x128xf32, #tpu.memory_space<vmem>> -> memref<1x64x128xf32, #tpu.memory_space<vmem>>
        %dma_wait3A_1282 = tpu.memref_squeeze %dma_wait3A_1281 : memref<1x64x128xf32, #tpu.memory_space<vmem>> -> memref<64x128xf32, #tpu.memory_space<vmem>>
        %dma_wait3A_1283 = arith.constant 64 : i32
        %dma_wait3A_1284 = tpu.memref_slice %arg9[%add3A_1277, %dma_wait3A_1283] : memref<40x128xi32, #tpu.memory_space<vmem>> -> memref<1x64xi32, #tpu.memory_space<vmem>>
        %dma_wait3A_1285 = tpu.memref_squeeze %dma_wait3A_1284 : memref<1x64xi32, #tpu.memory_space<vmem>> -> memref<64xi32, #tpu.memory_space<vmem>>
        %dma_wait3A_1286 = arith.constant 0 : i32
        %dma_wait3A_1287 = arith.constant 0 : i32
        %dma_wait3A_1288 = tpu.memref_slice %arg2[%dma_wait3A_1286, %dma_wait3A_1287] : memref<10240x128xf32, #tpu.memory_space<hbm>> -> memref<10240x128xf32, #tpu.memory_space<hbm>>
        tpu.wait_indirect_dma semaphore(%arg13 : memref<!tpu.dma_semaphore, #tpu.memory_space<semaphore_mem>>) src(%dma_wait3A_1288 : memref<10240x128xf32, #tpu.memory_space<hbm>>) dst(%dma_wait3A_1282 : memref<64x128xf32, #tpu.memory_space<vmem>>)
        %dma_start3A_1289 = arith.constant 1 : i32
        %dma_start3A_1290 = arith.constant 0 : i32
        %dma_start3A_1291 = arith.constant 0 : i32
        %dma_start3A_1292 = tpu.memref_slice %arg11[%dma_start3A_1289, %dma_start3A_1290, %dma_start3A_1291] : memref<4x64x128xf32, #tpu.memory_space<vmem>> -> memref<1x64x128xf32, #tpu.memory_space<vmem>>
        %dma_start3A_1293 = tpu.memref_squeeze %dma_start3A_1292 : memref<1x64x128xf32, #tpu.memory_space<vmem>> -> memref<64x128xf32, #tpu.memory_space<vmem>>
        %dma_start3A_1294 = arith.constant 64 : i32
        %dma_start3A_1295 = tpu.memref_slice %arg10[%add3A_1277, %dma_start3A_1294] : memref<40x128xi32, #tpu.memory_space<vmem>> -> memref<1x64xi32, #tpu.memory_space<vmem>>
        %dma_start3A_1296 = tpu.memref_squeeze %dma_start3A_1295 : memref<1x64xi32, #tpu.memory_space<vmem>> -> memref<64xi32, #tpu.memory_space<vmem>>
        %dma_start3A_1297 = arith.constant 0 : i32
        %dma_start3A_1298 = arith.constant 0 : i32
        %dma_start3A_1299 = tpu.memref_slice %arg8[%dma_start3A_1297, %dma_start3A_1298] : memref<10240x128xf32, #tpu.memory_space<vmem_shared>> -> memref<10240x128xf32, #tpu.memory_space<vmem_shared>>
        tpu.enqueue_indirect_dma source(%dma_start3A_1293 : memref<64x128xf32, #tpu.memory_space<vmem>>) target(%dma_start3A_1299 : memref<10240x128xf32, #tpu.memory_space<vmem_shared>>) offsets(%dma_start3A_1296 : memref<64xi32, #tpu.memory_space<vmem>>) semaphore(%arg14 : memref<!tpu.dma_semaphore, #tpu.memory_space<semaphore_mem>>) {add = true}
        %mul3A_1300 = arith.constant 4 : i32
        %mul3A_1301 = arith.muli %mul3A_1300, %scan3A_1222 : i32
        %add3A_1302 = arith.constant 1 : i32
        %add3A_1303 = arith.addi %mul3A_1301, %add3A_1302 : i32
        %ge3A_1304 = arith.constant 2 : i32
        %ge3A_1305 = arith.cmpi sge, %add3A_1303, %ge3A_1304 : i32
        %convert_element_type3A_1306 = arith.extui %ge3A_1305 : i1 to i32
        %cond3A_1307 = arith.constant 0 : i32
        %cond3A_1308 = arith.cmpi ne, %convert_element_type3A_1306, %cond3A_1307 : i32
        scf.if %cond3A_1308 {
          %dma_wait3A_1431 = arith.constant 3 : i32
          %dma_wait3A_1432 = arith.constant 0 : i32
          %dma_wait3A_1433 = arith.constant 0 : i32
          %dma_wait3A_1434 = arith.constant 0 : i32
          %dma_wait3A_1435 = tpu.memref_slice %arg11[%dma_wait3A_1431, %dma_wait3A_1433, %dma_wait3A_1434] : memref<4x64x128xf32, #tpu.memory_space<vmem>> -> memref<1x64x128xf32, #tpu.memory_space<vmem>>
          %dma_wait3A_1436 = tpu.memref_squeeze %dma_wait3A_1435 : memref<1x64x128xf32, #tpu.memory_space<vmem>> -> memref<64x128xf32, #tpu.memory_space<vmem>>
          %dma_wait3A_1437 = arith.constant 0 : i32
          %dma_wait3A_1438 = tpu.memref_slice %arg10[%dma_wait3A_1432, %dma_wait3A_1437] : memref<40x128xi32, #tpu.memory_space<vmem>> -> memref<1x64xi32, #tpu.memory_space<vmem>>
          %dma_wait3A_1439 = tpu.memref_squeeze %dma_wait3A_1438 : memref<1x64xi32, #tpu.memory_space<vmem>> -> memref<64xi32, #tpu.memory_space<vmem>>
          %dma_wait3A_1440 = arith.constant 0 : i32
          %dma_wait3A_1441 = arith.constant 0 : i32
          %dma_wait3A_1442 = tpu.memref_slice %arg8[%dma_wait3A_1440, %dma_wait3A_1441] : memref<10240x128xf32, #tpu.memory_space<vmem_shared>> -> memref<10240x128xf32, #tpu.memory_space<vmem_shared>>
          tpu.wait_indirect_dma semaphore(%arg14 : memref<!tpu.dma_semaphore, #tpu.memory_space<semaphore_mem>>) src(%dma_wait3A_1436 : memref<64x128xf32, #tpu.memory_space<vmem>>) dst(%dma_wait3A_1442 : memref<10240x128xf32, #tpu.memory_space<vmem_shared>>)
        } else {
        }
        %mul3A_1309 = arith.constant 2 : i32
        %mul3A_1310 = arith.muli %mul3A_1309, %scan3A_1222 : i32
        %add3A_1311 = arith.constant 1 : i32
        %add3A_1312 = arith.addi %mul3A_1310, %add3A_1311 : i32
        %add3A_1313 = arith.constant 0 : i32
        %add3A_1314 = arith.addi %add3A_1312, %add3A_1313 : i32
        %mul3A_1315 = arith.constant 4 : i32
        %mul3A_1316 = arith.muli %mul3A_1315, %scan3A_1222 : i32
        %add3A_1317 = arith.constant 1 : i32
        %add3A_1318 = arith.addi %mul3A_1316, %add3A_1317 : i32
        %add3A_1319 = arith.constant 2 : i32
        %add3A_1320 = arith.addi %add3A_1318, %add3A_1319 : i32
        %lt3A_1321 = arith.constant 80 : i32
        %lt3A_1322 = arith.cmpi slt, %add3A_1320, %lt3A_1321 : i32
        %convert_element_type3A_1323 = arith.extui %lt3A_1322 : i1 to i32
        %cond3A_1324 = arith.constant 0 : i32
        %cond3A_1325 = arith.cmpi ne, %convert_element_type3A_1323, %cond3A_1324 : i32
        scf.if %cond3A_1325 {
          %dma_start3A_1431 = arith.constant 3 : i32
          %dma_start3A_1432 = arith.constant 0 : i32
          %dma_start3A_1433 = arith.constant 0 : i32
          %dma_start3A_1434 = tpu.memref_slice %arg11[%dma_start3A_1431, %dma_start3A_1432, %dma_start3A_1433] : memref<4x64x128xf32, #tpu.memory_space<vmem>> -> memref<1x64x128xf32, #tpu.memory_space<vmem>>
          %dma_start3A_1435 = tpu.memref_squeeze %dma_start3A_1434 : memref<1x64x128xf32, #tpu.memory_space<vmem>> -> memref<64x128xf32, #tpu.memory_space<vmem>>
          %dma_start3A_1436 = arith.constant 64 : i32
          %dma_start3A_1437 = tpu.memref_slice %arg9[%add3A_1314, %dma_start3A_1436] : memref<40x128xi32, #tpu.memory_space<vmem>> -> memref<1x64xi32, #tpu.memory_space<vmem>>
          %dma_start3A_1438 = tpu.memref_squeeze %dma_start3A_1437 : memref<1x64xi32, #tpu.memory_space<vmem>> -> memref<64xi32, #tpu.memory_space<vmem>>
          %dma_start3A_1439 = arith.constant 0 : i32
          %dma_start3A_1440 = arith.constant 0 : i32
          %dma_start3A_1441 = tpu.memref_slice %arg2[%dma_start3A_1439, %dma_start3A_1440] : memref<10240x128xf32, #tpu.memory_space<hbm>> -> memref<10240x128xf32, #tpu.memory_space<hbm>>
          tpu.enqueue_indirect_dma source(%dma_start3A_1441 : memref<10240x128xf32, #tpu.memory_space<hbm>>) target(%dma_start3A_1435 : memref<64x128xf32, #tpu.memory_space<vmem>>) offsets(%dma_start3A_1438 : memref<64xi32, #tpu.memory_space<vmem>>) semaphore(%arg13 : memref<!tpu.dma_semaphore, #tpu.memory_space<semaphore_mem>>)
        } else {
        }
        %mul3A_1326 = arith.constant 2 : i32
        %mul3A_1327 = arith.muli %mul3A_1326, %scan3A_1222 : i32
        %add3A_1328 = arith.constant 1 : i32
        %add3A_1329 = arith.addi %mul3A_1327, %add3A_1328 : i32
        %dma_wait3A_1330 = arith.constant 2 : i32
        %dma_wait3A_1331 = arith.constant 0 : i32
        %dma_wait3A_1332 = arith.constant 0 : i32
        %dma_wait3A_1333 = tpu.memref_slice %arg11[%dma_wait3A_1330, %dma_wait3A_1331, %dma_wait3A_1332] : memref<4x64x128xf32, #tpu.memory_space<vmem>> -> memref<1x64x128xf32, #tpu.memory_space<vmem>>
        %dma_wait3A_1334 = tpu.memref_squeeze %dma_wait3A_1333 : memref<1x64x128xf32, #tpu.memory_space<vmem>> -> memref<64x128xf32, #tpu.memory_space<vmem>>
        %dma_wait3A_1335 = arith.constant 0 : i32
        %dma_wait3A_1336 = tpu.memref_slice %arg9[%add3A_1329, %dma_wait3A_1335] : memref<40x128xi32, #tpu.memory_space<vmem>> -> memref<1x64xi32, #tpu.memory_space<vmem>>
        %dma_wait3A_1337 = tpu.memref_squeeze %dma_wait3A_1336 : memref<1x64xi32, #tpu.memory_space<vmem>> -> memref<64xi32, #tpu.memory_space<vmem>>
        %dma_wait3A_1338 = arith.constant 0 : i32
        %dma_wait3A_1339 = arith.constant 0 : i32
        %dma_wait3A_1340 = tpu.memref_slice %arg2[%dma_wait3A_1338, %dma_wait3A_1339] : memref<10240x128xf32, #tpu.memory_space<hbm>> -> memref<10240x128xf32, #tpu.memory_space<hbm>>
        tpu.wait_indirect_dma semaphore(%arg13 : memref<!tpu.dma_semaphore, #tpu.memory_space<semaphore_mem>>) src(%dma_wait3A_1340 : memref<10240x128xf32, #tpu.memory_space<hbm>>) dst(%dma_wait3A_1334 : memref<64x128xf32, #tpu.memory_space<vmem>>)
        %dma_start3A_1341 = arith.constant 2 : i32
        %dma_start3A_1342 = arith.constant 0 : i32
        %dma_start3A_1343 = arith.constant 0 : i32
        %dma_start3A_1344 = tpu.memref_slice %arg11[%dma_start3A_1341, %dma_start3A_1342, %dma_start3A_1343] : memref<4x64x128xf32, #tpu.memory_space<vmem>> -> memref<1x64x128xf32, #tpu.memory_space<vmem>>
        %dma_start3A_1345 = tpu.memref_squeeze %dma_start3A_1344 : memref<1x64x128xf32, #tpu.memory_space<vmem>> -> memref<64x128xf32, #tpu.memory_space<vmem>>
        %dma_start3A_1346 = arith.constant 0 : i32
        %dma_start3A_1347 = tpu.memref_slice %arg10[%add3A_1329, %dma_start3A_1346] : memref<40x128xi32, #tpu.memory_space<vmem>> -> memref<1x64xi32, #tpu.memory_space<vmem>>
        %dma_start3A_1348 = tpu.memref_squeeze %dma_start3A_1347 : memref<1x64xi32, #tpu.memory_space<vmem>> -> memref<64xi32, #tpu.memory_space<vmem>>
        %dma_start3A_1349 = arith.constant 0 : i32
        %dma_start3A_1350 = arith.constant 0 : i32
        %dma_start3A_1351 = tpu.memref_slice %arg8[%dma_start3A_1349, %dma_start3A_1350] : memref<10240x128xf32, #tpu.memory_space<vmem_shared>> -> memref<10240x128xf32, #tpu.memory_space<vmem_shared>>
        tpu.enqueue_indirect_dma source(%dma_start3A_1345 : memref<64x128xf32, #tpu.memory_space<vmem>>) target(%dma_start3A_1351 : memref<10240x128xf32, #tpu.memory_space<vmem_shared>>) offsets(%dma_start3A_1348 : memref<64xi32, #tpu.memory_space<vmem>>) semaphore(%arg14 : memref<!tpu.dma_semaphore, #tpu.memory_space<semaphore_mem>>) {add = true}
        %mul3A_1352 = arith.constant 4 : i32
        %mul3A_1353 = arith.muli %mul3A_1352, %scan3A_1222 : i32
        %add3A_1354 = arith.constant 2 : i32
        %add3A_1355 = arith.addi %mul3A_1353, %add3A_1354 : i32
        %ge3A_1356 = arith.constant 2 : i32
        %ge3A_1357 = arith.cmpi sge, %add3A_1355, %ge3A_1356 : i32
        %convert_element_type3A_1358 = arith.extui %ge3A_1357 : i1 to i32
        %cond3A_1359 = arith.constant 0 : i32
        %cond3A_1360 = arith.cmpi ne, %convert_element_type3A_1358, %cond3A_1359 : i32
        scf.if %cond3A_1360 {
          %dma_wait3A_1431 = arith.constant 0 : i32
          %dma_wait3A_1432 = arith.constant 0 : i32
          %dma_wait3A_1433 = arith.constant 0 : i32
          %dma_wait3A_1434 = arith.constant 0 : i32
          %dma_wait3A_1435 = tpu.memref_slice %arg11[%dma_wait3A_1431, %dma_wait3A_1433, %dma_wait3A_1434] : memref<4x64x128xf32, #tpu.memory_space<vmem>> -> memref<1x64x128xf32, #tpu.memory_space<vmem>>
          %dma_wait3A_1436 = tpu.memref_squeeze %dma_wait3A_1435 : memref<1x64x128xf32, #tpu.memory_space<vmem>> -> memref<64x128xf32, #tpu.memory_space<vmem>>
          %dma_wait3A_1437 = arith.constant 0 : i32
          %dma_wait3A_1438 = tpu.memref_slice %arg10[%dma_wait3A_1432, %dma_wait3A_1437] : memref<40x128xi32, #tpu.memory_space<vmem>> -> memref<1x64xi32, #tpu.memory_space<vmem>>
          %dma_wait3A_1439 = tpu.memref_squeeze %dma_wait3A_1438 : memref<1x64xi32, #tpu.memory_space<vmem>> -> memref<64xi32, #tpu.memory_space<vmem>>
          %dma_wait3A_1440 = arith.constant 0 : i32
          %dma_wait3A_1441 = arith.constant 0 : i32
          %dma_wait3A_1442 = tpu.memref_slice %arg8[%dma_wait3A_1440, %dma_wait3A_1441] : memref<10240x128xf32, #tpu.memory_space<vmem_shared>> -> memref<10240x128xf32, #tpu.memory_space<vmem_shared>>
          tpu.wait_indirect_dma semaphore(%arg14 : memref<!tpu.dma_semaphore, #tpu.memory_space<semaphore_mem>>) src(%dma_wait3A_1436 : memref<64x128xf32, #tpu.memory_space<vmem>>) dst(%dma_wait3A_1442 : memref<10240x128xf32, #tpu.memory_space<vmem_shared>>)
        } else {
        }
        %mul3A_1361 = arith.constant 2 : i32
        %mul3A_1362 = arith.muli %mul3A_1361, %scan3A_1222 : i32
        %add3A_1363 = arith.constant 1 : i32
        %add3A_1364 = arith.addi %mul3A_1362, %add3A_1363 : i32
        %add3A_1365 = arith.constant 1 : i32
        %add3A_1366 = arith.addi %add3A_1364, %add3A_1365 : i32
        %mul3A_1367 = arith.constant 4 : i32
        %mul3A_1368 = arith.muli %mul3A_1367, %scan3A_1222 : i32
        %add3A_1369 = arith.constant 2 : i32
        %add3A_1370 = arith.addi %mul3A_1368, %add3A_1369 : i32
        %add3A_1371 = arith.constant 2 : i32
        %add3A_1372 = arith.addi %add3A_1370, %add3A_1371 : i32
        %lt3A_1373 = arith.constant 80 : i32
        %lt3A_1374 = arith.cmpi slt, %add3A_1372, %lt3A_1373 : i32
        %convert_element_type3A_1375 = arith.extui %lt3A_1374 : i1 to i32
        %cond3A_1376 = arith.constant 0 : i32
        %cond3A_1377 = arith.cmpi ne, %convert_element_type3A_1375, %cond3A_1376 : i32
        scf.if %cond3A_1377 {
          %dma_start3A_1431 = arith.constant 0 : i32
          %dma_start3A_1432 = arith.constant 0 : i32
          %dma_start3A_1433 = arith.constant 0 : i32
          %dma_start3A_1434 = tpu.memref_slice %arg11[%dma_start3A_1431, %dma_start3A_1432, %dma_start3A_1433] : memref<4x64x128xf32, #tpu.memory_space<vmem>> -> memref<1x64x128xf32, #tpu.memory_space<vmem>>
          %dma_start3A_1435 = tpu.memref_squeeze %dma_start3A_1434 : memref<1x64x128xf32, #tpu.memory_space<vmem>> -> memref<64x128xf32, #tpu.memory_space<vmem>>
          %dma_start3A_1436 = arith.constant 0 : i32
          %dma_start3A_1437 = tpu.memref_slice %arg9[%add3A_1366, %dma_start3A_1436] : memref<40x128xi32, #tpu.memory_space<vmem>> -> memref<1x64xi32, #tpu.memory_space<vmem>>
          %dma_start3A_1438 = tpu.memref_squeeze %dma_start3A_1437 : memref<1x64xi32, #tpu.memory_space<vmem>> -> memref<64xi32, #tpu.memory_space<vmem>>
          %dma_start3A_1439 = arith.constant 0 : i32
          %dma_start3A_1440 = arith.constant 0 : i32
          %dma_start3A_1441 = tpu.memref_slice %arg2[%dma_start3A_1439, %dma_start3A_1440] : memref<10240x128xf32, #tpu.memory_space<hbm>> -> memref<10240x128xf32, #tpu.memory_space<hbm>>
          tpu.enqueue_indirect_dma source(%dma_start3A_1441 : memref<10240x128xf32, #tpu.memory_space<hbm>>) target(%dma_start3A_1435 : memref<64x128xf32, #tpu.memory_space<vmem>>) offsets(%dma_start3A_1438 : memref<64xi32, #tpu.memory_space<vmem>>) semaphore(%arg13 : memref<!tpu.dma_semaphore, #tpu.memory_space<semaphore_mem>>)
        } else {
        }
        %mul3A_1378 = arith.constant 2 : i32
        %mul3A_1379 = arith.muli %mul3A_1378, %scan3A_1222 : i32
        %add3A_1380 = arith.constant 1 : i32
        %add3A_1381 = arith.addi %mul3A_1379, %add3A_1380 : i32
        %dma_wait3A_1382 = arith.constant 3 : i32
        %dma_wait3A_1383 = arith.constant 0 : i32
        %dma_wait3A_1384 = arith.constant 0 : i32
        %dma_wait3A_1385 = tpu.memref_slice %arg11[%dma_wait3A_1382, %dma_wait3A_1383, %dma_wait3A_1384] : memref<4x64x128xf32, #tpu.memory_space<vmem>> -> memref<1x64x128xf32, #tpu.memory_space<vmem>>
        %dma_wait3A_1386 = tpu.memref_squeeze %dma_wait3A_1385 : memref<1x64x128xf32, #tpu.memory_space<vmem>> -> memref<64x128xf32, #tpu.memory_space<vmem>>
        %dma_wait3A_1387 = arith.constant 64 : i32
        %dma_wait3A_1388 = tpu.memref_slice %arg9[%add3A_1381, %dma_wait3A_1387] : memref<40x128xi32, #tpu.memory_space<vmem>> -> memref<1x64xi32, #tpu.memory_space<vmem>>
        %dma_wait3A_1389 = tpu.memref_squeeze %dma_wait3A_1388 : memref<1x64xi32, #tpu.memory_space<vmem>> -> memref<64xi32, #tpu.memory_space<vmem>>
        %dma_wait3A_1390 = arith.constant 0 : i32
        %dma_wait3A_1391 = arith.constant 0 : i32
        %dma_wait3A_1392 = tpu.memref_slice %arg2[%dma_wait3A_1390, %dma_wait3A_1391] : memref<10240x128xf32, #tpu.memory_space<hbm>> -> memref<10240x128xf32, #tpu.memory_space<hbm>>
        tpu.wait_indirect_dma semaphore(%arg13 : memref<!tpu.dma_semaphore, #tpu.memory_space<semaphore_mem>>) src(%dma_wait3A_1392 : memref<10240x128xf32, #tpu.memory_space<hbm>>) dst(%dma_wait3A_1386 : memref<64x128xf32, #tpu.memory_space<vmem>>)
        %dma_start3A_1393 = arith.constant 3 : i32
        %dma_start3A_1394 = arith.constant 0 : i32
        %dma_start3A_1395 = arith.constant 0 : i32
        %dma_start3A_1396 = tpu.memref_slice %arg11[%dma_start3A_1393, %dma_start3A_1394, %dma_start3A_1395] : memref<4x64x128xf32, #tpu.memory_space<vmem>> -> memref<1x64x128xf32, #tpu.memory_space<vmem>>
        %dma_start3A_1397 = tpu.memref_squeeze %dma_start3A_1396 : memref<1x64x128xf32, #tpu.memory_space<vmem>> -> memref<64x128xf32, #tpu.memory_space<vmem>>
        %dma_start3A_1398 = arith.constant 64 : i32
        %dma_start3A_1399 = tpu.memref_slice %arg10[%add3A_1381, %dma_start3A_1398] : memref<40x128xi32, #tpu.memory_space<vmem>> -> memref<1x64xi32, #tpu.memory_space<vmem>>
        %dma_start3A_1400 = tpu.memref_squeeze %dma_start3A_1399 : memref<1x64xi32, #tpu.memory_space<vmem>> -> memref<64xi32, #tpu.memory_space<vmem>>
        %dma_start3A_1401 = arith.constant 0 : i32
        %dma_start3A_1402 = arith.constant 0 : i32
        %dma_start3A_1403 = tpu.memref_slice %arg8[%dma_start3A_1401, %dma_start3A_1402] : memref<10240x128xf32, #tpu.memory_space<vmem_shared>> -> memref<10240x128xf32, #tpu.memory_space<vmem_shared>>
        tpu.enqueue_indirect_dma source(%dma_start3A_1397 : memref<64x128xf32, #tpu.memory_space<vmem>>) target(%dma_start3A_1403 : memref<10240x128xf32, #tpu.memory_space<vmem_shared>>) offsets(%dma_start3A_1400 : memref<64xi32, #tpu.memory_space<vmem>>) semaphore(%arg14 : memref<!tpu.dma_semaphore, #tpu.memory_space<semaphore_mem>>) {add = true}
        %mul3A_1404 = arith.constant 4 : i32
        %mul3A_1405 = arith.muli %mul3A_1404, %scan3A_1222 : i32
        %add3A_1406 = arith.constant 3 : i32
        %add3A_1407 = arith.addi %mul3A_1405, %add3A_1406 : i32
        %ge3A_1408 = arith.constant 2 : i32
        %ge3A_1409 = arith.cmpi sge, %add3A_1407, %ge3A_1408 : i32
        %convert_element_type3A_1410 = arith.extui %ge3A_1409 : i1 to i32
        %cond3A_1411 = arith.constant 0 : i32
        %cond3A_1412 = arith.cmpi ne, %convert_element_type3A_1410, %cond3A_1411 : i32
        scf.if %cond3A_1412 {
          %dma_wait3A_1431 = arith.constant 1 : i32
          %dma_wait3A_1432 = arith.constant 0 : i32
          %dma_wait3A_1433 = arith.constant 0 : i32
          %dma_wait3A_1434 = arith.constant 0 : i32
          %dma_wait3A_1435 = tpu.memref_slice %arg11[%dma_wait3A_1431, %dma_wait3A_1433, %dma_wait3A_1434] : memref<4x64x128xf32, #tpu.memory_space<vmem>> -> memref<1x64x128xf32, #tpu.memory_space<vmem>>
          %dma_wait3A_1436 = tpu.memref_squeeze %dma_wait3A_1435 : memref<1x64x128xf32, #tpu.memory_space<vmem>> -> memref<64x128xf32, #tpu.memory_space<vmem>>
          %dma_wait3A_1437 = arith.constant 0 : i32
          %dma_wait3A_1438 = tpu.memref_slice %arg10[%dma_wait3A_1432, %dma_wait3A_1437] : memref<40x128xi32, #tpu.memory_space<vmem>> -> memref<1x64xi32, #tpu.memory_space<vmem>>
          %dma_wait3A_1439 = tpu.memref_squeeze %dma_wait3A_1438 : memref<1x64xi32, #tpu.memory_space<vmem>> -> memref<64xi32, #tpu.memory_space<vmem>>
          %dma_wait3A_1440 = arith.constant 0 : i32
          %dma_wait3A_1441 = arith.constant 0 : i32
          %dma_wait3A_1442 = tpu.memref_slice %arg8[%dma_wait3A_1440, %dma_wait3A_1441] : memref<10240x128xf32, #tpu.memory_space<vmem_shared>> -> memref<10240x128xf32, #tpu.memory_space<vmem_shared>>
          tpu.wait_indirect_dma semaphore(%arg14 : memref<!tpu.dma_semaphore, #tpu.memory_space<semaphore_mem>>) src(%dma_wait3A_1436 : memref<64x128xf32, #tpu.memory_space<vmem>>) dst(%dma_wait3A_1442 : memref<10240x128xf32, #tpu.memory_space<vmem_shared>>)
        } else {
        }
        %mul3A_1413 = arith.constant 2 : i32
        %mul3A_1414 = arith.muli %mul3A_1413, %scan3A_1222 : i32
        %add3A_1415 = arith.constant 1 : i32
        %add3A_1416 = arith.addi %mul3A_1414, %add3A_1415 : i32
        %add3A_1417 = arith.constant 1 : i32
        %add3A_1418 = arith.addi %add3A_1416, %add3A_1417 : i32
        %mul3A_1419 = arith.constant 4 : i32
        %mul3A_1420 = arith.muli %mul3A_1419, %scan3A_1222 : i32
        %add3A_1421 = arith.constant 3 : i32
        %add3A_1422 = arith.addi %mul3A_1420, %add3A_1421 : i32
        %add3A_1423 = arith.constant 2 : i32
        %add3A_1424 = arith.addi %add3A_1422, %add3A_1423 : i32
        %lt3A_1425 = arith.constant 80 : i32
        %lt3A_1426 = arith.cmpi slt, %add3A_1424, %lt3A_1425 : i32
        %convert_element_type3A_1427 = arith.extui %lt3A_1426 : i1 to i32
        %cond3A_1428 = arith.constant 0 : i32
        %cond3A_1429 = arith.cmpi ne, %convert_element_type3A_1427, %cond3A_1428 : i32
        scf.if %cond3A_1429 {
          %dma_start3A_1431 = arith.constant 1 : i32
          %dma_start3A_1432 = arith.constant 0 : i32
          %dma_start3A_1433 = arith.constant 0 : i32
          %dma_start3A_1434 = tpu.memref_slice %arg11[%dma_start3A_1431, %dma_start3A_1432, %dma_start3A_1433] : memref<4x64x128xf32, #tpu.memory_space<vmem>> -> memref<1x64x128xf32, #tpu.memory_space<vmem>>
          %dma_start3A_1435 = tpu.memref_squeeze %dma_start3A_1434 : memref<1x64x128xf32, #tpu.memory_space<vmem>> -> memref<64x128xf32, #tpu.memory_space<vmem>>
          %dma_start3A_1436 = arith.constant 64 : i32
          %dma_start3A_1437 = tpu.memref_slice %arg9[%add3A_1418, %dma_start3A_1436] : memref<40x128xi32, #tpu.memory_space<vmem>> -> memref<1x64xi32, #tpu.memory_space<vmem>>
          %dma_start3A_1438 = tpu.memref_squeeze %dma_start3A_1437 : memref<1x64xi32, #tpu.memory_space<vmem>> -> memref<64xi32, #tpu.memory_space<vmem>>
          %dma_start3A_1439 = arith.constant 0 : i32
          %dma_start3A_1440 = arith.constant 0 : i32
          %dma_start3A_1441 = tpu.memref_slice %arg2[%dma_start3A_1439, %dma_start3A_1440] : memref<10240x128xf32, #tpu.memory_space<hbm>> -> memref<10240x128xf32, #tpu.memory_space<hbm>>
          tpu.enqueue_indirect_dma source(%dma_start3A_1441 : memref<10240x128xf32, #tpu.memory_space<hbm>>) target(%dma_start3A_1435 : memref<64x128xf32, #tpu.memory_space<vmem>>) offsets(%dma_start3A_1438 : memref<64xi32, #tpu.memory_space<vmem>>) semaphore(%arg13 : memref<!tpu.dma_semaphore, #tpu.memory_space<semaphore_mem>>)
        } else {
        }
        %scan3A_1430 = arith.constant 0 : i32
        scf.yield %scan3A_1430 : i32
      }
      %scan3A_1064 = arith.constant 20 : i32
      %dma_wait3A = arith.constant 0 : i32
      %dma_wait3A_1065 = arith.constant 0 : i32
      %dma_wait3A_1066 = arith.constant 0 : i32
      %dma_wait3A_1067 = arith.constant 0 : i32
      %dma_wait3A_1068 = tpu.memref_slice %arg11[%dma_wait3A, %dma_wait3A_1066, %dma_wait3A_1067] : memref<4x64x128xf32, #tpu.memory_space<vmem>> -> memref<1x64x128xf32, #tpu.memory_space<vmem>>
      %dma_wait3A_1069 = tpu.memref_squeeze %dma_wait3A_1068 : memref<1x64x128xf32, #tpu.memory_space<vmem>> -> memref<64x128xf32, #tpu.memory_space<vmem>>
      %dma_wait3A_1070 = arith.constant 0 : i32
      %dma_wait3A_1071 = tpu.memref_slice %arg10[%dma_wait3A_1065, %dma_wait3A_1070] : memref<40x128xi32, #tpu.memory_space<vmem>> -> memref<1x64xi32, #tpu.memory_space<vmem>>
      %dma_wait3A_1072 = tpu.memref_squeeze %dma_wait3A_1071 : memref<1x64xi32, #tpu.memory_space<vmem>> -> memref<64xi32, #tpu.memory_space<vmem>>
      %dma_wait3A_1073 = arith.constant 0 : i32
      %dma_wait3A_1074 = arith.constant 0 : i32
      %dma_wait3A_1075 = tpu.memref_slice %arg8[%dma_wait3A_1073, %dma_wait3A_1074] : memref<10240x128xf32, #tpu.memory_space<vmem_shared>> -> memref<10240x128xf32, #tpu.memory_space<vmem_shared>>
      tpu.wait_indirect_dma semaphore(%arg14 : memref<!tpu.dma_semaphore, #tpu.memory_space<semaphore_mem>>) src(%dma_wait3A_1069 : memref<64x128xf32, #tpu.memory_space<vmem>>) dst(%dma_wait3A_1075 : memref<10240x128xf32, #tpu.memory_space<vmem_shared>>)
      %dma_wait3A_1076 = arith.constant 1 : i32
      %dma_wait3A_1077 = arith.constant 0 : i32
      %dma_wait3A_1078 = arith.constant 0 : i32
      %dma_wait3A_1079 = arith.constant 0 : i32
      %dma_wait3A_1080 = tpu.memref_slice %arg11[%dma_wait3A_1076, %dma_wait3A_1078, %dma_wait3A_1079] : memref<4x64x128xf32, #tpu.memory_space<vmem>> -> memref<1x64x128xf32, #tpu.memory_space<vmem>>
      %dma_wait3A_1081 = tpu.memref_squeeze %dma_wait3A_1080 : memref<1x64x128xf32, #tpu.memory_space<vmem>> -> memref<64x128xf32, #tpu.memory_space<vmem>>
      %dma_wait3A_1082 = arith.constant 0 : i32
      %dma_wait3A_1083 = tpu.memref_slice %arg10[%dma_wait3A_1077, %dma_wait3A_1082] : memref<40x128xi32, #tpu.memory_space<vmem>> -> memref<1x64xi32, #tpu.memory_space<vmem>>
      %dma_wait3A_1084 = tpu.memref_squeeze %dma_wait3A_1083 : memref<1x64xi32, #tpu.memory_space<vmem>> -> memref<64xi32, #tpu.memory_space<vmem>>
      %dma_wait3A_1085 = arith.constant 0 : i32
      %dma_wait3A_1086 = arith.constant 0 : i32
      %dma_wait3A_1087 = tpu.memref_slice %arg8[%dma_wait3A_1085, %dma_wait3A_1086] : memref<10240x128xf32, #tpu.memory_space<vmem_shared>> -> memref<10240x128xf32, #tpu.memory_space<vmem_shared>>
      tpu.wait_indirect_dma semaphore(%arg14 : memref<!tpu.dma_semaphore, #tpu.memory_space<semaphore_mem>>) src(%dma_wait3A_1081 : memref<64x128xf32, #tpu.memory_space<vmem>>) dst(%dma_wait3A_1087 : memref<10240x128xf32, #tpu.memory_space<vmem_shared>>)
      "tpu.region"() ({
        %run_scoped3A = tpu.sem_alloc : memref<!tpu.dma_semaphore, #tpu.memory_space<semaphore_mem>>
        %dma_start3A_1222 = arith.constant 40 : i32
        %dma_start3A_1223 = arith.constant 0 : i32
        %dma_start3A_1224 = tpu.memref_slice %arg4[%arg1, %dma_start3A_1222, %dma_start3A_1223] : memref<16x80x128xi32, #tpu.memory_space<hbm>> -> memref<1x40x128xi32, #tpu.memory_space<hbm>>
        %dma_start3A_1225 = tpu.memref_squeeze %dma_start3A_1224 : memref<1x40x128xi32, #tpu.memory_space<hbm>> -> memref<40x128xi32, #tpu.memory_space<hbm>>
        %dma_start3A_1226 = arith.constant 40 : i32
        %dma_start3A_1227 = arith.constant 0 : i32
        %dma_start3A_1228 = tpu.memref_slice %arg4[%arg1, %dma_start3A_1226, %dma_start3A_1227] : memref<16x80x128xi32, #tpu.memory_space<hbm>> -> memref<1x40x128xi32, #tpu.memory_space<hbm>>
        %dma_start3A_1229 = tpu.memref_squeeze %dma_start3A_1228 : memref<1x40x128xi32, #tpu.memory_space<hbm>> -> memref<40x128xi32, #tpu.memory_space<hbm>>
        tpu.enqueue_dma source(%dma_start3A_1229 : memref<40x128xi32, #tpu.memory_space<hbm>>) target(%arg9 : memref<40x128xi32, #tpu.memory_space<vmem>>) target_semaphore(%run_scoped3A : memref<!tpu.dma_semaphore, #tpu.memory_space<semaphore_mem>>)
        %dma_wait3A_1230 = arith.constant 40 : i32
        %dma_wait3A_1231 = arith.constant 0 : i32
        %dma_wait3A_1232 = tpu.memref_slice %arg4[%arg1, %dma_wait3A_1230, %dma_wait3A_1231] : memref<16x80x128xi32, #tpu.memory_space<hbm>> -> memref<1x40x128xi32, #tpu.memory_space<hbm>>
        %dma_wait3A_1233 = tpu.memref_squeeze %dma_wait3A_1232 : memref<1x40x128xi32, #tpu.memory_space<hbm>> -> memref<40x128xi32, #tpu.memory_space<hbm>>
        %dma_wait3A_1234 = arith.constant 40 : i32
        %dma_wait3A_1235 = arith.constant 0 : i32
        %dma_wait3A_1236 = tpu.memref_slice %arg4[%arg1, %dma_wait3A_1234, %dma_wait3A_1235] : memref<16x80x128xi32, #tpu.memory_space<hbm>> -> memref<1x40x128xi32, #tpu.memory_space<hbm>>
        %dma_wait3A_1237 = tpu.memref_squeeze %dma_wait3A_1236 : memref<1x40x128xi32, #tpu.memory_space<hbm>> -> memref<40x128xi32, #tpu.memory_space<hbm>>
        tpu.wait_dma2 semaphore(%run_scoped3A : memref<!tpu.dma_semaphore, #tpu.memory_space<semaphore_mem>>) src(%dma_wait3A_1237 : memref<40x128xi32, #tpu.memory_space<hbm>>) dst(%arg9 : memref<40x128xi32, #tpu.memory_space<vmem>>)
        tpu.yield
      }) : () -> ()
      "tpu.region"() ({
        %run_scoped3A = tpu.sem_alloc : memref<!tpu.dma_semaphore, #tpu.memory_space<semaphore_mem>>
        %dma_start3A_1222 = arith.constant 40 : i32
        %dma_start3A_1223 = arith.constant 0 : i32
        %dma_start3A_1224 = tpu.memref_slice %arg5[%arg1, %dma_start3A_1222, %dma_start3A_1223] : memref<16x80x128xi32, #tpu.memory_space<hbm>> -> memref<1x40x128xi32, #tpu.memory_space<hbm>>
        %dma_start3A_1225 = tpu.memref_squeeze %dma_start3A_1224 : memref<1x40x128xi32, #tpu.memory_space<hbm>> -> memref<40x128xi32, #tpu.memory_space<hbm>>
        %dma_start3A_1226 = arith.constant 40 : i32
        %dma_start3A_1227 = arith.constant 0 : i32
        %dma_start3A_1228 = tpu.memref_slice %arg5[%arg1, %dma_start3A_1226, %dma_start3A_1227] : memref<16x80x128xi32, #tpu.memory_space<hbm>> -> memref<1x40x128xi32, #tpu.memory_space<hbm>>
        %dma_start3A_1229 = tpu.memref_squeeze %dma_start3A_1228 : memref<1x40x128xi32, #tpu.memory_space<hbm>> -> memref<40x128xi32, #tpu.memory_space<hbm>>
        tpu.enqueue_dma source(%dma_start3A_1229 : memref<40x128xi32, #tpu.memory_space<hbm>>) target(%arg10 : memref<40x128xi32, #tpu.memory_space<vmem>>) target_semaphore(%run_scoped3A : memref<!tpu.dma_semaphore, #tpu.memory_space<semaphore_mem>>)
        %dma_wait3A_1230 = arith.constant 40 : i32
        %dma_wait3A_1231 = arith.constant 0 : i32
        %dma_wait3A_1232 = tpu.memref_slice %arg5[%arg1, %dma_wait3A_1230, %dma_wait3A_1231] : memref<16x80x128xi32, #tpu.memory_space<hbm>> -> memref<1x40x128xi32, #tpu.memory_space<hbm>>
        %dma_wait3A_1233 = tpu.memref_squeeze %dma_wait3A_1232 : memref<1x40x128xi32, #tpu.memory_space<hbm>> -> memref<40x128xi32, #tpu.memory_space<hbm>>
        %dma_wait3A_1234 = arith.constant 40 : i32
        %dma_wait3A_1235 = arith.constant 0 : i32
        %dma_wait3A_1236 = tpu.memref_slice %arg5[%arg1, %dma_wait3A_1234, %dma_wait3A_1235] : memref<16x80x128xi32, #tpu.memory_space<hbm>> -> memref<1x40x128xi32, #tpu.memory_space<hbm>>
        %dma_wait3A_1237 = tpu.memref_squeeze %dma_wait3A_1236 : memref<1x40x128xi32, #tpu.memory_space<hbm>> -> memref<40x128xi32, #tpu.memory_space<hbm>>
        tpu.wait_dma2 semaphore(%run_scoped3A : memref<!tpu.dma_semaphore, #tpu.memory_space<semaphore_mem>>) src(%dma_wait3A_1237 : memref<40x128xi32, #tpu.memory_space<hbm>>) dst(%arg10 : memref<40x128xi32, #tpu.memory_space<vmem>>)
        tpu.yield
      }) : () -> ()
      %dma_start3A_1088 = arith.constant 0 : i32
      %dma_start3A_1089 = arith.constant 0 : i32
      %dma_start3A_1090 = arith.constant 0 : i32
      %dma_start3A_1091 = arith.constant 0 : i32
      %dma_start3A_1092 = tpu.memref_slice %arg11[%dma_start3A_1089, %dma_start3A_1090, %dma_start3A_1091] : memref<4x64x128xf32, #tpu.memory_space<vmem>> -> memref<1x64x128xf32, #tpu.memory_space<vmem>>
      %dma_start3A_1093 = tpu.memref_squeeze %dma_start3A_1092 : memref<1x64x128xf32, #tpu.memory_space<vmem>> -> memref<64x128xf32, #tpu.memory_space<vmem>>
      %dma_start3A_1094 = arith.constant 0 : i32
      %dma_start3A_1095 = tpu.memref_slice %arg9[%dma_start3A_1088, %dma_start3A_1094] : memref<40x128xi32, #tpu.memory_space<vmem>> -> memref<1x64xi32, #tpu.memory_space<vmem>>
      %dma_start3A_1096 = tpu.memref_squeeze %dma_start3A_1095 : memref<1x64xi32, #tpu.memory_space<vmem>> -> memref<64xi32, #tpu.memory_space<vmem>>
      %dma_start3A_1097 = arith.constant 0 : i32
      %dma_start3A_1098 = arith.constant 0 : i32
      %dma_start3A_1099 = tpu.memref_slice %arg2[%dma_start3A_1097, %dma_start3A_1098] : memref<10240x128xf32, #tpu.memory_space<hbm>> -> memref<10240x128xf32, #tpu.memory_space<hbm>>
      tpu.enqueue_indirect_dma source(%dma_start3A_1099 : memref<10240x128xf32, #tpu.memory_space<hbm>>) target(%dma_start3A_1093 : memref<64x128xf32, #tpu.memory_space<vmem>>) offsets(%dma_start3A_1096 : memref<64xi32, #tpu.memory_space<vmem>>) semaphore(%arg13 : memref<!tpu.dma_semaphore, #tpu.memory_space<semaphore_mem>>)
      %dma_start3A_1100 = arith.constant 0 : i32
      %dma_start3A_1101 = arith.constant 1 : i32
      %dma_start3A_1102 = arith.constant 0 : i32
      %dma_start3A_1103 = arith.constant 0 : i32
      %dma_start3A_1104 = tpu.memref_slice %arg11[%dma_start3A_1101, %dma_start3A_1102, %dma_start3A_1103] : memref<4x64x128xf32, #tpu.memory_space<vmem>> -> memref<1x64x128xf32, #tpu.memory_space<vmem>>
      %dma_start3A_1105 = tpu.memref_squeeze %dma_start3A_1104 : memref<1x64x128xf32, #tpu.memory_space<vmem>> -> memref<64x128xf32, #tpu.memory_space<vmem>>
      %dma_start3A_1106 = arith.constant 64 : i32
      %dma_start3A_1107 = tpu.memref_slice %arg9[%dma_start3A_1100, %dma_start3A_1106] : memref<40x128xi32, #tpu.memory_space<vmem>> -> memref<1x64xi32, #tpu.memory_space<vmem>>
      %dma_start3A_1108 = tpu.memref_squeeze %dma_start3A_1107 : memref<1x64xi32, #tpu.memory_space<vmem>> -> memref<64xi32, #tpu.memory_space<vmem>>
      %dma_start3A_1109 = arith.constant 0 : i32
      %dma_start3A_1110 = arith.constant 0 : i32
      %dma_start3A_1111 = tpu.memref_slice %arg2[%dma_start3A_1109, %dma_start3A_1110] : memref<10240x128xf32, #tpu.memory_space<hbm>> -> memref<10240x128xf32, #tpu.memory_space<hbm>>
      tpu.enqueue_indirect_dma source(%dma_start3A_1111 : memref<10240x128xf32, #tpu.memory_space<hbm>>) target(%dma_start3A_1105 : memref<64x128xf32, #tpu.memory_space<vmem>>) offsets(%dma_start3A_1108 : memref<64xi32, #tpu.memory_space<vmem>>) semaphore(%arg13 : memref<!tpu.dma_semaphore, #tpu.memory_space<semaphore_mem>>)
      %scan3A_1112 = arith.constant 0 : i32
      %scan3A_1113 = arith.constant 0 : i32
      %scan3A_1114 = arith.constant 20 : i32
      %scan3A_1115 = arith.addi %scan3A_1113, %scan3A_1114 : i32
      %scan3A_1116 = arith.constant 1 : i32
      %scan3A_1117 = scf.for %scan3A_1222 = %scan3A_1113 to %scan3A_1115 step %scan3A_1116 iter_args(%scan3A_1223 = %scan3A_1112) -> (i32)  : i32 {
        %mul3A_1224 = arith.constant 2 : i32
        %mul3A_1225 = arith.muli %mul3A_1224, %scan3A_1222 : i32
        %add3A_1226 = arith.constant 0 : i32
        %add3A_1227 = arith.addi %mul3A_1225, %add3A_1226 : i32
        %dma_wait3A_1228 = arith.constant 0 : i32
        %dma_wait3A_1229 = arith.constant 0 : i32
        %dma_wait3A_1230 = arith.constant 0 : i32
        %dma_wait3A_1231 = tpu.memref_slice %arg11[%dma_wait3A_1228, %dma_wait3A_1229, %dma_wait3A_1230] : memref<4x64x128xf32, #tpu.memory_space<vmem>> -> memref<1x64x128xf32, #tpu.memory_space<vmem>>
        %dma_wait3A_1232 = tpu.memref_squeeze %dma_wait3A_1231 : memref<1x64x128xf32, #tpu.memory_space<vmem>> -> memref<64x128xf32, #tpu.memory_space<vmem>>
        %dma_wait3A_1233 = arith.constant 0 : i32
        %dma_wait3A_1234 = tpu.memref_slice %arg9[%add3A_1227, %dma_wait3A_1233] : memref<40x128xi32, #tpu.memory_space<vmem>> -> memref<1x64xi32, #tpu.memory_space<vmem>>
        %dma_wait3A_1235 = tpu.memref_squeeze %dma_wait3A_1234 : memref<1x64xi32, #tpu.memory_space<vmem>> -> memref<64xi32, #tpu.memory_space<vmem>>
        %dma_wait3A_1236 = arith.constant 0 : i32
        %dma_wait3A_1237 = arith.constant 0 : i32
        %dma_wait3A_1238 = tpu.memref_slice %arg2[%dma_wait3A_1236, %dma_wait3A_1237] : memref<10240x128xf32, #tpu.memory_space<hbm>> -> memref<10240x128xf32, #tpu.memory_space<hbm>>
        tpu.wait_indirect_dma semaphore(%arg13 : memref<!tpu.dma_semaphore, #tpu.memory_space<semaphore_mem>>) src(%dma_wait3A_1238 : memref<10240x128xf32, #tpu.memory_space<hbm>>) dst(%dma_wait3A_1232 : memref<64x128xf32, #tpu.memory_space<vmem>>)
        %dma_start3A_1239 = arith.constant 0 : i32
        %dma_start3A_1240 = arith.constant 0 : i32
        %dma_start3A_1241 = arith.constant 0 : i32
        %dma_start3A_1242 = tpu.memref_slice %arg11[%dma_start3A_1239, %dma_start3A_1240, %dma_start3A_1241] : memref<4x64x128xf32, #tpu.memory_space<vmem>> -> memref<1x64x128xf32, #tpu.memory_space<vmem>>
        %dma_start3A_1243 = tpu.memref_squeeze %dma_start3A_1242 : memref<1x64x128xf32, #tpu.memory_space<vmem>> -> memref<64x128xf32, #tpu.memory_space<vmem>>
        %dma_start3A_1244 = arith.constant 0 : i32
        %dma_start3A_1245 = tpu.memref_slice %arg10[%add3A_1227, %dma_start3A_1244] : memref<40x128xi32, #tpu.memory_space<vmem>> -> memref<1x64xi32, #tpu.memory_space<vmem>>
        %dma_start3A_1246 = tpu.memref_squeeze %dma_start3A_1245 : memref<1x64xi32, #tpu.memory_space<vmem>> -> memref<64xi32, #tpu.memory_space<vmem>>
        %dma_start3A_1247 = arith.constant 0 : i32
        %dma_start3A_1248 = arith.constant 0 : i32
        %dma_start3A_1249 = tpu.memref_slice %arg8[%dma_start3A_1247, %dma_start3A_1248] : memref<10240x128xf32, #tpu.memory_space<vmem_shared>> -> memref<10240x128xf32, #tpu.memory_space<vmem_shared>>
        tpu.enqueue_indirect_dma source(%dma_start3A_1243 : memref<64x128xf32, #tpu.memory_space<vmem>>) target(%dma_start3A_1249 : memref<10240x128xf32, #tpu.memory_space<vmem_shared>>) offsets(%dma_start3A_1246 : memref<64xi32, #tpu.memory_space<vmem>>) semaphore(%arg14 : memref<!tpu.dma_semaphore, #tpu.memory_space<semaphore_mem>>) {add = true}
        %mul3A_1250 = arith.constant 4 : i32
        %mul3A_1251 = arith.muli %mul3A_1250, %scan3A_1222 : i32
        %add3A_1252 = arith.constant 0 : i32
        %add3A_1253 = arith.addi %mul3A_1251, %add3A_1252 : i32
        %ge3A = arith.constant 2 : i32
        %ge3A_1254 = arith.cmpi sge, %add3A_1253, %ge3A : i32
        %convert_element_type3A_1255 = arith.extui %ge3A_1254 : i1 to i32
        %cond3A_1256 = arith.constant 0 : i32
        %cond3A_1257 = arith.cmpi ne, %convert_element_type3A_1255, %cond3A_1256 : i32
        scf.if %cond3A_1257 {
          %dma_wait3A_1431 = arith.constant 2 : i32
          %dma_wait3A_1432 = arith.constant 0 : i32
          %dma_wait3A_1433 = arith.constant 0 : i32
          %dma_wait3A_1434 = arith.constant 0 : i32
          %dma_wait3A_1435 = tpu.memref_slice %arg11[%dma_wait3A_1431, %dma_wait3A_1433, %dma_wait3A_1434] : memref<4x64x128xf32, #tpu.memory_space<vmem>> -> memref<1x64x128xf32, #tpu.memory_space<vmem>>
          %dma_wait3A_1436 = tpu.memref_squeeze %dma_wait3A_1435 : memref<1x64x128xf32, #tpu.memory_space<vmem>> -> memref<64x128xf32, #tpu.memory_space<vmem>>
          %dma_wait3A_1437 = arith.constant 0 : i32
          %dma_wait3A_1438 = tpu.memref_slice %arg10[%dma_wait3A_1432, %dma_wait3A_1437] : memref<40x128xi32, #tpu.memory_space<vmem>> -> memref<1x64xi32, #tpu.memory_space<vmem>>
          %dma_wait3A_1439 = tpu.memref_squeeze %dma_wait3A_1438 : memref<1x64xi32, #tpu.memory_space<vmem>> -> memref<64xi32, #tpu.memory_space<vmem>>
          %dma_wait3A_1440 = arith.constant 0 : i32
          %dma_wait3A_1441 = arith.constant 0 : i32
          %dma_wait3A_1442 = tpu.memref_slice %arg8[%dma_wait3A_1440, %dma_wait3A_1441] : memref<10240x128xf32, #tpu.memory_space<vmem_shared>> -> memref<10240x128xf32, #tpu.memory_space<vmem_shared>>
          tpu.wait_indirect_dma semaphore(%arg14 : memref<!tpu.dma_semaphore, #tpu.memory_space<semaphore_mem>>) src(%dma_wait3A_1436 : memref<64x128xf32, #tpu.memory_space<vmem>>) dst(%dma_wait3A_1442 : memref<10240x128xf32, #tpu.memory_space<vmem_shared>>)
        } else {
        }
        %mul3A_1258 = arith.constant 2 : i32
        %mul3A_1259 = arith.muli %mul3A_1258, %scan3A_1222 : i32
        %add3A_1260 = arith.constant 1 : i32
        %add3A_1261 = arith.addi %mul3A_1259, %add3A_1260 : i32
        %add3A_1262 = arith.constant 0 : i32
        %add3A_1263 = arith.addi %add3A_1261, %add3A_1262 : i32
        %mul3A_1264 = arith.constant 4 : i32
        %mul3A_1265 = arith.muli %mul3A_1264, %scan3A_1222 : i32
        %add3A_1266 = arith.constant 0 : i32
        %add3A_1267 = arith.addi %mul3A_1265, %add3A_1266 : i32
        %add3A_1268 = arith.constant 2 : i32
        %add3A_1269 = arith.addi %add3A_1267, %add3A_1268 : i32
        %lt3A = arith.constant 80 : i32
        %lt3A_1270 = arith.cmpi slt, %add3A_1269, %lt3A : i32
        %convert_element_type3A_1271 = arith.extui %lt3A_1270 : i1 to i32
        %cond3A_1272 = arith.constant 0 : i32
        %cond3A_1273 = arith.cmpi ne, %convert_element_type3A_1271, %cond3A_1272 : i32
        scf.if %cond3A_1273 {
          %dma_start3A_1431 = arith.constant 2 : i32
          %dma_start3A_1432 = arith.constant 0 : i32
          %dma_start3A_1433 = arith.constant 0 : i32
          %dma_start3A_1434 = tpu.memref_slice %arg11[%dma_start3A_1431, %dma_start3A_1432, %dma_start3A_1433] : memref<4x64x128xf32, #tpu.memory_space<vmem>> -> memref<1x64x128xf32, #tpu.memory_space<vmem>>
          %dma_start3A_1435 = tpu.memref_squeeze %dma_start3A_1434 : memref<1x64x128xf32, #tpu.memory_space<vmem>> -> memref<64x128xf32, #tpu.memory_space<vmem>>
          %dma_start3A_1436 = arith.constant 0 : i32
          %dma_start3A_1437 = tpu.memref_slice %arg9[%add3A_1263, %dma_start3A_1436] : memref<40x128xi32, #tpu.memory_space<vmem>> -> memref<1x64xi32, #tpu.memory_space<vmem>>
          %dma_start3A_1438 = tpu.memref_squeeze %dma_start3A_1437 : memref<1x64xi32, #tpu.memory_space<vmem>> -> memref<64xi32, #tpu.memory_space<vmem>>
          %dma_start3A_1439 = arith.constant 0 : i32
          %dma_start3A_1440 = arith.constant 0 : i32
          %dma_start3A_1441 = tpu.memref_slice %arg2[%dma_start3A_1439, %dma_start3A_1440] : memref<10240x128xf32, #tpu.memory_space<hbm>> -> memref<10240x128xf32, #tpu.memory_space<hbm>>
          tpu.enqueue_indirect_dma source(%dma_start3A_1441 : memref<10240x128xf32, #tpu.memory_space<hbm>>) target(%dma_start3A_1435 : memref<64x128xf32, #tpu.memory_space<vmem>>) offsets(%dma_start3A_1438 : memref<64xi32, #tpu.memory_space<vmem>>) semaphore(%arg13 : memref<!tpu.dma_semaphore, #tpu.memory_space<semaphore_mem>>)
        } else {
        }
        %mul3A_1274 = arith.constant 2 : i32
        %mul3A_1275 = arith.muli %mul3A_1274, %scan3A_1222 : i32
        %add3A_1276 = arith.constant 0 : i32
        %add3A_1277 = arith.addi %mul3A_1275, %add3A_1276 : i32
        %dma_wait3A_1278 = arith.constant 1 : i32
        %dma_wait3A_1279 = arith.constant 0 : i32
        %dma_wait3A_1280 = arith.constant 0 : i32
        %dma_wait3A_1281 = tpu.memref_slice %arg11[%dma_wait3A_1278, %dma_wait3A_1279, %dma_wait3A_1280] : memref<4x64x128xf32, #tpu.memory_space<vmem>> -> memref<1x64x128xf32, #tpu.memory_space<vmem>>
        %dma_wait3A_1282 = tpu.memref_squeeze %dma_wait3A_1281 : memref<1x64x128xf32, #tpu.memory_space<vmem>> -> memref<64x128xf32, #tpu.memory_space<vmem>>
        %dma_wait3A_1283 = arith.constant 64 : i32
        %dma_wait3A_1284 = tpu.memref_slice %arg9[%add3A_1277, %dma_wait3A_1283] : memref<40x128xi32, #tpu.memory_space<vmem>> -> memref<1x64xi32, #tpu.memory_space<vmem>>
        %dma_wait3A_1285 = tpu.memref_squeeze %dma_wait3A_1284 : memref<1x64xi32, #tpu.memory_space<vmem>> -> memref<64xi32, #tpu.memory_space<vmem>>
        %dma_wait3A_1286 = arith.constant 0 : i32
        %dma_wait3A_1287 = arith.constant 0 : i32
        %dma_wait3A_1288 = tpu.memref_slice %arg2[%dma_wait3A_1286, %dma_wait3A_1287] : memref<10240x128xf32, #tpu.memory_space<hbm>> -> memref<10240x128xf32, #tpu.memory_space<hbm>>
        tpu.wait_indirect_dma semaphore(%arg13 : memref<!tpu.dma_semaphore, #tpu.memory_space<semaphore_mem>>) src(%dma_wait3A_1288 : memref<10240x128xf32, #tpu.memory_space<hbm>>) dst(%dma_wait3A_1282 : memref<64x128xf32, #tpu.memory_space<vmem>>)
        %dma_start3A_1289 = arith.constant 1 : i32
        %dma_start3A_1290 = arith.constant 0 : i32
        %dma_start3A_1291 = arith.constant 0 : i32
        %dma_start3A_1292 = tpu.memref_slice %arg11[%dma_start3A_1289, %dma_start3A_1290, %dma_start3A_1291] : memref<4x64x128xf32, #tpu.memory_space<vmem>> -> memref<1x64x128xf32, #tpu.memory_space<vmem>>
        %dma_start3A_1293 = tpu.memref_squeeze %dma_start3A_1292 : memref<1x64x128xf32, #tpu.memory_space<vmem>> -> memref<64x128xf32, #tpu.memory_space<vmem>>
        %dma_start3A_1294 = arith.constant 64 : i32
        %dma_start3A_1295 = tpu.memref_slice %arg10[%add3A_1277, %dma_start3A_1294] : memref<40x128xi32, #tpu.memory_space<vmem>> -> memref<1x64xi32, #tpu.memory_space<vmem>>
        %dma_start3A_1296 = tpu.memref_squeeze %dma_start3A_1295 : memref<1x64xi32, #tpu.memory_space<vmem>> -> memref<64xi32, #tpu.memory_space<vmem>>
        %dma_start3A_1297 = arith.constant 0 : i32
        %dma_start3A_1298 = arith.constant 0 : i32
        %dma_start3A_1299 = tpu.memref_slice %arg8[%dma_start3A_1297, %dma_start3A_1298] : memref<10240x128xf32, #tpu.memory_space<vmem_shared>> -> memref<10240x128xf32, #tpu.memory_space<vmem_shared>>
        tpu.enqueue_indirect_dma source(%dma_start3A_1293 : memref<64x128xf32, #tpu.memory_space<vmem>>) target(%dma_start3A_1299 : memref<10240x128xf32, #tpu.memory_space<vmem_shared>>) offsets(%dma_start3A_1296 : memref<64xi32, #tpu.memory_space<vmem>>) semaphore(%arg14 : memref<!tpu.dma_semaphore, #tpu.memory_space<semaphore_mem>>) {add = true}
        %mul3A_1300 = arith.constant 4 : i32
        %mul3A_1301 = arith.muli %mul3A_1300, %scan3A_1222 : i32
        %add3A_1302 = arith.constant 1 : i32
        %add3A_1303 = arith.addi %mul3A_1301, %add3A_1302 : i32
        %ge3A_1304 = arith.constant 2 : i32
        %ge3A_1305 = arith.cmpi sge, %add3A_1303, %ge3A_1304 : i32
        %convert_element_type3A_1306 = arith.extui %ge3A_1305 : i1 to i32
        %cond3A_1307 = arith.constant 0 : i32
        %cond3A_1308 = arith.cmpi ne, %convert_element_type3A_1306, %cond3A_1307 : i32
        scf.if %cond3A_1308 {
          %dma_wait3A_1431 = arith.constant 3 : i32
          %dma_wait3A_1432 = arith.constant 0 : i32
          %dma_wait3A_1433 = arith.constant 0 : i32
          %dma_wait3A_1434 = arith.constant 0 : i32
          %dma_wait3A_1435 = tpu.memref_slice %arg11[%dma_wait3A_1431, %dma_wait3A_1433, %dma_wait3A_1434] : memref<4x64x128xf32, #tpu.memory_space<vmem>> -> memref<1x64x128xf32, #tpu.memory_space<vmem>>
          %dma_wait3A_1436 = tpu.memref_squeeze %dma_wait3A_1435 : memref<1x64x128xf32, #tpu.memory_space<vmem>> -> memref<64x128xf32, #tpu.memory_space<vmem>>
          %dma_wait3A_1437 = arith.constant 0 : i32
          %dma_wait3A_1438 = tpu.memref_slice %arg10[%dma_wait3A_1432, %dma_wait3A_1437] : memref<40x128xi32, #tpu.memory_space<vmem>> -> memref<1x64xi32, #tpu.memory_space<vmem>>
          %dma_wait3A_1439 = tpu.memref_squeeze %dma_wait3A_1438 : memref<1x64xi32, #tpu.memory_space<vmem>> -> memref<64xi32, #tpu.memory_space<vmem>>
          %dma_wait3A_1440 = arith.constant 0 : i32
          %dma_wait3A_1441 = arith.constant 0 : i32
          %dma_wait3A_1442 = tpu.memref_slice %arg8[%dma_wait3A_1440, %dma_wait3A_1441] : memref<10240x128xf32, #tpu.memory_space<vmem_shared>> -> memref<10240x128xf32, #tpu.memory_space<vmem_shared>>
          tpu.wait_indirect_dma semaphore(%arg14 : memref<!tpu.dma_semaphore, #tpu.memory_space<semaphore_mem>>) src(%dma_wait3A_1436 : memref<64x128xf32, #tpu.memory_space<vmem>>) dst(%dma_wait3A_1442 : memref<10240x128xf32, #tpu.memory_space<vmem_shared>>)
        } else {
        }
        %mul3A_1309 = arith.constant 2 : i32
        %mul3A_1310 = arith.muli %mul3A_1309, %scan3A_1222 : i32
        %add3A_1311 = arith.constant 1 : i32
        %add3A_1312 = arith.addi %mul3A_1310, %add3A_1311 : i32
        %add3A_1313 = arith.constant 0 : i32
        %add3A_1314 = arith.addi %add3A_1312, %add3A_1313 : i32
        %mul3A_1315 = arith.constant 4 : i32
        %mul3A_1316 = arith.muli %mul3A_1315, %scan3A_1222 : i32
        %add3A_1317 = arith.constant 1 : i32
        %add3A_1318 = arith.addi %mul3A_1316, %add3A_1317 : i32
        %add3A_1319 = arith.constant 2 : i32
        %add3A_1320 = arith.addi %add3A_1318, %add3A_1319 : i32
        %lt3A_1321 = arith.constant 80 : i32
        %lt3A_1322 = arith.cmpi slt, %add3A_1320, %lt3A_1321 : i32
        %convert_element_type3A_1323 = arith.extui %lt3A_1322 : i1 to i32
        %cond3A_1324 = arith.constant 0 : i32
        %cond3A_1325 = arith.cmpi ne, %convert_element_type3A_1323, %cond3A_1324 : i32
        scf.if %cond3A_1325 {
          %dma_start3A_1431 = arith.constant 3 : i32
          %dma_start3A_1432 = arith.constant 0 : i32
          %dma_start3A_1433 = arith.constant 0 : i32
          %dma_start3A_1434 = tpu.memref_slice %arg11[%dma_start3A_1431, %dma_start3A_1432, %dma_start3A_1433] : memref<4x64x128xf32, #tpu.memory_space<vmem>> -> memref<1x64x128xf32, #tpu.memory_space<vmem>>
          %dma_start3A_1435 = tpu.memref_squeeze %dma_start3A_1434 : memref<1x64x128xf32, #tpu.memory_space<vmem>> -> memref<64x128xf32, #tpu.memory_space<vmem>>
          %dma_start3A_1436 = arith.constant 64 : i32
          %dma_start3A_1437 = tpu.memref_slice %arg9[%add3A_1314, %dma_start3A_1436] : memref<40x128xi32, #tpu.memory_space<vmem>> -> memref<1x64xi32, #tpu.memory_space<vmem>>
          %dma_start3A_1438 = tpu.memref_squeeze %dma_start3A_1437 : memref<1x64xi32, #tpu.memory_space<vmem>> -> memref<64xi32, #tpu.memory_space<vmem>>
          %dma_start3A_1439 = arith.constant 0 : i32
          %dma_start3A_1440 = arith.constant 0 : i32
          %dma_start3A_1441 = tpu.memref_slice %arg2[%dma_start3A_1439, %dma_start3A_1440] : memref<10240x128xf32, #tpu.memory_space<hbm>> -> memref<10240x128xf32, #tpu.memory_space<hbm>>
          tpu.enqueue_indirect_dma source(%dma_start3A_1441 : memref<10240x128xf32, #tpu.memory_space<hbm>>) target(%dma_start3A_1435 : memref<64x128xf32, #tpu.memory_space<vmem>>) offsets(%dma_start3A_1438 : memref<64xi32, #tpu.memory_space<vmem>>) semaphore(%arg13 : memref<!tpu.dma_semaphore, #tpu.memory_space<semaphore_mem>>)
        } else {
        }
        %mul3A_1326 = arith.constant 2 : i32
        %mul3A_1327 = arith.muli %mul3A_1326, %scan3A_1222 : i32
        %add3A_1328 = arith.constant 1 : i32
        %add3A_1329 = arith.addi %mul3A_1327, %add3A_1328 : i32
        %dma_wait3A_1330 = arith.constant 2 : i32
        %dma_wait3A_1331 = arith.constant 0 : i32
        %dma_wait3A_1332 = arith.constant 0 : i32
        %dma_wait3A_1333 = tpu.memref_slice %arg11[%dma_wait3A_1330, %dma_wait3A_1331, %dma_wait3A_1332] : memref<4x64x128xf32, #tpu.memory_space<vmem>> -> memref<1x64x128xf32, #tpu.memory_space<vmem>>
        %dma_wait3A_1334 = tpu.memref_squeeze %dma_wait3A_1333 : memref<1x64x128xf32, #tpu.memory_space<vmem>> -> memref<64x128xf32, #tpu.memory_space<vmem>>
        %dma_wait3A_1335 = arith.constant 0 : i32
        %dma_wait3A_1336 = tpu.memref_slice %arg9[%add3A_1329, %dma_wait3A_1335] : memref<40x128xi32, #tpu.memory_space<vmem>> -> memref<1x64xi32, #tpu.memory_space<vmem>>
        %dma_wait3A_1337 = tpu.memref_squeeze %dma_wait3A_1336 : memref<1x64xi32, #tpu.memory_space<vmem>> -> memref<64xi32, #tpu.memory_space<vmem>>
        %dma_wait3A_1338 = arith.constant 0 : i32
        %dma_wait3A_1339 = arith.constant 0 : i32
        %dma_wait3A_1340 = tpu.memref_slice %arg2[%dma_wait3A_1338, %dma_wait3A_1339] : memref<10240x128xf32, #tpu.memory_space<hbm>> -> memref<10240x128xf32, #tpu.memory_space<hbm>>
        tpu.wait_indirect_dma semaphore(%arg13 : memref<!tpu.dma_semaphore, #tpu.memory_space<semaphore_mem>>) src(%dma_wait3A_1340 : memref<10240x128xf32, #tpu.memory_space<hbm>>) dst(%dma_wait3A_1334 : memref<64x128xf32, #tpu.memory_space<vmem>>)
        %dma_start3A_1341 = arith.constant 2 : i32
        %dma_start3A_1342 = arith.constant 0 : i32
        %dma_start3A_1343 = arith.constant 0 : i32
        %dma_start3A_1344 = tpu.memref_slice %arg11[%dma_start3A_1341, %dma_start3A_1342, %dma_start3A_1343] : memref<4x64x128xf32, #tpu.memory_space<vmem>> -> memref<1x64x128xf32, #tpu.memory_space<vmem>>
        %dma_start3A_1345 = tpu.memref_squeeze %dma_start3A_1344 : memref<1x64x128xf32, #tpu.memory_space<vmem>> -> memref<64x128xf32, #tpu.memory_space<vmem>>
        %dma_start3A_1346 = arith.constant 0 : i32
        %dma_start3A_1347 = tpu.memref_slice %arg10[%add3A_1329, %dma_start3A_1346] : memref<40x128xi32, #tpu.memory_space<vmem>> -> memref<1x64xi32, #tpu.memory_space<vmem>>
        %dma_start3A_1348 = tpu.memref_squeeze %dma_start3A_1347 : memref<1x64xi32, #tpu.memory_space<vmem>> -> memref<64xi32, #tpu.memory_space<vmem>>
        %dma_start3A_1349 = arith.constant 0 : i32
        %dma_start3A_1350 = arith.constant 0 : i32
        %dma_start3A_1351 = tpu.memref_slice %arg8[%dma_start3A_1349, %dma_start3A_1350] : memref<10240x128xf32, #tpu.memory_space<vmem_shared>> -> memref<10240x128xf32, #tpu.memory_space<vmem_shared>>
        tpu.enqueue_indirect_dma source(%dma_start3A_1345 : memref<64x128xf32, #tpu.memory_space<vmem>>) target(%dma_start3A_1351 : memref<10240x128xf32, #tpu.memory_space<vmem_shared>>) offsets(%dma_start3A_1348 : memref<64xi32, #tpu.memory_space<vmem>>) semaphore(%arg14 : memref<!tpu.dma_semaphore, #tpu.memory_space<semaphore_mem>>) {add = true}
        %mul3A_1352 = arith.constant 4 : i32
        %mul3A_1353 = arith.muli %mul3A_1352, %scan3A_1222 : i32
        %add3A_1354 = arith.constant 2 : i32
        %add3A_1355 = arith.addi %mul3A_1353, %add3A_1354 : i32
        %ge3A_1356 = arith.constant 2 : i32
        %ge3A_1357 = arith.cmpi sge, %add3A_1355, %ge3A_1356 : i32
        %convert_element_type3A_1358 = arith.extui %ge3A_1357 : i1 to i32
        %cond3A_1359 = arith.constant 0 : i32
        %cond3A_1360 = arith.cmpi ne, %convert_element_type3A_1358, %cond3A_1359 : i32
        scf.if %cond3A_1360 {
          %dma_wait3A_1431 = arith.constant 0 : i32
          %dma_wait3A_1432 = arith.constant 0 : i32
          %dma_wait3A_1433 = arith.constant 0 : i32
          %dma_wait3A_1434 = arith.constant 0 : i32
          %dma_wait3A_1435 = tpu.memref_slice %arg11[%dma_wait3A_1431, %dma_wait3A_1433, %dma_wait3A_1434] : memref<4x64x128xf32, #tpu.memory_space<vmem>> -> memref<1x64x128xf32, #tpu.memory_space<vmem>>
          %dma_wait3A_1436 = tpu.memref_squeeze %dma_wait3A_1435 : memref<1x64x128xf32, #tpu.memory_space<vmem>> -> memref<64x128xf32, #tpu.memory_space<vmem>>
          %dma_wait3A_1437 = arith.constant 0 : i32
          %dma_wait3A_1438 = tpu.memref_slice %arg10[%dma_wait3A_1432, %dma_wait3A_1437] : memref<40x128xi32, #tpu.memory_space<vmem>> -> memref<1x64xi32, #tpu.memory_space<vmem>>
          %dma_wait3A_1439 = tpu.memref_squeeze %dma_wait3A_1438 : memref<1x64xi32, #tpu.memory_space<vmem>> -> memref<64xi32, #tpu.memory_space<vmem>>
          %dma_wait3A_1440 = arith.constant 0 : i32
          %dma_wait3A_1441 = arith.constant 0 : i32
          %dma_wait3A_1442 = tpu.memref_slice %arg8[%dma_wait3A_1440, %dma_wait3A_1441] : memref<10240x128xf32, #tpu.memory_space<vmem_shared>> -> memref<10240x128xf32, #tpu.memory_space<vmem_shared>>
          tpu.wait_indirect_dma semaphore(%arg14 : memref<!tpu.dma_semaphore, #tpu.memory_space<semaphore_mem>>) src(%dma_wait3A_1436 : memref<64x128xf32, #tpu.memory_space<vmem>>) dst(%dma_wait3A_1442 : memref<10240x128xf32, #tpu.memory_space<vmem_shared>>)
        } else {
        }
        %mul3A_1361 = arith.constant 2 : i32
        %mul3A_1362 = arith.muli %mul3A_1361, %scan3A_1222 : i32
        %add3A_1363 = arith.constant 1 : i32
        %add3A_1364 = arith.addi %mul3A_1362, %add3A_1363 : i32
        %add3A_1365 = arith.constant 1 : i32
        %add3A_1366 = arith.addi %add3A_1364, %add3A_1365 : i32
        %mul3A_1367 = arith.constant 4 : i32
        %mul3A_1368 = arith.muli %mul3A_1367, %scan3A_1222 : i32
        %add3A_1369 = arith.constant 2 : i32
        %add3A_1370 = arith.addi %mul3A_1368, %add3A_1369 : i32
        %add3A_1371 = arith.constant 2 : i32
        %add3A_1372 = arith.addi %add3A_1370, %add3A_1371 : i32
        %lt3A_1373 = arith.constant 80 : i32
        %lt3A_1374 = arith.cmpi slt, %add3A_1372, %lt3A_1373 : i32
        %convert_element_type3A_1375 = arith.extui %lt3A_1374 : i1 to i32
        %cond3A_1376 = arith.constant 0 : i32
        %cond3A_1377 = arith.cmpi ne, %convert_element_type3A_1375, %cond3A_1376 : i32
        scf.if %cond3A_1377 {
          %dma_start3A_1431 = arith.constant 0 : i32
          %dma_start3A_1432 = arith.constant 0 : i32
          %dma_start3A_1433 = arith.constant 0 : i32
          %dma_start3A_1434 = tpu.memref_slice %arg11[%dma_start3A_1431, %dma_start3A_1432, %dma_start3A_1433] : memref<4x64x128xf32, #tpu.memory_space<vmem>> -> memref<1x64x128xf32, #tpu.memory_space<vmem>>
          %dma_start3A_1435 = tpu.memref_squeeze %dma_start3A_1434 : memref<1x64x128xf32, #tpu.memory_space<vmem>> -> memref<64x128xf32, #tpu.memory_space<vmem>>
          %dma_start3A_1436 = arith.constant 0 : i32
          %dma_start3A_1437 = tpu.memref_slice %arg9[%add3A_1366, %dma_start3A_1436] : memref<40x128xi32, #tpu.memory_space<vmem>> -> memref<1x64xi32, #tpu.memory_space<vmem>>
          %dma_start3A_1438 = tpu.memref_squeeze %dma_start3A_1437 : memref<1x64xi32, #tpu.memory_space<vmem>> -> memref<64xi32, #tpu.memory_space<vmem>>
          %dma_start3A_1439 = arith.constant 0 : i32
          %dma_start3A_1440 = arith.constant 0 : i32
          %dma_start3A_1441 = tpu.memref_slice %arg2[%dma_start3A_1439, %dma_start3A_1440] : memref<10240x128xf32, #tpu.memory_space<hbm>> -> memref<10240x128xf32, #tpu.memory_space<hbm>>
          tpu.enqueue_indirect_dma source(%dma_start3A_1441 : memref<10240x128xf32, #tpu.memory_space<hbm>>) target(%dma_start3A_1435 : memref<64x128xf32, #tpu.memory_space<vmem>>) offsets(%dma_start3A_1438 : memref<64xi32, #tpu.memory_space<vmem>>) semaphore(%arg13 : memref<!tpu.dma_semaphore, #tpu.memory_space<semaphore_mem>>)
        } else {
        }
        %mul3A_1378 = arith.constant 2 : i32
        %mul3A_1379 = arith.muli %mul3A_1378, %scan3A_1222 : i32
        %add3A_1380 = arith.constant 1 : i32
        %add3A_1381 = arith.addi %mul3A_1379, %add3A_1380 : i32
        %dma_wait3A_1382 = arith.constant 3 : i32
        %dma_wait3A_1383 = arith.constant 0 : i32
        %dma_wait3A_1384 = arith.constant 0 : i32
        %dma_wait3A_1385 = tpu.memref_slice %arg11[%dma_wait3A_1382, %dma_wait3A_1383, %dma_wait3A_1384] : memref<4x64x128xf32, #tpu.memory_space<vmem>> -> memref<1x64x128xf32, #tpu.memory_space<vmem>>
        %dma_wait3A_1386 = tpu.memref_squeeze %dma_wait3A_1385 : memref<1x64x128xf32, #tpu.memory_space<vmem>> -> memref<64x128xf32, #tpu.memory_space<vmem>>
        %dma_wait3A_1387 = arith.constant 64 : i32
        %dma_wait3A_1388 = tpu.memref_slice %arg9[%add3A_1381, %dma_wait3A_1387] : memref<40x128xi32, #tpu.memory_space<vmem>> -> memref<1x64xi32, #tpu.memory_space<vmem>>
        %dma_wait3A_1389 = tpu.memref_squeeze %dma_wait3A_1388 : memref<1x64xi32, #tpu.memory_space<vmem>> -> memref<64xi32, #tpu.memory_space<vmem>>
        %dma_wait3A_1390 = arith.constant 0 : i32
        %dma_wait3A_1391 = arith.constant 0 : i32
        %dma_wait3A_1392 = tpu.memref_slice %arg2[%dma_wait3A_1390, %dma_wait3A_1391] : memref<10240x128xf32, #tpu.memory_space<hbm>> -> memref<10240x128xf32, #tpu.memory_space<hbm>>
        tpu.wait_indirect_dma semaphore(%arg13 : memref<!tpu.dma_semaphore, #tpu.memory_space<semaphore_mem>>) src(%dma_wait3A_1392 : memref<10240x128xf32, #tpu.memory_space<hbm>>) dst(%dma_wait3A_1386 : memref<64x128xf32, #tpu.memory_space<vmem>>)
        %dma_start3A_1393 = arith.constant 3 : i32
        %dma_start3A_1394 = arith.constant 0 : i32
        %dma_start3A_1395 = arith.constant 0 : i32
        %dma_start3A_1396 = tpu.memref_slice %arg11[%dma_start3A_1393, %dma_start3A_1394, %dma_start3A_1395] : memref<4x64x128xf32, #tpu.memory_space<vmem>> -> memref<1x64x128xf32, #tpu.memory_space<vmem>>
        %dma_start3A_1397 = tpu.memref_squeeze %dma_start3A_1396 : memref<1x64x128xf32, #tpu.memory_space<vmem>> -> memref<64x128xf32, #tpu.memory_space<vmem>>
        %dma_start3A_1398 = arith.constant 64 : i32
        %dma_start3A_1399 = tpu.memref_slice %arg10[%add3A_1381, %dma_start3A_1398] : memref<40x128xi32, #tpu.memory_space<vmem>> -> memref<1x64xi32, #tpu.memory_space<vmem>>
        %dma_start3A_1400 = tpu.memref_squeeze %dma_start3A_1399 : memref<1x64xi32, #tpu.memory_space<vmem>> -> memref<64xi32, #tpu.memory_space<vmem>>
        %dma_start3A_1401 = arith.constant 0 : i32
        %dma_start3A_1402 = arith.constant 0 : i32
        %dma_start3A_1403 = tpu.memref_slice %arg8[%dma_start3A_1401, %dma_start3A_1402] : memref<10240x128xf32, #tpu.memory_space<vmem_shared>> -> memref<10240x128xf32, #tpu.memory_space<vmem_shared>>
        tpu.enqueue_indirect_dma source(%dma_start3A_1397 : memref<64x128xf32, #tpu.memory_space<vmem>>) target(%dma_start3A_1403 : memref<10240x128xf32, #tpu.memory_space<vmem_shared>>) offsets(%dma_start3A_1400 : memref<64xi32, #tpu.memory_space<vmem>>) semaphore(%arg14 : memref<!tpu.dma_semaphore, #tpu.memory_space<semaphore_mem>>) {add = true}
        %mul3A_1404 = arith.constant 4 : i32
        %mul3A_1405 = arith.muli %mul3A_1404, %scan3A_1222 : i32
        %add3A_1406 = arith.constant 3 : i32
        %add3A_1407 = arith.addi %mul3A_1405, %add3A_1406 : i32
        %ge3A_1408 = arith.constant 2 : i32
        %ge3A_1409 = arith.cmpi sge, %add3A_1407, %ge3A_1408 : i32
        %convert_element_type3A_1410 = arith.extui %ge3A_1409 : i1 to i32
        %cond3A_1411 = arith.constant 0 : i32
        %cond3A_1412 = arith.cmpi ne, %convert_element_type3A_1410, %cond3A_1411 : i32
        scf.if %cond3A_1412 {
          %dma_wait3A_1431 = arith.constant 1 : i32
          %dma_wait3A_1432 = arith.constant 0 : i32
          %dma_wait3A_1433 = arith.constant 0 : i32
          %dma_wait3A_1434 = arith.constant 0 : i32
          %dma_wait3A_1435 = tpu.memref_slice %arg11[%dma_wait3A_1431, %dma_wait3A_1433, %dma_wait3A_1434] : memref<4x64x128xf32, #tpu.memory_space<vmem>> -> memref<1x64x128xf32, #tpu.memory_space<vmem>>
          %dma_wait3A_1436 = tpu.memref_squeeze %dma_wait3A_1435 : memref<1x64x128xf32, #tpu.memory_space<vmem>> -> memref<64x128xf32, #tpu.memory_space<vmem>>
          %dma_wait3A_1437 = arith.constant 0 : i32
          %dma_wait3A_1438 = tpu.memref_slice %arg10[%dma_wait3A_1432, %dma_wait3A_1437] : memref<40x128xi32, #tpu.memory_space<vmem>> -> memref<1x64xi32, #tpu.memory_space<vmem>>
          %dma_wait3A_1439 = tpu.memref_squeeze %dma_wait3A_1438 : memref<1x64xi32, #tpu.memory_space<vmem>> -> memref<64xi32, #tpu.memory_space<vmem>>
          %dma_wait3A_1440 = arith.constant 0 : i32
          %dma_wait3A_1441 = arith.constant 0 : i32
          %dma_wait3A_1442 = tpu.memref_slice %arg8[%dma_wait3A_1440, %dma_wait3A_1441] : memref<10240x128xf32, #tpu.memory_space<vmem_shared>> -> memref<10240x128xf32, #tpu.memory_space<vmem_shared>>
          tpu.wait_indirect_dma semaphore(%arg14 : memref<!tpu.dma_semaphore, #tpu.memory_space<semaphore_mem>>) src(%dma_wait3A_1436 : memref<64x128xf32, #tpu.memory_space<vmem>>) dst(%dma_wait3A_1442 : memref<10240x128xf32, #tpu.memory_space<vmem_shared>>)
        } else {
        }
        %mul3A_1413 = arith.constant 2 : i32
        %mul3A_1414 = arith.muli %mul3A_1413, %scan3A_1222 : i32
        %add3A_1415 = arith.constant 1 : i32
        %add3A_1416 = arith.addi %mul3A_1414, %add3A_1415 : i32
        %add3A_1417 = arith.constant 1 : i32
        %add3A_1418 = arith.addi %add3A_1416, %add3A_1417 : i32
        %mul3A_1419 = arith.constant 4 : i32
        %mul3A_1420 = arith.muli %mul3A_1419, %scan3A_1222 : i32
        %add3A_1421 = arith.constant 3 : i32
        %add3A_1422 = arith.addi %mul3A_1420, %add3A_1421 : i32
        %add3A_1423 = arith.constant 2 : i32
        %add3A_1424 = arith.addi %add3A_1422, %add3A_1423 : i32
        %lt3A_1425 = arith.constant 80 : i32
        %lt3A_1426 = arith.cmpi slt, %add3A_1424, %lt3A_1425 : i32
        %convert_element_type3A_1427 = arith.extui %lt3A_1426 : i1 to i32
        %cond3A_1428 = arith.constant 0 : i32
        %cond3A_1429 = arith.cmpi ne, %convert_element_type3A_1427, %cond3A_1428 : i32
        scf.if %cond3A_1429 {
          %dma_start3A_1431 = arith.constant 1 : i32
          %dma_start3A_1432 = arith.constant 0 : i32
          %dma_start3A_1433 = arith.constant 0 : i32
          %dma_start3A_1434 = tpu.memref_slice %arg11[%dma_start3A_1431, %dma_start3A_1432, %dma_start3A_1433] : memref<4x64x128xf32, #tpu.memory_space<vmem>> -> memref<1x64x128xf32, #tpu.memory_space<vmem>>
          %dma_start3A_1435 = tpu.memref_squeeze %dma_start3A_1434 : memref<1x64x128xf32, #tpu.memory_space<vmem>> -> memref<64x128xf32, #tpu.memory_space<vmem>>
          %dma_start3A_1436 = arith.constant 64 : i32
          %dma_start3A_1437 = tpu.memref_slice %arg9[%add3A_1418, %dma_start3A_1436] : memref<40x128xi32, #tpu.memory_space<vmem>> -> memref<1x64xi32, #tpu.memory_space<vmem>>
          %dma_start3A_1438 = tpu.memref_squeeze %dma_start3A_1437 : memref<1x64xi32, #tpu.memory_space<vmem>> -> memref<64xi32, #tpu.memory_space<vmem>>
          %dma_start3A_1439 = arith.constant 0 : i32
          %dma_start3A_1440 = arith.constant 0 : i32
          %dma_start3A_1441 = tpu.memref_slice %arg2[%dma_start3A_1439, %dma_start3A_1440] : memref<10240x128xf32, #tpu.memory_space<hbm>> -> memref<10240x128xf32, #tpu.memory_space<hbm>>
          tpu.enqueue_indirect_dma source(%dma_start3A_1441 : memref<10240x128xf32, #tpu.memory_space<hbm>>) target(%dma_start3A_1435 : memref<64x128xf32, #tpu.memory_space<vmem>>) offsets(%dma_start3A_1438 : memref<64xi32, #tpu.memory_space<vmem>>) semaphore(%arg13 : memref<!tpu.dma_semaphore, #tpu.memory_space<semaphore_mem>>)
        } else {
        }
        %scan3A_1430 = arith.constant 0 : i32
        scf.yield %scan3A_1430 : i32
      }
      %scan3A_1118 = arith.constant 20 : i32
      %dma_wait3A_1119 = arith.constant 0 : i32
      %dma_wait3A_1120 = arith.constant 0 : i32
      %dma_wait3A_1121 = arith.constant 0 : i32
      %dma_wait3A_1122 = arith.constant 0 : i32
      %dma_wait3A_1123 = tpu.memref_slice %arg11[%dma_wait3A_1119, %dma_wait3A_1121, %dma_wait3A_1122] : memref<4x64x128xf32, #tpu.memory_space<vmem>> -> memref<1x64x128xf32, #tpu.memory_space<vmem>>
      %dma_wait3A_1124 = tpu.memref_squeeze %dma_wait3A_1123 : memref<1x64x128xf32, #tpu.memory_space<vmem>> -> memref<64x128xf32, #tpu.memory_space<vmem>>
      %dma_wait3A_1125 = arith.constant 0 : i32
      %dma_wait3A_1126 = tpu.memref_slice %arg10[%dma_wait3A_1120, %dma_wait3A_1125] : memref<40x128xi32, #tpu.memory_space<vmem>> -> memref<1x64xi32, #tpu.memory_space<vmem>>
      %dma_wait3A_1127 = tpu.memref_squeeze %dma_wait3A_1126 : memref<1x64xi32, #tpu.memory_space<vmem>> -> memref<64xi32, #tpu.memory_space<vmem>>
      %dma_wait3A_1128 = arith.constant 0 : i32
      %dma_wait3A_1129 = arith.constant 0 : i32
      %dma_wait3A_1130 = tpu.memref_slice %arg8[%dma_wait3A_1128, %dma_wait3A_1129] : memref<10240x128xf32, #tpu.memory_space<vmem_shared>> -> memref<10240x128xf32, #tpu.memory_space<vmem_shared>>
      tpu.wait_indirect_dma semaphore(%arg14 : memref<!tpu.dma_semaphore, #tpu.memory_space<semaphore_mem>>) src(%dma_wait3A_1124 : memref<64x128xf32, #tpu.memory_space<vmem>>) dst(%dma_wait3A_1130 : memref<10240x128xf32, #tpu.memory_space<vmem_shared>>)
      %dma_wait3A_1131 = arith.constant 1 : i32
      %dma_wait3A_1132 = arith.constant 0 : i32
      %dma_wait3A_1133 = arith.constant 0 : i32
      %dma_wait3A_1134 = arith.constant 0 : i32
      %dma_wait3A_1135 = tpu.memref_slice %arg11[%dma_wait3A_1131, %dma_wait3A_1133, %dma_wait3A_1134] : memref<4x64x128xf32, #tpu.memory_space<vmem>> -> memref<1x64x128xf32, #tpu.memory_space<vmem>>
      %dma_wait3A_1136 = tpu.memref_squeeze %dma_wait3A_1135 : memref<1x64x128xf32, #tpu.memory_space<vmem>> -> memref<64x128xf32, #tpu.memory_space<vmem>>
      %dma_wait3A_1137 = arith.constant 0 : i32
      %dma_wait3A_1138 = tpu.memref_slice %arg10[%dma_wait3A_1132, %dma_wait3A_1137] : memref<40x128xi32, #tpu.memory_space<vmem>> -> memref<1x64xi32, #tpu.memory_space<vmem>>
      %dma_wait3A_1139 = tpu.memref_squeeze %dma_wait3A_1138 : memref<1x64xi32, #tpu.memory_space<vmem>> -> memref<64xi32, #tpu.memory_space<vmem>>
      %dma_wait3A_1140 = arith.constant 0 : i32
      %dma_wait3A_1141 = arith.constant 0 : i32
      %dma_wait3A_1142 = tpu.memref_slice %arg8[%dma_wait3A_1140, %dma_wait3A_1141] : memref<10240x128xf32, #tpu.memory_space<vmem_shared>> -> memref<10240x128xf32, #tpu.memory_space<vmem_shared>>
      tpu.wait_indirect_dma semaphore(%arg14 : memref<!tpu.dma_semaphore, #tpu.memory_space<semaphore_mem>>) src(%dma_wait3A_1136 : memref<64x128xf32, #tpu.memory_space<vmem>>) dst(%dma_wait3A_1142 : memref<10240x128xf32, #tpu.memory_space<vmem_shared>>)
      %barrier3A_1143 = arith.constant 0 : index
      tpu.barrier barrier_id(%barrier3A_1143)
      %mul3A = arith.constant 640 : i32
      %mul3A_1144 = arith.muli %arg1, %mul3A : i32
      %add3A = arith.constant 0 : i32
      %add3A_1145 = arith.addi %mul3A_1144, %add3A : i32
      %mul3A_1146 = arith.constant 640 : i32
      %mul3A_1147 = arith.muli %arg1, %mul3A_1146 : i32
      %add3A_1148 = arith.constant 0 : i32
      %add3A_1149 = arith.addi %mul3A_1147, %add3A_1148 : i32
      "tpu.region"() ({
        %run_scoped3A = tpu.sem_alloc : memref<!tpu.dma_semaphore, #tpu.memory_space<semaphore_mem>>
        %dma_start3A_1222 = arith.constant 0 : i32
        %dma_start3A_1223 = tpu.memref_slice %arg6[%add3A_1149, %dma_start3A_1222] : memref<10240x128xf32, #tpu.memory_space<hbm>> -> memref<64x128xf32, #tpu.memory_space<hbm>>
        %dma_start3A_1224 = arith.constant 0 : i32
        %dma_start3A_1225 = tpu.memref_slice %arg8[%add3A_1145, %dma_start3A_1224] : memref<10240x128xf32, #tpu.memory_space<vmem_shared>> -> memref<64x128xf32, #tpu.memory_space<vmem_shared>>
        tpu.enqueue_dma source(%dma_start3A_1225 : memref<64x128xf32, #tpu.memory_space<vmem_shared>>) target(%dma_start3A_1223 : memref<64x128xf32, #tpu.memory_space<hbm>>) target_semaphore(%run_scoped3A : memref<!tpu.dma_semaphore, #tpu.memory_space<semaphore_mem>>)
        %dma_wait3A_1226 = arith.constant 0 : i32
        %dma_wait3A_1227 = tpu.memref_slice %arg6[%add3A_1149, %dma_wait3A_1226] : memref<10240x128xf32, #tpu.memory_space<hbm>> -> memref<64x128xf32, #tpu.memory_space<hbm>>
        %dma_wait3A_1228 = arith.constant 0 : i32
        %dma_wait3A_1229 = tpu.memref_slice %arg8[%add3A_1145, %dma_wait3A_1228] : memref<10240x128xf32, #tpu.memory_space<vmem_shared>> -> memref<64x128xf32, #tpu.memory_space<vmem_shared>>
        tpu.wait_dma2 semaphore(%run_scoped3A : memref<!tpu.dma_semaphore, #tpu.memory_space<semaphore_mem>>) src(%dma_wait3A_1229 : memref<64x128xf32, #tpu.memory_space<vmem_shared>>) dst(%dma_wait3A_1227 : memref<64x128xf32, #tpu.memory_space<hbm>>)
        tpu.yield
      }) : () -> ()
      %mul3A_1150 = arith.constant 640 : i32
      %mul3A_1151 = arith.muli %arg1, %mul3A_1150 : i32
      %add3A_1152 = arith.constant 64 : i32
      %add3A_1153 = arith.addi %mul3A_1151, %add3A_1152 : i32
      %mul3A_1154 = arith.constant 640 : i32
      %mul3A_1155 = arith.muli %arg1, %mul3A_1154 : i32
      %add3A_1156 = arith.constant 64 : i32
      %add3A_1157 = arith.addi %mul3A_1155, %add3A_1156 : i32
      "tpu.region"() ({
        %run_scoped3A = tpu.sem_alloc : memref<!tpu.dma_semaphore, #tpu.memory_space<semaphore_mem>>
        %dma_start3A_1222 = arith.constant 0 : i32
        %dma_start3A_1223 = tpu.memref_slice %arg6[%add3A_1157, %dma_start3A_1222] : memref<10240x128xf32, #tpu.memory_space<hbm>> -> memref<64x128xf32, #tpu.memory_space<hbm>>
        %dma_start3A_1224 = arith.constant 0 : i32
        %dma_start3A_1225 = tpu.memref_slice %arg8[%add3A_1153, %dma_start3A_1224] : memref<10240x128xf32, #tpu.memory_space<vmem_shared>> -> memref<64x128xf32, #tpu.memory_space<vmem_shared>>
        tpu.enqueue_dma source(%dma_start3A_1225 : memref<64x128xf32, #tpu.memory_space<vmem_shared>>) target(%dma_start3A_1223 : memref<64x128xf32, #tpu.memory_space<hbm>>) target_semaphore(%run_scoped3A : memref<!tpu.dma_semaphore, #tpu.memory_space<semaphore_mem>>)
        %dma_wait3A_1226 = arith.constant 0 : i32
        %dma_wait3A_1227 = tpu.memref_slice %arg6[%add3A_1157, %dma_wait3A_1226] : memref<10240x128xf32, #tpu.memory_space<hbm>> -> memref<64x128xf32, #tpu.memory_space<hbm>>
        %dma_wait3A_1228 = arith.constant 0 : i32
        %dma_wait3A_1229 = tpu.memref_slice %arg8[%add3A_1153, %dma_wait3A_1228] : memref<10240x128xf32, #tpu.memory_space<vmem_shared>> -> memref<64x128xf32, #tpu.memory_space<vmem_shared>>
        tpu.wait_dma2 semaphore(%run_scoped3A : memref<!tpu.dma_semaphore, #tpu.memory_space<semaphore_mem>>) src(%dma_wait3A_1229 : memref<64x128xf32, #tpu.memory_space<vmem_shared>>) dst(%dma_wait3A_1227 : memref<64x128xf32, #tpu.memory_space<hbm>>)
        tpu.yield
      }) : () -> ()
      %mul3A_1158 = arith.constant 640 : i32
      %mul3A_1159 = arith.muli %arg1, %mul3A_1158 : i32
      %add3A_1160 = arith.constant 128 : i32
      %add3A_1161 = arith.addi %mul3A_1159, %add3A_1160 : i32
      %mul3A_1162 = arith.constant 640 : i32
      %mul3A_1163 = arith.muli %arg1, %mul3A_1162 : i32
      %add3A_1164 = arith.constant 128 : i32
      %add3A_1165 = arith.addi %mul3A_1163, %add3A_1164 : i32
      "tpu.region"() ({
        %run_scoped3A = tpu.sem_alloc : memref<!tpu.dma_semaphore, #tpu.memory_space<semaphore_mem>>
        %dma_start3A_1222 = arith.constant 0 : i32
        %dma_start3A_1223 = tpu.memref_slice %arg6[%add3A_1165, %dma_start3A_1222] : memref<10240x128xf32, #tpu.memory_space<hbm>> -> memref<64x128xf32, #tpu.memory_space<hbm>>
        %dma_start3A_1224 = arith.constant 0 : i32
        %dma_start3A_1225 = tpu.memref_slice %arg8[%add3A_1161, %dma_start3A_1224] : memref<10240x128xf32, #tpu.memory_space<vmem_shared>> -> memref<64x128xf32, #tpu.memory_space<vmem_shared>>
        tpu.enqueue_dma source(%dma_start3A_1225 : memref<64x128xf32, #tpu.memory_space<vmem_shared>>) target(%dma_start3A_1223 : memref<64x128xf32, #tpu.memory_space<hbm>>) target_semaphore(%run_scoped3A : memref<!tpu.dma_semaphore, #tpu.memory_space<semaphore_mem>>)
        %dma_wait3A_1226 = arith.constant 0 : i32
        %dma_wait3A_1227 = tpu.memref_slice %arg6[%add3A_1165, %dma_wait3A_1226] : memref<10240x128xf32, #tpu.memory_space<hbm>> -> memref<64x128xf32, #tpu.memory_space<hbm>>
        %dma_wait3A_1228 = arith.constant 0 : i32
        %dma_wait3A_1229 = tpu.memref_slice %arg8[%add3A_1161, %dma_wait3A_1228] : memref<10240x128xf32, #tpu.memory_space<vmem_shared>> -> memref<64x128xf32, #tpu.memory_space<vmem_shared>>
        tpu.wait_dma2 semaphore(%run_scoped3A : memref<!tpu.dma_semaphore, #tpu.memory_space<semaphore_mem>>) src(%dma_wait3A_1229 : memref<64x128xf32, #tpu.memory_space<vmem_shared>>) dst(%dma_wait3A_1227 : memref<64x128xf32, #tpu.memory_space<hbm>>)
        tpu.yield
      }) : () -> ()
      %mul3A_1166 = arith.constant 640 : i32
      %mul3A_1167 = arith.muli %arg1, %mul3A_1166 : i32
      %add3A_1168 = arith.constant 192 : i32
      %add3A_1169 = arith.addi %mul3A_1167, %add3A_1168 : i32
      %mul3A_1170 = arith.constant 640 : i32
      %mul3A_1171 = arith.muli %arg1, %mul3A_1170 : i32
      %add3A_1172 = arith.constant 192 : i32
      %add3A_1173 = arith.addi %mul3A_1171, %add3A_1172 : i32
      "tpu.region"() ({
        %run_scoped3A = tpu.sem_alloc : memref<!tpu.dma_semaphore, #tpu.memory_space<semaphore_mem>>
        %dma_start3A_1222 = arith.constant 0 : i32
        %dma_start3A_1223 = tpu.memref_slice %arg6[%add3A_1173, %dma_start3A_1222] : memref<10240x128xf32, #tpu.memory_space<hbm>> -> memref<64x128xf32, #tpu.memory_space<hbm>>
        %dma_start3A_1224 = arith.constant 0 : i32
        %dma_start3A_1225 = tpu.memref_slice %arg8[%add3A_1169, %dma_start3A_1224] : memref<10240x128xf32, #tpu.memory_space<vmem_shared>> -> memref<64x128xf32, #tpu.memory_space<vmem_shared>>
        tpu.enqueue_dma source(%dma_start3A_1225 : memref<64x128xf32, #tpu.memory_space<vmem_shared>>) target(%dma_start3A_1223 : memref<64x128xf32, #tpu.memory_space<hbm>>) target_semaphore(%run_scoped3A : memref<!tpu.dma_semaphore, #tpu.memory_space<semaphore_mem>>)
        %dma_wait3A_1226 = arith.constant 0 : i32
        %dma_wait3A_1227 = tpu.memref_slice %arg6[%add3A_1173, %dma_wait3A_1226] : memref<10240x128xf32, #tpu.memory_space<hbm>> -> memref<64x128xf32, #tpu.memory_space<hbm>>
        %dma_wait3A_1228 = arith.constant 0 : i32
        %dma_wait3A_1229 = tpu.memref_slice %arg8[%add3A_1169, %dma_wait3A_1228] : memref<10240x128xf32, #tpu.memory_space<vmem_shared>> -> memref<64x128xf32, #tpu.memory_space<vmem_shared>>
        tpu.wait_dma2 semaphore(%run_scoped3A : memref<!tpu.dma_semaphore, #tpu.memory_space<semaphore_mem>>) src(%dma_wait3A_1229 : memref<64x128xf32, #tpu.memory_space<vmem_shared>>) dst(%dma_wait3A_1227 : memref<64x128xf32, #tpu.memory_space<hbm>>)
        tpu.yield
      }) : () -> ()
      %mul3A_1174 = arith.constant 640 : i32
      %mul3A_1175 = arith.muli %arg1, %mul3A_1174 : i32
      %add3A_1176 = arith.constant 256 : i32
      %add3A_1177 = arith.addi %mul3A_1175, %add3A_1176 : i32
      %mul3A_1178 = arith.constant 640 : i32
      %mul3A_1179 = arith.muli %arg1, %mul3A_1178 : i32
      %add3A_1180 = arith.constant 256 : i32
      %add3A_1181 = arith.addi %mul3A_1179, %add3A_1180 : i32
      "tpu.region"() ({
        %run_scoped3A = tpu.sem_alloc : memref<!tpu.dma_semaphore, #tpu.memory_space<semaphore_mem>>
        %dma_start3A_1222 = arith.constant 0 : i32
        %dma_start3A_1223 = tpu.memref_slice %arg6[%add3A_1181, %dma_start3A_1222] : memref<10240x128xf32, #tpu.memory_space<hbm>> -> memref<64x128xf32, #tpu.memory_space<hbm>>
        %dma_start3A_1224 = arith.constant 0 : i32
        %dma_start3A_1225 = tpu.memref_slice %arg8[%add3A_1177, %dma_start3A_1224] : memref<10240x128xf32, #tpu.memory_space<vmem_shared>> -> memref<64x128xf32, #tpu.memory_space<vmem_shared>>
        tpu.enqueue_dma source(%dma_start3A_1225 : memref<64x128xf32, #tpu.memory_space<vmem_shared>>) target(%dma_start3A_1223 : memref<64x128xf32, #tpu.memory_space<hbm>>) target_semaphore(%run_scoped3A : memref<!tpu.dma_semaphore, #tpu.memory_space<semaphore_mem>>)
        %dma_wait3A_1226 = arith.constant 0 : i32
        %dma_wait3A_1227 = tpu.memref_slice %arg6[%add3A_1181, %dma_wait3A_1226] : memref<10240x128xf32, #tpu.memory_space<hbm>> -> memref<64x128xf32, #tpu.memory_space<hbm>>
        %dma_wait3A_1228 = arith.constant 0 : i32
        %dma_wait3A_1229 = tpu.memref_slice %arg8[%add3A_1177, %dma_wait3A_1228] : memref<10240x128xf32, #tpu.memory_space<vmem_shared>> -> memref<64x128xf32, #tpu.memory_space<vmem_shared>>
        tpu.wait_dma2 semaphore(%run_scoped3A : memref<!tpu.dma_semaphore, #tpu.memory_space<semaphore_mem>>) src(%dma_wait3A_1229 : memref<64x128xf32, #tpu.memory_space<vmem_shared>>) dst(%dma_wait3A_1227 : memref<64x128xf32, #tpu.memory_space<hbm>>)
        tpu.yield
      }) : () -> ()
      %mul3A_1182 = arith.constant 640 : i32
      %mul3A_1183 = arith.muli %arg1, %mul3A_1182 : i32
      %add3A_1184 = arith.constant 320 : i32
      %add3A_1185 = arith.addi %mul3A_1183, %add3A_1184 : i32
      %mul3A_1186 = arith.constant 640 : i32
      %mul3A_1187 = arith.muli %arg1, %mul3A_1186 : i32
      %add3A_1188 = arith.constant 320 : i32
      %add3A_1189 = arith.addi %mul3A_1187, %add3A_1188 : i32
      "tpu.region"() ({
        %run_scoped3A = tpu.sem_alloc : memref<!tpu.dma_semaphore, #tpu.memory_space<semaphore_mem>>
        %dma_start3A_1222 = arith.constant 0 : i32
        %dma_start3A_1223 = tpu.memref_slice %arg6[%add3A_1189, %dma_start3A_1222] : memref<10240x128xf32, #tpu.memory_space<hbm>> -> memref<64x128xf32, #tpu.memory_space<hbm>>
        %dma_start3A_1224 = arith.constant 0 : i32
        %dma_start3A_1225 = tpu.memref_slice %arg8[%add3A_1185, %dma_start3A_1224] : memref<10240x128xf32, #tpu.memory_space<vmem_shared>> -> memref<64x128xf32, #tpu.memory_space<vmem_shared>>
        tpu.enqueue_dma source(%dma_start3A_1225 : memref<64x128xf32, #tpu.memory_space<vmem_shared>>) target(%dma_start3A_1223 : memref<64x128xf32, #tpu.memory_space<hbm>>) target_semaphore(%run_scoped3A : memref<!tpu.dma_semaphore, #tpu.memory_space<semaphore_mem>>)
        %dma_wait3A_1226 = arith.constant 0 : i32
        %dma_wait3A_1227 = tpu.memref_slice %arg6[%add3A_1189, %dma_wait3A_1226] : memref<10240x128xf32, #tpu.memory_space<hbm>> -> memref<64x128xf32, #tpu.memory_space<hbm>>
        %dma_wait3A_1228 = arith.constant 0 : i32
        %dma_wait3A_1229 = tpu.memref_slice %arg8[%add3A_1185, %dma_wait3A_1228] : memref<10240x128xf32, #tpu.memory_space<vmem_shared>> -> memref<64x128xf32, #tpu.memory_space<vmem_shared>>
        tpu.wait_dma2 semaphore(%run_scoped3A : memref<!tpu.dma_semaphore, #tpu.memory_space<semaphore_mem>>) src(%dma_wait3A_1229 : memref<64x128xf32, #tpu.memory_space<vmem_shared>>) dst(%dma_wait3A_1227 : memref<64x128xf32, #tpu.memory_space<hbm>>)
        tpu.yield
      }) : () -> ()
      %mul3A_1190 = arith.constant 640 : i32
      %mul3A_1191 = arith.muli %arg1, %mul3A_1190 : i32
      %add3A_1192 = arith.constant 384 : i32
      %add3A_1193 = arith.addi %mul3A_1191, %add3A_1192 : i32
      %mul3A_1194 = arith.constant 640 : i32
      %mul3A_1195 = arith.muli %arg1, %mul3A_1194 : i32
      %add3A_1196 = arith.constant 384 : i32
      %add3A_1197 = arith.addi %mul3A_1195, %add3A_1196 : i32
      "tpu.region"() ({
        %run_scoped3A = tpu.sem_alloc : memref<!tpu.dma_semaphore, #tpu.memory_space<semaphore_mem>>
        %dma_start3A_1222 = arith.constant 0 : i32
        %dma_start3A_1223 = tpu.memref_slice %arg6[%add3A_1197, %dma_start3A_1222] : memref<10240x128xf32, #tpu.memory_space<hbm>> -> memref<64x128xf32, #tpu.memory_space<hbm>>
        %dma_start3A_1224 = arith.constant 0 : i32
        %dma_start3A_1225 = tpu.memref_slice %arg8[%add3A_1193, %dma_start3A_1224] : memref<10240x128xf32, #tpu.memory_space<vmem_shared>> -> memref<64x128xf32, #tpu.memory_space<vmem_shared>>
        tpu.enqueue_dma source(%dma_start3A_1225 : memref<64x128xf32, #tpu.memory_space<vmem_shared>>) target(%dma_start3A_1223 : memref<64x128xf32, #tpu.memory_space<hbm>>) target_semaphore(%run_scoped3A : memref<!tpu.dma_semaphore, #tpu.memory_space<semaphore_mem>>)
        %dma_wait3A_1226 = arith.constant 0 : i32
        %dma_wait3A_1227 = tpu.memref_slice %arg6[%add3A_1197, %dma_wait3A_1226] : memref<10240x128xf32, #tpu.memory_space<hbm>> -> memref<64x128xf32, #tpu.memory_space<hbm>>
        %dma_wait3A_1228 = arith.constant 0 : i32
        %dma_wait3A_1229 = tpu.memref_slice %arg8[%add3A_1193, %dma_wait3A_1228] : memref<10240x128xf32, #tpu.memory_space<vmem_shared>> -> memref<64x128xf32, #tpu.memory_space<vmem_shared>>
        tpu.wait_dma2 semaphore(%run_scoped3A : memref<!tpu.dma_semaphore, #tpu.memory_space<semaphore_mem>>) src(%dma_wait3A_1229 : memref<64x128xf32, #tpu.memory_space<vmem_shared>>) dst(%dma_wait3A_1227 : memref<64x128xf32, #tpu.memory_space<hbm>>)
        tpu.yield
      }) : () -> ()
      %mul3A_1198 = arith.constant 640 : i32
      %mul3A_1199 = arith.muli %arg1, %mul3A_1198 : i32
      %add3A_1200 = arith.constant 448 : i32
      %add3A_1201 = arith.addi %mul3A_1199, %add3A_1200 : i32
      %mul3A_1202 = arith.constant 640 : i32
      %mul3A_1203 = arith.muli %arg1, %mul3A_1202 : i32
      %add3A_1204 = arith.constant 448 : i32
      %add3A_1205 = arith.addi %mul3A_1203, %add3A_1204 : i32
      "tpu.region"() ({
        %run_scoped3A = tpu.sem_alloc : memref<!tpu.dma_semaphore, #tpu.memory_space<semaphore_mem>>
        %dma_start3A_1222 = arith.constant 0 : i32
        %dma_start3A_1223 = tpu.memref_slice %arg6[%add3A_1205, %dma_start3A_1222] : memref<10240x128xf32, #tpu.memory_space<hbm>> -> memref<64x128xf32, #tpu.memory_space<hbm>>
        %dma_start3A_1224 = arith.constant 0 : i32
        %dma_start3A_1225 = tpu.memref_slice %arg8[%add3A_1201, %dma_start3A_1224] : memref<10240x128xf32, #tpu.memory_space<vmem_shared>> -> memref<64x128xf32, #tpu.memory_space<vmem_shared>>
        tpu.enqueue_dma source(%dma_start3A_1225 : memref<64x128xf32, #tpu.memory_space<vmem_shared>>) target(%dma_start3A_1223 : memref<64x128xf32, #tpu.memory_space<hbm>>) target_semaphore(%run_scoped3A : memref<!tpu.dma_semaphore, #tpu.memory_space<semaphore_mem>>)
        %dma_wait3A_1226 = arith.constant 0 : i32
        %dma_wait3A_1227 = tpu.memref_slice %arg6[%add3A_1205, %dma_wait3A_1226] : memref<10240x128xf32, #tpu.memory_space<hbm>> -> memref<64x128xf32, #tpu.memory_space<hbm>>
        %dma_wait3A_1228 = arith.constant 0 : i32
        %dma_wait3A_1229 = tpu.memref_slice %arg8[%add3A_1201, %dma_wait3A_1228] : memref<10240x128xf32, #tpu.memory_space<vmem_shared>> -> memref<64x128xf32, #tpu.memory_space<vmem_shared>>
        tpu.wait_dma2 semaphore(%run_scoped3A : memref<!tpu.dma_semaphore, #tpu.memory_space<semaphore_mem>>) src(%dma_wait3A_1229 : memref<64x128xf32, #tpu.memory_space<vmem_shared>>) dst(%dma_wait3A_1227 : memref<64x128xf32, #tpu.memory_space<hbm>>)
        tpu.yield
      }) : () -> ()
      %mul3A_1206 = arith.constant 640 : i32
      %mul3A_1207 = arith.muli %arg1, %mul3A_1206 : i32
      %add3A_1208 = arith.constant 512 : i32
      %add3A_1209 = arith.addi %mul3A_1207, %add3A_1208 : i32
      %mul3A_1210 = arith.constant 640 : i32
      %mul3A_1211 = arith.muli %arg1, %mul3A_1210 : i32
      %add3A_1212 = arith.constant 512 : i32
      %add3A_1213 = arith.addi %mul3A_1211, %add3A_1212 : i32
      "tpu.region"() ({
        %run_scoped3A = tpu.sem_alloc : memref<!tpu.dma_semaphore, #tpu.memory_space<semaphore_mem>>
        %dma_start3A_1222 = arith.constant 0 : i32
        %dma_start3A_1223 = tpu.memref_slice %arg6[%add3A_1213, %dma_start3A_1222] : memref<10240x128xf32, #tpu.memory_space<hbm>> -> memref<64x128xf32, #tpu.memory_space<hbm>>
        %dma_start3A_1224 = arith.constant 0 : i32
        %dma_start3A_1225 = tpu.memref_slice %arg8[%add3A_1209, %dma_start3A_1224] : memref<10240x128xf32, #tpu.memory_space<vmem_shared>> -> memref<64x128xf32, #tpu.memory_space<vmem_shared>>
        tpu.enqueue_dma source(%dma_start3A_1225 : memref<64x128xf32, #tpu.memory_space<vmem_shared>>) target(%dma_start3A_1223 : memref<64x128xf32, #tpu.memory_space<hbm>>) target_semaphore(%run_scoped3A : memref<!tpu.dma_semaphore, #tpu.memory_space<semaphore_mem>>)
        %dma_wait3A_1226 = arith.constant 0 : i32
        %dma_wait3A_1227 = tpu.memref_slice %arg6[%add3A_1213, %dma_wait3A_1226] : memref<10240x128xf32, #tpu.memory_space<hbm>> -> memref<64x128xf32, #tpu.memory_space<hbm>>
        %dma_wait3A_1228 = arith.constant 0 : i32
        %dma_wait3A_1229 = tpu.memref_slice %arg8[%add3A_1209, %dma_wait3A_1228] : memref<10240x128xf32, #tpu.memory_space<vmem_shared>> -> memref<64x128xf32, #tpu.memory_space<vmem_shared>>
        tpu.wait_dma2 semaphore(%run_scoped3A : memref<!tpu.dma_semaphore, #tpu.memory_space<semaphore_mem>>) src(%dma_wait3A_1229 : memref<64x128xf32, #tpu.memory_space<vmem_shared>>) dst(%dma_wait3A_1227 : memref<64x128xf32, #tpu.memory_space<hbm>>)
        tpu.yield
      }) : () -> ()
      %mul3A_1214 = arith.constant 640 : i32
      %mul3A_1215 = arith.muli %arg1, %mul3A_1214 : i32
      %add3A_1216 = arith.constant 576 : i32
      %add3A_1217 = arith.addi %mul3A_1215, %add3A_1216 : i32
      %mul3A_1218 = arith.constant 640 : i32
      %mul3A_1219 = arith.muli %arg1, %mul3A_1218 : i32
      %add3A_1220 = arith.constant 576 : i32
      %add3A_1221 = arith.addi %mul3A_1219, %add3A_1220 : i32
      "tpu.region"() ({
        %run_scoped3A = tpu.sem_alloc : memref<!tpu.dma_semaphore, #tpu.memory_space<semaphore_mem>>
        %dma_start3A_1222 = arith.constant 0 : i32
        %dma_start3A_1223 = tpu.memref_slice %arg6[%add3A_1221, %dma_start3A_1222] : memref<10240x128xf32, #tpu.memory_space<hbm>> -> memref<64x128xf32, #tpu.memory_space<hbm>>
        %dma_start3A_1224 = arith.constant 0 : i32
        %dma_start3A_1225 = tpu.memref_slice %arg8[%add3A_1217, %dma_start3A_1224] : memref<10240x128xf32, #tpu.memory_space<vmem_shared>> -> memref<64x128xf32, #tpu.memory_space<vmem_shared>>
        tpu.enqueue_dma source(%dma_start3A_1225 : memref<64x128xf32, #tpu.memory_space<vmem_shared>>) target(%dma_start3A_1223 : memref<64x128xf32, #tpu.memory_space<hbm>>) target_semaphore(%run_scoped3A : memref<!tpu.dma_semaphore, #tpu.memory_space<semaphore_mem>>)
        %dma_wait3A_1226 = arith.constant 0 : i32
        %dma_wait3A_1227 = tpu.memref_slice %arg6[%add3A_1221, %dma_wait3A_1226] : memref<10240x128xf32, #tpu.memory_space<hbm>> -> memref<64x128xf32, #tpu.memory_space<hbm>>
        %dma_wait3A_1228 = arith.constant 0 : i32
        %dma_wait3A_1229 = tpu.memref_slice %arg8[%add3A_1217, %dma_wait3A_1228] : memref<10240x128xf32, #tpu.memory_space<vmem_shared>> -> memref<64x128xf32, #tpu.memory_space<vmem_shared>>
        tpu.wait_dma2 semaphore(%run_scoped3A : memref<!tpu.dma_semaphore, #tpu.memory_space<semaphore_mem>>) src(%dma_wait3A_1229 : memref<64x128xf32, #tpu.memory_space<vmem_shared>>) dst(%dma_wait3A_1227 : memref<64x128xf32, #tpu.memory_space<hbm>>)
        tpu.yield
      }) : () -> ()
    } else {
    }
    %eq3A_2 = arith.constant 1 : i32
    %eq3A_3 = arith.cmpi eq, %arg0, %eq3A_2 : i32
    %convert_element_type3A_4 = arith.extui %eq3A_3 : i1 to i32
    %cond3A_5 = arith.constant 0 : i32
    %cond3A_6 = arith.cmpi ne, %convert_element_type3A_4, %cond3A_5 : i32
    scf.if %cond3A_6 {
      "tpu.region"() ({
        %run_scoped3A = tpu.sem_alloc : memref<!tpu.dma_semaphore, #tpu.memory_space<semaphore_mem>>
        %dma_start3A_1222 = arith.constant 0 : i32
        %dma_start3A_1223 = arith.constant 0 : i32
        %dma_start3A_1224 = tpu.memref_slice %arg4[%arg1, %dma_start3A_1222, %dma_start3A_1223] : memref<16x80x128xi32, #tpu.memory_space<hbm>> -> memref<1x40x128xi32, #tpu.memory_space<hbm>>
        %dma_start3A_1225 = tpu.memref_squeeze %dma_start3A_1224 : memref<1x40x128xi32, #tpu.memory_space<hbm>> -> memref<40x128xi32, #tpu.memory_space<hbm>>
        %dma_start3A_1226 = arith.constant 0 : i32
        %dma_start3A_1227 = arith.constant 0 : i32
        %dma_start3A_1228 = tpu.memref_slice %arg4[%arg1, %dma_start3A_1226, %dma_start3A_1227] : memref<16x80x128xi32, #tpu.memory_space<hbm>> -> memref<1x40x128xi32, #tpu.memory_space<hbm>>
        %dma_start3A_1229 = tpu.memref_squeeze %dma_start3A_1228 : memref<1x40x128xi32, #tpu.memory_space<hbm>> -> memref<40x128xi32, #tpu.memory_space<hbm>>
        tpu.enqueue_dma source(%dma_start3A_1229 : memref<40x128xi32, #tpu.memory_space<hbm>>) target(%arg9 : memref<40x128xi32, #tpu.memory_space<vmem>>) target_semaphore(%run_scoped3A : memref<!tpu.dma_semaphore, #tpu.memory_space<semaphore_mem>>)
        %dma_wait3A_1230 = arith.constant 0 : i32
        %dma_wait3A_1231 = arith.constant 0 : i32
        %dma_wait3A_1232 = tpu.memref_slice %arg4[%arg1, %dma_wait3A_1230, %dma_wait3A_1231] : memref<16x80x128xi32, #tpu.memory_space<hbm>> -> memref<1x40x128xi32, #tpu.memory_space<hbm>>
        %dma_wait3A_1233 = tpu.memref_squeeze %dma_wait3A_1232 : memref<1x40x128xi32, #tpu.memory_space<hbm>> -> memref<40x128xi32, #tpu.memory_space<hbm>>
        %dma_wait3A_1234 = arith.constant 0 : i32
        %dma_wait3A_1235 = arith.constant 0 : i32
        %dma_wait3A_1236 = tpu.memref_slice %arg4[%arg1, %dma_wait3A_1234, %dma_wait3A_1235] : memref<16x80x128xi32, #tpu.memory_space<hbm>> -> memref<1x40x128xi32, #tpu.memory_space<hbm>>
        %dma_wait3A_1237 = tpu.memref_squeeze %dma_wait3A_1236 : memref<1x40x128xi32, #tpu.memory_space<hbm>> -> memref<40x128xi32, #tpu.memory_space<hbm>>
        tpu.wait_dma2 semaphore(%run_scoped3A : memref<!tpu.dma_semaphore, #tpu.memory_space<semaphore_mem>>) src(%dma_wait3A_1237 : memref<40x128xi32, #tpu.memory_space<hbm>>) dst(%arg9 : memref<40x128xi32, #tpu.memory_space<vmem>>)
        tpu.yield
      }) : () -> ()
      "tpu.region"() ({
        %run_scoped3A = tpu.sem_alloc : memref<!tpu.dma_semaphore, #tpu.memory_space<semaphore_mem>>
        %dma_start3A_1222 = arith.constant 0 : i32
        %dma_start3A_1223 = arith.constant 0 : i32
        %dma_start3A_1224 = tpu.memref_slice %arg5[%arg1, %dma_start3A_1222, %dma_start3A_1223] : memref<16x80x128xi32, #tpu.memory_space<hbm>> -> memref<1x40x128xi32, #tpu.memory_space<hbm>>
        %dma_start3A_1225 = tpu.memref_squeeze %dma_start3A_1224 : memref<1x40x128xi32, #tpu.memory_space<hbm>> -> memref<40x128xi32, #tpu.memory_space<hbm>>
        %dma_start3A_1226 = arith.constant 0 : i32
        %dma_start3A_1227 = arith.constant 0 : i32
        %dma_start3A_1228 = tpu.memref_slice %arg5[%arg1, %dma_start3A_1226, %dma_start3A_1227] : memref<16x80x128xi32, #tpu.memory_space<hbm>> -> memref<1x40x128xi32, #tpu.memory_space<hbm>>
        %dma_start3A_1229 = tpu.memref_squeeze %dma_start3A_1228 : memref<1x40x128xi32, #tpu.memory_space<hbm>> -> memref<40x128xi32, #tpu.memory_space<hbm>>
        tpu.enqueue_dma source(%dma_start3A_1229 : memref<40x128xi32, #tpu.memory_space<hbm>>) target(%arg10 : memref<40x128xi32, #tpu.memory_space<vmem>>) target_semaphore(%run_scoped3A : memref<!tpu.dma_semaphore, #tpu.memory_space<semaphore_mem>>)
        %dma_wait3A_1230 = arith.constant 0 : i32
        %dma_wait3A_1231 = arith.constant 0 : i32
        %dma_wait3A_1232 = tpu.memref_slice %arg5[%arg1, %dma_wait3A_1230, %dma_wait3A_1231] : memref<16x80x128xi32, #tpu.memory_space<hbm>> -> memref<1x40x128xi32, #tpu.memory_space<hbm>>
        %dma_wait3A_1233 = tpu.memref_squeeze %dma_wait3A_1232 : memref<1x40x128xi32, #tpu.memory_space<hbm>> -> memref<40x128xi32, #tpu.memory_space<hbm>>
        %dma_wait3A_1234 = arith.constant 0 : i32
        %dma_wait3A_1235 = arith.constant 0 : i32
        %dma_wait3A_1236 = tpu.memref_slice %arg5[%arg1, %dma_wait3A_1234, %dma_wait3A_1235] : memref<16x80x128xi32, #tpu.memory_space<hbm>> -> memref<1x40x128xi32, #tpu.memory_space<hbm>>
        %dma_wait3A_1237 = tpu.memref_squeeze %dma_wait3A_1236 : memref<1x40x128xi32, #tpu.memory_space<hbm>> -> memref<40x128xi32, #tpu.memory_space<hbm>>
        tpu.wait_dma2 semaphore(%run_scoped3A : memref<!tpu.dma_semaphore, #tpu.memory_space<semaphore_mem>>) src(%dma_wait3A_1237 : memref<40x128xi32, #tpu.memory_space<hbm>>) dst(%arg10 : memref<40x128xi32, #tpu.memory_space<vmem>>)
        tpu.yield
      }) : () -> ()
      %dma_start3A = arith.constant 0 : i32
      %dma_start3A_7 = arith.constant 0 : i32
      %dma_start3A_8 = arith.constant 0 : i32
      %dma_start3A_9 = arith.constant 0 : i32
      %dma_start3A_10 = tpu.memref_slice %arg11[%dma_start3A_7, %dma_start3A_8, %dma_start3A_9] : memref<4x64x128xf32, #tpu.memory_space<vmem>> -> memref<1x64x128xf32, #tpu.memory_space<vmem>>
      %dma_start3A_11 = tpu.memref_squeeze %dma_start3A_10 : memref<1x64x128xf32, #tpu.memory_space<vmem>> -> memref<64x128xf32, #tpu.memory_space<vmem>>
      %dma_start3A_12 = arith.constant 0 : i32
      %dma_start3A_13 = tpu.memref_slice %arg9[%dma_start3A, %dma_start3A_12] : memref<40x128xi32, #tpu.memory_space<vmem>> -> memref<1x64xi32, #tpu.memory_space<vmem>>
      %dma_start3A_14 = tpu.memref_squeeze %dma_start3A_13 : memref<1x64xi32, #tpu.memory_space<vmem>> -> memref<64xi32, #tpu.memory_space<vmem>>
      %dma_start3A_15 = arith.constant 0 : i32
      %dma_start3A_16 = arith.constant 0 : i32
      %dma_start3A_17 = tpu.memref_slice %arg3[%dma_start3A_15, %dma_start3A_16] : memref<10240x128xf32, #tpu.memory_space<hbm>> -> memref<10240x128xf32, #tpu.memory_space<hbm>>
      tpu.enqueue_indirect_dma source(%dma_start3A_17 : memref<10240x128xf32, #tpu.memory_space<hbm>>) target(%dma_start3A_11 : memref<64x128xf32, #tpu.memory_space<vmem>>) offsets(%dma_start3A_14 : memref<64xi32, #tpu.memory_space<vmem>>) semaphore(%arg13 : memref<!tpu.dma_semaphore, #tpu.memory_space<semaphore_mem>>)
      %dma_start3A_18 = arith.constant 0 : i32
      %dma_start3A_19 = arith.constant 1 : i32
      %dma_start3A_20 = arith.constant 0 : i32
      %dma_start3A_21 = arith.constant 0 : i32
      %dma_start3A_22 = tpu.memref_slice %arg11[%dma_start3A_19, %dma_start3A_20, %dma_start3A_21] : memref<4x64x128xf32, #tpu.memory_space<vmem>> -> memref<1x64x128xf32, #tpu.memory_space<vmem>>
      %dma_start3A_23 = tpu.memref_squeeze %dma_start3A_22 : memref<1x64x128xf32, #tpu.memory_space<vmem>> -> memref<64x128xf32, #tpu.memory_space<vmem>>
      %dma_start3A_24 = arith.constant 64 : i32
      %dma_start3A_25 = tpu.memref_slice %arg9[%dma_start3A_18, %dma_start3A_24] : memref<40x128xi32, #tpu.memory_space<vmem>> -> memref<1x64xi32, #tpu.memory_space<vmem>>
      %dma_start3A_26 = tpu.memref_squeeze %dma_start3A_25 : memref<1x64xi32, #tpu.memory_space<vmem>> -> memref<64xi32, #tpu.memory_space<vmem>>
      %dma_start3A_27 = arith.constant 0 : i32
      %dma_start3A_28 = arith.constant 0 : i32
      %dma_start3A_29 = tpu.memref_slice %arg3[%dma_start3A_27, %dma_start3A_28] : memref<10240x128xf32, #tpu.memory_space<hbm>> -> memref<10240x128xf32, #tpu.memory_space<hbm>>
      tpu.enqueue_indirect_dma source(%dma_start3A_29 : memref<10240x128xf32, #tpu.memory_space<hbm>>) target(%dma_start3A_23 : memref<64x128xf32, #tpu.memory_space<vmem>>) offsets(%dma_start3A_26 : memref<64xi32, #tpu.memory_space<vmem>>) semaphore(%arg13 : memref<!tpu.dma_semaphore, #tpu.memory_space<semaphore_mem>>)
      %broadcast_in_dim3A = arith.constant 0.000000e+00 : f32
      %broadcast_in_dim3A_30 = vector.broadcast %broadcast_in_dim3A : f32 to vector<16xf32>
      %swap3A = arith.constant 0 : i32
      %swap3A_31 = arith.index_cast %swap3A : i32 to index
      %swap3A_32 = arith.constant 0 : index
      %swap3A_33 = tpu.vector_load %arg12[%swap3A_31, %swap3A_32] {strides = array<i32>} : memref<16x128xf32, #tpu.memory_space<vmem>>, vector<1x16xf32>,
      %swap3A_34 = vector.shape_cast %swap3A_33 : vector<1x16xf32> to vector<16xf32>
      %swap3A_35 = vector.shape_cast %broadcast_in_dim3A_30 : vector<16xf32> to vector<1x16xf32>
      tpu.vector_store %arg12[%swap3A_31, %swap3A_32], %swap3A_35 {strides = array<i32>} : memref<16x128xf32, #tpu.memory_space<vmem>>, vector<1x16xf32>,
      %broadcast_in_dim3A_36 = arith.constant 0.000000e+00 : f32
      %broadcast_in_dim3A_37 = vector.broadcast %broadcast_in_dim3A_36 : f32 to vector<16xf32>
      %swap3A_38 = arith.constant 0 : i32
      %swap3A_39 = arith.index_cast %swap3A_38 : i32 to index
      %swap3A_40 = arith.constant 16 : index
      %swap3A_41 = tpu.vector_load %arg12[%swap3A_39, %swap3A_40] {strides = array<i32>} : memref<16x128xf32, #tpu.memory_space<vmem>>, vector<1x16xf32>,
      %swap3A_42 = vector.shape_cast %swap3A_41 : vector<1x16xf32> to vector<16xf32>
      %swap3A_43 = vector.shape_cast %broadcast_in_dim3A_37 : vector<16xf32> to vector<1x16xf32>
      tpu.vector_store %arg12[%swap3A_39, %swap3A_40], %swap3A_43 {strides = array<i32>} : memref<16x128xf32, #tpu.memory_space<vmem>>, vector<1x16xf32>,
      %broadcast_in_dim3A_44 = arith.constant 0.000000e+00 : f32
      %broadcast_in_dim3A_45 = vector.broadcast %broadcast_in_dim3A_44 : f32 to vector<16xf32>
      %swap3A_46 = arith.constant 0 : i32
      %swap3A_47 = arith.index_cast %swap3A_46 : i32 to index
      %swap3A_48 = arith.constant 32 : index
      %swap3A_49 = tpu.vector_load %arg12[%swap3A_47, %swap3A_48] {strides = array<i32>} : memref<16x128xf32, #tpu.memory_space<vmem>>, vector<1x16xf32>,
      %swap3A_50 = vector.shape_cast %swap3A_49 : vector<1x16xf32> to vector<16xf32>
      %swap3A_51 = vector.shape_cast %broadcast_in_dim3A_45 : vector<16xf32> to vector<1x16xf32>
      tpu.vector_store %arg12[%swap3A_47, %swap3A_48], %swap3A_51 {strides = array<i32>} : memref<16x128xf32, #tpu.memory_space<vmem>>, vector<1x16xf32>,
      %broadcast_in_dim3A_52 = arith.constant 0.000000e+00 : f32
      %broadcast_in_dim3A_53 = vector.broadcast %broadcast_in_dim3A_52 : f32 to vector<16xf32>
      %swap3A_54 = arith.constant 0 : i32
      %swap3A_55 = arith.index_cast %swap3A_54 : i32 to index
      %swap3A_56 = arith.constant 48 : index
      %swap3A_57 = tpu.vector_load %arg12[%swap3A_55, %swap3A_56] {strides = array<i32>} : memref<16x128xf32, #tpu.memory_space<vmem>>, vector<1x16xf32>,
      %swap3A_58 = vector.shape_cast %swap3A_57 : vector<1x16xf32> to vector<16xf32>
      %swap3A_59 = vector.shape_cast %broadcast_in_dim3A_53 : vector<16xf32> to vector<1x16xf32>
      tpu.vector_store %arg12[%swap3A_55, %swap3A_56], %swap3A_59 {strides = array<i32>} : memref<16x128xf32, #tpu.memory_space<vmem>>, vector<1x16xf32>,
      %broadcast_in_dim3A_60 = arith.constant 0.000000e+00 : f32
      %broadcast_in_dim3A_61 = vector.broadcast %broadcast_in_dim3A_60 : f32 to vector<16xf32>
      %swap3A_62 = arith.constant 0 : i32
      %swap3A_63 = arith.index_cast %swap3A_62 : i32 to index
      %swap3A_64 = arith.constant 64 : index
      %swap3A_65 = tpu.vector_load %arg12[%swap3A_63, %swap3A_64] {strides = array<i32>} : memref<16x128xf32, #tpu.memory_space<vmem>>, vector<1x16xf32>,
      %swap3A_66 = vector.shape_cast %swap3A_65 : vector<1x16xf32> to vector<16xf32>
      %swap3A_67 = vector.shape_cast %broadcast_in_dim3A_61 : vector<16xf32> to vector<1x16xf32>
      tpu.vector_store %arg12[%swap3A_63, %swap3A_64], %swap3A_67 {strides = array<i32>} : memref<16x128xf32, #tpu.memory_space<vmem>>, vector<1x16xf32>,
      %broadcast_in_dim3A_68 = arith.constant 0.000000e+00 : f32
      %broadcast_in_dim3A_69 = vector.broadcast %broadcast_in_dim3A_68 : f32 to vector<16xf32>
      %swap3A_70 = arith.constant 0 : i32
      %swap3A_71 = arith.index_cast %swap3A_70 : i32 to index
      %swap3A_72 = arith.constant 80 : index
      %swap3A_73 = tpu.vector_load %arg12[%swap3A_71, %swap3A_72] {strides = array<i32>} : memref<16x128xf32, #tpu.memory_space<vmem>>, vector<1x16xf32>,
      %swap3A_74 = vector.shape_cast %swap3A_73 : vector<1x16xf32> to vector<16xf32>
      %swap3A_75 = vector.shape_cast %broadcast_in_dim3A_69 : vector<16xf32> to vector<1x16xf32>
      tpu.vector_store %arg12[%swap3A_71, %swap3A_72], %swap3A_75 {strides = array<i32>} : memref<16x128xf32, #tpu.memory_space<vmem>>, vector<1x16xf32>,
      %broadcast_in_dim3A_76 = arith.constant 0.000000e+00 : f32
      %broadcast_in_dim3A_77 = vector.broadcast %broadcast_in_dim3A_76 : f32 to vector<16xf32>
      %swap3A_78 = arith.constant 0 : i32
      %swap3A_79 = arith.index_cast %swap3A_78 : i32 to index
      %swap3A_80 = arith.constant 96 : index
      %swap3A_81 = tpu.vector_load %arg12[%swap3A_79, %swap3A_80] {strides = array<i32>} : memref<16x128xf32, #tpu.memory_space<vmem>>, vector<1x16xf32>,
      %swap3A_82 = vector.shape_cast %swap3A_81 : vector<1x16xf32> to vector<16xf32>
      %swap3A_83 = vector.shape_cast %broadcast_in_dim3A_77 : vector<16xf32> to vector<1x16xf32>
      tpu.vector_store %arg12[%swap3A_79, %swap3A_80], %swap3A_83 {strides = array<i32>} : memref<16x128xf32, #tpu.memory_space<vmem>>, vector<1x16xf32>,
      %broadcast_in_dim3A_84 = arith.constant 0.000000e+00 : f32
      %broadcast_in_dim3A_85 = vector.broadcast %broadcast_in_dim3A_84 : f32 to vector<16xf32>
      %swap3A_86 = arith.constant 0 : i32
      %swap3A_87 = arith.index_cast %swap3A_86 : i32 to index
      %swap3A_88 = arith.constant 112 : index
      %swap3A_89 = tpu.vector_load %arg12[%swap3A_87, %swap3A_88] {strides = array<i32>} : memref<16x128xf32, #tpu.memory_space<vmem>>, vector<1x16xf32>,
      %swap3A_90 = vector.shape_cast %swap3A_89 : vector<1x16xf32> to vector<16xf32>
      %swap3A_91 = vector.shape_cast %broadcast_in_dim3A_85 : vector<16xf32> to vector<1x16xf32>
      tpu.vector_store %arg12[%swap3A_87, %swap3A_88], %swap3A_91 {strides = array<i32>} : memref<16x128xf32, #tpu.memory_space<vmem>>, vector<1x16xf32>,
      %broadcast_in_dim3A_92 = arith.constant 0.000000e+00 : f32
      %broadcast_in_dim3A_93 = vector.broadcast %broadcast_in_dim3A_92 : f32 to vector<16xf32>
      %swap3A_94 = arith.constant 1 : i32
      %swap3A_95 = arith.index_cast %swap3A_94 : i32 to index
      %swap3A_96 = arith.constant 0 : index
      %swap3A_97 = tpu.vector_load %arg12[%swap3A_95, %swap3A_96] {strides = array<i32>} : memref<16x128xf32, #tpu.memory_space<vmem>>, vector<1x16xf32>,
      %swap3A_98 = vector.shape_cast %swap3A_97 : vector<1x16xf32> to vector<16xf32>
      %swap3A_99 = vector.shape_cast %broadcast_in_dim3A_93 : vector<16xf32> to vector<1x16xf32>
      tpu.vector_store %arg12[%swap3A_95, %swap3A_96], %swap3A_99 {strides = array<i32>} : memref<16x128xf32, #tpu.memory_space<vmem>>, vector<1x16xf32>,
      %broadcast_in_dim3A_100 = arith.constant 0.000000e+00 : f32
      %broadcast_in_dim3A_101 = vector.broadcast %broadcast_in_dim3A_100 : f32 to vector<16xf32>
      %swap3A_102 = arith.constant 1 : i32
      %swap3A_103 = arith.index_cast %swap3A_102 : i32 to index
      %swap3A_104 = arith.constant 16 : index
      %swap3A_105 = tpu.vector_load %arg12[%swap3A_103, %swap3A_104] {strides = array<i32>} : memref<16x128xf32, #tpu.memory_space<vmem>>, vector<1x16xf32>,
      %swap3A_106 = vector.shape_cast %swap3A_105 : vector<1x16xf32> to vector<16xf32>
      %swap3A_107 = vector.shape_cast %broadcast_in_dim3A_101 : vector<16xf32> to vector<1x16xf32>
      tpu.vector_store %arg12[%swap3A_103, %swap3A_104], %swap3A_107 {strides = array<i32>} : memref<16x128xf32, #tpu.memory_space<vmem>>, vector<1x16xf32>,
      %broadcast_in_dim3A_108 = arith.constant 0.000000e+00 : f32
      %broadcast_in_dim3A_109 = vector.broadcast %broadcast_in_dim3A_108 : f32 to vector<16xf32>
      %swap3A_110 = arith.constant 1 : i32
      %swap3A_111 = arith.index_cast %swap3A_110 : i32 to index
      %swap3A_112 = arith.constant 32 : index
      %swap3A_113 = tpu.vector_load %arg12[%swap3A_111, %swap3A_112] {strides = array<i32>} : memref<16x128xf32, #tpu.memory_space<vmem>>, vector<1x16xf32>,
      %swap3A_114 = vector.shape_cast %swap3A_113 : vector<1x16xf32> to vector<16xf32>
      %swap3A_115 = vector.shape_cast %broadcast_in_dim3A_109 : vector<16xf32> to vector<1x16xf32>
      tpu.vector_store %arg12[%swap3A_111, %swap3A_112], %swap3A_115 {strides = array<i32>} : memref<16x128xf32, #tpu.memory_space<vmem>>, vector<1x16xf32>,
      %broadcast_in_dim3A_116 = arith.constant 0.000000e+00 : f32
      %broadcast_in_dim3A_117 = vector.broadcast %broadcast_in_dim3A_116 : f32 to vector<16xf32>
      %swap3A_118 = arith.constant 1 : i32
      %swap3A_119 = arith.index_cast %swap3A_118 : i32 to index
      %swap3A_120 = arith.constant 48 : index
      %swap3A_121 = tpu.vector_load %arg12[%swap3A_119, %swap3A_120] {strides = array<i32>} : memref<16x128xf32, #tpu.memory_space<vmem>>, vector<1x16xf32>,
      %swap3A_122 = vector.shape_cast %swap3A_121 : vector<1x16xf32> to vector<16xf32>
      %swap3A_123 = vector.shape_cast %broadcast_in_dim3A_117 : vector<16xf32> to vector<1x16xf32>
      tpu.vector_store %arg12[%swap3A_119, %swap3A_120], %swap3A_123 {strides = array<i32>} : memref<16x128xf32, #tpu.memory_space<vmem>>, vector<1x16xf32>,
      %broadcast_in_dim3A_124 = arith.constant 0.000000e+00 : f32
      %broadcast_in_dim3A_125 = vector.broadcast %broadcast_in_dim3A_124 : f32 to vector<16xf32>
      %swap3A_126 = arith.constant 1 : i32
      %swap3A_127 = arith.index_cast %swap3A_126 : i32 to index
      %swap3A_128 = arith.constant 64 : index
      %swap3A_129 = tpu.vector_load %arg12[%swap3A_127, %swap3A_128] {strides = array<i32>} : memref<16x128xf32, #tpu.memory_space<vmem>>, vector<1x16xf32>,
      %swap3A_130 = vector.shape_cast %swap3A_129 : vector<1x16xf32> to vector<16xf32>
      %swap3A_131 = vector.shape_cast %broadcast_in_dim3A_125 : vector<16xf32> to vector<1x16xf32>
      tpu.vector_store %arg12[%swap3A_127, %swap3A_128], %swap3A_131 {strides = array<i32>} : memref<16x128xf32, #tpu.memory_space<vmem>>, vector<1x16xf32>,
      %broadcast_in_dim3A_132 = arith.constant 0.000000e+00 : f32
      %broadcast_in_dim3A_133 = vector.broadcast %broadcast_in_dim3A_132 : f32 to vector<16xf32>
      %swap3A_134 = arith.constant 1 : i32
      %swap3A_135 = arith.index_cast %swap3A_134 : i32 to index
      %swap3A_136 = arith.constant 80 : index
      %swap3A_137 = tpu.vector_load %arg12[%swap3A_135, %swap3A_136] {strides = array<i32>} : memref<16x128xf32, #tpu.memory_space<vmem>>, vector<1x16xf32>,
      %swap3A_138 = vector.shape_cast %swap3A_137 : vector<1x16xf32> to vector<16xf32>
      %swap3A_139 = vector.shape_cast %broadcast_in_dim3A_133 : vector<16xf32> to vector<1x16xf32>
      tpu.vector_store %arg12[%swap3A_135, %swap3A_136], %swap3A_139 {strides = array<i32>} : memref<16x128xf32, #tpu.memory_space<vmem>>, vector<1x16xf32>,
      %broadcast_in_dim3A_140 = arith.constant 0.000000e+00 : f32
      %broadcast_in_dim3A_141 = vector.broadcast %broadcast_in_dim3A_140 : f32 to vector<16xf32>
      %swap3A_142 = arith.constant 1 : i32
      %swap3A_143 = arith.index_cast %swap3A_142 : i32 to index
      %swap3A_144 = arith.constant 96 : index
      %swap3A_145 = tpu.vector_load %arg12[%swap3A_143, %swap3A_144] {strides = array<i32>} : memref<16x128xf32, #tpu.memory_space<vmem>>, vector<1x16xf32>,
      %swap3A_146 = vector.shape_cast %swap3A_145 : vector<1x16xf32> to vector<16xf32>
      %swap3A_147 = vector.shape_cast %broadcast_in_dim3A_141 : vector<16xf32> to vector<1x16xf32>
      tpu.vector_store %arg12[%swap3A_143, %swap3A_144], %swap3A_147 {strides = array<i32>} : memref<16x128xf32, #tpu.memory_space<vmem>>, vector<1x16xf32>,
      %broadcast_in_dim3A_148 = arith.constant 0.000000e+00 : f32
      %broadcast_in_dim3A_149 = vector.broadcast %broadcast_in_dim3A_148 : f32 to vector<16xf32>
      %swap3A_150 = arith.constant 1 : i32
      %swap3A_151 = arith.index_cast %swap3A_150 : i32 to index
      %swap3A_152 = arith.constant 112 : index
      %swap3A_153 = tpu.vector_load %arg12[%swap3A_151, %swap3A_152] {strides = array<i32>} : memref<16x128xf32, #tpu.memory_space<vmem>>, vector<1x16xf32>,
      %swap3A_154 = vector.shape_cast %swap3A_153 : vector<1x16xf32> to vector<16xf32>
      %swap3A_155 = vector.shape_cast %broadcast_in_dim3A_149 : vector<16xf32> to vector<1x16xf32>
      tpu.vector_store %arg12[%swap3A_151, %swap3A_152], %swap3A_155 {strides = array<i32>} : memref<16x128xf32, #tpu.memory_space<vmem>>, vector<1x16xf32>,
      %broadcast_in_dim3A_156 = arith.constant 0.000000e+00 : f32
      %broadcast_in_dim3A_157 = vector.broadcast %broadcast_in_dim3A_156 : f32 to vector<16xf32>
      %swap3A_158 = arith.constant 2 : i32
      %swap3A_159 = arith.index_cast %swap3A_158 : i32 to index
      %swap3A_160 = arith.constant 0 : index
      %swap3A_161 = tpu.vector_load %arg12[%swap3A_159, %swap3A_160] {strides = array<i32>} : memref<16x128xf32, #tpu.memory_space<vmem>>, vector<1x16xf32>,
      %swap3A_162 = vector.shape_cast %swap3A_161 : vector<1x16xf32> to vector<16xf32>
      %swap3A_163 = vector.shape_cast %broadcast_in_dim3A_157 : vector<16xf32> to vector<1x16xf32>
      tpu.vector_store %arg12[%swap3A_159, %swap3A_160], %swap3A_163 {strides = array<i32>} : memref<16x128xf32, #tpu.memory_space<vmem>>, vector<1x16xf32>,
      %broadcast_in_dim3A_164 = arith.constant 0.000000e+00 : f32
      %broadcast_in_dim3A_165 = vector.broadcast %broadcast_in_dim3A_164 : f32 to vector<16xf32>
      %swap3A_166 = arith.constant 2 : i32
      %swap3A_167 = arith.index_cast %swap3A_166 : i32 to index
      %swap3A_168 = arith.constant 16 : index
      %swap3A_169 = tpu.vector_load %arg12[%swap3A_167, %swap3A_168] {strides = array<i32>} : memref<16x128xf32, #tpu.memory_space<vmem>>, vector<1x16xf32>,
      %swap3A_170 = vector.shape_cast %swap3A_169 : vector<1x16xf32> to vector<16xf32>
      %swap3A_171 = vector.shape_cast %broadcast_in_dim3A_165 : vector<16xf32> to vector<1x16xf32>
      tpu.vector_store %arg12[%swap3A_167, %swap3A_168], %swap3A_171 {strides = array<i32>} : memref<16x128xf32, #tpu.memory_space<vmem>>, vector<1x16xf32>,
      %broadcast_in_dim3A_172 = arith.constant 0.000000e+00 : f32
      %broadcast_in_dim3A_173 = vector.broadcast %broadcast_in_dim3A_172 : f32 to vector<16xf32>
      %swap3A_174 = arith.constant 2 : i32
      %swap3A_175 = arith.index_cast %swap3A_174 : i32 to index
      %swap3A_176 = arith.constant 32 : index
      %swap3A_177 = tpu.vector_load %arg12[%swap3A_175, %swap3A_176] {strides = array<i32>} : memref<16x128xf32, #tpu.memory_space<vmem>>, vector<1x16xf32>,
      %swap3A_178 = vector.shape_cast %swap3A_177 : vector<1x16xf32> to vector<16xf32>
      %swap3A_179 = vector.shape_cast %broadcast_in_dim3A_173 : vector<16xf32> to vector<1x16xf32>
      tpu.vector_store %arg12[%swap3A_175, %swap3A_176], %swap3A_179 {strides = array<i32>} : memref<16x128xf32, #tpu.memory_space<vmem>>, vector<1x16xf32>,
      %broadcast_in_dim3A_180 = arith.constant 0.000000e+00 : f32
      %broadcast_in_dim3A_181 = vector.broadcast %broadcast_in_dim3A_180 : f32 to vector<16xf32>
      %swap3A_182 = arith.constant 2 : i32
      %swap3A_183 = arith.index_cast %swap3A_182 : i32 to index
      %swap3A_184 = arith.constant 48 : index
      %swap3A_185 = tpu.vector_load %arg12[%swap3A_183, %swap3A_184] {strides = array<i32>} : memref<16x128xf32, #tpu.memory_space<vmem>>, vector<1x16xf32>,
      %swap3A_186 = vector.shape_cast %swap3A_185 : vector<1x16xf32> to vector<16xf32>
      %swap3A_187 = vector.shape_cast %broadcast_in_dim3A_181 : vector<16xf32> to vector<1x16xf32>
      tpu.vector_store %arg12[%swap3A_183, %swap3A_184], %swap3A_187 {strides = array<i32>} : memref<16x128xf32, #tpu.memory_space<vmem>>, vector<1x16xf32>,
      %broadcast_in_dim3A_188 = arith.constant 0.000000e+00 : f32
      %broadcast_in_dim3A_189 = vector.broadcast %broadcast_in_dim3A_188 : f32 to vector<16xf32>
      %swap3A_190 = arith.constant 2 : i32
      %swap3A_191 = arith.index_cast %swap3A_190 : i32 to index
      %swap3A_192 = arith.constant 64 : index
      %swap3A_193 = tpu.vector_load %arg12[%swap3A_191, %swap3A_192] {strides = array<i32>} : memref<16x128xf32, #tpu.memory_space<vmem>>, vector<1x16xf32>,
      %swap3A_194 = vector.shape_cast %swap3A_193 : vector<1x16xf32> to vector<16xf32>
      %swap3A_195 = vector.shape_cast %broadcast_in_dim3A_189 : vector<16xf32> to vector<1x16xf32>
      tpu.vector_store %arg12[%swap3A_191, %swap3A_192], %swap3A_195 {strides = array<i32>} : memref<16x128xf32, #tpu.memory_space<vmem>>, vector<1x16xf32>,
      %broadcast_in_dim3A_196 = arith.constant 0.000000e+00 : f32
      %broadcast_in_dim3A_197 = vector.broadcast %broadcast_in_dim3A_196 : f32 to vector<16xf32>
      %swap3A_198 = arith.constant 2 : i32
      %swap3A_199 = arith.index_cast %swap3A_198 : i32 to index
      %swap3A_200 = arith.constant 80 : index
      %swap3A_201 = tpu.vector_load %arg12[%swap3A_199, %swap3A_200] {strides = array<i32>} : memref<16x128xf32, #tpu.memory_space<vmem>>, vector<1x16xf32>,
      %swap3A_202 = vector.shape_cast %swap3A_201 : vector<1x16xf32> to vector<16xf32>
      %swap3A_203 = vector.shape_cast %broadcast_in_dim3A_197 : vector<16xf32> to vector<1x16xf32>
      tpu.vector_store %arg12[%swap3A_199, %swap3A_200], %swap3A_203 {strides = array<i32>} : memref<16x128xf32, #tpu.memory_space<vmem>>, vector<1x16xf32>,
      %broadcast_in_dim3A_204 = arith.constant 0.000000e+00 : f32
      %broadcast_in_dim3A_205 = vector.broadcast %broadcast_in_dim3A_204 : f32 to vector<16xf32>
      %swap3A_206 = arith.constant 2 : i32
      %swap3A_207 = arith.index_cast %swap3A_206 : i32 to index
      %swap3A_208 = arith.constant 96 : index
      %swap3A_209 = tpu.vector_load %arg12[%swap3A_207, %swap3A_208] {strides = array<i32>} : memref<16x128xf32, #tpu.memory_space<vmem>>, vector<1x16xf32>,
      %swap3A_210 = vector.shape_cast %swap3A_209 : vector<1x16xf32> to vector<16xf32>
      %swap3A_211 = vector.shape_cast %broadcast_in_dim3A_205 : vector<16xf32> to vector<1x16xf32>
      tpu.vector_store %arg12[%swap3A_207, %swap3A_208], %swap3A_211 {strides = array<i32>} : memref<16x128xf32, #tpu.memory_space<vmem>>, vector<1x16xf32>,
      %broadcast_in_dim3A_212 = arith.constant 0.000000e+00 : f32
      %broadcast_in_dim3A_213 = vector.broadcast %broadcast_in_dim3A_212 : f32 to vector<16xf32>
      %swap3A_214 = arith.constant 2 : i32
      %swap3A_215 = arith.index_cast %swap3A_214 : i32 to index
      %swap3A_216 = arith.constant 112 : index
      %swap3A_217 = tpu.vector_load %arg12[%swap3A_215, %swap3A_216] {strides = array<i32>} : memref<16x128xf32, #tpu.memory_space<vmem>>, vector<1x16xf32>,
      %swap3A_218 = vector.shape_cast %swap3A_217 : vector<1x16xf32> to vector<16xf32>
      %swap3A_219 = vector.shape_cast %broadcast_in_dim3A_213 : vector<16xf32> to vector<1x16xf32>
      tpu.vector_store %arg12[%swap3A_215, %swap3A_216], %swap3A_219 {strides = array<i32>} : memref<16x128xf32, #tpu.memory_space<vmem>>, vector<1x16xf32>,
      %broadcast_in_dim3A_220 = arith.constant 0.000000e+00 : f32
      %broadcast_in_dim3A_221 = vector.broadcast %broadcast_in_dim3A_220 : f32 to vector<16xf32>
      %swap3A_222 = arith.constant 3 : i32
      %swap3A_223 = arith.index_cast %swap3A_222 : i32 to index
      %swap3A_224 = arith.constant 0 : index
      %swap3A_225 = tpu.vector_load %arg12[%swap3A_223, %swap3A_224] {strides = array<i32>} : memref<16x128xf32, #tpu.memory_space<vmem>>, vector<1x16xf32>,
      %swap3A_226 = vector.shape_cast %swap3A_225 : vector<1x16xf32> to vector<16xf32>
      %swap3A_227 = vector.shape_cast %broadcast_in_dim3A_221 : vector<16xf32> to vector<1x16xf32>
      tpu.vector_store %arg12[%swap3A_223, %swap3A_224], %swap3A_227 {strides = array<i32>} : memref<16x128xf32, #tpu.memory_space<vmem>>, vector<1x16xf32>,
      %broadcast_in_dim3A_228 = arith.constant 0.000000e+00 : f32
      %broadcast_in_dim3A_229 = vector.broadcast %broadcast_in_dim3A_228 : f32 to vector<16xf32>
      %swap3A_230 = arith.constant 3 : i32
      %swap3A_231 = arith.index_cast %swap3A_230 : i32 to index
      %swap3A_232 = arith.constant 16 : index
      %swap3A_233 = tpu.vector_load %arg12[%swap3A_231, %swap3A_232] {strides = array<i32>} : memref<16x128xf32, #tpu.memory_space<vmem>>, vector<1x16xf32>,
      %swap3A_234 = vector.shape_cast %swap3A_233 : vector<1x16xf32> to vector<16xf32>
      %swap3A_235 = vector.shape_cast %broadcast_in_dim3A_229 : vector<16xf32> to vector<1x16xf32>
      tpu.vector_store %arg12[%swap3A_231, %swap3A_232], %swap3A_235 {strides = array<i32>} : memref<16x128xf32, #tpu.memory_space<vmem>>, vector<1x16xf32>,
      %broadcast_in_dim3A_236 = arith.constant 0.000000e+00 : f32
      %broadcast_in_dim3A_237 = vector.broadcast %broadcast_in_dim3A_236 : f32 to vector<16xf32>
      %swap3A_238 = arith.constant 3 : i32
      %swap3A_239 = arith.index_cast %swap3A_238 : i32 to index
      %swap3A_240 = arith.constant 32 : index
      %swap3A_241 = tpu.vector_load %arg12[%swap3A_239, %swap3A_240] {strides = array<i32>} : memref<16x128xf32, #tpu.memory_space<vmem>>, vector<1x16xf32>,
      %swap3A_242 = vector.shape_cast %swap3A_241 : vector<1x16xf32> to vector<16xf32>
      %swap3A_243 = vector.shape_cast %broadcast_in_dim3A_237 : vector<16xf32> to vector<1x16xf32>
      tpu.vector_store %arg12[%swap3A_239, %swap3A_240], %swap3A_243 {strides = array<i32>} : memref<16x128xf32, #tpu.memory_space<vmem>>, vector<1x16xf32>,
      %broadcast_in_dim3A_244 = arith.constant 0.000000e+00 : f32
      %broadcast_in_dim3A_245 = vector.broadcast %broadcast_in_dim3A_244 : f32 to vector<16xf32>
      %swap3A_246 = arith.constant 3 : i32
      %swap3A_247 = arith.index_cast %swap3A_246 : i32 to index
      %swap3A_248 = arith.constant 48 : index
      %swap3A_249 = tpu.vector_load %arg12[%swap3A_247, %swap3A_248] {strides = array<i32>} : memref<16x128xf32, #tpu.memory_space<vmem>>, vector<1x16xf32>,
      %swap3A_250 = vector.shape_cast %swap3A_249 : vector<1x16xf32> to vector<16xf32>
      %swap3A_251 = vector.shape_cast %broadcast_in_dim3A_245 : vector<16xf32> to vector<1x16xf32>
      tpu.vector_store %arg12[%swap3A_247, %swap3A_248], %swap3A_251 {strides = array<i32>} : memref<16x128xf32, #tpu.memory_space<vmem>>, vector<1x16xf32>,
      %broadcast_in_dim3A_252 = arith.constant 0.000000e+00 : f32
      %broadcast_in_dim3A_253 = vector.broadcast %broadcast_in_dim3A_252 : f32 to vector<16xf32>
      %swap3A_254 = arith.constant 3 : i32
      %swap3A_255 = arith.index_cast %swap3A_254 : i32 to index
      %swap3A_256 = arith.constant 64 : index
      %swap3A_257 = tpu.vector_load %arg12[%swap3A_255, %swap3A_256] {strides = array<i32>} : memref<16x128xf32, #tpu.memory_space<vmem>>, vector<1x16xf32>,
      %swap3A_258 = vector.shape_cast %swap3A_257 : vector<1x16xf32> to vector<16xf32>
      %swap3A_259 = vector.shape_cast %broadcast_in_dim3A_253 : vector<16xf32> to vector<1x16xf32>
      tpu.vector_store %arg12[%swap3A_255, %swap3A_256], %swap3A_259 {strides = array<i32>} : memref<16x128xf32, #tpu.memory_space<vmem>>, vector<1x16xf32>,
      %broadcast_in_dim3A_260 = arith.constant 0.000000e+00 : f32
      %broadcast_in_dim3A_261 = vector.broadcast %broadcast_in_dim3A_260 : f32 to vector<16xf32>
      %swap3A_262 = arith.constant 3 : i32
      %swap3A_263 = arith.index_cast %swap3A_262 : i32 to index
      %swap3A_264 = arith.constant 80 : index
      %swap3A_265 = tpu.vector_load %arg12[%swap3A_263, %swap3A_264] {strides = array<i32>} : memref<16x128xf32, #tpu.memory_space<vmem>>, vector<1x16xf32>,
      %swap3A_266 = vector.shape_cast %swap3A_265 : vector<1x16xf32> to vector<16xf32>
      %swap3A_267 = vector.shape_cast %broadcast_in_dim3A_261 : vector<16xf32> to vector<1x16xf32>
      tpu.vector_store %arg12[%swap3A_263, %swap3A_264], %swap3A_267 {strides = array<i32>} : memref<16x128xf32, #tpu.memory_space<vmem>>, vector<1x16xf32>,
      %broadcast_in_dim3A_268 = arith.constant 0.000000e+00 : f32
      %broadcast_in_dim3A_269 = vector.broadcast %broadcast_in_dim3A_268 : f32 to vector<16xf32>
      %swap3A_270 = arith.constant 3 : i32
      %swap3A_271 = arith.index_cast %swap3A_270 : i32 to index
      %swap3A_272 = arith.constant 96 : index
      %swap3A_273 = tpu.vector_load %arg12[%swap3A_271, %swap3A_272] {strides = array<i32>} : memref<16x128xf32, #tpu.memory_space<vmem>>, vector<1x16xf32>,
      %swap3A_274 = vector.shape_cast %swap3A_273 : vector<1x16xf32> to vector<16xf32>
      %swap3A_275 = vector.shape_cast %broadcast_in_dim3A_269 : vector<16xf32> to vector<1x16xf32>
      tpu.vector_store %arg12[%swap3A_271, %swap3A_272], %swap3A_275 {strides = array<i32>} : memref<16x128xf32, #tpu.memory_space<vmem>>, vector<1x16xf32>,
      %broadcast_in_dim3A_276 = arith.constant 0.000000e+00 : f32
      %broadcast_in_dim3A_277 = vector.broadcast %broadcast_in_dim3A_276 : f32 to vector<16xf32>
      %swap3A_278 = arith.constant 3 : i32
      %swap3A_279 = arith.index_cast %swap3A_278 : i32 to index
      %swap3A_280 = arith.constant 112 : index
      %swap3A_281 = tpu.vector_load %arg12[%swap3A_279, %swap3A_280] {strides = array<i32>} : memref<16x128xf32, #tpu.memory_space<vmem>>, vector<1x16xf32>,
      %swap3A_282 = vector.shape_cast %swap3A_281 : vector<1x16xf32> to vector<16xf32>
      %swap3A_283 = vector.shape_cast %broadcast_in_dim3A_277 : vector<16xf32> to vector<1x16xf32>
      tpu.vector_store %arg12[%swap3A_279, %swap3A_280], %swap3A_283 {strides = array<i32>} : memref<16x128xf32, #tpu.memory_space<vmem>>, vector<1x16xf32>,
      %broadcast_in_dim3A_284 = arith.constant 0.000000e+00 : f32
      %broadcast_in_dim3A_285 = vector.broadcast %broadcast_in_dim3A_284 : f32 to vector<16xf32>
      %swap3A_286 = arith.constant 4 : i32
      %swap3A_287 = arith.index_cast %swap3A_286 : i32 to index
      %swap3A_288 = arith.constant 0 : index
      %swap3A_289 = tpu.vector_load %arg12[%swap3A_287, %swap3A_288] {strides = array<i32>} : memref<16x128xf32, #tpu.memory_space<vmem>>, vector<1x16xf32>,
      %swap3A_290 = vector.shape_cast %swap3A_289 : vector<1x16xf32> to vector<16xf32>
      %swap3A_291 = vector.shape_cast %broadcast_in_dim3A_285 : vector<16xf32> to vector<1x16xf32>
      tpu.vector_store %arg12[%swap3A_287, %swap3A_288], %swap3A_291 {strides = array<i32>} : memref<16x128xf32, #tpu.memory_space<vmem>>, vector<1x16xf32>,
      %broadcast_in_dim3A_292 = arith.constant 0.000000e+00 : f32
      %broadcast_in_dim3A_293 = vector.broadcast %broadcast_in_dim3A_292 : f32 to vector<16xf32>
      %swap3A_294 = arith.constant 4 : i32
      %swap3A_295 = arith.index_cast %swap3A_294 : i32 to index
      %swap3A_296 = arith.constant 16 : index
      %swap3A_297 = tpu.vector_load %arg12[%swap3A_295, %swap3A_296] {strides = array<i32>} : memref<16x128xf32, #tpu.memory_space<vmem>>, vector<1x16xf32>,
      %swap3A_298 = vector.shape_cast %swap3A_297 : vector<1x16xf32> to vector<16xf32>
      %swap3A_299 = vector.shape_cast %broadcast_in_dim3A_293 : vector<16xf32> to vector<1x16xf32>
      tpu.vector_store %arg12[%swap3A_295, %swap3A_296], %swap3A_299 {strides = array<i32>} : memref<16x128xf32, #tpu.memory_space<vmem>>, vector<1x16xf32>,
      %broadcast_in_dim3A_300 = arith.constant 0.000000e+00 : f32
      %broadcast_in_dim3A_301 = vector.broadcast %broadcast_in_dim3A_300 : f32 to vector<16xf32>
      %swap3A_302 = arith.constant 4 : i32
      %swap3A_303 = arith.index_cast %swap3A_302 : i32 to index
      %swap3A_304 = arith.constant 32 : index
      %swap3A_305 = tpu.vector_load %arg12[%swap3A_303, %swap3A_304] {strides = array<i32>} : memref<16x128xf32, #tpu.memory_space<vmem>>, vector<1x16xf32>,
      %swap3A_306 = vector.shape_cast %swap3A_305 : vector<1x16xf32> to vector<16xf32>
      %swap3A_307 = vector.shape_cast %broadcast_in_dim3A_301 : vector<16xf32> to vector<1x16xf32>
      tpu.vector_store %arg12[%swap3A_303, %swap3A_304], %swap3A_307 {strides = array<i32>} : memref<16x128xf32, #tpu.memory_space<vmem>>, vector<1x16xf32>,
      %broadcast_in_dim3A_308 = arith.constant 0.000000e+00 : f32
      %broadcast_in_dim3A_309 = vector.broadcast %broadcast_in_dim3A_308 : f32 to vector<16xf32>
      %swap3A_310 = arith.constant 4 : i32
      %swap3A_311 = arith.index_cast %swap3A_310 : i32 to index
      %swap3A_312 = arith.constant 48 : index
      %swap3A_313 = tpu.vector_load %arg12[%swap3A_311, %swap3A_312] {strides = array<i32>} : memref<16x128xf32, #tpu.memory_space<vmem>>, vector<1x16xf32>,
      %swap3A_314 = vector.shape_cast %swap3A_313 : vector<1x16xf32> to vector<16xf32>
      %swap3A_315 = vector.shape_cast %broadcast_in_dim3A_309 : vector<16xf32> to vector<1x16xf32>
      tpu.vector_store %arg12[%swap3A_311, %swap3A_312], %swap3A_315 {strides = array<i32>} : memref<16x128xf32, #tpu.memory_space<vmem>>, vector<1x16xf32>,
      %broadcast_in_dim3A_316 = arith.constant 0.000000e+00 : f32
      %broadcast_in_dim3A_317 = vector.broadcast %broadcast_in_dim3A_316 : f32 to vector<16xf32>
      %swap3A_318 = arith.constant 4 : i32
      %swap3A_319 = arith.index_cast %swap3A_318 : i32 to index
      %swap3A_320 = arith.constant 64 : index
      %swap3A_321 = tpu.vector_load %arg12[%swap3A_319, %swap3A_320] {strides = array<i32>} : memref<16x128xf32, #tpu.memory_space<vmem>>, vector<1x16xf32>,
      %swap3A_322 = vector.shape_cast %swap3A_321 : vector<1x16xf32> to vector<16xf32>
      %swap3A_323 = vector.shape_cast %broadcast_in_dim3A_317 : vector<16xf32> to vector<1x16xf32>
      tpu.vector_store %arg12[%swap3A_319, %swap3A_320], %swap3A_323 {strides = array<i32>} : memref<16x128xf32, #tpu.memory_space<vmem>>, vector<1x16xf32>,
      %broadcast_in_dim3A_324 = arith.constant 0.000000e+00 : f32
      %broadcast_in_dim3A_325 = vector.broadcast %broadcast_in_dim3A_324 : f32 to vector<16xf32>
      %swap3A_326 = arith.constant 4 : i32
      %swap3A_327 = arith.index_cast %swap3A_326 : i32 to index
      %swap3A_328 = arith.constant 80 : index
      %swap3A_329 = tpu.vector_load %arg12[%swap3A_327, %swap3A_328] {strides = array<i32>} : memref<16x128xf32, #tpu.memory_space<vmem>>, vector<1x16xf32>,
      %swap3A_330 = vector.shape_cast %swap3A_329 : vector<1x16xf32> to vector<16xf32>
      %swap3A_331 = vector.shape_cast %broadcast_in_dim3A_325 : vector<16xf32> to vector<1x16xf32>
      tpu.vector_store %arg12[%swap3A_327, %swap3A_328], %swap3A_331 {strides = array<i32>} : memref<16x128xf32, #tpu.memory_space<vmem>>, vector<1x16xf32>,
      %broadcast_in_dim3A_332 = arith.constant 0.000000e+00 : f32
      %broadcast_in_dim3A_333 = vector.broadcast %broadcast_in_dim3A_332 : f32 to vector<16xf32>
      %swap3A_334 = arith.constant 4 : i32
      %swap3A_335 = arith.index_cast %swap3A_334 : i32 to index
      %swap3A_336 = arith.constant 96 : index
      %swap3A_337 = tpu.vector_load %arg12[%swap3A_335, %swap3A_336] {strides = array<i32>} : memref<16x128xf32, #tpu.memory_space<vmem>>, vector<1x16xf32>,
      %swap3A_338 = vector.shape_cast %swap3A_337 : vector<1x16xf32> to vector<16xf32>
      %swap3A_339 = vector.shape_cast %broadcast_in_dim3A_333 : vector<16xf32> to vector<1x16xf32>
      tpu.vector_store %arg12[%swap3A_335, %swap3A_336], %swap3A_339 {strides = array<i32>} : memref<16x128xf32, #tpu.memory_space<vmem>>, vector<1x16xf32>,
      %broadcast_in_dim3A_340 = arith.constant 0.000000e+00 : f32
      %broadcast_in_dim3A_341 = vector.broadcast %broadcast_in_dim3A_340 : f32 to vector<16xf32>
      %swap3A_342 = arith.constant 4 : i32
      %swap3A_343 = arith.index_cast %swap3A_342 : i32 to index
      %swap3A_344 = arith.constant 112 : index
      %swap3A_345 = tpu.vector_load %arg12[%swap3A_343, %swap3A_344] {strides = array<i32>} : memref<16x128xf32, #tpu.memory_space<vmem>>, vector<1x16xf32>,
      %swap3A_346 = vector.shape_cast %swap3A_345 : vector<1x16xf32> to vector<16xf32>
      %swap3A_347 = vector.shape_cast %broadcast_in_dim3A_341 : vector<16xf32> to vector<1x16xf32>
      tpu.vector_store %arg12[%swap3A_343, %swap3A_344], %swap3A_347 {strides = array<i32>} : memref<16x128xf32, #tpu.memory_space<vmem>>, vector<1x16xf32>,
      %broadcast_in_dim3A_348 = arith.constant 0.000000e+00 : f32
      %broadcast_in_dim3A_349 = vector.broadcast %broadcast_in_dim3A_348 : f32 to vector<16xf32>
      %swap3A_350 = arith.constant 5 : i32
      %swap3A_351 = arith.index_cast %swap3A_350 : i32 to index
      %swap3A_352 = arith.constant 0 : index
      %swap3A_353 = tpu.vector_load %arg12[%swap3A_351, %swap3A_352] {strides = array<i32>} : memref<16x128xf32, #tpu.memory_space<vmem>>, vector<1x16xf32>,
      %swap3A_354 = vector.shape_cast %swap3A_353 : vector<1x16xf32> to vector<16xf32>
      %swap3A_355 = vector.shape_cast %broadcast_in_dim3A_349 : vector<16xf32> to vector<1x16xf32>
      tpu.vector_store %arg12[%swap3A_351, %swap3A_352], %swap3A_355 {strides = array<i32>} : memref<16x128xf32, #tpu.memory_space<vmem>>, vector<1x16xf32>,
      %broadcast_in_dim3A_356 = arith.constant 0.000000e+00 : f32
      %broadcast_in_dim3A_357 = vector.broadcast %broadcast_in_dim3A_356 : f32 to vector<16xf32>
      %swap3A_358 = arith.constant 5 : i32
      %swap3A_359 = arith.index_cast %swap3A_358 : i32 to index
      %swap3A_360 = arith.constant 16 : index
      %swap3A_361 = tpu.vector_load %arg12[%swap3A_359, %swap3A_360] {strides = array<i32>} : memref<16x128xf32, #tpu.memory_space<vmem>>, vector<1x16xf32>,
      %swap3A_362 = vector.shape_cast %swap3A_361 : vector<1x16xf32> to vector<16xf32>
      %swap3A_363 = vector.shape_cast %broadcast_in_dim3A_357 : vector<16xf32> to vector<1x16xf32>
      tpu.vector_store %arg12[%swap3A_359, %swap3A_360], %swap3A_363 {strides = array<i32>} : memref<16x128xf32, #tpu.memory_space<vmem>>, vector<1x16xf32>,
      %broadcast_in_dim3A_364 = arith.constant 0.000000e+00 : f32
      %broadcast_in_dim3A_365 = vector.broadcast %broadcast_in_dim3A_364 : f32 to vector<16xf32>
      %swap3A_366 = arith.constant 5 : i32
      %swap3A_367 = arith.index_cast %swap3A_366 : i32 to index
      %swap3A_368 = arith.constant 32 : index
      %swap3A_369 = tpu.vector_load %arg12[%swap3A_367, %swap3A_368] {strides = array<i32>} : memref<16x128xf32, #tpu.memory_space<vmem>>, vector<1x16xf32>,
      %swap3A_370 = vector.shape_cast %swap3A_369 : vector<1x16xf32> to vector<16xf32>
      %swap3A_371 = vector.shape_cast %broadcast_in_dim3A_365 : vector<16xf32> to vector<1x16xf32>
      tpu.vector_store %arg12[%swap3A_367, %swap3A_368], %swap3A_371 {strides = array<i32>} : memref<16x128xf32, #tpu.memory_space<vmem>>, vector<1x16xf32>,
      %broadcast_in_dim3A_372 = arith.constant 0.000000e+00 : f32
      %broadcast_in_dim3A_373 = vector.broadcast %broadcast_in_dim3A_372 : f32 to vector<16xf32>
      %swap3A_374 = arith.constant 5 : i32
      %swap3A_375 = arith.index_cast %swap3A_374 : i32 to index
      %swap3A_376 = arith.constant 48 : index
      %swap3A_377 = tpu.vector_load %arg12[%swap3A_375, %swap3A_376] {strides = array<i32>} : memref<16x128xf32, #tpu.memory_space<vmem>>, vector<1x16xf32>,
      %swap3A_378 = vector.shape_cast %swap3A_377 : vector<1x16xf32> to vector<16xf32>
      %swap3A_379 = vector.shape_cast %broadcast_in_dim3A_373 : vector<16xf32> to vector<1x16xf32>
      tpu.vector_store %arg12[%swap3A_375, %swap3A_376], %swap3A_379 {strides = array<i32>} : memref<16x128xf32, #tpu.memory_space<vmem>>, vector<1x16xf32>,
      %broadcast_in_dim3A_380 = arith.constant 0.000000e+00 : f32
      %broadcast_in_dim3A_381 = vector.broadcast %broadcast_in_dim3A_380 : f32 to vector<16xf32>
      %swap3A_382 = arith.constant 5 : i32
      %swap3A_383 = arith.index_cast %swap3A_382 : i32 to index
      %swap3A_384 = arith.constant 64 : index
      %swap3A_385 = tpu.vector_load %arg12[%swap3A_383, %swap3A_384] {strides = array<i32>} : memref<16x128xf32, #tpu.memory_space<vmem>>, vector<1x16xf32>,
      %swap3A_386 = vector.shape_cast %swap3A_385 : vector<1x16xf32> to vector<16xf32>
      %swap3A_387 = vector.shape_cast %broadcast_in_dim3A_381 : vector<16xf32> to vector<1x16xf32>
      tpu.vector_store %arg12[%swap3A_383, %swap3A_384], %swap3A_387 {strides = array<i32>} : memref<16x128xf32, #tpu.memory_space<vmem>>, vector<1x16xf32>,
      %broadcast_in_dim3A_388 = arith.constant 0.000000e+00 : f32
      %broadcast_in_dim3A_389 = vector.broadcast %broadcast_in_dim3A_388 : f32 to vector<16xf32>
      %swap3A_390 = arith.constant 5 : i32
      %swap3A_391 = arith.index_cast %swap3A_390 : i32 to index
      %swap3A_392 = arith.constant 80 : index
      %swap3A_393 = tpu.vector_load %arg12[%swap3A_391, %swap3A_392] {strides = array<i32>} : memref<16x128xf32, #tpu.memory_space<vmem>>, vector<1x16xf32>,
      %swap3A_394 = vector.shape_cast %swap3A_393 : vector<1x16xf32> to vector<16xf32>
      %swap3A_395 = vector.shape_cast %broadcast_in_dim3A_389 : vector<16xf32> to vector<1x16xf32>
      tpu.vector_store %arg12[%swap3A_391, %swap3A_392], %swap3A_395 {strides = array<i32>} : memref<16x128xf32, #tpu.memory_space<vmem>>, vector<1x16xf32>,
      %broadcast_in_dim3A_396 = arith.constant 0.000000e+00 : f32
      %broadcast_in_dim3A_397 = vector.broadcast %broadcast_in_dim3A_396 : f32 to vector<16xf32>
      %swap3A_398 = arith.constant 5 : i32
      %swap3A_399 = arith.index_cast %swap3A_398 : i32 to index
      %swap3A_400 = arith.constant 96 : index
      %swap3A_401 = tpu.vector_load %arg12[%swap3A_399, %swap3A_400] {strides = array<i32>} : memref<16x128xf32, #tpu.memory_space<vmem>>, vector<1x16xf32>,
      %swap3A_402 = vector.shape_cast %swap3A_401 : vector<1x16xf32> to vector<16xf32>
      %swap3A_403 = vector.shape_cast %broadcast_in_dim3A_397 : vector<16xf32> to vector<1x16xf32>
      tpu.vector_store %arg12[%swap3A_399, %swap3A_400], %swap3A_403 {strides = array<i32>} : memref<16x128xf32, #tpu.memory_space<vmem>>, vector<1x16xf32>,
      %broadcast_in_dim3A_404 = arith.constant 0.000000e+00 : f32
      %broadcast_in_dim3A_405 = vector.broadcast %broadcast_in_dim3A_404 : f32 to vector<16xf32>
      %swap3A_406 = arith.constant 5 : i32
      %swap3A_407 = arith.index_cast %swap3A_406 : i32 to index
      %swap3A_408 = arith.constant 112 : index
      %swap3A_409 = tpu.vector_load %arg12[%swap3A_407, %swap3A_408] {strides = array<i32>} : memref<16x128xf32, #tpu.memory_space<vmem>>, vector<1x16xf32>,
      %swap3A_410 = vector.shape_cast %swap3A_409 : vector<1x16xf32> to vector<16xf32>
      %swap3A_411 = vector.shape_cast %broadcast_in_dim3A_405 : vector<16xf32> to vector<1x16xf32>
      tpu.vector_store %arg12[%swap3A_407, %swap3A_408], %swap3A_411 {strides = array<i32>} : memref<16x128xf32, #tpu.memory_space<vmem>>, vector<1x16xf32>,
      %broadcast_in_dim3A_412 = arith.constant 0.000000e+00 : f32
      %broadcast_in_dim3A_413 = vector.broadcast %broadcast_in_dim3A_412 : f32 to vector<16xf32>
      %swap3A_414 = arith.constant 6 : i32
      %swap3A_415 = arith.index_cast %swap3A_414 : i32 to index
      %swap3A_416 = arith.constant 0 : index
      %swap3A_417 = tpu.vector_load %arg12[%swap3A_415, %swap3A_416] {strides = array<i32>} : memref<16x128xf32, #tpu.memory_space<vmem>>, vector<1x16xf32>,
      %swap3A_418 = vector.shape_cast %swap3A_417 : vector<1x16xf32> to vector<16xf32>
      %swap3A_419 = vector.shape_cast %broadcast_in_dim3A_413 : vector<16xf32> to vector<1x16xf32>
      tpu.vector_store %arg12[%swap3A_415, %swap3A_416], %swap3A_419 {strides = array<i32>} : memref<16x128xf32, #tpu.memory_space<vmem>>, vector<1x16xf32>,
      %broadcast_in_dim3A_420 = arith.constant 0.000000e+00 : f32
      %broadcast_in_dim3A_421 = vector.broadcast %broadcast_in_dim3A_420 : f32 to vector<16xf32>
      %swap3A_422 = arith.constant 6 : i32
      %swap3A_423 = arith.index_cast %swap3A_422 : i32 to index
      %swap3A_424 = arith.constant 16 : index
      %swap3A_425 = tpu.vector_load %arg12[%swap3A_423, %swap3A_424] {strides = array<i32>} : memref<16x128xf32, #tpu.memory_space<vmem>>, vector<1x16xf32>,
      %swap3A_426 = vector.shape_cast %swap3A_425 : vector<1x16xf32> to vector<16xf32>
      %swap3A_427 = vector.shape_cast %broadcast_in_dim3A_421 : vector<16xf32> to vector<1x16xf32>
      tpu.vector_store %arg12[%swap3A_423, %swap3A_424], %swap3A_427 {strides = array<i32>} : memref<16x128xf32, #tpu.memory_space<vmem>>, vector<1x16xf32>,
      %broadcast_in_dim3A_428 = arith.constant 0.000000e+00 : f32
      %broadcast_in_dim3A_429 = vector.broadcast %broadcast_in_dim3A_428 : f32 to vector<16xf32>
      %swap3A_430 = arith.constant 6 : i32
      %swap3A_431 = arith.index_cast %swap3A_430 : i32 to index
      %swap3A_432 = arith.constant 32 : index
      %swap3A_433 = tpu.vector_load %arg12[%swap3A_431, %swap3A_432] {strides = array<i32>} : memref<16x128xf32, #tpu.memory_space<vmem>>, vector<1x16xf32>,
      %swap3A_434 = vector.shape_cast %swap3A_433 : vector<1x16xf32> to vector<16xf32>
      %swap3A_435 = vector.shape_cast %broadcast_in_dim3A_429 : vector<16xf32> to vector<1x16xf32>
      tpu.vector_store %arg12[%swap3A_431, %swap3A_432], %swap3A_435 {strides = array<i32>} : memref<16x128xf32, #tpu.memory_space<vmem>>, vector<1x16xf32>,
      %broadcast_in_dim3A_436 = arith.constant 0.000000e+00 : f32
      %broadcast_in_dim3A_437 = vector.broadcast %broadcast_in_dim3A_436 : f32 to vector<16xf32>
      %swap3A_438 = arith.constant 6 : i32
      %swap3A_439 = arith.index_cast %swap3A_438 : i32 to index
      %swap3A_440 = arith.constant 48 : index
      %swap3A_441 = tpu.vector_load %arg12[%swap3A_439, %swap3A_440] {strides = array<i32>} : memref<16x128xf32, #tpu.memory_space<vmem>>, vector<1x16xf32>,
      %swap3A_442 = vector.shape_cast %swap3A_441 : vector<1x16xf32> to vector<16xf32>
      %swap3A_443 = vector.shape_cast %broadcast_in_dim3A_437 : vector<16xf32> to vector<1x16xf32>
      tpu.vector_store %arg12[%swap3A_439, %swap3A_440], %swap3A_443 {strides = array<i32>} : memref<16x128xf32, #tpu.memory_space<vmem>>, vector<1x16xf32>,
      %broadcast_in_dim3A_444 = arith.constant 0.000000e+00 : f32
      %broadcast_in_dim3A_445 = vector.broadcast %broadcast_in_dim3A_444 : f32 to vector<16xf32>
      %swap3A_446 = arith.constant 6 : i32
      %swap3A_447 = arith.index_cast %swap3A_446 : i32 to index
      %swap3A_448 = arith.constant 64 : index
      %swap3A_449 = tpu.vector_load %arg12[%swap3A_447, %swap3A_448] {strides = array<i32>} : memref<16x128xf32, #tpu.memory_space<vmem>>, vector<1x16xf32>,
      %swap3A_450 = vector.shape_cast %swap3A_449 : vector<1x16xf32> to vector<16xf32>
      %swap3A_451 = vector.shape_cast %broadcast_in_dim3A_445 : vector<16xf32> to vector<1x16xf32>
      tpu.vector_store %arg12[%swap3A_447, %swap3A_448], %swap3A_451 {strides = array<i32>} : memref<16x128xf32, #tpu.memory_space<vmem>>, vector<1x16xf32>,
      %broadcast_in_dim3A_452 = arith.constant 0.000000e+00 : f32
      %broadcast_in_dim3A_453 = vector.broadcast %broadcast_in_dim3A_452 : f32 to vector<16xf32>
      %swap3A_454 = arith.constant 6 : i32
      %swap3A_455 = arith.index_cast %swap3A_454 : i32 to index
      %swap3A_456 = arith.constant 80 : index
      %swap3A_457 = tpu.vector_load %arg12[%swap3A_455, %swap3A_456] {strides = array<i32>} : memref<16x128xf32, #tpu.memory_space<vmem>>, vector<1x16xf32>,
      %swap3A_458 = vector.shape_cast %swap3A_457 : vector<1x16xf32> to vector<16xf32>
      %swap3A_459 = vector.shape_cast %broadcast_in_dim3A_453 : vector<16xf32> to vector<1x16xf32>
      tpu.vector_store %arg12[%swap3A_455, %swap3A_456], %swap3A_459 {strides = array<i32>} : memref<16x128xf32, #tpu.memory_space<vmem>>, vector<1x16xf32>,
      %broadcast_in_dim3A_460 = arith.constant 0.000000e+00 : f32
      %broadcast_in_dim3A_461 = vector.broadcast %broadcast_in_dim3A_460 : f32 to vector<16xf32>
      %swap3A_462 = arith.constant 6 : i32
      %swap3A_463 = arith.index_cast %swap3A_462 : i32 to index
      %swap3A_464 = arith.constant 96 : index
      %swap3A_465 = tpu.vector_load %arg12[%swap3A_463, %swap3A_464] {strides = array<i32>} : memref<16x128xf32, #tpu.memory_space<vmem>>, vector<1x16xf32>,
      %swap3A_466 = vector.shape_cast %swap3A_465 : vector<1x16xf32> to vector<16xf32>
      %swap3A_467 = vector.shape_cast %broadcast_in_dim3A_461 : vector<16xf32> to vector<1x16xf32>
      tpu.vector_store %arg12[%swap3A_463, %swap3A_464], %swap3A_467 {strides = array<i32>} : memref<16x128xf32, #tpu.memory_space<vmem>>, vector<1x16xf32>,
      %broadcast_in_dim3A_468 = arith.constant 0.000000e+00 : f32
      %broadcast_in_dim3A_469 = vector.broadcast %broadcast_in_dim3A_468 : f32 to vector<16xf32>
      %swap3A_470 = arith.constant 6 : i32
      %swap3A_471 = arith.index_cast %swap3A_470 : i32 to index
      %swap3A_472 = arith.constant 112 : index
      %swap3A_473 = tpu.vector_load %arg12[%swap3A_471, %swap3A_472] {strides = array<i32>} : memref<16x128xf32, #tpu.memory_space<vmem>>, vector<1x16xf32>,
      %swap3A_474 = vector.shape_cast %swap3A_473 : vector<1x16xf32> to vector<16xf32>
      %swap3A_475 = vector.shape_cast %broadcast_in_dim3A_469 : vector<16xf32> to vector<1x16xf32>
      tpu.vector_store %arg12[%swap3A_471, %swap3A_472], %swap3A_475 {strides = array<i32>} : memref<16x128xf32, #tpu.memory_space<vmem>>, vector<1x16xf32>,
      %broadcast_in_dim3A_476 = arith.constant 0.000000e+00 : f32
      %broadcast_in_dim3A_477 = vector.broadcast %broadcast_in_dim3A_476 : f32 to vector<16xf32>
      %swap3A_478 = arith.constant 7 : i32
      %swap3A_479 = arith.index_cast %swap3A_478 : i32 to index
      %swap3A_480 = arith.constant 0 : index
      %swap3A_481 = tpu.vector_load %arg12[%swap3A_479, %swap3A_480] {strides = array<i32>} : memref<16x128xf32, #tpu.memory_space<vmem>>, vector<1x16xf32>,
      %swap3A_482 = vector.shape_cast %swap3A_481 : vector<1x16xf32> to vector<16xf32>
      %swap3A_483 = vector.shape_cast %broadcast_in_dim3A_477 : vector<16xf32> to vector<1x16xf32>
      tpu.vector_store %arg12[%swap3A_479, %swap3A_480], %swap3A_483 {strides = array<i32>} : memref<16x128xf32, #tpu.memory_space<vmem>>, vector<1x16xf32>,
      %broadcast_in_dim3A_484 = arith.constant 0.000000e+00 : f32
      %broadcast_in_dim3A_485 = vector.broadcast %broadcast_in_dim3A_484 : f32 to vector<16xf32>
      %swap3A_486 = arith.constant 7 : i32
      %swap3A_487 = arith.index_cast %swap3A_486 : i32 to index
      %swap3A_488 = arith.constant 16 : index
      %swap3A_489 = tpu.vector_load %arg12[%swap3A_487, %swap3A_488] {strides = array<i32>} : memref<16x128xf32, #tpu.memory_space<vmem>>, vector<1x16xf32>,
      %swap3A_490 = vector.shape_cast %swap3A_489 : vector<1x16xf32> to vector<16xf32>
      %swap3A_491 = vector.shape_cast %broadcast_in_dim3A_485 : vector<16xf32> to vector<1x16xf32>
      tpu.vector_store %arg12[%swap3A_487, %swap3A_488], %swap3A_491 {strides = array<i32>} : memref<16x128xf32, #tpu.memory_space<vmem>>, vector<1x16xf32>,
      %broadcast_in_dim3A_492 = arith.constant 0.000000e+00 : f32
      %broadcast_in_dim3A_493 = vector.broadcast %broadcast_in_dim3A_492 : f32 to vector<16xf32>
      %swap3A_494 = arith.constant 7 : i32
      %swap3A_495 = arith.index_cast %swap3A_494 : i32 to index
      %swap3A_496 = arith.constant 32 : index
      %swap3A_497 = tpu.vector_load %arg12[%swap3A_495, %swap3A_496] {strides = array<i32>} : memref<16x128xf32, #tpu.memory_space<vmem>>, vector<1x16xf32>,
      %swap3A_498 = vector.shape_cast %swap3A_497 : vector<1x16xf32> to vector<16xf32>
      %swap3A_499 = vector.shape_cast %broadcast_in_dim3A_493 : vector<16xf32> to vector<1x16xf32>
      tpu.vector_store %arg12[%swap3A_495, %swap3A_496], %swap3A_499 {strides = array<i32>} : memref<16x128xf32, #tpu.memory_space<vmem>>, vector<1x16xf32>,
      %broadcast_in_dim3A_500 = arith.constant 0.000000e+00 : f32
      %broadcast_in_dim3A_501 = vector.broadcast %broadcast_in_dim3A_500 : f32 to vector<16xf32>
      %swap3A_502 = arith.constant 7 : i32
      %swap3A_503 = arith.index_cast %swap3A_502 : i32 to index
      %swap3A_504 = arith.constant 48 : index
      %swap3A_505 = tpu.vector_load %arg12[%swap3A_503, %swap3A_504] {strides = array<i32>} : memref<16x128xf32, #tpu.memory_space<vmem>>, vector<1x16xf32>,
      %swap3A_506 = vector.shape_cast %swap3A_505 : vector<1x16xf32> to vector<16xf32>
      %swap3A_507 = vector.shape_cast %broadcast_in_dim3A_501 : vector<16xf32> to vector<1x16xf32>
      tpu.vector_store %arg12[%swap3A_503, %swap3A_504], %swap3A_507 {strides = array<i32>} : memref<16x128xf32, #tpu.memory_space<vmem>>, vector<1x16xf32>,
      %broadcast_in_dim3A_508 = arith.constant 0.000000e+00 : f32
      %broadcast_in_dim3A_509 = vector.broadcast %broadcast_in_dim3A_508 : f32 to vector<16xf32>
      %swap3A_510 = arith.constant 7 : i32
      %swap3A_511 = arith.index_cast %swap3A_510 : i32 to index
      %swap3A_512 = arith.constant 64 : index
      %swap3A_513 = tpu.vector_load %arg12[%swap3A_511, %swap3A_512] {strides = array<i32>} : memref<16x128xf32, #tpu.memory_space<vmem>>, vector<1x16xf32>,
      %swap3A_514 = vector.shape_cast %swap3A_513 : vector<1x16xf32> to vector<16xf32>
      %swap3A_515 = vector.shape_cast %broadcast_in_dim3A_509 : vector<16xf32> to vector<1x16xf32>
      tpu.vector_store %arg12[%swap3A_511, %swap3A_512], %swap3A_515 {strides = array<i32>} : memref<16x128xf32, #tpu.memory_space<vmem>>, vector<1x16xf32>,
      %broadcast_in_dim3A_516 = arith.constant 0.000000e+00 : f32
      %broadcast_in_dim3A_517 = vector.broadcast %broadcast_in_dim3A_516 : f32 to vector<16xf32>
      %swap3A_518 = arith.constant 7 : i32
      %swap3A_519 = arith.index_cast %swap3A_518 : i32 to index
      %swap3A_520 = arith.constant 80 : index
      %swap3A_521 = tpu.vector_load %arg12[%swap3A_519, %swap3A_520] {strides = array<i32>} : memref<16x128xf32, #tpu.memory_space<vmem>>, vector<1x16xf32>,
      %swap3A_522 = vector.shape_cast %swap3A_521 : vector<1x16xf32> to vector<16xf32>
      %swap3A_523 = vector.shape_cast %broadcast_in_dim3A_517 : vector<16xf32> to vector<1x16xf32>
      tpu.vector_store %arg12[%swap3A_519, %swap3A_520], %swap3A_523 {strides = array<i32>} : memref<16x128xf32, #tpu.memory_space<vmem>>, vector<1x16xf32>,
      %broadcast_in_dim3A_524 = arith.constant 0.000000e+00 : f32
      %broadcast_in_dim3A_525 = vector.broadcast %broadcast_in_dim3A_524 : f32 to vector<16xf32>
      %swap3A_526 = arith.constant 7 : i32
      %swap3A_527 = arith.index_cast %swap3A_526 : i32 to index
      %swap3A_528 = arith.constant 96 : index
      %swap3A_529 = tpu.vector_load %arg12[%swap3A_527, %swap3A_528] {strides = array<i32>} : memref<16x128xf32, #tpu.memory_space<vmem>>, vector<1x16xf32>,
      %swap3A_530 = vector.shape_cast %swap3A_529 : vector<1x16xf32> to vector<16xf32>
      %swap3A_531 = vector.shape_cast %broadcast_in_dim3A_525 : vector<16xf32> to vector<1x16xf32>
      tpu.vector_store %arg12[%swap3A_527, %swap3A_528], %swap3A_531 {strides = array<i32>} : memref<16x128xf32, #tpu.memory_space<vmem>>, vector<1x16xf32>,
      %broadcast_in_dim3A_532 = arith.constant 0.000000e+00 : f32
      %broadcast_in_dim3A_533 = vector.broadcast %broadcast_in_dim3A_532 : f32 to vector<16xf32>
      %swap3A_534 = arith.constant 7 : i32
      %swap3A_535 = arith.index_cast %swap3A_534 : i32 to index
      %swap3A_536 = arith.constant 112 : index
      %swap3A_537 = tpu.vector_load %arg12[%swap3A_535, %swap3A_536] {strides = array<i32>} : memref<16x128xf32, #tpu.memory_space<vmem>>, vector<1x16xf32>,
      %swap3A_538 = vector.shape_cast %swap3A_537 : vector<1x16xf32> to vector<16xf32>
      %swap3A_539 = vector.shape_cast %broadcast_in_dim3A_533 : vector<16xf32> to vector<1x16xf32>
      tpu.vector_store %arg12[%swap3A_535, %swap3A_536], %swap3A_539 {strides = array<i32>} : memref<16x128xf32, #tpu.memory_space<vmem>>, vector<1x16xf32>,
      %broadcast_in_dim3A_540 = arith.constant 0.000000e+00 : f32
      %broadcast_in_dim3A_541 = vector.broadcast %broadcast_in_dim3A_540 : f32 to vector<16xf32>
      %swap3A_542 = arith.constant 8 : i32
      %swap3A_543 = arith.index_cast %swap3A_542 : i32 to index
      %swap3A_544 = arith.constant 0 : index
      %swap3A_545 = tpu.vector_load %arg12[%swap3A_543, %swap3A_544] {strides = array<i32>} : memref<16x128xf32, #tpu.memory_space<vmem>>, vector<1x16xf32>,
      %swap3A_546 = vector.shape_cast %swap3A_545 : vector<1x16xf32> to vector<16xf32>
      %swap3A_547 = vector.shape_cast %broadcast_in_dim3A_541 : vector<16xf32> to vector<1x16xf32>
      tpu.vector_store %arg12[%swap3A_543, %swap3A_544], %swap3A_547 {strides = array<i32>} : memref<16x128xf32, #tpu.memory_space<vmem>>, vector<1x16xf32>,
      %broadcast_in_dim3A_548 = arith.constant 0.000000e+00 : f32
      %broadcast_in_dim3A_549 = vector.broadcast %broadcast_in_dim3A_548 : f32 to vector<16xf32>
      %swap3A_550 = arith.constant 8 : i32
      %swap3A_551 = arith.index_cast %swap3A_550 : i32 to index
      %swap3A_552 = arith.constant 16 : index
      %swap3A_553 = tpu.vector_load %arg12[%swap3A_551, %swap3A_552] {strides = array<i32>} : memref<16x128xf32, #tpu.memory_space<vmem>>, vector<1x16xf32>,
      %swap3A_554 = vector.shape_cast %swap3A_553 : vector<1x16xf32> to vector<16xf32>
      %swap3A_555 = vector.shape_cast %broadcast_in_dim3A_549 : vector<16xf32> to vector<1x16xf32>
      tpu.vector_store %arg12[%swap3A_551, %swap3A_552], %swap3A_555 {strides = array<i32>} : memref<16x128xf32, #tpu.memory_space<vmem>>, vector<1x16xf32>,
      %broadcast_in_dim3A_556 = arith.constant 0.000000e+00 : f32
      %broadcast_in_dim3A_557 = vector.broadcast %broadcast_in_dim3A_556 : f32 to vector<16xf32>
      %swap3A_558 = arith.constant 8 : i32
      %swap3A_559 = arith.index_cast %swap3A_558 : i32 to index
      %swap3A_560 = arith.constant 32 : index
      %swap3A_561 = tpu.vector_load %arg12[%swap3A_559, %swap3A_560] {strides = array<i32>} : memref<16x128xf32, #tpu.memory_space<vmem>>, vector<1x16xf32>,
      %swap3A_562 = vector.shape_cast %swap3A_561 : vector<1x16xf32> to vector<16xf32>
      %swap3A_563 = vector.shape_cast %broadcast_in_dim3A_557 : vector<16xf32> to vector<1x16xf32>
      tpu.vector_store %arg12[%swap3A_559, %swap3A_560], %swap3A_563 {strides = array<i32>} : memref<16x128xf32, #tpu.memory_space<vmem>>, vector<1x16xf32>,
      %broadcast_in_dim3A_564 = arith.constant 0.000000e+00 : f32
      %broadcast_in_dim3A_565 = vector.broadcast %broadcast_in_dim3A_564 : f32 to vector<16xf32>
      %swap3A_566 = arith.constant 8 : i32
      %swap3A_567 = arith.index_cast %swap3A_566 : i32 to index
      %swap3A_568 = arith.constant 48 : index
      %swap3A_569 = tpu.vector_load %arg12[%swap3A_567, %swap3A_568] {strides = array<i32>} : memref<16x128xf32, #tpu.memory_space<vmem>>, vector<1x16xf32>,
      %swap3A_570 = vector.shape_cast %swap3A_569 : vector<1x16xf32> to vector<16xf32>
      %swap3A_571 = vector.shape_cast %broadcast_in_dim3A_565 : vector<16xf32> to vector<1x16xf32>
      tpu.vector_store %arg12[%swap3A_567, %swap3A_568], %swap3A_571 {strides = array<i32>} : memref<16x128xf32, #tpu.memory_space<vmem>>, vector<1x16xf32>,
      %broadcast_in_dim3A_572 = arith.constant 0.000000e+00 : f32
      %broadcast_in_dim3A_573 = vector.broadcast %broadcast_in_dim3A_572 : f32 to vector<16xf32>
      %swap3A_574 = arith.constant 8 : i32
      %swap3A_575 = arith.index_cast %swap3A_574 : i32 to index
      %swap3A_576 = arith.constant 64 : index
      %swap3A_577 = tpu.vector_load %arg12[%swap3A_575, %swap3A_576] {strides = array<i32>} : memref<16x128xf32, #tpu.memory_space<vmem>>, vector<1x16xf32>,
      %swap3A_578 = vector.shape_cast %swap3A_577 : vector<1x16xf32> to vector<16xf32>
      %swap3A_579 = vector.shape_cast %broadcast_in_dim3A_573 : vector<16xf32> to vector<1x16xf32>
      tpu.vector_store %arg12[%swap3A_575, %swap3A_576], %swap3A_579 {strides = array<i32>} : memref<16x128xf32, #tpu.memory_space<vmem>>, vector<1x16xf32>,
      %broadcast_in_dim3A_580 = arith.constant 0.000000e+00 : f32
      %broadcast_in_dim3A_581 = vector.broadcast %broadcast_in_dim3A_580 : f32 to vector<16xf32>
      %swap3A_582 = arith.constant 8 : i32
      %swap3A_583 = arith.index_cast %swap3A_582 : i32 to index
      %swap3A_584 = arith.constant 80 : index
      %swap3A_585 = tpu.vector_load %arg12[%swap3A_583, %swap3A_584] {strides = array<i32>} : memref<16x128xf32, #tpu.memory_space<vmem>>, vector<1x16xf32>,
      %swap3A_586 = vector.shape_cast %swap3A_585 : vector<1x16xf32> to vector<16xf32>
      %swap3A_587 = vector.shape_cast %broadcast_in_dim3A_581 : vector<16xf32> to vector<1x16xf32>
      tpu.vector_store %arg12[%swap3A_583, %swap3A_584], %swap3A_587 {strides = array<i32>} : memref<16x128xf32, #tpu.memory_space<vmem>>, vector<1x16xf32>,
      %broadcast_in_dim3A_588 = arith.constant 0.000000e+00 : f32
      %broadcast_in_dim3A_589 = vector.broadcast %broadcast_in_dim3A_588 : f32 to vector<16xf32>
      %swap3A_590 = arith.constant 8 : i32
      %swap3A_591 = arith.index_cast %swap3A_590 : i32 to index
      %swap3A_592 = arith.constant 96 : index
      %swap3A_593 = tpu.vector_load %arg12[%swap3A_591, %swap3A_592] {strides = array<i32>} : memref<16x128xf32, #tpu.memory_space<vmem>>, vector<1x16xf32>,
      %swap3A_594 = vector.shape_cast %swap3A_593 : vector<1x16xf32> to vector<16xf32>
      %swap3A_595 = vector.shape_cast %broadcast_in_dim3A_589 : vector<16xf32> to vector<1x16xf32>
      tpu.vector_store %arg12[%swap3A_591, %swap3A_592], %swap3A_595 {strides = array<i32>} : memref<16x128xf32, #tpu.memory_space<vmem>>, vector<1x16xf32>,
      %broadcast_in_dim3A_596 = arith.constant 0.000000e+00 : f32
      %broadcast_in_dim3A_597 = vector.broadcast %broadcast_in_dim3A_596 : f32 to vector<16xf32>
      %swap3A_598 = arith.constant 8 : i32
      %swap3A_599 = arith.index_cast %swap3A_598 : i32 to index
      %swap3A_600 = arith.constant 112 : index
      %swap3A_601 = tpu.vector_load %arg12[%swap3A_599, %swap3A_600] {strides = array<i32>} : memref<16x128xf32, #tpu.memory_space<vmem>>, vector<1x16xf32>,
      %swap3A_602 = vector.shape_cast %swap3A_601 : vector<1x16xf32> to vector<16xf32>
      %swap3A_603 = vector.shape_cast %broadcast_in_dim3A_597 : vector<16xf32> to vector<1x16xf32>
      tpu.vector_store %arg12[%swap3A_599, %swap3A_600], %swap3A_603 {strides = array<i32>} : memref<16x128xf32, #tpu.memory_space<vmem>>, vector<1x16xf32>,
      %broadcast_in_dim3A_604 = arith.constant 0.000000e+00 : f32
      %broadcast_in_dim3A_605 = vector.broadcast %broadcast_in_dim3A_604 : f32 to vector<16xf32>
      %swap3A_606 = arith.constant 9 : i32
      %swap3A_607 = arith.index_cast %swap3A_606 : i32 to index
      %swap3A_608 = arith.constant 0 : index
      %swap3A_609 = tpu.vector_load %arg12[%swap3A_607, %swap3A_608] {strides = array<i32>} : memref<16x128xf32, #tpu.memory_space<vmem>>, vector<1x16xf32>,
      %swap3A_610 = vector.shape_cast %swap3A_609 : vector<1x16xf32> to vector<16xf32>
      %swap3A_611 = vector.shape_cast %broadcast_in_dim3A_605 : vector<16xf32> to vector<1x16xf32>
      tpu.vector_store %arg12[%swap3A_607, %swap3A_608], %swap3A_611 {strides = array<i32>} : memref<16x128xf32, #tpu.memory_space<vmem>>, vector<1x16xf32>,
      %broadcast_in_dim3A_612 = arith.constant 0.000000e+00 : f32
      %broadcast_in_dim3A_613 = vector.broadcast %broadcast_in_dim3A_612 : f32 to vector<16xf32>
      %swap3A_614 = arith.constant 9 : i32
      %swap3A_615 = arith.index_cast %swap3A_614 : i32 to index
      %swap3A_616 = arith.constant 16 : index
      %swap3A_617 = tpu.vector_load %arg12[%swap3A_615, %swap3A_616] {strides = array<i32>} : memref<16x128xf32, #tpu.memory_space<vmem>>, vector<1x16xf32>,
      %swap3A_618 = vector.shape_cast %swap3A_617 : vector<1x16xf32> to vector<16xf32>
      %swap3A_619 = vector.shape_cast %broadcast_in_dim3A_613 : vector<16xf32> to vector<1x16xf32>
      tpu.vector_store %arg12[%swap3A_615, %swap3A_616], %swap3A_619 {strides = array<i32>} : memref<16x128xf32, #tpu.memory_space<vmem>>, vector<1x16xf32>,
      %broadcast_in_dim3A_620 = arith.constant 0.000000e+00 : f32
      %broadcast_in_dim3A_621 = vector.broadcast %broadcast_in_dim3A_620 : f32 to vector<16xf32>
      %swap3A_622 = arith.constant 9 : i32
      %swap3A_623 = arith.index_cast %swap3A_622 : i32 to index
      %swap3A_624 = arith.constant 32 : index
      %swap3A_625 = tpu.vector_load %arg12[%swap3A_623, %swap3A_624] {strides = array<i32>} : memref<16x128xf32, #tpu.memory_space<vmem>>, vector<1x16xf32>,
      %swap3A_626 = vector.shape_cast %swap3A_625 : vector<1x16xf32> to vector<16xf32>
      %swap3A_627 = vector.shape_cast %broadcast_in_dim3A_621 : vector<16xf32> to vector<1x16xf32>
      tpu.vector_store %arg12[%swap3A_623, %swap3A_624], %swap3A_627 {strides = array<i32>} : memref<16x128xf32, #tpu.memory_space<vmem>>, vector<1x16xf32>,
      %broadcast_in_dim3A_628 = arith.constant 0.000000e+00 : f32
      %broadcast_in_dim3A_629 = vector.broadcast %broadcast_in_dim3A_628 : f32 to vector<16xf32>
      %swap3A_630 = arith.constant 9 : i32
      %swap3A_631 = arith.index_cast %swap3A_630 : i32 to index
      %swap3A_632 = arith.constant 48 : index
      %swap3A_633 = tpu.vector_load %arg12[%swap3A_631, %swap3A_632] {strides = array<i32>} : memref<16x128xf32, #tpu.memory_space<vmem>>, vector<1x16xf32>,
      %swap3A_634 = vector.shape_cast %swap3A_633 : vector<1x16xf32> to vector<16xf32>
      %swap3A_635 = vector.shape_cast %broadcast_in_dim3A_629 : vector<16xf32> to vector<1x16xf32>
      tpu.vector_store %arg12[%swap3A_631, %swap3A_632], %swap3A_635 {strides = array<i32>} : memref<16x128xf32, #tpu.memory_space<vmem>>, vector<1x16xf32>,
      %broadcast_in_dim3A_636 = arith.constant 0.000000e+00 : f32
      %broadcast_in_dim3A_637 = vector.broadcast %broadcast_in_dim3A_636 : f32 to vector<16xf32>
      %swap3A_638 = arith.constant 9 : i32
      %swap3A_639 = arith.index_cast %swap3A_638 : i32 to index
      %swap3A_640 = arith.constant 64 : index
      %swap3A_641 = tpu.vector_load %arg12[%swap3A_639, %swap3A_640] {strides = array<i32>} : memref<16x128xf32, #tpu.memory_space<vmem>>, vector<1x16xf32>,
      %swap3A_642 = vector.shape_cast %swap3A_641 : vector<1x16xf32> to vector<16xf32>
      %swap3A_643 = vector.shape_cast %broadcast_in_dim3A_637 : vector<16xf32> to vector<1x16xf32>
      tpu.vector_store %arg12[%swap3A_639, %swap3A_640], %swap3A_643 {strides = array<i32>} : memref<16x128xf32, #tpu.memory_space<vmem>>, vector<1x16xf32>,
      %broadcast_in_dim3A_644 = arith.constant 0.000000e+00 : f32
      %broadcast_in_dim3A_645 = vector.broadcast %broadcast_in_dim3A_644 : f32 to vector<16xf32>
      %swap3A_646 = arith.constant 9 : i32
      %swap3A_647 = arith.index_cast %swap3A_646 : i32 to index
      %swap3A_648 = arith.constant 80 : index
      %swap3A_649 = tpu.vector_load %arg12[%swap3A_647, %swap3A_648] {strides = array<i32>} : memref<16x128xf32, #tpu.memory_space<vmem>>, vector<1x16xf32>,
      %swap3A_650 = vector.shape_cast %swap3A_649 : vector<1x16xf32> to vector<16xf32>
      %swap3A_651 = vector.shape_cast %broadcast_in_dim3A_645 : vector<16xf32> to vector<1x16xf32>
      tpu.vector_store %arg12[%swap3A_647, %swap3A_648], %swap3A_651 {strides = array<i32>} : memref<16x128xf32, #tpu.memory_space<vmem>>, vector<1x16xf32>,
      %broadcast_in_dim3A_652 = arith.constant 0.000000e+00 : f32
      %broadcast_in_dim3A_653 = vector.broadcast %broadcast_in_dim3A_652 : f32 to vector<16xf32>
      %swap3A_654 = arith.constant 9 : i32
      %swap3A_655 = arith.index_cast %swap3A_654 : i32 to index
      %swap3A_656 = arith.constant 96 : index
      %swap3A_657 = tpu.vector_load %arg12[%swap3A_655, %swap3A_656] {strides = array<i32>} : memref<16x128xf32, #tpu.memory_space<vmem>>, vector<1x16xf32>,
      %swap3A_658 = vector.shape_cast %swap3A_657 : vector<1x16xf32> to vector<16xf32>
      %swap3A_659 = vector.shape_cast %broadcast_in_dim3A_653 : vector<16xf32> to vector<1x16xf32>
      tpu.vector_store %arg12[%swap3A_655, %swap3A_656], %swap3A_659 {strides = array<i32>} : memref<16x128xf32, #tpu.memory_space<vmem>>, vector<1x16xf32>,
      %broadcast_in_dim3A_660 = arith.constant 0.000000e+00 : f32
      %broadcast_in_dim3A_661 = vector.broadcast %broadcast_in_dim3A_660 : f32 to vector<16xf32>
      %swap3A_662 = arith.constant 9 : i32
      %swap3A_663 = arith.index_cast %swap3A_662 : i32 to index
      %swap3A_664 = arith.constant 112 : index
      %swap3A_665 = tpu.vector_load %arg12[%swap3A_663, %swap3A_664] {strides = array<i32>} : memref<16x128xf32, #tpu.memory_space<vmem>>, vector<1x16xf32>,
      %swap3A_666 = vector.shape_cast %swap3A_665 : vector<1x16xf32> to vector<16xf32>
      %swap3A_667 = vector.shape_cast %broadcast_in_dim3A_661 : vector<16xf32> to vector<1x16xf32>
      tpu.vector_store %arg12[%swap3A_663, %swap3A_664], %swap3A_667 {strides = array<i32>} : memref<16x128xf32, #tpu.memory_space<vmem>>, vector<1x16xf32>,
      %broadcast_in_dim3A_668 = arith.constant 0.000000e+00 : f32
      %broadcast_in_dim3A_669 = vector.broadcast %broadcast_in_dim3A_668 : f32 to vector<16xf32>
      %swap3A_670 = arith.constant 10 : i32
      %swap3A_671 = arith.index_cast %swap3A_670 : i32 to index
      %swap3A_672 = arith.constant 0 : index
      %swap3A_673 = tpu.vector_load %arg12[%swap3A_671, %swap3A_672] {strides = array<i32>} : memref<16x128xf32, #tpu.memory_space<vmem>>, vector<1x16xf32>,
      %swap3A_674 = vector.shape_cast %swap3A_673 : vector<1x16xf32> to vector<16xf32>
      %swap3A_675 = vector.shape_cast %broadcast_in_dim3A_669 : vector<16xf32> to vector<1x16xf32>
      tpu.vector_store %arg12[%swap3A_671, %swap3A_672], %swap3A_675 {strides = array<i32>} : memref<16x128xf32, #tpu.memory_space<vmem>>, vector<1x16xf32>,
      %broadcast_in_dim3A_676 = arith.constant 0.000000e+00 : f32
      %broadcast_in_dim3A_677 = vector.broadcast %broadcast_in_dim3A_676 : f32 to vector<16xf32>
      %swap3A_678 = arith.constant 10 : i32
      %swap3A_679 = arith.index_cast %swap3A_678 : i32 to index
      %swap3A_680 = arith.constant 16 : index
      %swap3A_681 = tpu.vector_load %arg12[%swap3A_679, %swap3A_680] {strides = array<i32>} : memref<16x128xf32, #tpu.memory_space<vmem>>, vector<1x16xf32>,
      %swap3A_682 = vector.shape_cast %swap3A_681 : vector<1x16xf32> to vector<16xf32>
      %swap3A_683 = vector.shape_cast %broadcast_in_dim3A_677 : vector<16xf32> to vector<1x16xf32>
      tpu.vector_store %arg12[%swap3A_679, %swap3A_680], %swap3A_683 {strides = array<i32>} : memref<16x128xf32, #tpu.memory_space<vmem>>, vector<1x16xf32>,
      %broadcast_in_dim3A_684 = arith.constant 0.000000e+00 : f32
      %broadcast_in_dim3A_685 = vector.broadcast %broadcast_in_dim3A_684 : f32 to vector<16xf32>
      %swap3A_686 = arith.constant 10 : i32
      %swap3A_687 = arith.index_cast %swap3A_686 : i32 to index
      %swap3A_688 = arith.constant 32 : index
      %swap3A_689 = tpu.vector_load %arg12[%swap3A_687, %swap3A_688] {strides = array<i32>} : memref<16x128xf32, #tpu.memory_space<vmem>>, vector<1x16xf32>,
      %swap3A_690 = vector.shape_cast %swap3A_689 : vector<1x16xf32> to vector<16xf32>
      %swap3A_691 = vector.shape_cast %broadcast_in_dim3A_685 : vector<16xf32> to vector<1x16xf32>
      tpu.vector_store %arg12[%swap3A_687, %swap3A_688], %swap3A_691 {strides = array<i32>} : memref<16x128xf32, #tpu.memory_space<vmem>>, vector<1x16xf32>,
      %broadcast_in_dim3A_692 = arith.constant 0.000000e+00 : f32
      %broadcast_in_dim3A_693 = vector.broadcast %broadcast_in_dim3A_692 : f32 to vector<16xf32>
      %swap3A_694 = arith.constant 10 : i32
      %swap3A_695 = arith.index_cast %swap3A_694 : i32 to index
      %swap3A_696 = arith.constant 48 : index
      %swap3A_697 = tpu.vector_load %arg12[%swap3A_695, %swap3A_696] {strides = array<i32>} : memref<16x128xf32, #tpu.memory_space<vmem>>, vector<1x16xf32>,
      %swap3A_698 = vector.shape_cast %swap3A_697 : vector<1x16xf32> to vector<16xf32>
      %swap3A_699 = vector.shape_cast %broadcast_in_dim3A_693 : vector<16xf32> to vector<1x16xf32>
      tpu.vector_store %arg12[%swap3A_695, %swap3A_696], %swap3A_699 {strides = array<i32>} : memref<16x128xf32, #tpu.memory_space<vmem>>, vector<1x16xf32>,
      %broadcast_in_dim3A_700 = arith.constant 0.000000e+00 : f32
      %broadcast_in_dim3A_701 = vector.broadcast %broadcast_in_dim3A_700 : f32 to vector<16xf32>
      %swap3A_702 = arith.constant 10 : i32
      %swap3A_703 = arith.index_cast %swap3A_702 : i32 to index
      %swap3A_704 = arith.constant 64 : index
      %swap3A_705 = tpu.vector_load %arg12[%swap3A_703, %swap3A_704] {strides = array<i32>} : memref<16x128xf32, #tpu.memory_space<vmem>>, vector<1x16xf32>,
      %swap3A_706 = vector.shape_cast %swap3A_705 : vector<1x16xf32> to vector<16xf32>
      %swap3A_707 = vector.shape_cast %broadcast_in_dim3A_701 : vector<16xf32> to vector<1x16xf32>
      tpu.vector_store %arg12[%swap3A_703, %swap3A_704], %swap3A_707 {strides = array<i32>} : memref<16x128xf32, #tpu.memory_space<vmem>>, vector<1x16xf32>,
      %broadcast_in_dim3A_708 = arith.constant 0.000000e+00 : f32
      %broadcast_in_dim3A_709 = vector.broadcast %broadcast_in_dim3A_708 : f32 to vector<16xf32>
      %swap3A_710 = arith.constant 10 : i32
      %swap3A_711 = arith.index_cast %swap3A_710 : i32 to index
      %swap3A_712 = arith.constant 80 : index
      %swap3A_713 = tpu.vector_load %arg12[%swap3A_711, %swap3A_712] {strides = array<i32>} : memref<16x128xf32, #tpu.memory_space<vmem>>, vector<1x16xf32>,
      %swap3A_714 = vector.shape_cast %swap3A_713 : vector<1x16xf32> to vector<16xf32>
      %swap3A_715 = vector.shape_cast %broadcast_in_dim3A_709 : vector<16xf32> to vector<1x16xf32>
      tpu.vector_store %arg12[%swap3A_711, %swap3A_712], %swap3A_715 {strides = array<i32>} : memref<16x128xf32, #tpu.memory_space<vmem>>, vector<1x16xf32>,
      %broadcast_in_dim3A_716 = arith.constant 0.000000e+00 : f32
      %broadcast_in_dim3A_717 = vector.broadcast %broadcast_in_dim3A_716 : f32 to vector<16xf32>
      %swap3A_718 = arith.constant 10 : i32
      %swap3A_719 = arith.index_cast %swap3A_718 : i32 to index
      %swap3A_720 = arith.constant 96 : index
      %swap3A_721 = tpu.vector_load %arg12[%swap3A_719, %swap3A_720] {strides = array<i32>} : memref<16x128xf32, #tpu.memory_space<vmem>>, vector<1x16xf32>,
      %swap3A_722 = vector.shape_cast %swap3A_721 : vector<1x16xf32> to vector<16xf32>
      %swap3A_723 = vector.shape_cast %broadcast_in_dim3A_717 : vector<16xf32> to vector<1x16xf32>
      tpu.vector_store %arg12[%swap3A_719, %swap3A_720], %swap3A_723 {strides = array<i32>} : memref<16x128xf32, #tpu.memory_space<vmem>>, vector<1x16xf32>,
      %broadcast_in_dim3A_724 = arith.constant 0.000000e+00 : f32
      %broadcast_in_dim3A_725 = vector.broadcast %broadcast_in_dim3A_724 : f32 to vector<16xf32>
      %swap3A_726 = arith.constant 10 : i32
      %swap3A_727 = arith.index_cast %swap3A_726 : i32 to index
      %swap3A_728 = arith.constant 112 : index
      %swap3A_729 = tpu.vector_load %arg12[%swap3A_727, %swap3A_728] {strides = array<i32>} : memref<16x128xf32, #tpu.memory_space<vmem>>, vector<1x16xf32>,
      %swap3A_730 = vector.shape_cast %swap3A_729 : vector<1x16xf32> to vector<16xf32>
      %swap3A_731 = vector.shape_cast %broadcast_in_dim3A_725 : vector<16xf32> to vector<1x16xf32>
      tpu.vector_store %arg12[%swap3A_727, %swap3A_728], %swap3A_731 {strides = array<i32>} : memref<16x128xf32, #tpu.memory_space<vmem>>, vector<1x16xf32>,
      %broadcast_in_dim3A_732 = arith.constant 0.000000e+00 : f32
      %broadcast_in_dim3A_733 = vector.broadcast %broadcast_in_dim3A_732 : f32 to vector<16xf32>
      %swap3A_734 = arith.constant 11 : i32
      %swap3A_735 = arith.index_cast %swap3A_734 : i32 to index
      %swap3A_736 = arith.constant 0 : index
      %swap3A_737 = tpu.vector_load %arg12[%swap3A_735, %swap3A_736] {strides = array<i32>} : memref<16x128xf32, #tpu.memory_space<vmem>>, vector<1x16xf32>,
      %swap3A_738 = vector.shape_cast %swap3A_737 : vector<1x16xf32> to vector<16xf32>
      %swap3A_739 = vector.shape_cast %broadcast_in_dim3A_733 : vector<16xf32> to vector<1x16xf32>
      tpu.vector_store %arg12[%swap3A_735, %swap3A_736], %swap3A_739 {strides = array<i32>} : memref<16x128xf32, #tpu.memory_space<vmem>>, vector<1x16xf32>,
      %broadcast_in_dim3A_740 = arith.constant 0.000000e+00 : f32
      %broadcast_in_dim3A_741 = vector.broadcast %broadcast_in_dim3A_740 : f32 to vector<16xf32>
      %swap3A_742 = arith.constant 11 : i32
      %swap3A_743 = arith.index_cast %swap3A_742 : i32 to index
      %swap3A_744 = arith.constant 16 : index
      %swap3A_745 = tpu.vector_load %arg12[%swap3A_743, %swap3A_744] {strides = array<i32>} : memref<16x128xf32, #tpu.memory_space<vmem>>, vector<1x16xf32>,
      %swap3A_746 = vector.shape_cast %swap3A_745 : vector<1x16xf32> to vector<16xf32>
      %swap3A_747 = vector.shape_cast %broadcast_in_dim3A_741 : vector<16xf32> to vector<1x16xf32>
      tpu.vector_store %arg12[%swap3A_743, %swap3A_744], %swap3A_747 {strides = array<i32>} : memref<16x128xf32, #tpu.memory_space<vmem>>, vector<1x16xf32>,
      %broadcast_in_dim3A_748 = arith.constant 0.000000e+00 : f32
      %broadcast_in_dim3A_749 = vector.broadcast %broadcast_in_dim3A_748 : f32 to vector<16xf32>
      %swap3A_750 = arith.constant 11 : i32
      %swap3A_751 = arith.index_cast %swap3A_750 : i32 to index
      %swap3A_752 = arith.constant 32 : index
      %swap3A_753 = tpu.vector_load %arg12[%swap3A_751, %swap3A_752] {strides = array<i32>} : memref<16x128xf32, #tpu.memory_space<vmem>>, vector<1x16xf32>,
      %swap3A_754 = vector.shape_cast %swap3A_753 : vector<1x16xf32> to vector<16xf32>
      %swap3A_755 = vector.shape_cast %broadcast_in_dim3A_749 : vector<16xf32> to vector<1x16xf32>
      tpu.vector_store %arg12[%swap3A_751, %swap3A_752], %swap3A_755 {strides = array<i32>} : memref<16x128xf32, #tpu.memory_space<vmem>>, vector<1x16xf32>,
      %broadcast_in_dim3A_756 = arith.constant 0.000000e+00 : f32
      %broadcast_in_dim3A_757 = vector.broadcast %broadcast_in_dim3A_756 : f32 to vector<16xf32>
      %swap3A_758 = arith.constant 11 : i32
      %swap3A_759 = arith.index_cast %swap3A_758 : i32 to index
      %swap3A_760 = arith.constant 48 : index
      %swap3A_761 = tpu.vector_load %arg12[%swap3A_759, %swap3A_760] {strides = array<i32>} : memref<16x128xf32, #tpu.memory_space<vmem>>, vector<1x16xf32>,
      %swap3A_762 = vector.shape_cast %swap3A_761 : vector<1x16xf32> to vector<16xf32>
      %swap3A_763 = vector.shape_cast %broadcast_in_dim3A_757 : vector<16xf32> to vector<1x16xf32>
      tpu.vector_store %arg12[%swap3A_759, %swap3A_760], %swap3A_763 {strides = array<i32>} : memref<16x128xf32, #tpu.memory_space<vmem>>, vector<1x16xf32>,
      %broadcast_in_dim3A_764 = arith.constant 0.000000e+00 : f32
      %broadcast_in_dim3A_765 = vector.broadcast %broadcast_in_dim3A_764 : f32 to vector<16xf32>
      %swap3A_766 = arith.constant 11 : i32
      %swap3A_767 = arith.index_cast %swap3A_766 : i32 to index
      %swap3A_768 = arith.constant 64 : index
      %swap3A_769 = tpu.vector_load %arg12[%swap3A_767, %swap3A_768] {strides = array<i32>} : memref<16x128xf32, #tpu.memory_space<vmem>>, vector<1x16xf32>,
      %swap3A_770 = vector.shape_cast %swap3A_769 : vector<1x16xf32> to vector<16xf32>
      %swap3A_771 = vector.shape_cast %broadcast_in_dim3A_765 : vector<16xf32> to vector<1x16xf32>
      tpu.vector_store %arg12[%swap3A_767, %swap3A_768], %swap3A_771 {strides = array<i32>} : memref<16x128xf32, #tpu.memory_space<vmem>>, vector<1x16xf32>,
      %broadcast_in_dim3A_772 = arith.constant 0.000000e+00 : f32
      %broadcast_in_dim3A_773 = vector.broadcast %broadcast_in_dim3A_772 : f32 to vector<16xf32>
      %swap3A_774 = arith.constant 11 : i32
      %swap3A_775 = arith.index_cast %swap3A_774 : i32 to index
      %swap3A_776 = arith.constant 80 : index
      %swap3A_777 = tpu.vector_load %arg12[%swap3A_775, %swap3A_776] {strides = array<i32>} : memref<16x128xf32, #tpu.memory_space<vmem>>, vector<1x16xf32>,
      %swap3A_778 = vector.shape_cast %swap3A_777 : vector<1x16xf32> to vector<16xf32>
      %swap3A_779 = vector.shape_cast %broadcast_in_dim3A_773 : vector<16xf32> to vector<1x16xf32>
      tpu.vector_store %arg12[%swap3A_775, %swap3A_776], %swap3A_779 {strides = array<i32>} : memref<16x128xf32, #tpu.memory_space<vmem>>, vector<1x16xf32>,
      %broadcast_in_dim3A_780 = arith.constant 0.000000e+00 : f32
      %broadcast_in_dim3A_781 = vector.broadcast %broadcast_in_dim3A_780 : f32 to vector<16xf32>
      %swap3A_782 = arith.constant 11 : i32
      %swap3A_783 = arith.index_cast %swap3A_782 : i32 to index
      %swap3A_784 = arith.constant 96 : index
      %swap3A_785 = tpu.vector_load %arg12[%swap3A_783, %swap3A_784] {strides = array<i32>} : memref<16x128xf32, #tpu.memory_space<vmem>>, vector<1x16xf32>,
      %swap3A_786 = vector.shape_cast %swap3A_785 : vector<1x16xf32> to vector<16xf32>
      %swap3A_787 = vector.shape_cast %broadcast_in_dim3A_781 : vector<16xf32> to vector<1x16xf32>
      tpu.vector_store %arg12[%swap3A_783, %swap3A_784], %swap3A_787 {strides = array<i32>} : memref<16x128xf32, #tpu.memory_space<vmem>>, vector<1x16xf32>,
      %broadcast_in_dim3A_788 = arith.constant 0.000000e+00 : f32
      %broadcast_in_dim3A_789 = vector.broadcast %broadcast_in_dim3A_788 : f32 to vector<16xf32>
      %swap3A_790 = arith.constant 11 : i32
      %swap3A_791 = arith.index_cast %swap3A_790 : i32 to index
      %swap3A_792 = arith.constant 112 : index
      %swap3A_793 = tpu.vector_load %arg12[%swap3A_791, %swap3A_792] {strides = array<i32>} : memref<16x128xf32, #tpu.memory_space<vmem>>, vector<1x16xf32>,
      %swap3A_794 = vector.shape_cast %swap3A_793 : vector<1x16xf32> to vector<16xf32>
      %swap3A_795 = vector.shape_cast %broadcast_in_dim3A_789 : vector<16xf32> to vector<1x16xf32>
      tpu.vector_store %arg12[%swap3A_791, %swap3A_792], %swap3A_795 {strides = array<i32>} : memref<16x128xf32, #tpu.memory_space<vmem>>, vector<1x16xf32>,
      %broadcast_in_dim3A_796 = arith.constant 0.000000e+00 : f32
      %broadcast_in_dim3A_797 = vector.broadcast %broadcast_in_dim3A_796 : f32 to vector<16xf32>
      %swap3A_798 = arith.constant 12 : i32
      %swap3A_799 = arith.index_cast %swap3A_798 : i32 to index
      %swap3A_800 = arith.constant 0 : index
      %swap3A_801 = tpu.vector_load %arg12[%swap3A_799, %swap3A_800] {strides = array<i32>} : memref<16x128xf32, #tpu.memory_space<vmem>>, vector<1x16xf32>,
      %swap3A_802 = vector.shape_cast %swap3A_801 : vector<1x16xf32> to vector<16xf32>
      %swap3A_803 = vector.shape_cast %broadcast_in_dim3A_797 : vector<16xf32> to vector<1x16xf32>
      tpu.vector_store %arg12[%swap3A_799, %swap3A_800], %swap3A_803 {strides = array<i32>} : memref<16x128xf32, #tpu.memory_space<vmem>>, vector<1x16xf32>,
      %broadcast_in_dim3A_804 = arith.constant 0.000000e+00 : f32
      %broadcast_in_dim3A_805 = vector.broadcast %broadcast_in_dim3A_804 : f32 to vector<16xf32>
      %swap3A_806 = arith.constant 12 : i32
      %swap3A_807 = arith.index_cast %swap3A_806 : i32 to index
      %swap3A_808 = arith.constant 16 : index
      %swap3A_809 = tpu.vector_load %arg12[%swap3A_807, %swap3A_808] {strides = array<i32>} : memref<16x128xf32, #tpu.memory_space<vmem>>, vector<1x16xf32>,
      %swap3A_810 = vector.shape_cast %swap3A_809 : vector<1x16xf32> to vector<16xf32>
      %swap3A_811 = vector.shape_cast %broadcast_in_dim3A_805 : vector<16xf32> to vector<1x16xf32>
      tpu.vector_store %arg12[%swap3A_807, %swap3A_808], %swap3A_811 {strides = array<i32>} : memref<16x128xf32, #tpu.memory_space<vmem>>, vector<1x16xf32>,
      %broadcast_in_dim3A_812 = arith.constant 0.000000e+00 : f32
      %broadcast_in_dim3A_813 = vector.broadcast %broadcast_in_dim3A_812 : f32 to vector<16xf32>
      %swap3A_814 = arith.constant 12 : i32
      %swap3A_815 = arith.index_cast %swap3A_814 : i32 to index
      %swap3A_816 = arith.constant 32 : index
      %swap3A_817 = tpu.vector_load %arg12[%swap3A_815, %swap3A_816] {strides = array<i32>} : memref<16x128xf32, #tpu.memory_space<vmem>>, vector<1x16xf32>,
      %swap3A_818 = vector.shape_cast %swap3A_817 : vector<1x16xf32> to vector<16xf32>
      %swap3A_819 = vector.shape_cast %broadcast_in_dim3A_813 : vector<16xf32> to vector<1x16xf32>
      tpu.vector_store %arg12[%swap3A_815, %swap3A_816], %swap3A_819 {strides = array<i32>} : memref<16x128xf32, #tpu.memory_space<vmem>>, vector<1x16xf32>,
      %broadcast_in_dim3A_820 = arith.constant 0.000000e+00 : f32
      %broadcast_in_dim3A_821 = vector.broadcast %broadcast_in_dim3A_820 : f32 to vector<16xf32>
      %swap3A_822 = arith.constant 12 : i32
      %swap3A_823 = arith.index_cast %swap3A_822 : i32 to index
      %swap3A_824 = arith.constant 48 : index
      %swap3A_825 = tpu.vector_load %arg12[%swap3A_823, %swap3A_824] {strides = array<i32>} : memref<16x128xf32, #tpu.memory_space<vmem>>, vector<1x16xf32>,
      %swap3A_826 = vector.shape_cast %swap3A_825 : vector<1x16xf32> to vector<16xf32>
      %swap3A_827 = vector.shape_cast %broadcast_in_dim3A_821 : vector<16xf32> to vector<1x16xf32>
      tpu.vector_store %arg12[%swap3A_823, %swap3A_824], %swap3A_827 {strides = array<i32>} : memref<16x128xf32, #tpu.memory_space<vmem>>, vector<1x16xf32>,
      %broadcast_in_dim3A_828 = arith.constant 0.000000e+00 : f32
      %broadcast_in_dim3A_829 = vector.broadcast %broadcast_in_dim3A_828 : f32 to vector<16xf32>
      %swap3A_830 = arith.constant 12 : i32
      %swap3A_831 = arith.index_cast %swap3A_830 : i32 to index
      %swap3A_832 = arith.constant 64 : index
      %swap3A_833 = tpu.vector_load %arg12[%swap3A_831, %swap3A_832] {strides = array<i32>} : memref<16x128xf32, #tpu.memory_space<vmem>>, vector<1x16xf32>,
      %swap3A_834 = vector.shape_cast %swap3A_833 : vector<1x16xf32> to vector<16xf32>
      %swap3A_835 = vector.shape_cast %broadcast_in_dim3A_829 : vector<16xf32> to vector<1x16xf32>
      tpu.vector_store %arg12[%swap3A_831, %swap3A_832], %swap3A_835 {strides = array<i32>} : memref<16x128xf32, #tpu.memory_space<vmem>>, vector<1x16xf32>,
      %broadcast_in_dim3A_836 = arith.constant 0.000000e+00 : f32
      %broadcast_in_dim3A_837 = vector.broadcast %broadcast_in_dim3A_836 : f32 to vector<16xf32>
      %swap3A_838 = arith.constant 12 : i32
      %swap3A_839 = arith.index_cast %swap3A_838 : i32 to index
      %swap3A_840 = arith.constant 80 : index
      %swap3A_841 = tpu.vector_load %arg12[%swap3A_839, %swap3A_840] {strides = array<i32>} : memref<16x128xf32, #tpu.memory_space<vmem>>, vector<1x16xf32>,
      %swap3A_842 = vector.shape_cast %swap3A_841 : vector<1x16xf32> to vector<16xf32>
      %swap3A_843 = vector.shape_cast %broadcast_in_dim3A_837 : vector<16xf32> to vector<1x16xf32>
      tpu.vector_store %arg12[%swap3A_839, %swap3A_840], %swap3A_843 {strides = array<i32>} : memref<16x128xf32, #tpu.memory_space<vmem>>, vector<1x16xf32>,
      %broadcast_in_dim3A_844 = arith.constant 0.000000e+00 : f32
      %broadcast_in_dim3A_845 = vector.broadcast %broadcast_in_dim3A_844 : f32 to vector<16xf32>
      %swap3A_846 = arith.constant 12 : i32
      %swap3A_847 = arith.index_cast %swap3A_846 : i32 to index
      %swap3A_848 = arith.constant 96 : index
      %swap3A_849 = tpu.vector_load %arg12[%swap3A_847, %swap3A_848] {strides = array<i32>} : memref<16x128xf32, #tpu.memory_space<vmem>>, vector<1x16xf32>,
      %swap3A_850 = vector.shape_cast %swap3A_849 : vector<1x16xf32> to vector<16xf32>
      %swap3A_851 = vector.shape_cast %broadcast_in_dim3A_845 : vector<16xf32> to vector<1x16xf32>
      tpu.vector_store %arg12[%swap3A_847, %swap3A_848], %swap3A_851 {strides = array<i32>} : memref<16x128xf32, #tpu.memory_space<vmem>>, vector<1x16xf32>,
      %broadcast_in_dim3A_852 = arith.constant 0.000000e+00 : f32
      %broadcast_in_dim3A_853 = vector.broadcast %broadcast_in_dim3A_852 : f32 to vector<16xf32>
      %swap3A_854 = arith.constant 12 : i32
      %swap3A_855 = arith.index_cast %swap3A_854 : i32 to index
      %swap3A_856 = arith.constant 112 : index
      %swap3A_857 = tpu.vector_load %arg12[%swap3A_855, %swap3A_856] {strides = array<i32>} : memref<16x128xf32, #tpu.memory_space<vmem>>, vector<1x16xf32>,
      %swap3A_858 = vector.shape_cast %swap3A_857 : vector<1x16xf32> to vector<16xf32>
      %swap3A_859 = vector.shape_cast %broadcast_in_dim3A_853 : vector<16xf32> to vector<1x16xf32>
      tpu.vector_store %arg12[%swap3A_855, %swap3A_856], %swap3A_859 {strides = array<i32>} : memref<16x128xf32, #tpu.memory_space<vmem>>, vector<1x16xf32>,
      %broadcast_in_dim3A_860 = arith.constant 0.000000e+00 : f32
      %broadcast_in_dim3A_861 = vector.broadcast %broadcast_in_dim3A_860 : f32 to vector<16xf32>
      %swap3A_862 = arith.constant 13 : i32
      %swap3A_863 = arith.index_cast %swap3A_862 : i32 to index
      %swap3A_864 = arith.constant 0 : index
      %swap3A_865 = tpu.vector_load %arg12[%swap3A_863, %swap3A_864] {strides = array<i32>} : memref<16x128xf32, #tpu.memory_space<vmem>>, vector<1x16xf32>,
      %swap3A_866 = vector.shape_cast %swap3A_865 : vector<1x16xf32> to vector<16xf32>
      %swap3A_867 = vector.shape_cast %broadcast_in_dim3A_861 : vector<16xf32> to vector<1x16xf32>
      tpu.vector_store %arg12[%swap3A_863, %swap3A_864], %swap3A_867 {strides = array<i32>} : memref<16x128xf32, #tpu.memory_space<vmem>>, vector<1x16xf32>,
      %broadcast_in_dim3A_868 = arith.constant 0.000000e+00 : f32
      %broadcast_in_dim3A_869 = vector.broadcast %broadcast_in_dim3A_868 : f32 to vector<16xf32>
      %swap3A_870 = arith.constant 13 : i32
      %swap3A_871 = arith.index_cast %swap3A_870 : i32 to index
      %swap3A_872 = arith.constant 16 : index
      %swap3A_873 = tpu.vector_load %arg12[%swap3A_871, %swap3A_872] {strides = array<i32>} : memref<16x128xf32, #tpu.memory_space<vmem>>, vector<1x16xf32>,
      %swap3A_874 = vector.shape_cast %swap3A_873 : vector<1x16xf32> to vector<16xf32>
      %swap3A_875 = vector.shape_cast %broadcast_in_dim3A_869 : vector<16xf32> to vector<1x16xf32>
      tpu.vector_store %arg12[%swap3A_871, %swap3A_872], %swap3A_875 {strides = array<i32>} : memref<16x128xf32, #tpu.memory_space<vmem>>, vector<1x16xf32>,
      %broadcast_in_dim3A_876 = arith.constant 0.000000e+00 : f32
      %broadcast_in_dim3A_877 = vector.broadcast %broadcast_in_dim3A_876 : f32 to vector<16xf32>
      %swap3A_878 = arith.constant 13 : i32
      %swap3A_879 = arith.index_cast %swap3A_878 : i32 to index
      %swap3A_880 = arith.constant 32 : index
      %swap3A_881 = tpu.vector_load %arg12[%swap3A_879, %swap3A_880] {strides = array<i32>} : memref<16x128xf32, #tpu.memory_space<vmem>>, vector<1x16xf32>,
      %swap3A_882 = vector.shape_cast %swap3A_881 : vector<1x16xf32> to vector<16xf32>
      %swap3A_883 = vector.shape_cast %broadcast_in_dim3A_877 : vector<16xf32> to vector<1x16xf32>
      tpu.vector_store %arg12[%swap3A_879, %swap3A_880], %swap3A_883 {strides = array<i32>} : memref<16x128xf32, #tpu.memory_space<vmem>>, vector<1x16xf32>,
      %broadcast_in_dim3A_884 = arith.constant 0.000000e+00 : f32
      %broadcast_in_dim3A_885 = vector.broadcast %broadcast_in_dim3A_884 : f32 to vector<16xf32>
      %swap3A_886 = arith.constant 13 : i32
      %swap3A_887 = arith.index_cast %swap3A_886 : i32 to index
      %swap3A_888 = arith.constant 48 : index
      %swap3A_889 = tpu.vector_load %arg12[%swap3A_887, %swap3A_888] {strides = array<i32>} : memref<16x128xf32, #tpu.memory_space<vmem>>, vector<1x16xf32>,
      %swap3A_890 = vector.shape_cast %swap3A_889 : vector<1x16xf32> to vector<16xf32>
      %swap3A_891 = vector.shape_cast %broadcast_in_dim3A_885 : vector<16xf32> to vector<1x16xf32>
      tpu.vector_store %arg12[%swap3A_887, %swap3A_888], %swap3A_891 {strides = array<i32>} : memref<16x128xf32, #tpu.memory_space<vmem>>, vector<1x16xf32>,
      %broadcast_in_dim3A_892 = arith.constant 0.000000e+00 : f32
      %broadcast_in_dim3A_893 = vector.broadcast %broadcast_in_dim3A_892 : f32 to vector<16xf32>
      %swap3A_894 = arith.constant 13 : i32
      %swap3A_895 = arith.index_cast %swap3A_894 : i32 to index
      %swap3A_896 = arith.constant 64 : index
      %swap3A_897 = tpu.vector_load %arg12[%swap3A_895, %swap3A_896] {strides = array<i32>} : memref<16x128xf32, #tpu.memory_space<vmem>>, vector<1x16xf32>,
      %swap3A_898 = vector.shape_cast %swap3A_897 : vector<1x16xf32> to vector<16xf32>
      %swap3A_899 = vector.shape_cast %broadcast_in_dim3A_893 : vector<16xf32> to vector<1x16xf32>
      tpu.vector_store %arg12[%swap3A_895, %swap3A_896], %swap3A_899 {strides = array<i32>} : memref<16x128xf32, #tpu.memory_space<vmem>>, vector<1x16xf32>,
      %broadcast_in_dim3A_900 = arith.constant 0.000000e+00 : f32
      %broadcast_in_dim3A_901 = vector.broadcast %broadcast_in_dim3A_900 : f32 to vector<16xf32>
      %swap3A_902 = arith.constant 13 : i32
      %swap3A_903 = arith.index_cast %swap3A_902 : i32 to index
      %swap3A_904 = arith.constant 80 : index
      %swap3A_905 = tpu.vector_load %arg12[%swap3A_903, %swap3A_904] {strides = array<i32>} : memref<16x128xf32, #tpu.memory_space<vmem>>, vector<1x16xf32>,
      %swap3A_906 = vector.shape_cast %swap3A_905 : vector<1x16xf32> to vector<16xf32>
      %swap3A_907 = vector.shape_cast %broadcast_in_dim3A_901 : vector<16xf32> to vector<1x16xf32>
      tpu.vector_store %arg12[%swap3A_903, %swap3A_904], %swap3A_907 {strides = array<i32>} : memref<16x128xf32, #tpu.memory_space<vmem>>, vector<1x16xf32>,
      %broadcast_in_dim3A_908 = arith.constant 0.000000e+00 : f32
      %broadcast_in_dim3A_909 = vector.broadcast %broadcast_in_dim3A_908 : f32 to vector<16xf32>
      %swap3A_910 = arith.constant 13 : i32
      %swap3A_911 = arith.index_cast %swap3A_910 : i32 to index
      %swap3A_912 = arith.constant 96 : index
      %swap3A_913 = tpu.vector_load %arg12[%swap3A_911, %swap3A_912] {strides = array<i32>} : memref<16x128xf32, #tpu.memory_space<vmem>>, vector<1x16xf32>,
      %swap3A_914 = vector.shape_cast %swap3A_913 : vector<1x16xf32> to vector<16xf32>
      %swap3A_915 = vector.shape_cast %broadcast_in_dim3A_909 : vector<16xf32> to vector<1x16xf32>
      tpu.vector_store %arg12[%swap3A_911, %swap3A_912], %swap3A_915 {strides = array<i32>} : memref<16x128xf32, #tpu.memory_space<vmem>>, vector<1x16xf32>,
      %broadcast_in_dim3A_916 = arith.constant 0.000000e+00 : f32
      %broadcast_in_dim3A_917 = vector.broadcast %broadcast_in_dim3A_916 : f32 to vector<16xf32>
      %swap3A_918 = arith.constant 13 : i32
      %swap3A_919 = arith.index_cast %swap3A_918 : i32 to index
      %swap3A_920 = arith.constant 112 : index
      %swap3A_921 = tpu.vector_load %arg12[%swap3A_919, %swap3A_920] {strides = array<i32>} : memref<16x128xf32, #tpu.memory_space<vmem>>, vector<1x16xf32>,
      %swap3A_922 = vector.shape_cast %swap3A_921 : vector<1x16xf32> to vector<16xf32>
      %swap3A_923 = vector.shape_cast %broadcast_in_dim3A_917 : vector<16xf32> to vector<1x16xf32>
      tpu.vector_store %arg12[%swap3A_919, %swap3A_920], %swap3A_923 {strides = array<i32>} : memref<16x128xf32, #tpu.memory_space<vmem>>, vector<1x16xf32>,
      %broadcast_in_dim3A_924 = arith.constant 0.000000e+00 : f32
      %broadcast_in_dim3A_925 = vector.broadcast %broadcast_in_dim3A_924 : f32 to vector<16xf32>
      %swap3A_926 = arith.constant 14 : i32
      %swap3A_927 = arith.index_cast %swap3A_926 : i32 to index
      %swap3A_928 = arith.constant 0 : index
      %swap3A_929 = tpu.vector_load %arg12[%swap3A_927, %swap3A_928] {strides = array<i32>} : memref<16x128xf32, #tpu.memory_space<vmem>>, vector<1x16xf32>,
      %swap3A_930 = vector.shape_cast %swap3A_929 : vector<1x16xf32> to vector<16xf32>
      %swap3A_931 = vector.shape_cast %broadcast_in_dim3A_925 : vector<16xf32> to vector<1x16xf32>
      tpu.vector_store %arg12[%swap3A_927, %swap3A_928], %swap3A_931 {strides = array<i32>} : memref<16x128xf32, #tpu.memory_space<vmem>>, vector<1x16xf32>,
      %broadcast_in_dim3A_932 = arith.constant 0.000000e+00 : f32
      %broadcast_in_dim3A_933 = vector.broadcast %broadcast_in_dim3A_932 : f32 to vector<16xf32>
      %swap3A_934 = arith.constant 14 : i32
      %swap3A_935 = arith.index_cast %swap3A_934 : i32 to index
      %swap3A_936 = arith.constant 16 : index
      %swap3A_937 = tpu.vector_load %arg12[%swap3A_935, %swap3A_936] {strides = array<i32>} : memref<16x128xf32, #tpu.memory_space<vmem>>, vector<1x16xf32>,
      %swap3A_938 = vector.shape_cast %swap3A_937 : vector<1x16xf32> to vector<16xf32>
      %swap3A_939 = vector.shape_cast %broadcast_in_dim3A_933 : vector<16xf32> to vector<1x16xf32>
      tpu.vector_store %arg12[%swap3A_935, %swap3A_936], %swap3A_939 {strides = array<i32>} : memref<16x128xf32, #tpu.memory_space<vmem>>, vector<1x16xf32>,
      %broadcast_in_dim3A_940 = arith.constant 0.000000e+00 : f32
      %broadcast_in_dim3A_941 = vector.broadcast %broadcast_in_dim3A_940 : f32 to vector<16xf32>
      %swap3A_942 = arith.constant 14 : i32
      %swap3A_943 = arith.index_cast %swap3A_942 : i32 to index
      %swap3A_944 = arith.constant 32 : index
      %swap3A_945 = tpu.vector_load %arg12[%swap3A_943, %swap3A_944] {strides = array<i32>} : memref<16x128xf32, #tpu.memory_space<vmem>>, vector<1x16xf32>,
      %swap3A_946 = vector.shape_cast %swap3A_945 : vector<1x16xf32> to vector<16xf32>
      %swap3A_947 = vector.shape_cast %broadcast_in_dim3A_941 : vector<16xf32> to vector<1x16xf32>
      tpu.vector_store %arg12[%swap3A_943, %swap3A_944], %swap3A_947 {strides = array<i32>} : memref<16x128xf32, #tpu.memory_space<vmem>>, vector<1x16xf32>,
      %broadcast_in_dim3A_948 = arith.constant 0.000000e+00 : f32
      %broadcast_in_dim3A_949 = vector.broadcast %broadcast_in_dim3A_948 : f32 to vector<16xf32>
      %swap3A_950 = arith.constant 14 : i32
      %swap3A_951 = arith.index_cast %swap3A_950 : i32 to index
      %swap3A_952 = arith.constant 48 : index
      %swap3A_953 = tpu.vector_load %arg12[%swap3A_951, %swap3A_952] {strides = array<i32>} : memref<16x128xf32, #tpu.memory_space<vmem>>, vector<1x16xf32>,
      %swap3A_954 = vector.shape_cast %swap3A_953 : vector<1x16xf32> to vector<16xf32>
      %swap3A_955 = vector.shape_cast %broadcast_in_dim3A_949 : vector<16xf32> to vector<1x16xf32>
      tpu.vector_store %arg12[%swap3A_951, %swap3A_952], %swap3A_955 {strides = array<i32>} : memref<16x128xf32, #tpu.memory_space<vmem>>, vector<1x16xf32>,
      %broadcast_in_dim3A_956 = arith.constant 0.000000e+00 : f32
      %broadcast_in_dim3A_957 = vector.broadcast %broadcast_in_dim3A_956 : f32 to vector<16xf32>
      %swap3A_958 = arith.constant 14 : i32
      %swap3A_959 = arith.index_cast %swap3A_958 : i32 to index
      %swap3A_960 = arith.constant 64 : index
      %swap3A_961 = tpu.vector_load %arg12[%swap3A_959, %swap3A_960] {strides = array<i32>} : memref<16x128xf32, #tpu.memory_space<vmem>>, vector<1x16xf32>,
      %swap3A_962 = vector.shape_cast %swap3A_961 : vector<1x16xf32> to vector<16xf32>
      %swap3A_963 = vector.shape_cast %broadcast_in_dim3A_957 : vector<16xf32> to vector<1x16xf32>
      tpu.vector_store %arg12[%swap3A_959, %swap3A_960], %swap3A_963 {strides = array<i32>} : memref<16x128xf32, #tpu.memory_space<vmem>>, vector<1x16xf32>,
      %broadcast_in_dim3A_964 = arith.constant 0.000000e+00 : f32
      %broadcast_in_dim3A_965 = vector.broadcast %broadcast_in_dim3A_964 : f32 to vector<16xf32>
      %swap3A_966 = arith.constant 14 : i32
      %swap3A_967 = arith.index_cast %swap3A_966 : i32 to index
      %swap3A_968 = arith.constant 80 : index
      %swap3A_969 = tpu.vector_load %arg12[%swap3A_967, %swap3A_968] {strides = array<i32>} : memref<16x128xf32, #tpu.memory_space<vmem>>, vector<1x16xf32>,
      %swap3A_970 = vector.shape_cast %swap3A_969 : vector<1x16xf32> to vector<16xf32>
      %swap3A_971 = vector.shape_cast %broadcast_in_dim3A_965 : vector<16xf32> to vector<1x16xf32>
      tpu.vector_store %arg12[%swap3A_967, %swap3A_968], %swap3A_971 {strides = array<i32>} : memref<16x128xf32, #tpu.memory_space<vmem>>, vector<1x16xf32>,
      %broadcast_in_dim3A_972 = arith.constant 0.000000e+00 : f32
      %broadcast_in_dim3A_973 = vector.broadcast %broadcast_in_dim3A_972 : f32 to vector<16xf32>
      %swap3A_974 = arith.constant 14 : i32
      %swap3A_975 = arith.index_cast %swap3A_974 : i32 to index
      %swap3A_976 = arith.constant 96 : index
      %swap3A_977 = tpu.vector_load %arg12[%swap3A_975, %swap3A_976] {strides = array<i32>} : memref<16x128xf32, #tpu.memory_space<vmem>>, vector<1x16xf32>,
      %swap3A_978 = vector.shape_cast %swap3A_977 : vector<1x16xf32> to vector<16xf32>
      %swap3A_979 = vector.shape_cast %broadcast_in_dim3A_973 : vector<16xf32> to vector<1x16xf32>
      tpu.vector_store %arg12[%swap3A_975, %swap3A_976], %swap3A_979 {strides = array<i32>} : memref<16x128xf32, #tpu.memory_space<vmem>>, vector<1x16xf32>,
      %broadcast_in_dim3A_980 = arith.constant 0.000000e+00 : f32
      %broadcast_in_dim3A_981 = vector.broadcast %broadcast_in_dim3A_980 : f32 to vector<16xf32>
      %swap3A_982 = arith.constant 14 : i32
      %swap3A_983 = arith.index_cast %swap3A_982 : i32 to index
      %swap3A_984 = arith.constant 112 : index
      %swap3A_985 = tpu.vector_load %arg12[%swap3A_983, %swap3A_984] {strides = array<i32>} : memref<16x128xf32, #tpu.memory_space<vmem>>, vector<1x16xf32>,
      %swap3A_986 = vector.shape_cast %swap3A_985 : vector<1x16xf32> to vector<16xf32>
      %swap3A_987 = vector.shape_cast %broadcast_in_dim3A_981 : vector<16xf32> to vector<1x16xf32>
      tpu.vector_store %arg12[%swap3A_983, %swap3A_984], %swap3A_987 {strides = array<i32>} : memref<16x128xf32, #tpu.memory_space<vmem>>, vector<1x16xf32>,
      %broadcast_in_dim3A_988 = arith.constant 0.000000e+00 : f32
      %broadcast_in_dim3A_989 = vector.broadcast %broadcast_in_dim3A_988 : f32 to vector<16xf32>
      %swap3A_990 = arith.constant 15 : i32
      %swap3A_991 = arith.index_cast %swap3A_990 : i32 to index
      %swap3A_992 = arith.constant 0 : index
      %swap3A_993 = tpu.vector_load %arg12[%swap3A_991, %swap3A_992] {strides = array<i32>} : memref<16x128xf32, #tpu.memory_space<vmem>>, vector<1x16xf32>,
      %swap3A_994 = vector.shape_cast %swap3A_993 : vector<1x16xf32> to vector<16xf32>
      %swap3A_995 = vector.shape_cast %broadcast_in_dim3A_989 : vector<16xf32> to vector<1x16xf32>
      tpu.vector_store %arg12[%swap3A_991, %swap3A_992], %swap3A_995 {strides = array<i32>} : memref<16x128xf32, #tpu.memory_space<vmem>>, vector<1x16xf32>,
      %broadcast_in_dim3A_996 = arith.constant 0.000000e+00 : f32
      %broadcast_in_dim3A_997 = vector.broadcast %broadcast_in_dim3A_996 : f32 to vector<16xf32>
      %swap3A_998 = arith.constant 15 : i32
      %swap3A_999 = arith.index_cast %swap3A_998 : i32 to index
      %swap3A_1000 = arith.constant 16 : index
      %swap3A_1001 = tpu.vector_load %arg12[%swap3A_999, %swap3A_1000] {strides = array<i32>} : memref<16x128xf32, #tpu.memory_space<vmem>>, vector<1x16xf32>,
      %swap3A_1002 = vector.shape_cast %swap3A_1001 : vector<1x16xf32> to vector<16xf32>
      %swap3A_1003 = vector.shape_cast %broadcast_in_dim3A_997 : vector<16xf32> to vector<1x16xf32>
      tpu.vector_store %arg12[%swap3A_999, %swap3A_1000], %swap3A_1003 {strides = array<i32>} : memref<16x128xf32, #tpu.memory_space<vmem>>, vector<1x16xf32>,
      %broadcast_in_dim3A_1004 = arith.constant 0.000000e+00 : f32
      %broadcast_in_dim3A_1005 = vector.broadcast %broadcast_in_dim3A_1004 : f32 to vector<16xf32>
      %swap3A_1006 = arith.constant 15 : i32
      %swap3A_1007 = arith.index_cast %swap3A_1006 : i32 to index
      %swap3A_1008 = arith.constant 32 : index
      %swap3A_1009 = tpu.vector_load %arg12[%swap3A_1007, %swap3A_1008] {strides = array<i32>} : memref<16x128xf32, #tpu.memory_space<vmem>>, vector<1x16xf32>,
      %swap3A_1010 = vector.shape_cast %swap3A_1009 : vector<1x16xf32> to vector<16xf32>
      %swap3A_1011 = vector.shape_cast %broadcast_in_dim3A_1005 : vector<16xf32> to vector<1x16xf32>
      tpu.vector_store %arg12[%swap3A_1007, %swap3A_1008], %swap3A_1011 {strides = array<i32>} : memref<16x128xf32, #tpu.memory_space<vmem>>, vector<1x16xf32>,
      %broadcast_in_dim3A_1012 = arith.constant 0.000000e+00 : f32
      %broadcast_in_dim3A_1013 = vector.broadcast %broadcast_in_dim3A_1012 : f32 to vector<16xf32>
      %swap3A_1014 = arith.constant 15 : i32
      %swap3A_1015 = arith.index_cast %swap3A_1014 : i32 to index
      %swap3A_1016 = arith.constant 48 : index
      %swap3A_1017 = tpu.vector_load %arg12[%swap3A_1015, %swap3A_1016] {strides = array<i32>} : memref<16x128xf32, #tpu.memory_space<vmem>>, vector<1x16xf32>,
      %swap3A_1018 = vector.shape_cast %swap3A_1017 : vector<1x16xf32> to vector<16xf32>
      %swap3A_1019 = vector.shape_cast %broadcast_in_dim3A_1013 : vector<16xf32> to vector<1x16xf32>
      tpu.vector_store %arg12[%swap3A_1015, %swap3A_1016], %swap3A_1019 {strides = array<i32>} : memref<16x128xf32, #tpu.memory_space<vmem>>, vector<1x16xf32>,
      %broadcast_in_dim3A_1020 = arith.constant 0.000000e+00 : f32
      %broadcast_in_dim3A_1021 = vector.broadcast %broadcast_in_dim3A_1020 : f32 to vector<16xf32>
      %swap3A_1022 = arith.constant 15 : i32
      %swap3A_1023 = arith.index_cast %swap3A_1022 : i32 to index
      %swap3A_1024 = arith.constant 64 : index
      %swap3A_1025 = tpu.vector_load %arg12[%swap3A_1023, %swap3A_1024] {strides = array<i32>} : memref<16x128xf32, #tpu.memory_space<vmem>>, vector<1x16xf32>,
      %swap3A_1026 = vector.shape_cast %swap3A_1025 : vector<1x16xf32> to vector<16xf32>
      %swap3A_1027 = vector.shape_cast %broadcast_in_dim3A_1021 : vector<16xf32> to vector<1x16xf32>
      tpu.vector_store %arg12[%swap3A_1023, %swap3A_1024], %swap3A_1027 {strides = array<i32>} : memref<16x128xf32, #tpu.memory_space<vmem>>, vector<1x16xf32>,
      %broadcast_in_dim3A_1028 = arith.constant 0.000000e+00 : f32
      %broadcast_in_dim3A_1029 = vector.broadcast %broadcast_in_dim3A_1028 : f32 to vector<16xf32>
      %swap3A_1030 = arith.constant 15 : i32
      %swap3A_1031 = arith.index_cast %swap3A_1030 : i32 to index
      %swap3A_1032 = arith.constant 80 : index
      %swap3A_1033 = tpu.vector_load %arg12[%swap3A_1031, %swap3A_1032] {strides = array<i32>} : memref<16x128xf32, #tpu.memory_space<vmem>>, vector<1x16xf32>,
      %swap3A_1034 = vector.shape_cast %swap3A_1033 : vector<1x16xf32> to vector<16xf32>
      %swap3A_1035 = vector.shape_cast %broadcast_in_dim3A_1029 : vector<16xf32> to vector<1x16xf32>
      tpu.vector_store %arg12[%swap3A_1031, %swap3A_1032], %swap3A_1035 {strides = array<i32>} : memref<16x128xf32, #tpu.memory_space<vmem>>, vector<1x16xf32>,
      %broadcast_in_dim3A_1036 = arith.constant 0.000000e+00 : f32
      %broadcast_in_dim3A_1037 = vector.broadcast %broadcast_in_dim3A_1036 : f32 to vector<16xf32>
      %swap3A_1038 = arith.constant 15 : i32
      %swap3A_1039 = arith.index_cast %swap3A_1038 : i32 to index
      %swap3A_1040 = arith.constant 96 : index
      %swap3A_1041 = tpu.vector_load %arg12[%swap3A_1039, %swap3A_1040] {strides = array<i32>} : memref<16x128xf32, #tpu.memory_space<vmem>>, vector<1x16xf32>,
      %swap3A_1042 = vector.shape_cast %swap3A_1041 : vector<1x16xf32> to vector<16xf32>
      %swap3A_1043 = vector.shape_cast %broadcast_in_dim3A_1037 : vector<16xf32> to vector<1x16xf32>
      tpu.vector_store %arg12[%swap3A_1039, %swap3A_1040], %swap3A_1043 {strides = array<i32>} : memref<16x128xf32, #tpu.memory_space<vmem>>, vector<1x16xf32>,
      %broadcast_in_dim3A_1044 = arith.constant 0.000000e+00 : f32
      %broadcast_in_dim3A_1045 = vector.broadcast %broadcast_in_dim3A_1044 : f32 to vector<16xf32>
      %swap3A_1046 = arith.constant 15 : i32
      %swap3A_1047 = arith.index_cast %swap3A_1046 : i32 to index
      %swap3A_1048 = arith.constant 112 : index
      %swap3A_1049 = tpu.vector_load %arg12[%swap3A_1047, %swap3A_1048] {strides = array<i32>} : memref<16x128xf32, #tpu.memory_space<vmem>>, vector<1x16xf32>,
      %swap3A_1050 = vector.shape_cast %swap3A_1049 : vector<1x16xf32> to vector<16xf32>
      %swap3A_1051 = vector.shape_cast %broadcast_in_dim3A_1045 : vector<16xf32> to vector<1x16xf32>
      tpu.vector_store %arg12[%swap3A_1047, %swap3A_1048], %swap3A_1051 {strides = array<i32>} : memref<16x128xf32, #tpu.memory_space<vmem>>, vector<1x16xf32>,
      %scan3A = arith.constant 0 : i32
      %scan3A_1052 = arith.constant 0 : i32
      %scan3A_1053 = arith.constant 40 : i32
      %scan3A_1054 = arith.addi %scan3A_1052, %scan3A_1053 : i32
      %scan3A_1055 = arith.constant 1 : i32
      %scan3A_1056 = scf.for %scan3A_1222 = %scan3A_1052 to %scan3A_1054 step %scan3A_1055 iter_args(%scan3A_1223 = %scan3A) -> (i32)  : i32 {
        %mul3A_1224 = arith.constant 640 : i32
        %mul3A_1225 = arith.muli %arg1, %mul3A_1224 : i32
        %mul3A_1226 = arith.constant 16 : i32
        %mul3A_1227 = arith.muli %scan3A_1222, %mul3A_1226 : i32
        %add3A_1228 = arith.addi %mul3A_1225, %mul3A_1227 : i32
        "tpu.region"() ({
          %run_scoped3A = tpu.sem_alloc : memref<!tpu.dma_semaphore, #tpu.memory_space<semaphore_mem>>
          %dma_start3A_1230 = arith.constant 0 : i32
          %dma_start3A_1231 = tpu.memref_slice %arg8[%add3A_1228, %dma_start3A_1230] : memref<10240x128xf32, #tpu.memory_space<vmem_shared>> -> memref<16x128xf32, #tpu.memory_space<vmem_shared>>
          %dma_start3A_1232 = arith.constant 0 : i32
          %dma_start3A_1233 = tpu.memref_slice %arg8[%add3A_1228, %dma_start3A_1232] : memref<10240x128xf32, #tpu.memory_space<vmem_shared>> -> memref<16x128xf32, #tpu.memory_space<vmem_shared>>
          tpu.enqueue_dma source(%arg12 : memref<16x128xf32, #tpu.memory_space<vmem>>) target(%dma_start3A_1233 : memref<16x128xf32, #tpu.memory_space<vmem_shared>>) target_semaphore(%run_scoped3A : memref<!tpu.dma_semaphore, #tpu.memory_space<semaphore_mem>>)
          %dma_wait3A_1234 = arith.constant 0 : i32
          %dma_wait3A_1235 = tpu.memref_slice %arg8[%add3A_1228, %dma_wait3A_1234] : memref<10240x128xf32, #tpu.memory_space<vmem_shared>> -> memref<16x128xf32, #tpu.memory_space<vmem_shared>>
          %dma_wait3A_1236 = arith.constant 0 : i32
          %dma_wait3A_1237 = tpu.memref_slice %arg8[%add3A_1228, %dma_wait3A_1236] : memref<10240x128xf32, #tpu.memory_space<vmem_shared>> -> memref<16x128xf32, #tpu.memory_space<vmem_shared>>
          tpu.wait_dma2 semaphore(%run_scoped3A : memref<!tpu.dma_semaphore, #tpu.memory_space<semaphore_mem>>) src(%arg12 : memref<16x128xf32, #tpu.memory_space<vmem>>) dst(%dma_wait3A_1237 : memref<16x128xf32, #tpu.memory_space<vmem_shared>>)
          tpu.yield
        }) : () -> ()
        %scan3A_1229 = arith.constant 0 : i32
        scf.yield %scan3A_1229 : i32
      }
      %scan3A_1057 = arith.constant 40 : i32
      %barrier3A = arith.constant 0 : index
      tpu.barrier barrier_id(%barrier3A)
      %scan3A_1058 = arith.constant 0 : i32
      %scan3A_1059 = arith.constant 0 : i32
      %scan3A_1060 = arith.constant 20 : i32
      %scan3A_1061 = arith.addi %scan3A_1059, %scan3A_1060 : i32
      %scan3A_1062 = arith.constant 1 : i32
      %scan3A_1063 = scf.for %scan3A_1222 = %scan3A_1059 to %scan3A_1061 step %scan3A_1062 iter_args(%scan3A_1223 = %scan3A_1058) -> (i32)  : i32 {
        %mul3A_1224 = arith.constant 2 : i32
        %mul3A_1225 = arith.muli %mul3A_1224, %scan3A_1222 : i32
        %add3A_1226 = arith.constant 0 : i32
        %add3A_1227 = arith.addi %mul3A_1225, %add3A_1226 : i32
        %dma_wait3A_1228 = arith.constant 0 : i32
        %dma_wait3A_1229 = arith.constant 0 : i32
        %dma_wait3A_1230 = arith.constant 0 : i32
        %dma_wait3A_1231 = tpu.memref_slice %arg11[%dma_wait3A_1228, %dma_wait3A_1229, %dma_wait3A_1230] : memref<4x64x128xf32, #tpu.memory_space<vmem>> -> memref<1x64x128xf32, #tpu.memory_space<vmem>>
        %dma_wait3A_1232 = tpu.memref_squeeze %dma_wait3A_1231 : memref<1x64x128xf32, #tpu.memory_space<vmem>> -> memref<64x128xf32, #tpu.memory_space<vmem>>
        %dma_wait3A_1233 = arith.constant 0 : i32
        %dma_wait3A_1234 = tpu.memref_slice %arg9[%add3A_1227, %dma_wait3A_1233] : memref<40x128xi32, #tpu.memory_space<vmem>> -> memref<1x64xi32, #tpu.memory_space<vmem>>
        %dma_wait3A_1235 = tpu.memref_squeeze %dma_wait3A_1234 : memref<1x64xi32, #tpu.memory_space<vmem>> -> memref<64xi32, #tpu.memory_space<vmem>>
        %dma_wait3A_1236 = arith.constant 0 : i32
        %dma_wait3A_1237 = arith.constant 0 : i32
        %dma_wait3A_1238 = tpu.memref_slice %arg3[%dma_wait3A_1236, %dma_wait3A_1237] : memref<10240x128xf32, #tpu.memory_space<hbm>> -> memref<10240x128xf32, #tpu.memory_space<hbm>>
        tpu.wait_indirect_dma semaphore(%arg13 : memref<!tpu.dma_semaphore, #tpu.memory_space<semaphore_mem>>) src(%dma_wait3A_1238 : memref<10240x128xf32, #tpu.memory_space<hbm>>) dst(%dma_wait3A_1232 : memref<64x128xf32, #tpu.memory_space<vmem>>)
        %dma_start3A_1239 = arith.constant 0 : i32
        %dma_start3A_1240 = arith.constant 0 : i32
        %dma_start3A_1241 = arith.constant 0 : i32
        %dma_start3A_1242 = tpu.memref_slice %arg11[%dma_start3A_1239, %dma_start3A_1240, %dma_start3A_1241] : memref<4x64x128xf32, #tpu.memory_space<vmem>> -> memref<1x64x128xf32, #tpu.memory_space<vmem>>
        %dma_start3A_1243 = tpu.memref_squeeze %dma_start3A_1242 : memref<1x64x128xf32, #tpu.memory_space<vmem>> -> memref<64x128xf32, #tpu.memory_space<vmem>>
        %dma_start3A_1244 = arith.constant 0 : i32
        %dma_start3A_1245 = tpu.memref_slice %arg10[%add3A_1227, %dma_start3A_1244] : memref<40x128xi32, #tpu.memory_space<vmem>> -> memref<1x64xi32, #tpu.memory_space<vmem>>
        %dma_start3A_1246 = tpu.memref_squeeze %dma_start3A_1245 : memref<1x64xi32, #tpu.memory_space<vmem>> -> memref<64xi32, #tpu.memory_space<vmem>>
        %dma_start3A_1247 = arith.constant 0 : i32
        %dma_start3A_1248 = arith.constant 0 : i32
        %dma_start3A_1249 = tpu.memref_slice %arg8[%dma_start3A_1247, %dma_start3A_1248] : memref<10240x128xf32, #tpu.memory_space<vmem_shared>> -> memref<10240x128xf32, #tpu.memory_space<vmem_shared>>
        tpu.enqueue_indirect_dma source(%dma_start3A_1243 : memref<64x128xf32, #tpu.memory_space<vmem>>) target(%dma_start3A_1249 : memref<10240x128xf32, #tpu.memory_space<vmem_shared>>) offsets(%dma_start3A_1246 : memref<64xi32, #tpu.memory_space<vmem>>) semaphore(%arg14 : memref<!tpu.dma_semaphore, #tpu.memory_space<semaphore_mem>>) {add = true}
        %mul3A_1250 = arith.constant 4 : i32
        %mul3A_1251 = arith.muli %mul3A_1250, %scan3A_1222 : i32
        %add3A_1252 = arith.constant 0 : i32
        %add3A_1253 = arith.addi %mul3A_1251, %add3A_1252 : i32
        %ge3A = arith.constant 2 : i32
        %ge3A_1254 = arith.cmpi sge, %add3A_1253, %ge3A : i32
        %convert_element_type3A_1255 = arith.extui %ge3A_1254 : i1 to i32
        %cond3A_1256 = arith.constant 0 : i32
        %cond3A_1257 = arith.cmpi ne, %convert_element_type3A_1255, %cond3A_1256 : i32
        scf.if %cond3A_1257 {
          %dma_wait3A_1431 = arith.constant 2 : i32
          %dma_wait3A_1432 = arith.constant 0 : i32
          %dma_wait3A_1433 = arith.constant 0 : i32
          %dma_wait3A_1434 = arith.constant 0 : i32
          %dma_wait3A_1435 = tpu.memref_slice %arg11[%dma_wait3A_1431, %dma_wait3A_1433, %dma_wait3A_1434] : memref<4x64x128xf32, #tpu.memory_space<vmem>> -> memref<1x64x128xf32, #tpu.memory_space<vmem>>
          %dma_wait3A_1436 = tpu.memref_squeeze %dma_wait3A_1435 : memref<1x64x128xf32, #tpu.memory_space<vmem>> -> memref<64x128xf32, #tpu.memory_space<vmem>>
          %dma_wait3A_1437 = arith.constant 0 : i32
          %dma_wait3A_1438 = tpu.memref_slice %arg10[%dma_wait3A_1432, %dma_wait3A_1437] : memref<40x128xi32, #tpu.memory_space<vmem>> -> memref<1x64xi32, #tpu.memory_space<vmem>>
          %dma_wait3A_1439 = tpu.memref_squeeze %dma_wait3A_1438 : memref<1x64xi32, #tpu.memory_space<vmem>> -> memref<64xi32, #tpu.memory_space<vmem>>
          %dma_wait3A_1440 = arith.constant 0 : i32
          %dma_wait3A_1441 = arith.constant 0 : i32
          %dma_wait3A_1442 = tpu.memref_slice %arg8[%dma_wait3A_1440, %dma_wait3A_1441] : memref<10240x128xf32, #tpu.memory_space<vmem_shared>> -> memref<10240x128xf32, #tpu.memory_space<vmem_shared>>
          tpu.wait_indirect_dma semaphore(%arg14 : memref<!tpu.dma_semaphore, #tpu.memory_space<semaphore_mem>>) src(%dma_wait3A_1436 : memref<64x128xf32, #tpu.memory_space<vmem>>) dst(%dma_wait3A_1442 : memref<10240x128xf32, #tpu.memory_space<vmem_shared>>)
        } else {
        }
        %mul3A_1258 = arith.constant 2 : i32
        %mul3A_1259 = arith.muli %mul3A_1258, %scan3A_1222 : i32
        %add3A_1260 = arith.constant 1 : i32
        %add3A_1261 = arith.addi %mul3A_1259, %add3A_1260 : i32
        %add3A_1262 = arith.constant 0 : i32
        %add3A_1263 = arith.addi %add3A_1261, %add3A_1262 : i32
        %mul3A_1264 = arith.constant 4 : i32
        %mul3A_1265 = arith.muli %mul3A_1264, %scan3A_1222 : i32
        %add3A_1266 = arith.constant 0 : i32
        %add3A_1267 = arith.addi %mul3A_1265, %add3A_1266 : i32
        %add3A_1268 = arith.constant 2 : i32
        %add3A_1269 = arith.addi %add3A_1267, %add3A_1268 : i32
        %lt3A = arith.constant 80 : i32
        %lt3A_1270 = arith.cmpi slt, %add3A_1269, %lt3A : i32
        %convert_element_type3A_1271 = arith.extui %lt3A_1270 : i1 to i32
        %cond3A_1272 = arith.constant 0 : i32
        %cond3A_1273 = arith.cmpi ne, %convert_element_type3A_1271, %cond3A_1272 : i32
        scf.if %cond3A_1273 {
          %dma_start3A_1431 = arith.constant 2 : i32
          %dma_start3A_1432 = arith.constant 0 : i32
          %dma_start3A_1433 = arith.constant 0 : i32
          %dma_start3A_1434 = tpu.memref_slice %arg11[%dma_start3A_1431, %dma_start3A_1432, %dma_start3A_1433] : memref<4x64x128xf32, #tpu.memory_space<vmem>> -> memref<1x64x128xf32, #tpu.memory_space<vmem>>
          %dma_start3A_1435 = tpu.memref_squeeze %dma_start3A_1434 : memref<1x64x128xf32, #tpu.memory_space<vmem>> -> memref<64x128xf32, #tpu.memory_space<vmem>>
          %dma_start3A_1436 = arith.constant 0 : i32
          %dma_start3A_1437 = tpu.memref_slice %arg9[%add3A_1263, %dma_start3A_1436] : memref<40x128xi32, #tpu.memory_space<vmem>> -> memref<1x64xi32, #tpu.memory_space<vmem>>
          %dma_start3A_1438 = tpu.memref_squeeze %dma_start3A_1437 : memref<1x64xi32, #tpu.memory_space<vmem>> -> memref<64xi32, #tpu.memory_space<vmem>>
          %dma_start3A_1439 = arith.constant 0 : i32
          %dma_start3A_1440 = arith.constant 0 : i32
          %dma_start3A_1441 = tpu.memref_slice %arg3[%dma_start3A_1439, %dma_start3A_1440] : memref<10240x128xf32, #tpu.memory_space<hbm>> -> memref<10240x128xf32, #tpu.memory_space<hbm>>
          tpu.enqueue_indirect_dma source(%dma_start3A_1441 : memref<10240x128xf32, #tpu.memory_space<hbm>>) target(%dma_start3A_1435 : memref<64x128xf32, #tpu.memory_space<vmem>>) offsets(%dma_start3A_1438 : memref<64xi32, #tpu.memory_space<vmem>>) semaphore(%arg13 : memref<!tpu.dma_semaphore, #tpu.memory_space<semaphore_mem>>)
        } else {
        }
        %mul3A_1274 = arith.constant 2 : i32
        %mul3A_1275 = arith.muli %mul3A_1274, %scan3A_1222 : i32
        %add3A_1276 = arith.constant 0 : i32
        %add3A_1277 = arith.addi %mul3A_1275, %add3A_1276 : i32
        %dma_wait3A_1278 = arith.constant 1 : i32
        %dma_wait3A_1279 = arith.constant 0 : i32
        %dma_wait3A_1280 = arith.constant 0 : i32
        %dma_wait3A_1281 = tpu.memref_slice %arg11[%dma_wait3A_1278, %dma_wait3A_1279, %dma_wait3A_1280] : memref<4x64x128xf32, #tpu.memory_space<vmem>> -> memref<1x64x128xf32, #tpu.memory_space<vmem>>
        %dma_wait3A_1282 = tpu.memref_squeeze %dma_wait3A_1281 : memref<1x64x128xf32, #tpu.memory_space<vmem>> -> memref<64x128xf32, #tpu.memory_space<vmem>>
        %dma_wait3A_1283 = arith.constant 64 : i32
        %dma_wait3A_1284 = tpu.memref_slice %arg9[%add3A_1277, %dma_wait3A_1283] : memref<40x128xi32, #tpu.memory_space<vmem>> -> memref<1x64xi32, #tpu.memory_space<vmem>>
        %dma_wait3A_1285 = tpu.memref_squeeze %dma_wait3A_1284 : memref<1x64xi32, #tpu.memory_space<vmem>> -> memref<64xi32, #tpu.memory_space<vmem>>
        %dma_wait3A_1286 = arith.constant 0 : i32
        %dma_wait3A_1287 = arith.constant 0 : i32
        %dma_wait3A_1288 = tpu.memref_slice %arg3[%dma_wait3A_1286, %dma_wait3A_1287] : memref<10240x128xf32, #tpu.memory_space<hbm>> -> memref<10240x128xf32, #tpu.memory_space<hbm>>
        tpu.wait_indirect_dma semaphore(%arg13 : memref<!tpu.dma_semaphore, #tpu.memory_space<semaphore_mem>>) src(%dma_wait3A_1288 : memref<10240x128xf32, #tpu.memory_space<hbm>>) dst(%dma_wait3A_1282 : memref<64x128xf32, #tpu.memory_space<vmem>>)
        %dma_start3A_1289 = arith.constant 1 : i32
        %dma_start3A_1290 = arith.constant 0 : i32
        %dma_start3A_1291 = arith.constant 0 : i32
        %dma_start3A_1292 = tpu.memref_slice %arg11[%dma_start3A_1289, %dma_start3A_1290, %dma_start3A_1291] : memref<4x64x128xf32, #tpu.memory_space<vmem>> -> memref<1x64x128xf32, #tpu.memory_space<vmem>>
        %dma_start3A_1293 = tpu.memref_squeeze %dma_start3A_1292 : memref<1x64x128xf32, #tpu.memory_space<vmem>> -> memref<64x128xf32, #tpu.memory_space<vmem>>
        %dma_start3A_1294 = arith.constant 64 : i32
        %dma_start3A_1295 = tpu.memref_slice %arg10[%add3A_1277, %dma_start3A_1294] : memref<40x128xi32, #tpu.memory_space<vmem>> -> memref<1x64xi32, #tpu.memory_space<vmem>>
        %dma_start3A_1296 = tpu.memref_squeeze %dma_start3A_1295 : memref<1x64xi32, #tpu.memory_space<vmem>> -> memref<64xi32, #tpu.memory_space<vmem>>
        %dma_start3A_1297 = arith.constant 0 : i32
        %dma_start3A_1298 = arith.constant 0 : i32
        %dma_start3A_1299 = tpu.memref_slice %arg8[%dma_start3A_1297, %dma_start3A_1298] : memref<10240x128xf32, #tpu.memory_space<vmem_shared>> -> memref<10240x128xf32, #tpu.memory_space<vmem_shared>>
        tpu.enqueue_indirect_dma source(%dma_start3A_1293 : memref<64x128xf32, #tpu.memory_space<vmem>>) target(%dma_start3A_1299 : memref<10240x128xf32, #tpu.memory_space<vmem_shared>>) offsets(%dma_start3A_1296 : memref<64xi32, #tpu.memory_space<vmem>>) semaphore(%arg14 : memref<!tpu.dma_semaphore, #tpu.memory_space<semaphore_mem>>) {add = true}
        %mul3A_1300 = arith.constant 4 : i32
        %mul3A_1301 = arith.muli %mul3A_1300, %scan3A_1222 : i32
        %add3A_1302 = arith.constant 1 : i32
        %add3A_1303 = arith.addi %mul3A_1301, %add3A_1302 : i32
        %ge3A_1304 = arith.constant 2 : i32
        %ge3A_1305 = arith.cmpi sge, %add3A_1303, %ge3A_1304 : i32
        %convert_element_type3A_1306 = arith.extui %ge3A_1305 : i1 to i32
        %cond3A_1307 = arith.constant 0 : i32
        %cond3A_1308 = arith.cmpi ne, %convert_element_type3A_1306, %cond3A_1307 : i32
        scf.if %cond3A_1308 {
          %dma_wait3A_1431 = arith.constant 3 : i32
          %dma_wait3A_1432 = arith.constant 0 : i32
          %dma_wait3A_1433 = arith.constant 0 : i32
          %dma_wait3A_1434 = arith.constant 0 : i32
          %dma_wait3A_1435 = tpu.memref_slice %arg11[%dma_wait3A_1431, %dma_wait3A_1433, %dma_wait3A_1434] : memref<4x64x128xf32, #tpu.memory_space<vmem>> -> memref<1x64x128xf32, #tpu.memory_space<vmem>>
          %dma_wait3A_1436 = tpu.memref_squeeze %dma_wait3A_1435 : memref<1x64x128xf32, #tpu.memory_space<vmem>> -> memref<64x128xf32, #tpu.memory_space<vmem>>
          %dma_wait3A_1437 = arith.constant 0 : i32
          %dma_wait3A_1438 = tpu.memref_slice %arg10[%dma_wait3A_1432, %dma_wait3A_1437] : memref<40x128xi32, #tpu.memory_space<vmem>> -> memref<1x64xi32, #tpu.memory_space<vmem>>
          %dma_wait3A_1439 = tpu.memref_squeeze %dma_wait3A_1438 : memref<1x64xi32, #tpu.memory_space<vmem>> -> memref<64xi32, #tpu.memory_space<vmem>>
          %dma_wait3A_1440 = arith.constant 0 : i32
          %dma_wait3A_1441 = arith.constant 0 : i32
          %dma_wait3A_1442 = tpu.memref_slice %arg8[%dma_wait3A_1440, %dma_wait3A_1441] : memref<10240x128xf32, #tpu.memory_space<vmem_shared>> -> memref<10240x128xf32, #tpu.memory_space<vmem_shared>>
          tpu.wait_indirect_dma semaphore(%arg14 : memref<!tpu.dma_semaphore, #tpu.memory_space<semaphore_mem>>) src(%dma_wait3A_1436 : memref<64x128xf32, #tpu.memory_space<vmem>>) dst(%dma_wait3A_1442 : memref<10240x128xf32, #tpu.memory_space<vmem_shared>>)
        } else {
        }
        %mul3A_1309 = arith.constant 2 : i32
        %mul3A_1310 = arith.muli %mul3A_1309, %scan3A_1222 : i32
        %add3A_1311 = arith.constant 1 : i32
        %add3A_1312 = arith.addi %mul3A_1310, %add3A_1311 : i32
        %add3A_1313 = arith.constant 0 : i32
        %add3A_1314 = arith.addi %add3A_1312, %add3A_1313 : i32
        %mul3A_1315 = arith.constant 4 : i32
        %mul3A_1316 = arith.muli %mul3A_1315, %scan3A_1222 : i32
        %add3A_1317 = arith.constant 1 : i32
        %add3A_1318 = arith.addi %mul3A_1316, %add3A_1317 : i32
        %add3A_1319 = arith.constant 2 : i32
        %add3A_1320 = arith.addi %add3A_1318, %add3A_1319 : i32
        %lt3A_1321 = arith.constant 80 : i32
        %lt3A_1322 = arith.cmpi slt, %add3A_1320, %lt3A_1321 : i32
        %convert_element_type3A_1323 = arith.extui %lt3A_1322 : i1 to i32
        %cond3A_1324 = arith.constant 0 : i32
        %cond3A_1325 = arith.cmpi ne, %convert_element_type3A_1323, %cond3A_1324 : i32
        scf.if %cond3A_1325 {
          %dma_start3A_1431 = arith.constant 3 : i32
          %dma_start3A_1432 = arith.constant 0 : i32
          %dma_start3A_1433 = arith.constant 0 : i32
          %dma_start3A_1434 = tpu.memref_slice %arg11[%dma_start3A_1431, %dma_start3A_1432, %dma_start3A_1433] : memref<4x64x128xf32, #tpu.memory_space<vmem>> -> memref<1x64x128xf32, #tpu.memory_space<vmem>>
          %dma_start3A_1435 = tpu.memref_squeeze %dma_start3A_1434 : memref<1x64x128xf32, #tpu.memory_space<vmem>> -> memref<64x128xf32, #tpu.memory_space<vmem>>
          %dma_start3A_1436 = arith.constant 64 : i32
          %dma_start3A_1437 = tpu.memref_slice %arg9[%add3A_1314, %dma_start3A_1436] : memref<40x128xi32, #tpu.memory_space<vmem>> -> memref<1x64xi32, #tpu.memory_space<vmem>>
          %dma_start3A_1438 = tpu.memref_squeeze %dma_start3A_1437 : memref<1x64xi32, #tpu.memory_space<vmem>> -> memref<64xi32, #tpu.memory_space<vmem>>
          %dma_start3A_1439 = arith.constant 0 : i32
          %dma_start3A_1440 = arith.constant 0 : i32
          %dma_start3A_1441 = tpu.memref_slice %arg3[%dma_start3A_1439, %dma_start3A_1440] : memref<10240x128xf32, #tpu.memory_space<hbm>> -> memref<10240x128xf32, #tpu.memory_space<hbm>>
          tpu.enqueue_indirect_dma source(%dma_start3A_1441 : memref<10240x128xf32, #tpu.memory_space<hbm>>) target(%dma_start3A_1435 : memref<64x128xf32, #tpu.memory_space<vmem>>) offsets(%dma_start3A_1438 : memref<64xi32, #tpu.memory_space<vmem>>) semaphore(%arg13 : memref<!tpu.dma_semaphore, #tpu.memory_space<semaphore_mem>>)
        } else {
        }
        %mul3A_1326 = arith.constant 2 : i32
        %mul3A_1327 = arith.muli %mul3A_1326, %scan3A_1222 : i32
        %add3A_1328 = arith.constant 1 : i32
        %add3A_1329 = arith.addi %mul3A_1327, %add3A_1328 : i32
        %dma_wait3A_1330 = arith.constant 2 : i32
        %dma_wait3A_1331 = arith.constant 0 : i32
        %dma_wait3A_1332 = arith.constant 0 : i32
        %dma_wait3A_1333 = tpu.memref_slice %arg11[%dma_wait3A_1330, %dma_wait3A_1331, %dma_wait3A_1332] : memref<4x64x128xf32, #tpu.memory_space<vmem>> -> memref<1x64x128xf32, #tpu.memory_space<vmem>>
        %dma_wait3A_1334 = tpu.memref_squeeze %dma_wait3A_1333 : memref<1x64x128xf32, #tpu.memory_space<vmem>> -> memref<64x128xf32, #tpu.memory_space<vmem>>
        %dma_wait3A_1335 = arith.constant 0 : i32
        %dma_wait3A_1336 = tpu.memref_slice %arg9[%add3A_1329, %dma_wait3A_1335] : memref<40x128xi32, #tpu.memory_space<vmem>> -> memref<1x64xi32, #tpu.memory_space<vmem>>
        %dma_wait3A_1337 = tpu.memref_squeeze %dma_wait3A_1336 : memref<1x64xi32, #tpu.memory_space<vmem>> -> memref<64xi32, #tpu.memory_space<vmem>>
        %dma_wait3A_1338 = arith.constant 0 : i32
        %dma_wait3A_1339 = arith.constant 0 : i32
        %dma_wait3A_1340 = tpu.memref_slice %arg3[%dma_wait3A_1338, %dma_wait3A_1339] : memref<10240x128xf32, #tpu.memory_space<hbm>> -> memref<10240x128xf32, #tpu.memory_space<hbm>>
        tpu.wait_indirect_dma semaphore(%arg13 : memref<!tpu.dma_semaphore, #tpu.memory_space<semaphore_mem>>) src(%dma_wait3A_1340 : memref<10240x128xf32, #tpu.memory_space<hbm>>) dst(%dma_wait3A_1334 : memref<64x128xf32, #tpu.memory_space<vmem>>)
        %dma_start3A_1341 = arith.constant 2 : i32
        %dma_start3A_1342 = arith.constant 0 : i32
        %dma_start3A_1343 = arith.constant 0 : i32
        %dma_start3A_1344 = tpu.memref_slice %arg11[%dma_start3A_1341, %dma_start3A_1342, %dma_start3A_1343] : memref<4x64x128xf32, #tpu.memory_space<vmem>> -> memref<1x64x128xf32, #tpu.memory_space<vmem>>
        %dma_start3A_1345 = tpu.memref_squeeze %dma_start3A_1344 : memref<1x64x128xf32, #tpu.memory_space<vmem>> -> memref<64x128xf32, #tpu.memory_space<vmem>>
        %dma_start3A_1346 = arith.constant 0 : i32
        %dma_start3A_1347 = tpu.memref_slice %arg10[%add3A_1329, %dma_start3A_1346] : memref<40x128xi32, #tpu.memory_space<vmem>> -> memref<1x64xi32, #tpu.memory_space<vmem>>
        %dma_start3A_1348 = tpu.memref_squeeze %dma_start3A_1347 : memref<1x64xi32, #tpu.memory_space<vmem>> -> memref<64xi32, #tpu.memory_space<vmem>>
        %dma_start3A_1349 = arith.constant 0 : i32
        %dma_start3A_1350 = arith.constant 0 : i32
        %dma_start3A_1351 = tpu.memref_slice %arg8[%dma_start3A_1349, %dma_start3A_1350] : memref<10240x128xf32, #tpu.memory_space<vmem_shared>> -> memref<10240x128xf32, #tpu.memory_space<vmem_shared>>
        tpu.enqueue_indirect_dma source(%dma_start3A_1345 : memref<64x128xf32, #tpu.memory_space<vmem>>) target(%dma_start3A_1351 : memref<10240x128xf32, #tpu.memory_space<vmem_shared>>) offsets(%dma_start3A_1348 : memref<64xi32, #tpu.memory_space<vmem>>) semaphore(%arg14 : memref<!tpu.dma_semaphore, #tpu.memory_space<semaphore_mem>>) {add = true}
        %mul3A_1352 = arith.constant 4 : i32
        %mul3A_1353 = arith.muli %mul3A_1352, %scan3A_1222 : i32
        %add3A_1354 = arith.constant 2 : i32
        %add3A_1355 = arith.addi %mul3A_1353, %add3A_1354 : i32
        %ge3A_1356 = arith.constant 2 : i32
        %ge3A_1357 = arith.cmpi sge, %add3A_1355, %ge3A_1356 : i32
        %convert_element_type3A_1358 = arith.extui %ge3A_1357 : i1 to i32
        %cond3A_1359 = arith.constant 0 : i32
        %cond3A_1360 = arith.cmpi ne, %convert_element_type3A_1358, %cond3A_1359 : i32
        scf.if %cond3A_1360 {
          %dma_wait3A_1431 = arith.constant 0 : i32
          %dma_wait3A_1432 = arith.constant 0 : i32
          %dma_wait3A_1433 = arith.constant 0 : i32
          %dma_wait3A_1434 = arith.constant 0 : i32
          %dma_wait3A_1435 = tpu.memref_slice %arg11[%dma_wait3A_1431, %dma_wait3A_1433, %dma_wait3A_1434] : memref<4x64x128xf32, #tpu.memory_space<vmem>> -> memref<1x64x128xf32, #tpu.memory_space<vmem>>
          %dma_wait3A_1436 = tpu.memref_squeeze %dma_wait3A_1435 : memref<1x64x128xf32, #tpu.memory_space<vmem>> -> memref<64x128xf32, #tpu.memory_space<vmem>>
          %dma_wait3A_1437 = arith.constant 0 : i32
          %dma_wait3A_1438 = tpu.memref_slice %arg10[%dma_wait3A_1432, %dma_wait3A_1437] : memref<40x128xi32, #tpu.memory_space<vmem>> -> memref<1x64xi32, #tpu.memory_space<vmem>>
          %dma_wait3A_1439 = tpu.memref_squeeze %dma_wait3A_1438 : memref<1x64xi32, #tpu.memory_space<vmem>> -> memref<64xi32, #tpu.memory_space<vmem>>
          %dma_wait3A_1440 = arith.constant 0 : i32
          %dma_wait3A_1441 = arith.constant 0 : i32
          %dma_wait3A_1442 = tpu.memref_slice %arg8[%dma_wait3A_1440, %dma_wait3A_1441] : memref<10240x128xf32, #tpu.memory_space<vmem_shared>> -> memref<10240x128xf32, #tpu.memory_space<vmem_shared>>
          tpu.wait_indirect_dma semaphore(%arg14 : memref<!tpu.dma_semaphore, #tpu.memory_space<semaphore_mem>>) src(%dma_wait3A_1436 : memref<64x128xf32, #tpu.memory_space<vmem>>) dst(%dma_wait3A_1442 : memref<10240x128xf32, #tpu.memory_space<vmem_shared>>)
        } else {
        }
        %mul3A_1361 = arith.constant 2 : i32
        %mul3A_1362 = arith.muli %mul3A_1361, %scan3A_1222 : i32
        %add3A_1363 = arith.constant 1 : i32
        %add3A_1364 = arith.addi %mul3A_1362, %add3A_1363 : i32
        %add3A_1365 = arith.constant 1 : i32
        %add3A_1366 = arith.addi %add3A_1364, %add3A_1365 : i32
        %mul3A_1367 = arith.constant 4 : i32
        %mul3A_1368 = arith.muli %mul3A_1367, %scan3A_1222 : i32
        %add3A_1369 = arith.constant 2 : i32
        %add3A_1370 = arith.addi %mul3A_1368, %add3A_1369 : i32
        %add3A_1371 = arith.constant 2 : i32
        %add3A_1372 = arith.addi %add3A_1370, %add3A_1371 : i32
        %lt3A_1373 = arith.constant 80 : i32
        %lt3A_1374 = arith.cmpi slt, %add3A_1372, %lt3A_1373 : i32
        %convert_element_type3A_1375 = arith.extui %lt3A_1374 : i1 to i32
        %cond3A_1376 = arith.constant 0 : i32
        %cond3A_1377 = arith.cmpi ne, %convert_element_type3A_1375, %cond3A_1376 : i32
        scf.if %cond3A_1377 {
          %dma_start3A_1431 = arith.constant 0 : i32
          %dma_start3A_1432 = arith.constant 0 : i32
          %dma_start3A_1433 = arith.constant 0 : i32
          %dma_start3A_1434 = tpu.memref_slice %arg11[%dma_start3A_1431, %dma_start3A_1432, %dma_start3A_1433] : memref<4x64x128xf32, #tpu.memory_space<vmem>> -> memref<1x64x128xf32, #tpu.memory_space<vmem>>
          %dma_start3A_1435 = tpu.memref_squeeze %dma_start3A_1434 : memref<1x64x128xf32, #tpu.memory_space<vmem>> -> memref<64x128xf32, #tpu.memory_space<vmem>>
          %dma_start3A_1436 = arith.constant 0 : i32
          %dma_start3A_1437 = tpu.memref_slice %arg9[%add3A_1366, %dma_start3A_1436] : memref<40x128xi32, #tpu.memory_space<vmem>> -> memref<1x64xi32, #tpu.memory_space<vmem>>
          %dma_start3A_1438 = tpu.memref_squeeze %dma_start3A_1437 : memref<1x64xi32, #tpu.memory_space<vmem>> -> memref<64xi32, #tpu.memory_space<vmem>>
          %dma_start3A_1439 = arith.constant 0 : i32
          %dma_start3A_1440 = arith.constant 0 : i32
          %dma_start3A_1441 = tpu.memref_slice %arg3[%dma_start3A_1439, %dma_start3A_1440] : memref<10240x128xf32, #tpu.memory_space<hbm>> -> memref<10240x128xf32, #tpu.memory_space<hbm>>
          tpu.enqueue_indirect_dma source(%dma_start3A_1441 : memref<10240x128xf32, #tpu.memory_space<hbm>>) target(%dma_start3A_1435 : memref<64x128xf32, #tpu.memory_space<vmem>>) offsets(%dma_start3A_1438 : memref<64xi32, #tpu.memory_space<vmem>>) semaphore(%arg13 : memref<!tpu.dma_semaphore, #tpu.memory_space<semaphore_mem>>)
        } else {
        }
        %mul3A_1378 = arith.constant 2 : i32
        %mul3A_1379 = arith.muli %mul3A_1378, %scan3A_1222 : i32
        %add3A_1380 = arith.constant 1 : i32
        %add3A_1381 = arith.addi %mul3A_1379, %add3A_1380 : i32
        %dma_wait3A_1382 = arith.constant 3 : i32
        %dma_wait3A_1383 = arith.constant 0 : i32
        %dma_wait3A_1384 = arith.constant 0 : i32
        %dma_wait3A_1385 = tpu.memref_slice %arg11[%dma_wait3A_1382, %dma_wait3A_1383, %dma_wait3A_1384] : memref<4x64x128xf32, #tpu.memory_space<vmem>> -> memref<1x64x128xf32, #tpu.memory_space<vmem>>
        %dma_wait3A_1386 = tpu.memref_squeeze %dma_wait3A_1385 : memref<1x64x128xf32, #tpu.memory_space<vmem>> -> memref<64x128xf32, #tpu.memory_space<vmem>>
        %dma_wait3A_1387 = arith.constant 64 : i32
        %dma_wait3A_1388 = tpu.memref_slice %arg9[%add3A_1381, %dma_wait3A_1387] : memref<40x128xi32, #tpu.memory_space<vmem>> -> memref<1x64xi32, #tpu.memory_space<vmem>>
        %dma_wait3A_1389 = tpu.memref_squeeze %dma_wait3A_1388 : memref<1x64xi32, #tpu.memory_space<vmem>> -> memref<64xi32, #tpu.memory_space<vmem>>
        %dma_wait3A_1390 = arith.constant 0 : i32
        %dma_wait3A_1391 = arith.constant 0 : i32
        %dma_wait3A_1392 = tpu.memref_slice %arg3[%dma_wait3A_1390, %dma_wait3A_1391] : memref<10240x128xf32, #tpu.memory_space<hbm>> -> memref<10240x128xf32, #tpu.memory_space<hbm>>
        tpu.wait_indirect_dma semaphore(%arg13 : memref<!tpu.dma_semaphore, #tpu.memory_space<semaphore_mem>>) src(%dma_wait3A_1392 : memref<10240x128xf32, #tpu.memory_space<hbm>>) dst(%dma_wait3A_1386 : memref<64x128xf32, #tpu.memory_space<vmem>>)
        %dma_start3A_1393 = arith.constant 3 : i32
        %dma_start3A_1394 = arith.constant 0 : i32
        %dma_start3A_1395 = arith.constant 0 : i32
        %dma_start3A_1396 = tpu.memref_slice %arg11[%dma_start3A_1393, %dma_start3A_1394, %dma_start3A_1395] : memref<4x64x128xf32, #tpu.memory_space<vmem>> -> memref<1x64x128xf32, #tpu.memory_space<vmem>>
        %dma_start3A_1397 = tpu.memref_squeeze %dma_start3A_1396 : memref<1x64x128xf32, #tpu.memory_space<vmem>> -> memref<64x128xf32, #tpu.memory_space<vmem>>
        %dma_start3A_1398 = arith.constant 64 : i32
        %dma_start3A_1399 = tpu.memref_slice %arg10[%add3A_1381, %dma_start3A_1398] : memref<40x128xi32, #tpu.memory_space<vmem>> -> memref<1x64xi32, #tpu.memory_space<vmem>>
        %dma_start3A_1400 = tpu.memref_squeeze %dma_start3A_1399 : memref<1x64xi32, #tpu.memory_space<vmem>> -> memref<64xi32, #tpu.memory_space<vmem>>
        %dma_start3A_1401 = arith.constant 0 : i32
        %dma_start3A_1402 = arith.constant 0 : i32
        %dma_start3A_1403 = tpu.memref_slice %arg8[%dma_start3A_1401, %dma_start3A_1402] : memref<10240x128xf32, #tpu.memory_space<vmem_shared>> -> memref<10240x128xf32, #tpu.memory_space<vmem_shared>>
        tpu.enqueue_indirect_dma source(%dma_start3A_1397 : memref<64x128xf32, #tpu.memory_space<vmem>>) target(%dma_start3A_1403 : memref<10240x128xf32, #tpu.memory_space<vmem_shared>>) offsets(%dma_start3A_1400 : memref<64xi32, #tpu.memory_space<vmem>>) semaphore(%arg14 : memref<!tpu.dma_semaphore, #tpu.memory_space<semaphore_mem>>) {add = true}
        %mul3A_1404 = arith.constant 4 : i32
        %mul3A_1405 = arith.muli %mul3A_1404, %scan3A_1222 : i32
        %add3A_1406 = arith.constant 3 : i32
        %add3A_1407 = arith.addi %mul3A_1405, %add3A_1406 : i32
        %ge3A_1408 = arith.constant 2 : i32
        %ge3A_1409 = arith.cmpi sge, %add3A_1407, %ge3A_1408 : i32
        %convert_element_type3A_1410 = arith.extui %ge3A_1409 : i1 to i32
        %cond3A_1411 = arith.constant 0 : i32
        %cond3A_1412 = arith.cmpi ne, %convert_element_type3A_1410, %cond3A_1411 : i32
        scf.if %cond3A_1412 {
          %dma_wait3A_1431 = arith.constant 1 : i32
          %dma_wait3A_1432 = arith.constant 0 : i32
          %dma_wait3A_1433 = arith.constant 0 : i32
          %dma_wait3A_1434 = arith.constant 0 : i32
          %dma_wait3A_1435 = tpu.memref_slice %arg11[%dma_wait3A_1431, %dma_wait3A_1433, %dma_wait3A_1434] : memref<4x64x128xf32, #tpu.memory_space<vmem>> -> memref<1x64x128xf32, #tpu.memory_space<vmem>>
          %dma_wait3A_1436 = tpu.memref_squeeze %dma_wait3A_1435 : memref<1x64x128xf32, #tpu.memory_space<vmem>> -> memref<64x128xf32, #tpu.memory_space<vmem>>
          %dma_wait3A_1437 = arith.constant 0 : i32
          %dma_wait3A_1438 = tpu.memref_slice %arg10[%dma_wait3A_1432, %dma_wait3A_1437] : memref<40x128xi32, #tpu.memory_space<vmem>> -> memref<1x64xi32, #tpu.memory_space<vmem>>
          %dma_wait3A_1439 = tpu.memref_squeeze %dma_wait3A_1438 : memref<1x64xi32, #tpu.memory_space<vmem>> -> memref<64xi32, #tpu.memory_space<vmem>>
          %dma_wait3A_1440 = arith.constant 0 : i32
          %dma_wait3A_1441 = arith.constant 0 : i32
          %dma_wait3A_1442 = tpu.memref_slice %arg8[%dma_wait3A_1440, %dma_wait3A_1441] : memref<10240x128xf32, #tpu.memory_space<vmem_shared>> -> memref<10240x128xf32, #tpu.memory_space<vmem_shared>>
          tpu.wait_indirect_dma semaphore(%arg14 : memref<!tpu.dma_semaphore, #tpu.memory_space<semaphore_mem>>) src(%dma_wait3A_1436 : memref<64x128xf32, #tpu.memory_space<vmem>>) dst(%dma_wait3A_1442 : memref<10240x128xf32, #tpu.memory_space<vmem_shared>>)
        } else {
        }
        %mul3A_1413 = arith.constant 2 : i32
        %mul3A_1414 = arith.muli %mul3A_1413, %scan3A_1222 : i32
        %add3A_1415 = arith.constant 1 : i32
        %add3A_1416 = arith.addi %mul3A_1414, %add3A_1415 : i32
        %add3A_1417 = arith.constant 1 : i32
        %add3A_1418 = arith.addi %add3A_1416, %add3A_1417 : i32
        %mul3A_1419 = arith.constant 4 : i32
        %mul3A_1420 = arith.muli %mul3A_1419, %scan3A_1222 : i32
        %add3A_1421 = arith.constant 3 : i32
        %add3A_1422 = arith.addi %mul3A_1420, %add3A_1421 : i32
        %add3A_1423 = arith.constant 2 : i32
        %add3A_1424 = arith.addi %add3A_1422, %add3A_1423 : i32
        %lt3A_1425 = arith.constant 80 : i32
        %lt3A_1426 = arith.cmpi slt, %add3A_1424, %lt3A_1425 : i32
        %convert_element_type3A_1427 = arith.extui %lt3A_1426 : i1 to i32
        %cond3A_1428 = arith.constant 0 : i32
        %cond3A_1429 = arith.cmpi ne, %convert_element_type3A_1427, %cond3A_1428 : i32
        scf.if %cond3A_1429 {
          %dma_start3A_1431 = arith.constant 1 : i32
          %dma_start3A_1432 = arith.constant 0 : i32
          %dma_start3A_1433 = arith.constant 0 : i32
          %dma_start3A_1434 = tpu.memref_slice %arg11[%dma_start3A_1431, %dma_start3A_1432, %dma_start3A_1433] : memref<4x64x128xf32, #tpu.memory_space<vmem>> -> memref<1x64x128xf32, #tpu.memory_space<vmem>>
          %dma_start3A_1435 = tpu.memref_squeeze %dma_start3A_1434 : memref<1x64x128xf32, #tpu.memory_space<vmem>> -> memref<64x128xf32, #tpu.memory_space<vmem>>
          %dma_start3A_1436 = arith.constant 64 : i32
          %dma_start3A_1437 = tpu.memref_slice %arg9[%add3A_1418, %dma_start3A_1436] : memref<40x128xi32, #tpu.memory_space<vmem>> -> memref<1x64xi32, #tpu.memory_space<vmem>>
          %dma_start3A_1438 = tpu.memref_squeeze %dma_start3A_1437 : memref<1x64xi32, #tpu.memory_space<vmem>> -> memref<64xi32, #tpu.memory_space<vmem>>
          %dma_start3A_1439 = arith.constant 0 : i32
          %dma_start3A_1440 = arith.constant 0 : i32
          %dma_start3A_1441 = tpu.memref_slice %arg3[%dma_start3A_1439, %dma_start3A_1440] : memref<10240x128xf32, #tpu.memory_space<hbm>> -> memref<10240x128xf32, #tpu.memory_space<hbm>>
          tpu.enqueue_indirect_dma source(%dma_start3A_1441 : memref<10240x128xf32, #tpu.memory_space<hbm>>) target(%dma_start3A_1435 : memref<64x128xf32, #tpu.memory_space<vmem>>) offsets(%dma_start3A_1438 : memref<64xi32, #tpu.memory_space<vmem>>) semaphore(%arg13 : memref<!tpu.dma_semaphore, #tpu.memory_space<semaphore_mem>>)
        } else {
        }
        %scan3A_1430 = arith.constant 0 : i32
        scf.yield %scan3A_1430 : i32
      }
      %scan3A_1064 = arith.constant 20 : i32
      %dma_wait3A = arith.constant 0 : i32
      %dma_wait3A_1065 = arith.constant 0 : i32
      %dma_wait3A_1066 = arith.constant 0 : i32
      %dma_wait3A_1067 = arith.constant 0 : i32
      %dma_wait3A_1068 = tpu.memref_slice %arg11[%dma_wait3A, %dma_wait3A_1066, %dma_wait3A_1067] : memref<4x64x128xf32, #tpu.memory_space<vmem>> -> memref<1x64x128xf32, #tpu.memory_space<vmem>>
      %dma_wait3A_1069 = tpu.memref_squeeze %dma_wait3A_1068 : memref<1x64x128xf32, #tpu.memory_space<vmem>> -> memref<64x128xf32, #tpu.memory_space<vmem>>
      %dma_wait3A_1070 = arith.constant 0 : i32
      %dma_wait3A_1071 = tpu.memref_slice %arg10[%dma_wait3A_1065, %dma_wait3A_1070] : memref<40x128xi32, #tpu.memory_space<vmem>> -> memref<1x64xi32, #tpu.memory_space<vmem>>
      %dma_wait3A_1072 = tpu.memref_squeeze %dma_wait3A_1071 : memref<1x64xi32, #tpu.memory_space<vmem>> -> memref<64xi32, #tpu.memory_space<vmem>>
      %dma_wait3A_1073 = arith.constant 0 : i32
      %dma_wait3A_1074 = arith.constant 0 : i32
      %dma_wait3A_1075 = tpu.memref_slice %arg8[%dma_wait3A_1073, %dma_wait3A_1074] : memref<10240x128xf32, #tpu.memory_space<vmem_shared>> -> memref<10240x128xf32, #tpu.memory_space<vmem_shared>>
      tpu.wait_indirect_dma semaphore(%arg14 : memref<!tpu.dma_semaphore, #tpu.memory_space<semaphore_mem>>) src(%dma_wait3A_1069 : memref<64x128xf32, #tpu.memory_space<vmem>>) dst(%dma_wait3A_1075 : memref<10240x128xf32, #tpu.memory_space<vmem_shared>>)
      %dma_wait3A_1076 = arith.constant 1 : i32
      %dma_wait3A_1077 = arith.constant 0 : i32
      %dma_wait3A_1078 = arith.constant 0 : i32
      %dma_wait3A_1079 = arith.constant 0 : i32
      %dma_wait3A_1080 = tpu.memref_slice %arg11[%dma_wait3A_1076, %dma_wait3A_1078, %dma_wait3A_1079] : memref<4x64x128xf32, #tpu.memory_space<vmem>> -> memref<1x64x128xf32, #tpu.memory_space<vmem>>
      %dma_wait3A_1081 = tpu.memref_squeeze %dma_wait3A_1080 : memref<1x64x128xf32, #tpu.memory_space<vmem>> -> memref<64x128xf32, #tpu.memory_space<vmem>>
      %dma_wait3A_1082 = arith.constant 0 : i32
      %dma_wait3A_1083 = tpu.memref_slice %arg10[%dma_wait3A_1077, %dma_wait3A_1082] : memref<40x128xi32, #tpu.memory_space<vmem>> -> memref<1x64xi32, #tpu.memory_space<vmem>>
      %dma_wait3A_1084 = tpu.memref_squeeze %dma_wait3A_1083 : memref<1x64xi32, #tpu.memory_space<vmem>> -> memref<64xi32, #tpu.memory_space<vmem>>
      %dma_wait3A_1085 = arith.constant 0 : i32
      %dma_wait3A_1086 = arith.constant 0 : i32
      %dma_wait3A_1087 = tpu.memref_slice %arg8[%dma_wait3A_1085, %dma_wait3A_1086] : memref<10240x128xf32, #tpu.memory_space<vmem_shared>> -> memref<10240x128xf32, #tpu.memory_space<vmem_shared>>
      tpu.wait_indirect_dma semaphore(%arg14 : memref<!tpu.dma_semaphore, #tpu.memory_space<semaphore_mem>>) src(%dma_wait3A_1081 : memref<64x128xf32, #tpu.memory_space<vmem>>) dst(%dma_wait3A_1087 : memref<10240x128xf32, #tpu.memory_space<vmem_shared>>)
      "tpu.region"() ({
        %run_scoped3A = tpu.sem_alloc : memref<!tpu.dma_semaphore, #tpu.memory_space<semaphore_mem>>
        %dma_start3A_1222 = arith.constant 40 : i32
        %dma_start3A_1223 = arith.constant 0 : i32
        %dma_start3A_1224 = tpu.memref_slice %arg4[%arg1, %dma_start3A_1222, %dma_start3A_1223] : memref<16x80x128xi32, #tpu.memory_space<hbm>> -> memref<1x40x128xi32, #tpu.memory_space<hbm>>
        %dma_start3A_1225 = tpu.memref_squeeze %dma_start3A_1224 : memref<1x40x128xi32, #tpu.memory_space<hbm>> -> memref<40x128xi32, #tpu.memory_space<hbm>>
        %dma_start3A_1226 = arith.constant 40 : i32
        %dma_start3A_1227 = arith.constant 0 : i32
        %dma_start3A_1228 = tpu.memref_slice %arg4[%arg1, %dma_start3A_1226, %dma_start3A_1227] : memref<16x80x128xi32, #tpu.memory_space<hbm>> -> memref<1x40x128xi32, #tpu.memory_space<hbm>>
        %dma_start3A_1229 = tpu.memref_squeeze %dma_start3A_1228 : memref<1x40x128xi32, #tpu.memory_space<hbm>> -> memref<40x128xi32, #tpu.memory_space<hbm>>
        tpu.enqueue_dma source(%dma_start3A_1229 : memref<40x128xi32, #tpu.memory_space<hbm>>) target(%arg9 : memref<40x128xi32, #tpu.memory_space<vmem>>) target_semaphore(%run_scoped3A : memref<!tpu.dma_semaphore, #tpu.memory_space<semaphore_mem>>)
        %dma_wait3A_1230 = arith.constant 40 : i32
        %dma_wait3A_1231 = arith.constant 0 : i32
        %dma_wait3A_1232 = tpu.memref_slice %arg4[%arg1, %dma_wait3A_1230, %dma_wait3A_1231] : memref<16x80x128xi32, #tpu.memory_space<hbm>> -> memref<1x40x128xi32, #tpu.memory_space<hbm>>
        %dma_wait3A_1233 = tpu.memref_squeeze %dma_wait3A_1232 : memref<1x40x128xi32, #tpu.memory_space<hbm>> -> memref<40x128xi32, #tpu.memory_space<hbm>>
        %dma_wait3A_1234 = arith.constant 40 : i32
        %dma_wait3A_1235 = arith.constant 0 : i32
        %dma_wait3A_1236 = tpu.memref_slice %arg4[%arg1, %dma_wait3A_1234, %dma_wait3A_1235] : memref<16x80x128xi32, #tpu.memory_space<hbm>> -> memref<1x40x128xi32, #tpu.memory_space<hbm>>
        %dma_wait3A_1237 = tpu.memref_squeeze %dma_wait3A_1236 : memref<1x40x128xi32, #tpu.memory_space<hbm>> -> memref<40x128xi32, #tpu.memory_space<hbm>>
        tpu.wait_dma2 semaphore(%run_scoped3A : memref<!tpu.dma_semaphore, #tpu.memory_space<semaphore_mem>>) src(%dma_wait3A_1237 : memref<40x128xi32, #tpu.memory_space<hbm>>) dst(%arg9 : memref<40x128xi32, #tpu.memory_space<vmem>>)
        tpu.yield
      }) : () -> ()
      "tpu.region"() ({
        %run_scoped3A = tpu.sem_alloc : memref<!tpu.dma_semaphore, #tpu.memory_space<semaphore_mem>>
        %dma_start3A_1222 = arith.constant 40 : i32
        %dma_start3A_1223 = arith.constant 0 : i32
        %dma_start3A_1224 = tpu.memref_slice %arg5[%arg1, %dma_start3A_1222, %dma_start3A_1223] : memref<16x80x128xi32, #tpu.memory_space<hbm>> -> memref<1x40x128xi32, #tpu.memory_space<hbm>>
        %dma_start3A_1225 = tpu.memref_squeeze %dma_start3A_1224 : memref<1x40x128xi32, #tpu.memory_space<hbm>> -> memref<40x128xi32, #tpu.memory_space<hbm>>
        %dma_start3A_1226 = arith.constant 40 : i32
        %dma_start3A_1227 = arith.constant 0 : i32
        %dma_start3A_1228 = tpu.memref_slice %arg5[%arg1, %dma_start3A_1226, %dma_start3A_1227] : memref<16x80x128xi32, #tpu.memory_space<hbm>> -> memref<1x40x128xi32, #tpu.memory_space<hbm>>
        %dma_start3A_1229 = tpu.memref_squeeze %dma_start3A_1228 : memref<1x40x128xi32, #tpu.memory_space<hbm>> -> memref<40x128xi32, #tpu.memory_space<hbm>>
        tpu.enqueue_dma source(%dma_start3A_1229 : memref<40x128xi32, #tpu.memory_space<hbm>>) target(%arg10 : memref<40x128xi32, #tpu.memory_space<vmem>>) target_semaphore(%run_scoped3A : memref<!tpu.dma_semaphore, #tpu.memory_space<semaphore_mem>>)
        %dma_wait3A_1230 = arith.constant 40 : i32
        %dma_wait3A_1231 = arith.constant 0 : i32
        %dma_wait3A_1232 = tpu.memref_slice %arg5[%arg1, %dma_wait3A_1230, %dma_wait3A_1231] : memref<16x80x128xi32, #tpu.memory_space<hbm>> -> memref<1x40x128xi32, #tpu.memory_space<hbm>>
        %dma_wait3A_1233 = tpu.memref_squeeze %dma_wait3A_1232 : memref<1x40x128xi32, #tpu.memory_space<hbm>> -> memref<40x128xi32, #tpu.memory_space<hbm>>
        %dma_wait3A_1234 = arith.constant 40 : i32
        %dma_wait3A_1235 = arith.constant 0 : i32
        %dma_wait3A_1236 = tpu.memref_slice %arg5[%arg1, %dma_wait3A_1234, %dma_wait3A_1235] : memref<16x80x128xi32, #tpu.memory_space<hbm>> -> memref<1x40x128xi32, #tpu.memory_space<hbm>>
        %dma_wait3A_1237 = tpu.memref_squeeze %dma_wait3A_1236 : memref<1x40x128xi32, #tpu.memory_space<hbm>> -> memref<40x128xi32, #tpu.memory_space<hbm>>
        tpu.wait_dma2 semaphore(%run_scoped3A : memref<!tpu.dma_semaphore, #tpu.memory_space<semaphore_mem>>) src(%dma_wait3A_1237 : memref<40x128xi32, #tpu.memory_space<hbm>>) dst(%arg10 : memref<40x128xi32, #tpu.memory_space<vmem>>)
        tpu.yield
      }) : () -> ()
      %dma_start3A_1088 = arith.constant 0 : i32
      %dma_start3A_1089 = arith.constant 0 : i32
      %dma_start3A_1090 = arith.constant 0 : i32
      %dma_start3A_1091 = arith.constant 0 : i32
      %dma_start3A_1092 = tpu.memref_slice %arg11[%dma_start3A_1089, %dma_start3A_1090, %dma_start3A_1091] : memref<4x64x128xf32, #tpu.memory_space<vmem>> -> memref<1x64x128xf32, #tpu.memory_space<vmem>>
      %dma_start3A_1093 = tpu.memref_squeeze %dma_start3A_1092 : memref<1x64x128xf32, #tpu.memory_space<vmem>> -> memref<64x128xf32, #tpu.memory_space<vmem>>
      %dma_start3A_1094 = arith.constant 0 : i32
      %dma_start3A_1095 = tpu.memref_slice %arg9[%dma_start3A_1088, %dma_start3A_1094] : memref<40x128xi32, #tpu.memory_space<vmem>> -> memref<1x64xi32, #tpu.memory_space<vmem>>
      %dma_start3A_1096 = tpu.memref_squeeze %dma_start3A_1095 : memref<1x64xi32, #tpu.memory_space<vmem>> -> memref<64xi32, #tpu.memory_space<vmem>>
      %dma_start3A_1097 = arith.constant 0 : i32
      %dma_start3A_1098 = arith.constant 0 : i32
      %dma_start3A_1099 = tpu.memref_slice %arg3[%dma_start3A_1097, %dma_start3A_1098] : memref<10240x128xf32, #tpu.memory_space<hbm>> -> memref<10240x128xf32, #tpu.memory_space<hbm>>
      tpu.enqueue_indirect_dma source(%dma_start3A_1099 : memref<10240x128xf32, #tpu.memory_space<hbm>>) target(%dma_start3A_1093 : memref<64x128xf32, #tpu.memory_space<vmem>>) offsets(%dma_start3A_1096 : memref<64xi32, #tpu.memory_space<vmem>>) semaphore(%arg13 : memref<!tpu.dma_semaphore, #tpu.memory_space<semaphore_mem>>)
      %dma_start3A_1100 = arith.constant 0 : i32
      %dma_start3A_1101 = arith.constant 1 : i32
      %dma_start3A_1102 = arith.constant 0 : i32
      %dma_start3A_1103 = arith.constant 0 : i32
      %dma_start3A_1104 = tpu.memref_slice %arg11[%dma_start3A_1101, %dma_start3A_1102, %dma_start3A_1103] : memref<4x64x128xf32, #tpu.memory_space<vmem>> -> memref<1x64x128xf32, #tpu.memory_space<vmem>>
      %dma_start3A_1105 = tpu.memref_squeeze %dma_start3A_1104 : memref<1x64x128xf32, #tpu.memory_space<vmem>> -> memref<64x128xf32, #tpu.memory_space<vmem>>
      %dma_start3A_1106 = arith.constant 64 : i32
      %dma_start3A_1107 = tpu.memref_slice %arg9[%dma_start3A_1100, %dma_start3A_1106] : memref<40x128xi32, #tpu.memory_space<vmem>> -> memref<1x64xi32, #tpu.memory_space<vmem>>
      %dma_start3A_1108 = tpu.memref_squeeze %dma_start3A_1107 : memref<1x64xi32, #tpu.memory_space<vmem>> -> memref<64xi32, #tpu.memory_space<vmem>>
      %dma_start3A_1109 = arith.constant 0 : i32
      %dma_start3A_1110 = arith.constant 0 : i32
      %dma_start3A_1111 = tpu.memref_slice %arg3[%dma_start3A_1109, %dma_start3A_1110] : memref<10240x128xf32, #tpu.memory_space<hbm>> -> memref<10240x128xf32, #tpu.memory_space<hbm>>
      tpu.enqueue_indirect_dma source(%dma_start3A_1111 : memref<10240x128xf32, #tpu.memory_space<hbm>>) target(%dma_start3A_1105 : memref<64x128xf32, #tpu.memory_space<vmem>>) offsets(%dma_start3A_1108 : memref<64xi32, #tpu.memory_space<vmem>>) semaphore(%arg13 : memref<!tpu.dma_semaphore, #tpu.memory_space<semaphore_mem>>)
      %scan3A_1112 = arith.constant 0 : i32
      %scan3A_1113 = arith.constant 0 : i32
      %scan3A_1114 = arith.constant 20 : i32
      %scan3A_1115 = arith.addi %scan3A_1113, %scan3A_1114 : i32
      %scan3A_1116 = arith.constant 1 : i32
      %scan3A_1117 = scf.for %scan3A_1222 = %scan3A_1113 to %scan3A_1115 step %scan3A_1116 iter_args(%scan3A_1223 = %scan3A_1112) -> (i32)  : i32 {
        %mul3A_1224 = arith.constant 2 : i32
        %mul3A_1225 = arith.muli %mul3A_1224, %scan3A_1222 : i32
        %add3A_1226 = arith.constant 0 : i32
        %add3A_1227 = arith.addi %mul3A_1225, %add3A_1226 : i32
        %dma_wait3A_1228 = arith.constant 0 : i32
        %dma_wait3A_1229 = arith.constant 0 : i32
        %dma_wait3A_1230 = arith.constant 0 : i32
        %dma_wait3A_1231 = tpu.memref_slice %arg11[%dma_wait3A_1228, %dma_wait3A_1229, %dma_wait3A_1230] : memref<4x64x128xf32, #tpu.memory_space<vmem>> -> memref<1x64x128xf32, #tpu.memory_space<vmem>>
        %dma_wait3A_1232 = tpu.memref_squeeze %dma_wait3A_1231 : memref<1x64x128xf32, #tpu.memory_space<vmem>> -> memref<64x128xf32, #tpu.memory_space<vmem>>
        %dma_wait3A_1233 = arith.constant 0 : i32
        %dma_wait3A_1234 = tpu.memref_slice %arg9[%add3A_1227, %dma_wait3A_1233] : memref<40x128xi32, #tpu.memory_space<vmem>> -> memref<1x64xi32, #tpu.memory_space<vmem>>
        %dma_wait3A_1235 = tpu.memref_squeeze %dma_wait3A_1234 : memref<1x64xi32, #tpu.memory_space<vmem>> -> memref<64xi32, #tpu.memory_space<vmem>>
        %dma_wait3A_1236 = arith.constant 0 : i32
        %dma_wait3A_1237 = arith.constant 0 : i32
        %dma_wait3A_1238 = tpu.memref_slice %arg3[%dma_wait3A_1236, %dma_wait3A_1237] : memref<10240x128xf32, #tpu.memory_space<hbm>> -> memref<10240x128xf32, #tpu.memory_space<hbm>>
        tpu.wait_indirect_dma semaphore(%arg13 : memref<!tpu.dma_semaphore, #tpu.memory_space<semaphore_mem>>) src(%dma_wait3A_1238 : memref<10240x128xf32, #tpu.memory_space<hbm>>) dst(%dma_wait3A_1232 : memref<64x128xf32, #tpu.memory_space<vmem>>)
        %dma_start3A_1239 = arith.constant 0 : i32
        %dma_start3A_1240 = arith.constant 0 : i32
        %dma_start3A_1241 = arith.constant 0 : i32
        %dma_start3A_1242 = tpu.memref_slice %arg11[%dma_start3A_1239, %dma_start3A_1240, %dma_start3A_1241] : memref<4x64x128xf32, #tpu.memory_space<vmem>> -> memref<1x64x128xf32, #tpu.memory_space<vmem>>
        %dma_start3A_1243 = tpu.memref_squeeze %dma_start3A_1242 : memref<1x64x128xf32, #tpu.memory_space<vmem>> -> memref<64x128xf32, #tpu.memory_space<vmem>>
        %dma_start3A_1244 = arith.constant 0 : i32
        %dma_start3A_1245 = tpu.memref_slice %arg10[%add3A_1227, %dma_start3A_1244] : memref<40x128xi32, #tpu.memory_space<vmem>> -> memref<1x64xi32, #tpu.memory_space<vmem>>
        %dma_start3A_1246 = tpu.memref_squeeze %dma_start3A_1245 : memref<1x64xi32, #tpu.memory_space<vmem>> -> memref<64xi32, #tpu.memory_space<vmem>>
        %dma_start3A_1247 = arith.constant 0 : i32
        %dma_start3A_1248 = arith.constant 0 : i32
        %dma_start3A_1249 = tpu.memref_slice %arg8[%dma_start3A_1247, %dma_start3A_1248] : memref<10240x128xf32, #tpu.memory_space<vmem_shared>> -> memref<10240x128xf32, #tpu.memory_space<vmem_shared>>
        tpu.enqueue_indirect_dma source(%dma_start3A_1243 : memref<64x128xf32, #tpu.memory_space<vmem>>) target(%dma_start3A_1249 : memref<10240x128xf32, #tpu.memory_space<vmem_shared>>) offsets(%dma_start3A_1246 : memref<64xi32, #tpu.memory_space<vmem>>) semaphore(%arg14 : memref<!tpu.dma_semaphore, #tpu.memory_space<semaphore_mem>>) {add = true}
        %mul3A_1250 = arith.constant 4 : i32
        %mul3A_1251 = arith.muli %mul3A_1250, %scan3A_1222 : i32
        %add3A_1252 = arith.constant 0 : i32
        %add3A_1253 = arith.addi %mul3A_1251, %add3A_1252 : i32
        %ge3A = arith.constant 2 : i32
        %ge3A_1254 = arith.cmpi sge, %add3A_1253, %ge3A : i32
        %convert_element_type3A_1255 = arith.extui %ge3A_1254 : i1 to i32
        %cond3A_1256 = arith.constant 0 : i32
        %cond3A_1257 = arith.cmpi ne, %convert_element_type3A_1255, %cond3A_1256 : i32
        scf.if %cond3A_1257 {
          %dma_wait3A_1431 = arith.constant 2 : i32
          %dma_wait3A_1432 = arith.constant 0 : i32
          %dma_wait3A_1433 = arith.constant 0 : i32
          %dma_wait3A_1434 = arith.constant 0 : i32
          %dma_wait3A_1435 = tpu.memref_slice %arg11[%dma_wait3A_1431, %dma_wait3A_1433, %dma_wait3A_1434] : memref<4x64x128xf32, #tpu.memory_space<vmem>> -> memref<1x64x128xf32, #tpu.memory_space<vmem>>
          %dma_wait3A_1436 = tpu.memref_squeeze %dma_wait3A_1435 : memref<1x64x128xf32, #tpu.memory_space<vmem>> -> memref<64x128xf32, #tpu.memory_space<vmem>>
          %dma_wait3A_1437 = arith.constant 0 : i32
          %dma_wait3A_1438 = tpu.memref_slice %arg10[%dma_wait3A_1432, %dma_wait3A_1437] : memref<40x128xi32, #tpu.memory_space<vmem>> -> memref<1x64xi32, #tpu.memory_space<vmem>>
          %dma_wait3A_1439 = tpu.memref_squeeze %dma_wait3A_1438 : memref<1x64xi32, #tpu.memory_space<vmem>> -> memref<64xi32, #tpu.memory_space<vmem>>
          %dma_wait3A_1440 = arith.constant 0 : i32
          %dma_wait3A_1441 = arith.constant 0 : i32
          %dma_wait3A_1442 = tpu.memref_slice %arg8[%dma_wait3A_1440, %dma_wait3A_1441] : memref<10240x128xf32, #tpu.memory_space<vmem_shared>> -> memref<10240x128xf32, #tpu.memory_space<vmem_shared>>
          tpu.wait_indirect_dma semaphore(%arg14 : memref<!tpu.dma_semaphore, #tpu.memory_space<semaphore_mem>>) src(%dma_wait3A_1436 : memref<64x128xf32, #tpu.memory_space<vmem>>) dst(%dma_wait3A_1442 : memref<10240x128xf32, #tpu.memory_space<vmem_shared>>)
        } else {
        }
        %mul3A_1258 = arith.constant 2 : i32
        %mul3A_1259 = arith.muli %mul3A_1258, %scan3A_1222 : i32
        %add3A_1260 = arith.constant 1 : i32
        %add3A_1261 = arith.addi %mul3A_1259, %add3A_1260 : i32
        %add3A_1262 = arith.constant 0 : i32
        %add3A_1263 = arith.addi %add3A_1261, %add3A_1262 : i32
        %mul3A_1264 = arith.constant 4 : i32
        %mul3A_1265 = arith.muli %mul3A_1264, %scan3A_1222 : i32
        %add3A_1266 = arith.constant 0 : i32
        %add3A_1267 = arith.addi %mul3A_1265, %add3A_1266 : i32
        %add3A_1268 = arith.constant 2 : i32
        %add3A_1269 = arith.addi %add3A_1267, %add3A_1268 : i32
        %lt3A = arith.constant 80 : i32
        %lt3A_1270 = arith.cmpi slt, %add3A_1269, %lt3A : i32
        %convert_element_type3A_1271 = arith.extui %lt3A_1270 : i1 to i32
        %cond3A_1272 = arith.constant 0 : i32
        %cond3A_1273 = arith.cmpi ne, %convert_element_type3A_1271, %cond3A_1272 : i32
        scf.if %cond3A_1273 {
          %dma_start3A_1431 = arith.constant 2 : i32
          %dma_start3A_1432 = arith.constant 0 : i32
          %dma_start3A_1433 = arith.constant 0 : i32
          %dma_start3A_1434 = tpu.memref_slice %arg11[%dma_start3A_1431, %dma_start3A_1432, %dma_start3A_1433] : memref<4x64x128xf32, #tpu.memory_space<vmem>> -> memref<1x64x128xf32, #tpu.memory_space<vmem>>
          %dma_start3A_1435 = tpu.memref_squeeze %dma_start3A_1434 : memref<1x64x128xf32, #tpu.memory_space<vmem>> -> memref<64x128xf32, #tpu.memory_space<vmem>>
          %dma_start3A_1436 = arith.constant 0 : i32
          %dma_start3A_1437 = tpu.memref_slice %arg9[%add3A_1263, %dma_start3A_1436] : memref<40x128xi32, #tpu.memory_space<vmem>> -> memref<1x64xi32, #tpu.memory_space<vmem>>
          %dma_start3A_1438 = tpu.memref_squeeze %dma_start3A_1437 : memref<1x64xi32, #tpu.memory_space<vmem>> -> memref<64xi32, #tpu.memory_space<vmem>>
          %dma_start3A_1439 = arith.constant 0 : i32
          %dma_start3A_1440 = arith.constant 0 : i32
          %dma_start3A_1441 = tpu.memref_slice %arg3[%dma_start3A_1439, %dma_start3A_1440] : memref<10240x128xf32, #tpu.memory_space<hbm>> -> memref<10240x128xf32, #tpu.memory_space<hbm>>
          tpu.enqueue_indirect_dma source(%dma_start3A_1441 : memref<10240x128xf32, #tpu.memory_space<hbm>>) target(%dma_start3A_1435 : memref<64x128xf32, #tpu.memory_space<vmem>>) offsets(%dma_start3A_1438 : memref<64xi32, #tpu.memory_space<vmem>>) semaphore(%arg13 : memref<!tpu.dma_semaphore, #tpu.memory_space<semaphore_mem>>)
        } else {
        }
        %mul3A_1274 = arith.constant 2 : i32
        %mul3A_1275 = arith.muli %mul3A_1274, %scan3A_1222 : i32
        %add3A_1276 = arith.constant 0 : i32
        %add3A_1277 = arith.addi %mul3A_1275, %add3A_1276 : i32
        %dma_wait3A_1278 = arith.constant 1 : i32
        %dma_wait3A_1279 = arith.constant 0 : i32
        %dma_wait3A_1280 = arith.constant 0 : i32
        %dma_wait3A_1281 = tpu.memref_slice %arg11[%dma_wait3A_1278, %dma_wait3A_1279, %dma_wait3A_1280] : memref<4x64x128xf32, #tpu.memory_space<vmem>> -> memref<1x64x128xf32, #tpu.memory_space<vmem>>
        %dma_wait3A_1282 = tpu.memref_squeeze %dma_wait3A_1281 : memref<1x64x128xf32, #tpu.memory_space<vmem>> -> memref<64x128xf32, #tpu.memory_space<vmem>>
        %dma_wait3A_1283 = arith.constant 64 : i32
        %dma_wait3A_1284 = tpu.memref_slice %arg9[%add3A_1277, %dma_wait3A_1283] : memref<40x128xi32, #tpu.memory_space<vmem>> -> memref<1x64xi32, #tpu.memory_space<vmem>>
        %dma_wait3A_1285 = tpu.memref_squeeze %dma_wait3A_1284 : memref<1x64xi32, #tpu.memory_space<vmem>> -> memref<64xi32, #tpu.memory_space<vmem>>
        %dma_wait3A_1286 = arith.constant 0 : i32
        %dma_wait3A_1287 = arith.constant 0 : i32
        %dma_wait3A_1288 = tpu.memref_slice %arg3[%dma_wait3A_1286, %dma_wait3A_1287] : memref<10240x128xf32, #tpu.memory_space<hbm>> -> memref<10240x128xf32, #tpu.memory_space<hbm>>
        tpu.wait_indirect_dma semaphore(%arg13 : memref<!tpu.dma_semaphore, #tpu.memory_space<semaphore_mem>>) src(%dma_wait3A_1288 : memref<10240x128xf32, #tpu.memory_space<hbm>>) dst(%dma_wait3A_1282 : memref<64x128xf32, #tpu.memory_space<vmem>>)
        %dma_start3A_1289 = arith.constant 1 : i32
        %dma_start3A_1290 = arith.constant 0 : i32
        %dma_start3A_1291 = arith.constant 0 : i32
        %dma_start3A_1292 = tpu.memref_slice %arg11[%dma_start3A_1289, %dma_start3A_1290, %dma_start3A_1291] : memref<4x64x128xf32, #tpu.memory_space<vmem>> -> memref<1x64x128xf32, #tpu.memory_space<vmem>>
        %dma_start3A_1293 = tpu.memref_squeeze %dma_start3A_1292 : memref<1x64x128xf32, #tpu.memory_space<vmem>> -> memref<64x128xf32, #tpu.memory_space<vmem>>
        %dma_start3A_1294 = arith.constant 64 : i32
        %dma_start3A_1295 = tpu.memref_slice %arg10[%add3A_1277, %dma_start3A_1294] : memref<40x128xi32, #tpu.memory_space<vmem>> -> memref<1x64xi32, #tpu.memory_space<vmem>>
        %dma_start3A_1296 = tpu.memref_squeeze %dma_start3A_1295 : memref<1x64xi32, #tpu.memory_space<vmem>> -> memref<64xi32, #tpu.memory_space<vmem>>
        %dma_start3A_1297 = arith.constant 0 : i32
        %dma_start3A_1298 = arith.constant 0 : i32
        %dma_start3A_1299 = tpu.memref_slice %arg8[%dma_start3A_1297, %dma_start3A_1298] : memref<10240x128xf32, #tpu.memory_space<vmem_shared>> -> memref<10240x128xf32, #tpu.memory_space<vmem_shared>>
        tpu.enqueue_indirect_dma source(%dma_start3A_1293 : memref<64x128xf32, #tpu.memory_space<vmem>>) target(%dma_start3A_1299 : memref<10240x128xf32, #tpu.memory_space<vmem_shared>>) offsets(%dma_start3A_1296 : memref<64xi32, #tpu.memory_space<vmem>>) semaphore(%arg14 : memref<!tpu.dma_semaphore, #tpu.memory_space<semaphore_mem>>) {add = true}
        %mul3A_1300 = arith.constant 4 : i32
        %mul3A_1301 = arith.muli %mul3A_1300, %scan3A_1222 : i32
        %add3A_1302 = arith.constant 1 : i32
        %add3A_1303 = arith.addi %mul3A_1301, %add3A_1302 : i32
        %ge3A_1304 = arith.constant 2 : i32
        %ge3A_1305 = arith.cmpi sge, %add3A_1303, %ge3A_1304 : i32
        %convert_element_type3A_1306 = arith.extui %ge3A_1305 : i1 to i32
        %cond3A_1307 = arith.constant 0 : i32
        %cond3A_1308 = arith.cmpi ne, %convert_element_type3A_1306, %cond3A_1307 : i32
        scf.if %cond3A_1308 {
          %dma_wait3A_1431 = arith.constant 3 : i32
          %dma_wait3A_1432 = arith.constant 0 : i32
          %dma_wait3A_1433 = arith.constant 0 : i32
          %dma_wait3A_1434 = arith.constant 0 : i32
          %dma_wait3A_1435 = tpu.memref_slice %arg11[%dma_wait3A_1431, %dma_wait3A_1433, %dma_wait3A_1434] : memref<4x64x128xf32, #tpu.memory_space<vmem>> -> memref<1x64x128xf32, #tpu.memory_space<vmem>>
          %dma_wait3A_1436 = tpu.memref_squeeze %dma_wait3A_1435 : memref<1x64x128xf32, #tpu.memory_space<vmem>> -> memref<64x128xf32, #tpu.memory_space<vmem>>
          %dma_wait3A_1437 = arith.constant 0 : i32
          %dma_wait3A_1438 = tpu.memref_slice %arg10[%dma_wait3A_1432, %dma_wait3A_1437] : memref<40x128xi32, #tpu.memory_space<vmem>> -> memref<1x64xi32, #tpu.memory_space<vmem>>
          %dma_wait3A_1439 = tpu.memref_squeeze %dma_wait3A_1438 : memref<1x64xi32, #tpu.memory_space<vmem>> -> memref<64xi32, #tpu.memory_space<vmem>>
          %dma_wait3A_1440 = arith.constant 0 : i32
          %dma_wait3A_1441 = arith.constant 0 : i32
          %dma_wait3A_1442 = tpu.memref_slice %arg8[%dma_wait3A_1440, %dma_wait3A_1441] : memref<10240x128xf32, #tpu.memory_space<vmem_shared>> -> memref<10240x128xf32, #tpu.memory_space<vmem_shared>>
          tpu.wait_indirect_dma semaphore(%arg14 : memref<!tpu.dma_semaphore, #tpu.memory_space<semaphore_mem>>) src(%dma_wait3A_1436 : memref<64x128xf32, #tpu.memory_space<vmem>>) dst(%dma_wait3A_1442 : memref<10240x128xf32, #tpu.memory_space<vmem_shared>>)
        } else {
        }
        %mul3A_1309 = arith.constant 2 : i32
        %mul3A_1310 = arith.muli %mul3A_1309, %scan3A_1222 : i32
        %add3A_1311 = arith.constant 1 : i32
        %add3A_1312 = arith.addi %mul3A_1310, %add3A_1311 : i32
        %add3A_1313 = arith.constant 0 : i32
        %add3A_1314 = arith.addi %add3A_1312, %add3A_1313 : i32
        %mul3A_1315 = arith.constant 4 : i32
        %mul3A_1316 = arith.muli %mul3A_1315, %scan3A_1222 : i32
        %add3A_1317 = arith.constant 1 : i32
        %add3A_1318 = arith.addi %mul3A_1316, %add3A_1317 : i32
        %add3A_1319 = arith.constant 2 : i32
        %add3A_1320 = arith.addi %add3A_1318, %add3A_1319 : i32
        %lt3A_1321 = arith.constant 80 : i32
        %lt3A_1322 = arith.cmpi slt, %add3A_1320, %lt3A_1321 : i32
        %convert_element_type3A_1323 = arith.extui %lt3A_1322 : i1 to i32
        %cond3A_1324 = arith.constant 0 : i32
        %cond3A_1325 = arith.cmpi ne, %convert_element_type3A_1323, %cond3A_1324 : i32
        scf.if %cond3A_1325 {
          %dma_start3A_1431 = arith.constant 3 : i32
          %dma_start3A_1432 = arith.constant 0 : i32
          %dma_start3A_1433 = arith.constant 0 : i32
          %dma_start3A_1434 = tpu.memref_slice %arg11[%dma_start3A_1431, %dma_start3A_1432, %dma_start3A_1433] : memref<4x64x128xf32, #tpu.memory_space<vmem>> -> memref<1x64x128xf32, #tpu.memory_space<vmem>>
          %dma_start3A_1435 = tpu.memref_squeeze %dma_start3A_1434 : memref<1x64x128xf32, #tpu.memory_space<vmem>> -> memref<64x128xf32, #tpu.memory_space<vmem>>
          %dma_start3A_1436 = arith.constant 64 : i32
          %dma_start3A_1437 = tpu.memref_slice %arg9[%add3A_1314, %dma_start3A_1436] : memref<40x128xi32, #tpu.memory_space<vmem>> -> memref<1x64xi32, #tpu.memory_space<vmem>>
          %dma_start3A_1438 = tpu.memref_squeeze %dma_start3A_1437 : memref<1x64xi32, #tpu.memory_space<vmem>> -> memref<64xi32, #tpu.memory_space<vmem>>
          %dma_start3A_1439 = arith.constant 0 : i32
          %dma_start3A_1440 = arith.constant 0 : i32
          %dma_start3A_1441 = tpu.memref_slice %arg3[%dma_start3A_1439, %dma_start3A_1440] : memref<10240x128xf32, #tpu.memory_space<hbm>> -> memref<10240x128xf32, #tpu.memory_space<hbm>>
          tpu.enqueue_indirect_dma source(%dma_start3A_1441 : memref<10240x128xf32, #tpu.memory_space<hbm>>) target(%dma_start3A_1435 : memref<64x128xf32, #tpu.memory_space<vmem>>) offsets(%dma_start3A_1438 : memref<64xi32, #tpu.memory_space<vmem>>) semaphore(%arg13 : memref<!tpu.dma_semaphore, #tpu.memory_space<semaphore_mem>>)
        } else {
        }
        %mul3A_1326 = arith.constant 2 : i32
        %mul3A_1327 = arith.muli %mul3A_1326, %scan3A_1222 : i32
        %add3A_1328 = arith.constant 1 : i32
        %add3A_1329 = arith.addi %mul3A_1327, %add3A_1328 : i32
        %dma_wait3A_1330 = arith.constant 2 : i32
        %dma_wait3A_1331 = arith.constant 0 : i32
        %dma_wait3A_1332 = arith.constant 0 : i32
        %dma_wait3A_1333 = tpu.memref_slice %arg11[%dma_wait3A_1330, %dma_wait3A_1331, %dma_wait3A_1332] : memref<4x64x128xf32, #tpu.memory_space<vmem>> -> memref<1x64x128xf32, #tpu.memory_space<vmem>>
        %dma_wait3A_1334 = tpu.memref_squeeze %dma_wait3A_1333 : memref<1x64x128xf32, #tpu.memory_space<vmem>> -> memref<64x128xf32, #tpu.memory_space<vmem>>
        %dma_wait3A_1335 = arith.constant 0 : i32
        %dma_wait3A_1336 = tpu.memref_slice %arg9[%add3A_1329, %dma_wait3A_1335] : memref<40x128xi32, #tpu.memory_space<vmem>> -> memref<1x64xi32, #tpu.memory_space<vmem>>
        %dma_wait3A_1337 = tpu.memref_squeeze %dma_wait3A_1336 : memref<1x64xi32, #tpu.memory_space<vmem>> -> memref<64xi32, #tpu.memory_space<vmem>>
        %dma_wait3A_1338 = arith.constant 0 : i32
        %dma_wait3A_1339 = arith.constant 0 : i32
        %dma_wait3A_1340 = tpu.memref_slice %arg3[%dma_wait3A_1338, %dma_wait3A_1339] : memref<10240x128xf32, #tpu.memory_space<hbm>> -> memref<10240x128xf32, #tpu.memory_space<hbm>>
        tpu.wait_indirect_dma semaphore(%arg13 : memref<!tpu.dma_semaphore, #tpu.memory_space<semaphore_mem>>) src(%dma_wait3A_1340 : memref<10240x128xf32, #tpu.memory_space<hbm>>) dst(%dma_wait3A_1334 : memref<64x128xf32, #tpu.memory_space<vmem>>)
        %dma_start3A_1341 = arith.constant 2 : i32
        %dma_start3A_1342 = arith.constant 0 : i32
        %dma_start3A_1343 = arith.constant 0 : i32
        %dma_start3A_1344 = tpu.memref_slice %arg11[%dma_start3A_1341, %dma_start3A_1342, %dma_start3A_1343] : memref<4x64x128xf32, #tpu.memory_space<vmem>> -> memref<1x64x128xf32, #tpu.memory_space<vmem>>
        %dma_start3A_1345 = tpu.memref_squeeze %dma_start3A_1344 : memref<1x64x128xf32, #tpu.memory_space<vmem>> -> memref<64x128xf32, #tpu.memory_space<vmem>>
        %dma_start3A_1346 = arith.constant 0 : i32
        %dma_start3A_1347 = tpu.memref_slice %arg10[%add3A_1329, %dma_start3A_1346] : memref<40x128xi32, #tpu.memory_space<vmem>> -> memref<1x64xi32, #tpu.memory_space<vmem>>
        %dma_start3A_1348 = tpu.memref_squeeze %dma_start3A_1347 : memref<1x64xi32, #tpu.memory_space<vmem>> -> memref<64xi32, #tpu.memory_space<vmem>>
        %dma_start3A_1349 = arith.constant 0 : i32
        %dma_start3A_1350 = arith.constant 0 : i32
        %dma_start3A_1351 = tpu.memref_slice %arg8[%dma_start3A_1349, %dma_start3A_1350] : memref<10240x128xf32, #tpu.memory_space<vmem_shared>> -> memref<10240x128xf32, #tpu.memory_space<vmem_shared>>
        tpu.enqueue_indirect_dma source(%dma_start3A_1345 : memref<64x128xf32, #tpu.memory_space<vmem>>) target(%dma_start3A_1351 : memref<10240x128xf32, #tpu.memory_space<vmem_shared>>) offsets(%dma_start3A_1348 : memref<64xi32, #tpu.memory_space<vmem>>) semaphore(%arg14 : memref<!tpu.dma_semaphore, #tpu.memory_space<semaphore_mem>>) {add = true}
        %mul3A_1352 = arith.constant 4 : i32
        %mul3A_1353 = arith.muli %mul3A_1352, %scan3A_1222 : i32
        %add3A_1354 = arith.constant 2 : i32
        %add3A_1355 = arith.addi %mul3A_1353, %add3A_1354 : i32
        %ge3A_1356 = arith.constant 2 : i32
        %ge3A_1357 = arith.cmpi sge, %add3A_1355, %ge3A_1356 : i32
        %convert_element_type3A_1358 = arith.extui %ge3A_1357 : i1 to i32
        %cond3A_1359 = arith.constant 0 : i32
        %cond3A_1360 = arith.cmpi ne, %convert_element_type3A_1358, %cond3A_1359 : i32
        scf.if %cond3A_1360 {
          %dma_wait3A_1431 = arith.constant 0 : i32
          %dma_wait3A_1432 = arith.constant 0 : i32
          %dma_wait3A_1433 = arith.constant 0 : i32
          %dma_wait3A_1434 = arith.constant 0 : i32
          %dma_wait3A_1435 = tpu.memref_slice %arg11[%dma_wait3A_1431, %dma_wait3A_1433, %dma_wait3A_1434] : memref<4x64x128xf32, #tpu.memory_space<vmem>> -> memref<1x64x128xf32, #tpu.memory_space<vmem>>
          %dma_wait3A_1436 = tpu.memref_squeeze %dma_wait3A_1435 : memref<1x64x128xf32, #tpu.memory_space<vmem>> -> memref<64x128xf32, #tpu.memory_space<vmem>>
          %dma_wait3A_1437 = arith.constant 0 : i32
          %dma_wait3A_1438 = tpu.memref_slice %arg10[%dma_wait3A_1432, %dma_wait3A_1437] : memref<40x128xi32, #tpu.memory_space<vmem>> -> memref<1x64xi32, #tpu.memory_space<vmem>>
          %dma_wait3A_1439 = tpu.memref_squeeze %dma_wait3A_1438 : memref<1x64xi32, #tpu.memory_space<vmem>> -> memref<64xi32, #tpu.memory_space<vmem>>
          %dma_wait3A_1440 = arith.constant 0 : i32
          %dma_wait3A_1441 = arith.constant 0 : i32
          %dma_wait3A_1442 = tpu.memref_slice %arg8[%dma_wait3A_1440, %dma_wait3A_1441] : memref<10240x128xf32, #tpu.memory_space<vmem_shared>> -> memref<10240x128xf32, #tpu.memory_space<vmem_shared>>
          tpu.wait_indirect_dma semaphore(%arg14 : memref<!tpu.dma_semaphore, #tpu.memory_space<semaphore_mem>>) src(%dma_wait3A_1436 : memref<64x128xf32, #tpu.memory_space<vmem>>) dst(%dma_wait3A_1442 : memref<10240x128xf32, #tpu.memory_space<vmem_shared>>)
        } else {
        }
        %mul3A_1361 = arith.constant 2 : i32
        %mul3A_1362 = arith.muli %mul3A_1361, %scan3A_1222 : i32
        %add3A_1363 = arith.constant 1 : i32
        %add3A_1364 = arith.addi %mul3A_1362, %add3A_1363 : i32
        %add3A_1365 = arith.constant 1 : i32
        %add3A_1366 = arith.addi %add3A_1364, %add3A_1365 : i32
        %mul3A_1367 = arith.constant 4 : i32
        %mul3A_1368 = arith.muli %mul3A_1367, %scan3A_1222 : i32
        %add3A_1369 = arith.constant 2 : i32
        %add3A_1370 = arith.addi %mul3A_1368, %add3A_1369 : i32
        %add3A_1371 = arith.constant 2 : i32
        %add3A_1372 = arith.addi %add3A_1370, %add3A_1371 : i32
        %lt3A_1373 = arith.constant 80 : i32
        %lt3A_1374 = arith.cmpi slt, %add3A_1372, %lt3A_1373 : i32
        %convert_element_type3A_1375 = arith.extui %lt3A_1374 : i1 to i32
        %cond3A_1376 = arith.constant 0 : i32
        %cond3A_1377 = arith.cmpi ne, %convert_element_type3A_1375, %cond3A_1376 : i32
        scf.if %cond3A_1377 {
          %dma_start3A_1431 = arith.constant 0 : i32
          %dma_start3A_1432 = arith.constant 0 : i32
          %dma_start3A_1433 = arith.constant 0 : i32
          %dma_start3A_1434 = tpu.memref_slice %arg11[%dma_start3A_1431, %dma_start3A_1432, %dma_start3A_1433] : memref<4x64x128xf32, #tpu.memory_space<vmem>> -> memref<1x64x128xf32, #tpu.memory_space<vmem>>
          %dma_start3A_1435 = tpu.memref_squeeze %dma_start3A_1434 : memref<1x64x128xf32, #tpu.memory_space<vmem>> -> memref<64x128xf32, #tpu.memory_space<vmem>>
          %dma_start3A_1436 = arith.constant 0 : i32
          %dma_start3A_1437 = tpu.memref_slice %arg9[%add3A_1366, %dma_start3A_1436] : memref<40x128xi32, #tpu.memory_space<vmem>> -> memref<1x64xi32, #tpu.memory_space<vmem>>
          %dma_start3A_1438 = tpu.memref_squeeze %dma_start3A_1437 : memref<1x64xi32, #tpu.memory_space<vmem>> -> memref<64xi32, #tpu.memory_space<vmem>>
          %dma_start3A_1439 = arith.constant 0 : i32
          %dma_start3A_1440 = arith.constant 0 : i32
          %dma_start3A_1441 = tpu.memref_slice %arg3[%dma_start3A_1439, %dma_start3A_1440] : memref<10240x128xf32, #tpu.memory_space<hbm>> -> memref<10240x128xf32, #tpu.memory_space<hbm>>
          tpu.enqueue_indirect_dma source(%dma_start3A_1441 : memref<10240x128xf32, #tpu.memory_space<hbm>>) target(%dma_start3A_1435 : memref<64x128xf32, #tpu.memory_space<vmem>>) offsets(%dma_start3A_1438 : memref<64xi32, #tpu.memory_space<vmem>>) semaphore(%arg13 : memref<!tpu.dma_semaphore, #tpu.memory_space<semaphore_mem>>)
        } else {
        }
        %mul3A_1378 = arith.constant 2 : i32
        %mul3A_1379 = arith.muli %mul3A_1378, %scan3A_1222 : i32
        %add3A_1380 = arith.constant 1 : i32
        %add3A_1381 = arith.addi %mul3A_1379, %add3A_1380 : i32
        %dma_wait3A_1382 = arith.constant 3 : i32
        %dma_wait3A_1383 = arith.constant 0 : i32
        %dma_wait3A_1384 = arith.constant 0 : i32
        %dma_wait3A_1385 = tpu.memref_slice %arg11[%dma_wait3A_1382, %dma_wait3A_1383, %dma_wait3A_1384] : memref<4x64x128xf32, #tpu.memory_space<vmem>> -> memref<1x64x128xf32, #tpu.memory_space<vmem>>
        %dma_wait3A_1386 = tpu.memref_squeeze %dma_wait3A_1385 : memref<1x64x128xf32, #tpu.memory_space<vmem>> -> memref<64x128xf32, #tpu.memory_space<vmem>>
        %dma_wait3A_1387 = arith.constant 64 : i32
        %dma_wait3A_1388 = tpu.memref_slice %arg9[%add3A_1381, %dma_wait3A_1387] : memref<40x128xi32, #tpu.memory_space<vmem>> -> memref<1x64xi32, #tpu.memory_space<vmem>>
        %dma_wait3A_1389 = tpu.memref_squeeze %dma_wait3A_1388 : memref<1x64xi32, #tpu.memory_space<vmem>> -> memref<64xi32, #tpu.memory_space<vmem>>
        %dma_wait3A_1390 = arith.constant 0 : i32
        %dma_wait3A_1391 = arith.constant 0 : i32
        %dma_wait3A_1392 = tpu.memref_slice %arg3[%dma_wait3A_1390, %dma_wait3A_1391] : memref<10240x128xf32, #tpu.memory_space<hbm>> -> memref<10240x128xf32, #tpu.memory_space<hbm>>
        tpu.wait_indirect_dma semaphore(%arg13 : memref<!tpu.dma_semaphore, #tpu.memory_space<semaphore_mem>>) src(%dma_wait3A_1392 : memref<10240x128xf32, #tpu.memory_space<hbm>>) dst(%dma_wait3A_1386 : memref<64x128xf32, #tpu.memory_space<vmem>>)
        %dma_start3A_1393 = arith.constant 3 : i32
        %dma_start3A_1394 = arith.constant 0 : i32
        %dma_start3A_1395 = arith.constant 0 : i32
        %dma_start3A_1396 = tpu.memref_slice %arg11[%dma_start3A_1393, %dma_start3A_1394, %dma_start3A_1395] : memref<4x64x128xf32, #tpu.memory_space<vmem>> -> memref<1x64x128xf32, #tpu.memory_space<vmem>>
        %dma_start3A_1397 = tpu.memref_squeeze %dma_start3A_1396 : memref<1x64x128xf32, #tpu.memory_space<vmem>> -> memref<64x128xf32, #tpu.memory_space<vmem>>
        %dma_start3A_1398 = arith.constant 64 : i32
        %dma_start3A_1399 = tpu.memref_slice %arg10[%add3A_1381, %dma_start3A_1398] : memref<40x128xi32, #tpu.memory_space<vmem>> -> memref<1x64xi32, #tpu.memory_space<vmem>>
        %dma_start3A_1400 = tpu.memref_squeeze %dma_start3A_1399 : memref<1x64xi32, #tpu.memory_space<vmem>> -> memref<64xi32, #tpu.memory_space<vmem>>
        %dma_start3A_1401 = arith.constant 0 : i32
        %dma_start3A_1402 = arith.constant 0 : i32
        %dma_start3A_1403 = tpu.memref_slice %arg8[%dma_start3A_1401, %dma_start3A_1402] : memref<10240x128xf32, #tpu.memory_space<vmem_shared>> -> memref<10240x128xf32, #tpu.memory_space<vmem_shared>>
        tpu.enqueue_indirect_dma source(%dma_start3A_1397 : memref<64x128xf32, #tpu.memory_space<vmem>>) target(%dma_start3A_1403 : memref<10240x128xf32, #tpu.memory_space<vmem_shared>>) offsets(%dma_start3A_1400 : memref<64xi32, #tpu.memory_space<vmem>>) semaphore(%arg14 : memref<!tpu.dma_semaphore, #tpu.memory_space<semaphore_mem>>) {add = true}
        %mul3A_1404 = arith.constant 4 : i32
        %mul3A_1405 = arith.muli %mul3A_1404, %scan3A_1222 : i32
        %add3A_1406 = arith.constant 3 : i32
        %add3A_1407 = arith.addi %mul3A_1405, %add3A_1406 : i32
        %ge3A_1408 = arith.constant 2 : i32
        %ge3A_1409 = arith.cmpi sge, %add3A_1407, %ge3A_1408 : i32
        %convert_element_type3A_1410 = arith.extui %ge3A_1409 : i1 to i32
        %cond3A_1411 = arith.constant 0 : i32
        %cond3A_1412 = arith.cmpi ne, %convert_element_type3A_1410, %cond3A_1411 : i32
        scf.if %cond3A_1412 {
          %dma_wait3A_1431 = arith.constant 1 : i32
          %dma_wait3A_1432 = arith.constant 0 : i32
          %dma_wait3A_1433 = arith.constant 0 : i32
          %dma_wait3A_1434 = arith.constant 0 : i32
          %dma_wait3A_1435 = tpu.memref_slice %arg11[%dma_wait3A_1431, %dma_wait3A_1433, %dma_wait3A_1434] : memref<4x64x128xf32, #tpu.memory_space<vmem>> -> memref<1x64x128xf32, #tpu.memory_space<vmem>>
          %dma_wait3A_1436 = tpu.memref_squeeze %dma_wait3A_1435 : memref<1x64x128xf32, #tpu.memory_space<vmem>> -> memref<64x128xf32, #tpu.memory_space<vmem>>
          %dma_wait3A_1437 = arith.constant 0 : i32
          %dma_wait3A_1438 = tpu.memref_slice %arg10[%dma_wait3A_1432, %dma_wait3A_1437] : memref<40x128xi32, #tpu.memory_space<vmem>> -> memref<1x64xi32, #tpu.memory_space<vmem>>
          %dma_wait3A_1439 = tpu.memref_squeeze %dma_wait3A_1438 : memref<1x64xi32, #tpu.memory_space<vmem>> -> memref<64xi32, #tpu.memory_space<vmem>>
          %dma_wait3A_1440 = arith.constant 0 : i32
          %dma_wait3A_1441 = arith.constant 0 : i32
          %dma_wait3A_1442 = tpu.memref_slice %arg8[%dma_wait3A_1440, %dma_wait3A_1441] : memref<10240x128xf32, #tpu.memory_space<vmem_shared>> -> memref<10240x128xf32, #tpu.memory_space<vmem_shared>>
          tpu.wait_indirect_dma semaphore(%arg14 : memref<!tpu.dma_semaphore, #tpu.memory_space<semaphore_mem>>) src(%dma_wait3A_1436 : memref<64x128xf32, #tpu.memory_space<vmem>>) dst(%dma_wait3A_1442 : memref<10240x128xf32, #tpu.memory_space<vmem_shared>>)
        } else {
        }
        %mul3A_1413 = arith.constant 2 : i32
        %mul3A_1414 = arith.muli %mul3A_1413, %scan3A_1222 : i32
        %add3A_1415 = arith.constant 1 : i32
        %add3A_1416 = arith.addi %mul3A_1414, %add3A_1415 : i32
        %add3A_1417 = arith.constant 1 : i32
        %add3A_1418 = arith.addi %add3A_1416, %add3A_1417 : i32
        %mul3A_1419 = arith.constant 4 : i32
        %mul3A_1420 = arith.muli %mul3A_1419, %scan3A_1222 : i32
        %add3A_1421 = arith.constant 3 : i32
        %add3A_1422 = arith.addi %mul3A_1420, %add3A_1421 : i32
        %add3A_1423 = arith.constant 2 : i32
        %add3A_1424 = arith.addi %add3A_1422, %add3A_1423 : i32
        %lt3A_1425 = arith.constant 80 : i32
        %lt3A_1426 = arith.cmpi slt, %add3A_1424, %lt3A_1425 : i32
        %convert_element_type3A_1427 = arith.extui %lt3A_1426 : i1 to i32
        %cond3A_1428 = arith.constant 0 : i32
        %cond3A_1429 = arith.cmpi ne, %convert_element_type3A_1427, %cond3A_1428 : i32
        scf.if %cond3A_1429 {
          %dma_start3A_1431 = arith.constant 1 : i32
          %dma_start3A_1432 = arith.constant 0 : i32
          %dma_start3A_1433 = arith.constant 0 : i32
          %dma_start3A_1434 = tpu.memref_slice %arg11[%dma_start3A_1431, %dma_start3A_1432, %dma_start3A_1433] : memref<4x64x128xf32, #tpu.memory_space<vmem>> -> memref<1x64x128xf32, #tpu.memory_space<vmem>>
          %dma_start3A_1435 = tpu.memref_squeeze %dma_start3A_1434 : memref<1x64x128xf32, #tpu.memory_space<vmem>> -> memref<64x128xf32, #tpu.memory_space<vmem>>
          %dma_start3A_1436 = arith.constant 64 : i32
          %dma_start3A_1437 = tpu.memref_slice %arg9[%add3A_1418, %dma_start3A_1436] : memref<40x128xi32, #tpu.memory_space<vmem>> -> memref<1x64xi32, #tpu.memory_space<vmem>>
          %dma_start3A_1438 = tpu.memref_squeeze %dma_start3A_1437 : memref<1x64xi32, #tpu.memory_space<vmem>> -> memref<64xi32, #tpu.memory_space<vmem>>
          %dma_start3A_1439 = arith.constant 0 : i32
          %dma_start3A_1440 = arith.constant 0 : i32
          %dma_start3A_1441 = tpu.memref_slice %arg3[%dma_start3A_1439, %dma_start3A_1440] : memref<10240x128xf32, #tpu.memory_space<hbm>> -> memref<10240x128xf32, #tpu.memory_space<hbm>>
          tpu.enqueue_indirect_dma source(%dma_start3A_1441 : memref<10240x128xf32, #tpu.memory_space<hbm>>) target(%dma_start3A_1435 : memref<64x128xf32, #tpu.memory_space<vmem>>) offsets(%dma_start3A_1438 : memref<64xi32, #tpu.memory_space<vmem>>) semaphore(%arg13 : memref<!tpu.dma_semaphore, #tpu.memory_space<semaphore_mem>>)
        } else {
        }
        %scan3A_1430 = arith.constant 0 : i32
        scf.yield %scan3A_1430 : i32
      }
      %scan3A_1118 = arith.constant 20 : i32
      %dma_wait3A_1119 = arith.constant 0 : i32
      %dma_wait3A_1120 = arith.constant 0 : i32
      %dma_wait3A_1121 = arith.constant 0 : i32
      %dma_wait3A_1122 = arith.constant 0 : i32
      %dma_wait3A_1123 = tpu.memref_slice %arg11[%dma_wait3A_1119, %dma_wait3A_1121, %dma_wait3A_1122] : memref<4x64x128xf32, #tpu.memory_space<vmem>> -> memref<1x64x128xf32, #tpu.memory_space<vmem>>
      %dma_wait3A_1124 = tpu.memref_squeeze %dma_wait3A_1123 : memref<1x64x128xf32, #tpu.memory_space<vmem>> -> memref<64x128xf32, #tpu.memory_space<vmem>>
      %dma_wait3A_1125 = arith.constant 0 : i32
      %dma_wait3A_1126 = tpu.memref_slice %arg10[%dma_wait3A_1120, %dma_wait3A_1125] : memref<40x128xi32, #tpu.memory_space<vmem>> -> memref<1x64xi32, #tpu.memory_space<vmem>>
      %dma_wait3A_1127 = tpu.memref_squeeze %dma_wait3A_1126 : memref<1x64xi32, #tpu.memory_space<vmem>> -> memref<64xi32, #tpu.memory_space<vmem>>
      %dma_wait3A_1128 = arith.constant 0 : i32
      %dma_wait3A_1129 = arith.constant 0 : i32
      %dma_wait3A_1130 = tpu.memref_slice %arg8[%dma_wait3A_1128, %dma_wait3A_1129] : memref<10240x128xf32, #tpu.memory_space<vmem_shared>> -> memref<10240x128xf32, #tpu.memory_space<vmem_shared>>
      tpu.wait_indirect_dma semaphore(%arg14 : memref<!tpu.dma_semaphore, #tpu.memory_space<semaphore_mem>>) src(%dma_wait3A_1124 : memref<64x128xf32, #tpu.memory_space<vmem>>) dst(%dma_wait3A_1130 : memref<10240x128xf32, #tpu.memory_space<vmem_shared>>)
      %dma_wait3A_1131 = arith.constant 1 : i32
      %dma_wait3A_1132 = arith.constant 0 : i32
      %dma_wait3A_1133 = arith.constant 0 : i32
      %dma_wait3A_1134 = arith.constant 0 : i32
      %dma_wait3A_1135 = tpu.memref_slice %arg11[%dma_wait3A_1131, %dma_wait3A_1133, %dma_wait3A_1134] : memref<4x64x128xf32, #tpu.memory_space<vmem>> -> memref<1x64x128xf32, #tpu.memory_space<vmem>>
      %dma_wait3A_1136 = tpu.memref_squeeze %dma_wait3A_1135 : memref<1x64x128xf32, #tpu.memory_space<vmem>> -> memref<64x128xf32, #tpu.memory_space<vmem>>
      %dma_wait3A_1137 = arith.constant 0 : i32
      %dma_wait3A_1138 = tpu.memref_slice %arg10[%dma_wait3A_1132, %dma_wait3A_1137] : memref<40x128xi32, #tpu.memory_space<vmem>> -> memref<1x64xi32, #tpu.memory_space<vmem>>
      %dma_wait3A_1139 = tpu.memref_squeeze %dma_wait3A_1138 : memref<1x64xi32, #tpu.memory_space<vmem>> -> memref<64xi32, #tpu.memory_space<vmem>>
      %dma_wait3A_1140 = arith.constant 0 : i32
      %dma_wait3A_1141 = arith.constant 0 : i32
      %dma_wait3A_1142 = tpu.memref_slice %arg8[%dma_wait3A_1140, %dma_wait3A_1141] : memref<10240x128xf32, #tpu.memory_space<vmem_shared>> -> memref<10240x128xf32, #tpu.memory_space<vmem_shared>>
      tpu.wait_indirect_dma semaphore(%arg14 : memref<!tpu.dma_semaphore, #tpu.memory_space<semaphore_mem>>) src(%dma_wait3A_1136 : memref<64x128xf32, #tpu.memory_space<vmem>>) dst(%dma_wait3A_1142 : memref<10240x128xf32, #tpu.memory_space<vmem_shared>>)
      %barrier3A_1143 = arith.constant 0 : index
      tpu.barrier barrier_id(%barrier3A_1143)
      %mul3A = arith.constant 640 : i32
      %mul3A_1144 = arith.muli %arg1, %mul3A : i32
      %add3A = arith.constant 0 : i32
      %add3A_1145 = arith.addi %mul3A_1144, %add3A : i32
      %mul3A_1146 = arith.constant 640 : i32
      %mul3A_1147 = arith.muli %arg1, %mul3A_1146 : i32
      %add3A_1148 = arith.constant 0 : i32
      %add3A_1149 = arith.addi %mul3A_1147, %add3A_1148 : i32
      "tpu.region"() ({
        %run_scoped3A = tpu.sem_alloc : memref<!tpu.dma_semaphore, #tpu.memory_space<semaphore_mem>>
        %dma_start3A_1222 = arith.constant 0 : i32
        %dma_start3A_1223 = tpu.memref_slice %arg7[%add3A_1149, %dma_start3A_1222] : memref<10240x128xf32, #tpu.memory_space<hbm>> -> memref<64x128xf32, #tpu.memory_space<hbm>>
        %dma_start3A_1224 = arith.constant 0 : i32
        %dma_start3A_1225 = tpu.memref_slice %arg8[%add3A_1145, %dma_start3A_1224] : memref<10240x128xf32, #tpu.memory_space<vmem_shared>> -> memref<64x128xf32, #tpu.memory_space<vmem_shared>>
        tpu.enqueue_dma source(%dma_start3A_1225 : memref<64x128xf32, #tpu.memory_space<vmem_shared>>) target(%dma_start3A_1223 : memref<64x128xf32, #tpu.memory_space<hbm>>) target_semaphore(%run_scoped3A : memref<!tpu.dma_semaphore, #tpu.memory_space<semaphore_mem>>)
        %dma_wait3A_1226 = arith.constant 0 : i32
        %dma_wait3A_1227 = tpu.memref_slice %arg7[%add3A_1149, %dma_wait3A_1226] : memref<10240x128xf32, #tpu.memory_space<hbm>> -> memref<64x128xf32, #tpu.memory_space<hbm>>
        %dma_wait3A_1228 = arith.constant 0 : i32
        %dma_wait3A_1229 = tpu.memref_slice %arg8[%add3A_1145, %dma_wait3A_1228] : memref<10240x128xf32, #tpu.memory_space<vmem_shared>> -> memref<64x128xf32, #tpu.memory_space<vmem_shared>>
        tpu.wait_dma2 semaphore(%run_scoped3A : memref<!tpu.dma_semaphore, #tpu.memory_space<semaphore_mem>>) src(%dma_wait3A_1229 : memref<64x128xf32, #tpu.memory_space<vmem_shared>>) dst(%dma_wait3A_1227 : memref<64x128xf32, #tpu.memory_space<hbm>>)
        tpu.yield
      }) : () -> ()
      %mul3A_1150 = arith.constant 640 : i32
      %mul3A_1151 = arith.muli %arg1, %mul3A_1150 : i32
      %add3A_1152 = arith.constant 64 : i32
      %add3A_1153 = arith.addi %mul3A_1151, %add3A_1152 : i32
      %mul3A_1154 = arith.constant 640 : i32
      %mul3A_1155 = arith.muli %arg1, %mul3A_1154 : i32
      %add3A_1156 = arith.constant 64 : i32
      %add3A_1157 = arith.addi %mul3A_1155, %add3A_1156 : i32
      "tpu.region"() ({
        %run_scoped3A = tpu.sem_alloc : memref<!tpu.dma_semaphore, #tpu.memory_space<semaphore_mem>>
        %dma_start3A_1222 = arith.constant 0 : i32
        %dma_start3A_1223 = tpu.memref_slice %arg7[%add3A_1157, %dma_start3A_1222] : memref<10240x128xf32, #tpu.memory_space<hbm>> -> memref<64x128xf32, #tpu.memory_space<hbm>>
        %dma_start3A_1224 = arith.constant 0 : i32
        %dma_start3A_1225 = tpu.memref_slice %arg8[%add3A_1153, %dma_start3A_1224] : memref<10240x128xf32, #tpu.memory_space<vmem_shared>> -> memref<64x128xf32, #tpu.memory_space<vmem_shared>>
        tpu.enqueue_dma source(%dma_start3A_1225 : memref<64x128xf32, #tpu.memory_space<vmem_shared>>) target(%dma_start3A_1223 : memref<64x128xf32, #tpu.memory_space<hbm>>) target_semaphore(%run_scoped3A : memref<!tpu.dma_semaphore, #tpu.memory_space<semaphore_mem>>)
        %dma_wait3A_1226 = arith.constant 0 : i32
        %dma_wait3A_1227 = tpu.memref_slice %arg7[%add3A_1157, %dma_wait3A_1226] : memref<10240x128xf32, #tpu.memory_space<hbm>> -> memref<64x128xf32, #tpu.memory_space<hbm>>
        %dma_wait3A_1228 = arith.constant 0 : i32
        %dma_wait3A_1229 = tpu.memref_slice %arg8[%add3A_1153, %dma_wait3A_1228] : memref<10240x128xf32, #tpu.memory_space<vmem_shared>> -> memref<64x128xf32, #tpu.memory_space<vmem_shared>>
        tpu.wait_dma2 semaphore(%run_scoped3A : memref<!tpu.dma_semaphore, #tpu.memory_space<semaphore_mem>>) src(%dma_wait3A_1229 : memref<64x128xf32, #tpu.memory_space<vmem_shared>>) dst(%dma_wait3A_1227 : memref<64x128xf32, #tpu.memory_space<hbm>>)
        tpu.yield
      }) : () -> ()
      %mul3A_1158 = arith.constant 640 : i32
      %mul3A_1159 = arith.muli %arg1, %mul3A_1158 : i32
      %add3A_1160 = arith.constant 128 : i32
      %add3A_1161 = arith.addi %mul3A_1159, %add3A_1160 : i32
      %mul3A_1162 = arith.constant 640 : i32
      %mul3A_1163 = arith.muli %arg1, %mul3A_1162 : i32
      %add3A_1164 = arith.constant 128 : i32
      %add3A_1165 = arith.addi %mul3A_1163, %add3A_1164 : i32
      "tpu.region"() ({
        %run_scoped3A = tpu.sem_alloc : memref<!tpu.dma_semaphore, #tpu.memory_space<semaphore_mem>>
        %dma_start3A_1222 = arith.constant 0 : i32
        %dma_start3A_1223 = tpu.memref_slice %arg7[%add3A_1165, %dma_start3A_1222] : memref<10240x128xf32, #tpu.memory_space<hbm>> -> memref<64x128xf32, #tpu.memory_space<hbm>>
        %dma_start3A_1224 = arith.constant 0 : i32
        %dma_start3A_1225 = tpu.memref_slice %arg8[%add3A_1161, %dma_start3A_1224] : memref<10240x128xf32, #tpu.memory_space<vmem_shared>> -> memref<64x128xf32, #tpu.memory_space<vmem_shared>>
        tpu.enqueue_dma source(%dma_start3A_1225 : memref<64x128xf32, #tpu.memory_space<vmem_shared>>) target(%dma_start3A_1223 : memref<64x128xf32, #tpu.memory_space<hbm>>) target_semaphore(%run_scoped3A : memref<!tpu.dma_semaphore, #tpu.memory_space<semaphore_mem>>)
        %dma_wait3A_1226 = arith.constant 0 : i32
        %dma_wait3A_1227 = tpu.memref_slice %arg7[%add3A_1165, %dma_wait3A_1226] : memref<10240x128xf32, #tpu.memory_space<hbm>> -> memref<64x128xf32, #tpu.memory_space<hbm>>
        %dma_wait3A_1228 = arith.constant 0 : i32
        %dma_wait3A_1229 = tpu.memref_slice %arg8[%add3A_1161, %dma_wait3A_1228] : memref<10240x128xf32, #tpu.memory_space<vmem_shared>> -> memref<64x128xf32, #tpu.memory_space<vmem_shared>>
        tpu.wait_dma2 semaphore(%run_scoped3A : memref<!tpu.dma_semaphore, #tpu.memory_space<semaphore_mem>>) src(%dma_wait3A_1229 : memref<64x128xf32, #tpu.memory_space<vmem_shared>>) dst(%dma_wait3A_1227 : memref<64x128xf32, #tpu.memory_space<hbm>>)
        tpu.yield
      }) : () -> ()
      %mul3A_1166 = arith.constant 640 : i32
      %mul3A_1167 = arith.muli %arg1, %mul3A_1166 : i32
      %add3A_1168 = arith.constant 192 : i32
      %add3A_1169 = arith.addi %mul3A_1167, %add3A_1168 : i32
      %mul3A_1170 = arith.constant 640 : i32
      %mul3A_1171 = arith.muli %arg1, %mul3A_1170 : i32
      %add3A_1172 = arith.constant 192 : i32
      %add3A_1173 = arith.addi %mul3A_1171, %add3A_1172 : i32
      "tpu.region"() ({
        %run_scoped3A = tpu.sem_alloc : memref<!tpu.dma_semaphore, #tpu.memory_space<semaphore_mem>>
        %dma_start3A_1222 = arith.constant 0 : i32
        %dma_start3A_1223 = tpu.memref_slice %arg7[%add3A_1173, %dma_start3A_1222] : memref<10240x128xf32, #tpu.memory_space<hbm>> -> memref<64x128xf32, #tpu.memory_space<hbm>>
        %dma_start3A_1224 = arith.constant 0 : i32
        %dma_start3A_1225 = tpu.memref_slice %arg8[%add3A_1169, %dma_start3A_1224] : memref<10240x128xf32, #tpu.memory_space<vmem_shared>> -> memref<64x128xf32, #tpu.memory_space<vmem_shared>>
        tpu.enqueue_dma source(%dma_start3A_1225 : memref<64x128xf32, #tpu.memory_space<vmem_shared>>) target(%dma_start3A_1223 : memref<64x128xf32, #tpu.memory_space<hbm>>) target_semaphore(%run_scoped3A : memref<!tpu.dma_semaphore, #tpu.memory_space<semaphore_mem>>)
        %dma_wait3A_1226 = arith.constant 0 : i32
        %dma_wait3A_1227 = tpu.memref_slice %arg7[%add3A_1173, %dma_wait3A_1226] : memref<10240x128xf32, #tpu.memory_space<hbm>> -> memref<64x128xf32, #tpu.memory_space<hbm>>
        %dma_wait3A_1228 = arith.constant 0 : i32
        %dma_wait3A_1229 = tpu.memref_slice %arg8[%add3A_1169, %dma_wait3A_1228] : memref<10240x128xf32, #tpu.memory_space<vmem_shared>> -> memref<64x128xf32, #tpu.memory_space<vmem_shared>>
        tpu.wait_dma2 semaphore(%run_scoped3A : memref<!tpu.dma_semaphore, #tpu.memory_space<semaphore_mem>>) src(%dma_wait3A_1229 : memref<64x128xf32, #tpu.memory_space<vmem_shared>>) dst(%dma_wait3A_1227 : memref<64x128xf32, #tpu.memory_space<hbm>>)
        tpu.yield
      }) : () -> ()
      %mul3A_1174 = arith.constant 640 : i32
      %mul3A_1175 = arith.muli %arg1, %mul3A_1174 : i32
      %add3A_1176 = arith.constant 256 : i32
      %add3A_1177 = arith.addi %mul3A_1175, %add3A_1176 : i32
      %mul3A_1178 = arith.constant 640 : i32
      %mul3A_1179 = arith.muli %arg1, %mul3A_1178 : i32
      %add3A_1180 = arith.constant 256 : i32
      %add3A_1181 = arith.addi %mul3A_1179, %add3A_1180 : i32
      "tpu.region"() ({
        %run_scoped3A = tpu.sem_alloc : memref<!tpu.dma_semaphore, #tpu.memory_space<semaphore_mem>>
        %dma_start3A_1222 = arith.constant 0 : i32
        %dma_start3A_1223 = tpu.memref_slice %arg7[%add3A_1181, %dma_start3A_1222] : memref<10240x128xf32, #tpu.memory_space<hbm>> -> memref<64x128xf32, #tpu.memory_space<hbm>>
        %dma_start3A_1224 = arith.constant 0 : i32
        %dma_start3A_1225 = tpu.memref_slice %arg8[%add3A_1177, %dma_start3A_1224] : memref<10240x128xf32, #tpu.memory_space<vmem_shared>> -> memref<64x128xf32, #tpu.memory_space<vmem_shared>>
        tpu.enqueue_dma source(%dma_start3A_1225 : memref<64x128xf32, #tpu.memory_space<vmem_shared>>) target(%dma_start3A_1223 : memref<64x128xf32, #tpu.memory_space<hbm>>) target_semaphore(%run_scoped3A : memref<!tpu.dma_semaphore, #tpu.memory_space<semaphore_mem>>)
        %dma_wait3A_1226 = arith.constant 0 : i32
        %dma_wait3A_1227 = tpu.memref_slice %arg7[%add3A_1181, %dma_wait3A_1226] : memref<10240x128xf32, #tpu.memory_space<hbm>> -> memref<64x128xf32, #tpu.memory_space<hbm>>
        %dma_wait3A_1228 = arith.constant 0 : i32
        %dma_wait3A_1229 = tpu.memref_slice %arg8[%add3A_1177, %dma_wait3A_1228] : memref<10240x128xf32, #tpu.memory_space<vmem_shared>> -> memref<64x128xf32, #tpu.memory_space<vmem_shared>>
        tpu.wait_dma2 semaphore(%run_scoped3A : memref<!tpu.dma_semaphore, #tpu.memory_space<semaphore_mem>>) src(%dma_wait3A_1229 : memref<64x128xf32, #tpu.memory_space<vmem_shared>>) dst(%dma_wait3A_1227 : memref<64x128xf32, #tpu.memory_space<hbm>>)
        tpu.yield
      }) : () -> ()
      %mul3A_1182 = arith.constant 640 : i32
      %mul3A_1183 = arith.muli %arg1, %mul3A_1182 : i32
      %add3A_1184 = arith.constant 320 : i32
      %add3A_1185 = arith.addi %mul3A_1183, %add3A_1184 : i32
      %mul3A_1186 = arith.constant 640 : i32
      %mul3A_1187 = arith.muli %arg1, %mul3A_1186 : i32
      %add3A_1188 = arith.constant 320 : i32
      %add3A_1189 = arith.addi %mul3A_1187, %add3A_1188 : i32
      "tpu.region"() ({
        %run_scoped3A = tpu.sem_alloc : memref<!tpu.dma_semaphore, #tpu.memory_space<semaphore_mem>>
        %dma_start3A_1222 = arith.constant 0 : i32
        %dma_start3A_1223 = tpu.memref_slice %arg7[%add3A_1189, %dma_start3A_1222] : memref<10240x128xf32, #tpu.memory_space<hbm>> -> memref<64x128xf32, #tpu.memory_space<hbm>>
        %dma_start3A_1224 = arith.constant 0 : i32
        %dma_start3A_1225 = tpu.memref_slice %arg8[%add3A_1185, %dma_start3A_1224] : memref<10240x128xf32, #tpu.memory_space<vmem_shared>> -> memref<64x128xf32, #tpu.memory_space<vmem_shared>>
        tpu.enqueue_dma source(%dma_start3A_1225 : memref<64x128xf32, #tpu.memory_space<vmem_shared>>) target(%dma_start3A_1223 : memref<64x128xf32, #tpu.memory_space<hbm>>) target_semaphore(%run_scoped3A : memref<!tpu.dma_semaphore, #tpu.memory_space<semaphore_mem>>)
        %dma_wait3A_1226 = arith.constant 0 : i32
        %dma_wait3A_1227 = tpu.memref_slice %arg7[%add3A_1189, %dma_wait3A_1226] : memref<10240x128xf32, #tpu.memory_space<hbm>> -> memref<64x128xf32, #tpu.memory_space<hbm>>
        %dma_wait3A_1228 = arith.constant 0 : i32
        %dma_wait3A_1229 = tpu.memref_slice %arg8[%add3A_1185, %dma_wait3A_1228] : memref<10240x128xf32, #tpu.memory_space<vmem_shared>> -> memref<64x128xf32, #tpu.memory_space<vmem_shared>>
        tpu.wait_dma2 semaphore(%run_scoped3A : memref<!tpu.dma_semaphore, #tpu.memory_space<semaphore_mem>>) src(%dma_wait3A_1229 : memref<64x128xf32, #tpu.memory_space<vmem_shared>>) dst(%dma_wait3A_1227 : memref<64x128xf32, #tpu.memory_space<hbm>>)
        tpu.yield
      }) : () -> ()
      %mul3A_1190 = arith.constant 640 : i32
      %mul3A_1191 = arith.muli %arg1, %mul3A_1190 : i32
      %add3A_1192 = arith.constant 384 : i32
      %add3A_1193 = arith.addi %mul3A_1191, %add3A_1192 : i32
      %mul3A_1194 = arith.constant 640 : i32
      %mul3A_1195 = arith.muli %arg1, %mul3A_1194 : i32
      %add3A_1196 = arith.constant 384 : i32
      %add3A_1197 = arith.addi %mul3A_1195, %add3A_1196 : i32
      "tpu.region"() ({
        %run_scoped3A = tpu.sem_alloc : memref<!tpu.dma_semaphore, #tpu.memory_space<semaphore_mem>>
        %dma_start3A_1222 = arith.constant 0 : i32
        %dma_start3A_1223 = tpu.memref_slice %arg7[%add3A_1197, %dma_start3A_1222] : memref<10240x128xf32, #tpu.memory_space<hbm>> -> memref<64x128xf32, #tpu.memory_space<hbm>>
        %dma_start3A_1224 = arith.constant 0 : i32
        %dma_start3A_1225 = tpu.memref_slice %arg8[%add3A_1193, %dma_start3A_1224] : memref<10240x128xf32, #tpu.memory_space<vmem_shared>> -> memref<64x128xf32, #tpu.memory_space<vmem_shared>>
        tpu.enqueue_dma source(%dma_start3A_1225 : memref<64x128xf32, #tpu.memory_space<vmem_shared>>) target(%dma_start3A_1223 : memref<64x128xf32, #tpu.memory_space<hbm>>) target_semaphore(%run_scoped3A : memref<!tpu.dma_semaphore, #tpu.memory_space<semaphore_mem>>)
        %dma_wait3A_1226 = arith.constant 0 : i32
        %dma_wait3A_1227 = tpu.memref_slice %arg7[%add3A_1197, %dma_wait3A_1226] : memref<10240x128xf32, #tpu.memory_space<hbm>> -> memref<64x128xf32, #tpu.memory_space<hbm>>
        %dma_wait3A_1228 = arith.constant 0 : i32
        %dma_wait3A_1229 = tpu.memref_slice %arg8[%add3A_1193, %dma_wait3A_1228] : memref<10240x128xf32, #tpu.memory_space<vmem_shared>> -> memref<64x128xf32, #tpu.memory_space<vmem_shared>>
        tpu.wait_dma2 semaphore(%run_scoped3A : memref<!tpu.dma_semaphore, #tpu.memory_space<semaphore_mem>>) src(%dma_wait3A_1229 : memref<64x128xf32, #tpu.memory_space<vmem_shared>>) dst(%dma_wait3A_1227 : memref<64x128xf32, #tpu.memory_space<hbm>>)
        tpu.yield
      }) : () -> ()
      %mul3A_1198 = arith.constant 640 : i32
      %mul3A_1199 = arith.muli %arg1, %mul3A_1198 : i32
      %add3A_1200 = arith.constant 448 : i32
      %add3A_1201 = arith.addi %mul3A_1199, %add3A_1200 : i32
      %mul3A_1202 = arith.constant 640 : i32
      %mul3A_1203 = arith.muli %arg1, %mul3A_1202 : i32
      %add3A_1204 = arith.constant 448 : i32
      %add3A_1205 = arith.addi %mul3A_1203, %add3A_1204 : i32
      "tpu.region"() ({
        %run_scoped3A = tpu.sem_alloc : memref<!tpu.dma_semaphore, #tpu.memory_space<semaphore_mem>>
        %dma_start3A_1222 = arith.constant 0 : i32
        %dma_start3A_1223 = tpu.memref_slice %arg7[%add3A_1205, %dma_start3A_1222] : memref<10240x128xf32, #tpu.memory_space<hbm>> -> memref<64x128xf32, #tpu.memory_space<hbm>>
        %dma_start3A_1224 = arith.constant 0 : i32
        %dma_start3A_1225 = tpu.memref_slice %arg8[%add3A_1201, %dma_start3A_1224] : memref<10240x128xf32, #tpu.memory_space<vmem_shared>> -> memref<64x128xf32, #tpu.memory_space<vmem_shared>>
        tpu.enqueue_dma source(%dma_start3A_1225 : memref<64x128xf32, #tpu.memory_space<vmem_shared>>) target(%dma_start3A_1223 : memref<64x128xf32, #tpu.memory_space<hbm>>) target_semaphore(%run_scoped3A : memref<!tpu.dma_semaphore, #tpu.memory_space<semaphore_mem>>)
        %dma_wait3A_1226 = arith.constant 0 : i32
        %dma_wait3A_1227 = tpu.memref_slice %arg7[%add3A_1205, %dma_wait3A_1226] : memref<10240x128xf32, #tpu.memory_space<hbm>> -> memref<64x128xf32, #tpu.memory_space<hbm>>
        %dma_wait3A_1228 = arith.constant 0 : i32
        %dma_wait3A_1229 = tpu.memref_slice %arg8[%add3A_1201, %dma_wait3A_1228] : memref<10240x128xf32, #tpu.memory_space<vmem_shared>> -> memref<64x128xf32, #tpu.memory_space<vmem_shared>>
        tpu.wait_dma2 semaphore(%run_scoped3A : memref<!tpu.dma_semaphore, #tpu.memory_space<semaphore_mem>>) src(%dma_wait3A_1229 : memref<64x128xf32, #tpu.memory_space<vmem_shared>>) dst(%dma_wait3A_1227 : memref<64x128xf32, #tpu.memory_space<hbm>>)
        tpu.yield
      }) : () -> ()
      %mul3A_1206 = arith.constant 640 : i32
      %mul3A_1207 = arith.muli %arg1, %mul3A_1206 : i32
      %add3A_1208 = arith.constant 512 : i32
      %add3A_1209 = arith.addi %mul3A_1207, %add3A_1208 : i32
      %mul3A_1210 = arith.constant 640 : i32
      %mul3A_1211 = arith.muli %arg1, %mul3A_1210 : i32
      %add3A_1212 = arith.constant 512 : i32
      %add3A_1213 = arith.addi %mul3A_1211, %add3A_1212 : i32
      "tpu.region"() ({
        %run_scoped3A = tpu.sem_alloc : memref<!tpu.dma_semaphore, #tpu.memory_space<semaphore_mem>>
        %dma_start3A_1222 = arith.constant 0 : i32
        %dma_start3A_1223 = tpu.memref_slice %arg7[%add3A_1213, %dma_start3A_1222] : memref<10240x128xf32, #tpu.memory_space<hbm>> -> memref<64x128xf32, #tpu.memory_space<hbm>>
        %dma_start3A_1224 = arith.constant 0 : i32
        %dma_start3A_1225 = tpu.memref_slice %arg8[%add3A_1209, %dma_start3A_1224] : memref<10240x128xf32, #tpu.memory_space<vmem_shared>> -> memref<64x128xf32, #tpu.memory_space<vmem_shared>>
        tpu.enqueue_dma source(%dma_start3A_1225 : memref<64x128xf32, #tpu.memory_space<vmem_shared>>) target(%dma_start3A_1223 : memref<64x128xf32, #tpu.memory_space<hbm>>) target_semaphore(%run_scoped3A : memref<!tpu.dma_semaphore, #tpu.memory_space<semaphore_mem>>)
        %dma_wait3A_1226 = arith.constant 0 : i32
        %dma_wait3A_1227 = tpu.memref_slice %arg7[%add3A_1213, %dma_wait3A_1226] : memref<10240x128xf32, #tpu.memory_space<hbm>> -> memref<64x128xf32, #tpu.memory_space<hbm>>
        %dma_wait3A_1228 = arith.constant 0 : i32
        %dma_wait3A_1229 = tpu.memref_slice %arg8[%add3A_1209, %dma_wait3A_1228] : memref<10240x128xf32, #tpu.memory_space<vmem_shared>> -> memref<64x128xf32, #tpu.memory_space<vmem_shared>>
        tpu.wait_dma2 semaphore(%run_scoped3A : memref<!tpu.dma_semaphore, #tpu.memory_space<semaphore_mem>>) src(%dma_wait3A_1229 : memref<64x128xf32, #tpu.memory_space<vmem_shared>>) dst(%dma_wait3A_1227 : memref<64x128xf32, #tpu.memory_space<hbm>>)
        tpu.yield
      }) : () -> ()
      %mul3A_1214 = arith.constant 640 : i32
      %mul3A_1215 = arith.muli %arg1, %mul3A_1214 : i32
      %add3A_1216 = arith.constant 576 : i32
      %add3A_1217 = arith.addi %mul3A_1215, %add3A_1216 : i32
      %mul3A_1218 = arith.constant 640 : i32
      %mul3A_1219 = arith.muli %arg1, %mul3A_1218 : i32
      %add3A_1220 = arith.constant 576 : i32
      %add3A_1221 = arith.addi %mul3A_1219, %add3A_1220 : i32
      "tpu.region"() ({
        %run_scoped3A = tpu.sem_alloc : memref<!tpu.dma_semaphore, #tpu.memory_space<semaphore_mem>>
        %dma_start3A_1222 = arith.constant 0 : i32
        %dma_start3A_1223 = tpu.memref_slice %arg7[%add3A_1221, %dma_start3A_1222] : memref<10240x128xf32, #tpu.memory_space<hbm>> -> memref<64x128xf32, #tpu.memory_space<hbm>>
        %dma_start3A_1224 = arith.constant 0 : i32
        %dma_start3A_1225 = tpu.memref_slice %arg8[%add3A_1217, %dma_start3A_1224] : memref<10240x128xf32, #tpu.memory_space<vmem_shared>> -> memref<64x128xf32, #tpu.memory_space<vmem_shared>>
        tpu.enqueue_dma source(%dma_start3A_1225 : memref<64x128xf32, #tpu.memory_space<vmem_shared>>) target(%dma_start3A_1223 : memref<64x128xf32, #tpu.memory_space<hbm>>) target_semaphore(%run_scoped3A : memref<!tpu.dma_semaphore, #tpu.memory_space<semaphore_mem>>)
        %dma_wait3A_1226 = arith.constant 0 : i32
        %dma_wait3A_1227 = tpu.memref_slice %arg7[%add3A_1221, %dma_wait3A_1226] : memref<10240x128xf32, #tpu.memory_space<hbm>> -> memref<64x128xf32, #tpu.memory_space<hbm>>
        %dma_wait3A_1228 = arith.constant 0 : i32
        %dma_wait3A_1229 = tpu.memref_slice %arg8[%add3A_1217, %dma_wait3A_1228] : memref<10240x128xf32, #tpu.memory_space<vmem_shared>> -> memref<64x128xf32, #tpu.memory_space<vmem_shared>>
        tpu.wait_dma2 semaphore(%run_scoped3A : memref<!tpu.dma_semaphore, #tpu.memory_space<semaphore_mem>>) src(%dma_wait3A_1229 : memref<64x128xf32, #tpu.memory_space<vmem_shared>>) dst(%dma_wait3A_1227 : memref<64x128xf32, #tpu.memory_space<hbm>>)
        tpu.yield
      }) : () -> ()
    } else {
    }
    return
  }
}

</mosaic_0001>

<sc_bundles>
// kernel: _mp.3.cloned.1.call-start
scs
__scs_entry_jumppad:
0x0: {  	(pc) =	sbr.rel $0x88, $3  }
0x1: {  	(tag) =	ssettag $0x0;
	lr =	simm.s32 $0x1  }
0x2: {  	[smem:$0x3F9D] =	sst lr;
	_ =	strace $0xD0000000  }
0x3: {  	_ = 	snop  }
0x4: {  	_ = 	snop  }
0x5: {  	_ = 	snop  }
0x6: {  	_ = 	snop  }
0x7: {  	_ = 	snop  }
__scs_overlays_trampoline_lowered:
0x8: {  	[smem:$0x3FAC] =	sst s0  }
0x9: {  	[smem:$0x3FAD] =	sst s1  }
0xa: {  	[smem:$0x3FAE] =	sst s2  }
0xb: {  	[smem:$0x3FAF] =	sst s3  }
0xc: {  	[smem:$0x3FB0] =	sst s4  }
0xd: {  	[smem:$0x3FB1] =	sst s5  }
0xe: {  	[smem:$0x3FB2] =	sst s6  }
0xf: {  	[smem:$0x3FB3] =	sst s7  }
0x10: {  	[smem:$0x3FB4] =	sst s8  }
0x11: {  	[smem:$0x3FB5] =	sst s9;
	s0 =	simm.s32 @!p0 $0x0  }
0x12: {  	s1 =	sld [smem:$0x3F9B];
	s0 =	simm.s32 @p0 $0x1  }
0x13: {  	[smem:$0x3FB6] =	sst s0;
	s0 =	simm.s32 @!p1 $0x0  }
0x14: {  	s2 =	sld [smem:$0x3F9A];
	s0 =	simm.s32 @p1 $0x1  }
0x15: {  	[smem:$0x3FB7] =	sst s0;
	s0 =	simm.s32 @!p2 $0x0  }
0x16: {  	s3 =	sld [smem:$0x3FDB];
	s0 =	simm.s32 @p2 $0x1  }
0x17: {  	s4 =	simm.s32 $0x1BF5;
	[smem:$0x3FB9] =	sst s0  }
0x18: {  	s0 =	sld [smem:$0x3F9C];
	_ =	swait.ge [sflag:s4], $0x0  }
0x19: {  	s7 =	sld [smem:$0x3F9D]  }
0x1a: {  	s8 =	sadd.s32 $0xFFFFE003, lr  }
0x1b: {  	s9 =	sadd.s32 $0xFFFFFEF7, lr;
	s5 =	simm.s32 $0xFFFFFFFF;
	p2 =	slt.u32 s8, $0xFFFFF086  }
0x1c: {  	p1 =	slt.u32 s9, $0xF7A;
	s5 =	simm.s32 @!p2 $0x0  }
0x1d: {  	s5 =	simm.s32 @p1 $0x1;
	p0 =	seq.s32 s7, s2  }
0x1e: {  	s7 =	smul.u32 @!p0 $0xF7A, s2;
	p2 =	seq.s32 @!p0 s5, $0x0  }
0x1f: {  	s9 =	smul.u32 $0xF7A, s1;
	s8 =	simm.s32 @!p0 $0x1BF5;
	p2 =	por !p2, p0  }
0x20: {  	[sflag:s8] =	ssyncset.s32 @!p0 $0xFFFFF086;
	s6 =	sadd.s32 @!p0 s3, s7;
	s7 =	simm.s32 @!p0 $0x108  }
0x21: {  	s3 =	sadd.s32 s3, s9;
	s6 =	sadd.s32 @!p0 $0x88, s6;
	s7 =	simm.s32 @p2 $0x1082  }
0x22: {  	[simem:s7], [sflag:s8] =	dma.local @!p0 [hbm:s6], $0xF7A  }
0x23: {  	s9 =	sor.u32 $0xD0000000, s2;
	s6 =	simm.s32 $0x108;
	_ =	swait.ge @!p0 [sflag:s8], $0x0  }
0x24: {  	s3 =	sadd.s32 $0x88, s3;
	s6 =	simm.s32 @!p1 $0x1082;
	[sflag:s4] =	ssyncset.s32 $0xFFFFF086  }
0x25: {  	[simem:s6], [sflag:s4] =	dma.local [hbm:s3], $0xF7A  }
0x26: {  	[smem:$0x3F9D] =	sst s1;
	(tag) =	ssettag s2;
	_ =	strace s9  }
0x27: {  	s1 =	sld [smem:$0x3FAD]  }
0x28: {  	s2 =	sld [smem:$0x3FAE]  }
0x29: {  	s4 =	sld [smem:$0x3FB0]  }
0x2a: {  	p0 =	seq.s32 s5, $0x0;
	s5 =	sld [smem:$0x3FB1]  }
0x2b: {  	s6 =	sld [smem:$0x3FB2]  }
0x2c: {  	s7 =	sld [smem:$0x3FB3]  }
0x2d: {  	s3 =	simm.s32 $0x108;
	s8 =	sld [smem:$0x3FB4]  }
0x2e: {  	s3 =	simm.s32 @!p0 $0x1082;
	s9 =	sld [smem:$0x3FB5]  }
0x2f: {  	lr =	sadd.s32 s0, s3;
	s0 =	sld [smem:$0x3FAC]  }
0x30: {  	s3 =	sld [smem:$0x3FAF]  }
0x31: {  	[smem:$0x3FB8] =	sst s10  }
0x32: {  	s10 =	sld [smem:$0x3FB6];
	_ =	sdelay $0x3  }
0x33: {  	p0 =	seq.s32 s10, $0x1;
	s10 =	sld [smem:$0x3FB8];
	_ =	sdelay $0x3  }
0x34: {  	[smem:$0x3FB8] =	sst s10  }
0x35: {  	s10 =	sld [smem:$0x3FB7];
	_ =	sdelay $0x3  }
0x36: {  	p1 =	seq.s32 s10, $0x1;
	s10 =	sld [smem:$0x3FB8];
	_ =	sdelay $0x3  }
0x37: {  	[smem:$0x3FB8] =	sst s10  }
0x38: {  	s10 =	sld [smem:$0x3FB9]  }
0x39: {  	_ = 	snop;
	(pc) =	sbr.ind lr, $3  }
0x3a: {  	_ = 	snop  }
0x3b: {  	_ = 	snop  }
0x3c: {  	p2 =	seq.s32 s10, $0x1;
	s10 =	sld [smem:$0x3FB8]  }
0x3d: {  	_ =	shalt  }
0x3e: {  	_ =	shalt  }
0x3f: {  	_ =	shalt  }
0x40: {  	_ =	shalt  }
0x41: {  	_ =	shalt  }
0x42: {  	_ =	shalt  }
0x43: {  	_ =	shalt  }
0x44: {  	_ =	shalt  }
0x45: {  	_ =	shalt  }
0x46: {  	_ =	shalt  }
0x47: {  	_ =	shalt  }
0x48: {  	_ =	shalt  }
0x49: {  	_ =	shalt  }
0x4a: {  	_ =	shalt  }
0x4b: {  	_ =	shalt  }
0x4c: {  	_ =	shalt  }
0x4d: {  	_ =	shalt  }
0x4e: {  	_ =	shalt  }
0x4f: {  	_ =	shalt  }
0x50: {  	_ =	shalt  }
0x51: {  	_ =	shalt  }
0x52: {  	_ =	shalt  }
0x53: {  	_ =	shalt  }
0x54: {  	_ =	shalt  }
0x55: {  	_ =	shalt  }
0x56: {  	_ =	shalt  }
0x57: {  	_ =	shalt  }
0x58: {  	_ =	shalt  }
0x59: {  	_ =	shalt  }
0x5a: {  	_ =	shalt  }
0x5b: {  	_ =	shalt  }
0x5c: {  	_ =	shalt  }
0x5d: {  	_ =	shalt  }
0x5e: {  	_ =	shalt  }
0x5f: {  	_ =	shalt  }
0x60: {  	_ =	shalt  }
0x61: {  	_ =	shalt  }
0x62: {  	_ =	shalt  }
0x63: {  	_ =	shalt  }
0x64: {  	_ =	shalt  }
0x65: {  	_ =	shalt  }
0x66: {  	_ =	shalt  }
0x67: {  	_ =	shalt  }
0x68: {  	_ =	shalt  }
0x69: {  	_ =	shalt  }
0x6a: {  	_ =	shalt  }
0x6b: {  	_ =	shalt  }
0x6c: {  	_ =	shalt  }
0x6d: {  	_ =	shalt  }
0x6e: {  	_ =	shalt  }
0x6f: {  	_ =	shalt  }
0x70: {  	_ =	shalt  }
0x71: {  	_ =	shalt  }
0x72: {  	_ =	shalt  }
0x73: {  	_ =	shalt  }
0x74: {  	_ =	shalt  }
0x75: {  	_ =	shalt  }
0x76: {  	_ =	shalt  }
0x77: {  	_ =	shalt  }
0x78: {  	_ =	shalt  }
0x79: {  	_ =	shalt  }
0x7a: {  	_ =	shalt  }
0x7b: {  	_ =	shalt  }
0x7c: {  	_ =	shalt  }
0x7d: {  	_ =	shalt  }
0x7e: {  	_ =	shalt  }
0x7f: {  	_ =	shalt  }
0x80: {  	_ =	shalt  }
0x81: {  	_ =	shalt  }
0x82: {  	_ =	shalt  }
0x83: {  	_ =	shalt  }
0x84: {  	_ =	shalt  }
0x85: {  	_ =	shalt  }
0x86: {  	_ =	shalt  }
0x87: {  	_ =	shalt  }
.Lfunc_end0:
.L_simem_size_0:
called_computation_lowered:
.L_overlay_start_0:
0x88: {  	s2 =	sld [smem:$0x3FD9]  }
0x89: {  	s3 =	sld [smem:$0x3FFE];
	_ =	sdelay $0x1  }
0x8a: {  	s1 =	srdreg.scid  }
0x8b: {  	s0 =	sand.u32 $0x1, s1  }
0x8c: {  	s15 =	sshll.u32 s0, $0xA;
	s2 =	sadd.s32 s3, s2  }
0x8d: {  	s2 =	sadd.s32 s2, s15  }
0x8e: {  	[smem:$0x3FC4] =	sst s2  }
0x8f: {  	_ = 	snop  }
0x90: {  	s2 =	sld [smem:$0x3FC9]  }
0x91: {  	s16 =	sld [smem:$0x3FD0]  }
0x92: {  	s4 =	sld [smem:$0x3FC8]  }
0x93: {  	s5 =	sld [smem:$0x3FC7]  }
0x94: {  	s7 =	simm.s32 $0xA;
	s8 =	simm.s32 $0x10;
	s6 =	sld [smem:$0x3FC6]  }
0x95: {  	[smem:s8], [sflag:s7] =	dma.local [hbm:s16], $0x1  }
0x96: {  	_ =	swait.eq [sflag:s7], $0x1  }
0x97: {  	[sflag:s7] =	ssyncset.done $0x0  }
0x98: {  	s17 =	sld [smem:$0x10];
	[sflag:s7] =	ssyncadd.s32 $0xFFFFFFFF  }
0x99: {  	s18 =	sld [smem:$0x11];
	(tm) =	ssettm $0x1  }
0x9a: {  	s19 =	sld [smem:$0x3FFB];
	_ =	sdelay $0x3  }
0x9b: {  	_ =	strace s19  }
0x9c: {  	s8 =	sld [smem:$0x3FFC];
	_ =	sdelay $0x3  }
0x9d: {  	_ =	strace s8  }
0x9e: {  	s8 =	sld [smem:$0x3FFD];
	_ =	sdelay $0x3  }
0x9f: {  	_ =	strace s8  }
0xa0: {  	_ =	strace $0x8FFFFFFF  }
0xa1: {  	s20 =	sld [smem:$0x3FDB];
	_ =	sdelay $0x1  }
0xa2: {  	s9 =	simm.s32 $_scs_section_size  }
0xa3: {  	s10 =	simm.s32 $_size__tile_overlayer_lowered;
	s11 =	simm.s32 $_tile_overlayer_lowered  }
0xa4: {  	s23 =	simm.s32 $0x1BFF;
	s22 =	sshll.u32 s11, $0x1;
	s8 =	sadd.s32 s9, s20  }
0xa5: {  	s12 =	simm.s32 $0x0;
	s21 =	sshll.u32 s10, $0x1;
	s10 =	sadd.s32 s22, s8  }
0xa6: {  	[timem:s12], [sflag:s23] =	dma.local [hbm:s10], s21  }
0xa7: {  	_ =	swait.ge [sflag:s23], s21  }
0xa8: {  	s9 =	ssub.s32 $0x0, s21;
	[sflag:s23] =	ssyncset.done $0x0  }
0xa9: {  	[sflag:s23] =	ssyncadd.s32 s9;
	_ =	sdelay $0x1  }
0xaa: {  	s24 =	simm.s32 $0x1B8B  }
0xab: {  	_ =	swait.ge [sflag:s24], $0x1  }
0xac: {  	[sflag:s24] =	ssyncset.done $0x0  }
0xad: {  	s25 =	simm.s32 $0x1B8E;
	[sflag:s24] =	ssyncadd.s32 $0xFFFFFFFF  }
0xae: {  	s26 =	simm.s32 $execute0_lowered;
	[smem:$0x3FD2] =	sst s25  }
0xaf: {  	s9 =	sshll.u32 s26, $0x1;
	_ =	strace $0x80000046;
	[dreg:$0x1] =	wrdreg $0xFFFFFFFF  }
0xb0: {  	s28 =	simm.s32 $_size_execute0_lowered;
	s8 =	sadd.s32 s8, s9;
	[dreg:$0x0] =	wrdreg $0x0  }
0xb1: {  	s9 =	sshll.u32 s28, $0x1;
	[dreg:$0x2] =	wrdreg s8  }
0xb2: {  	[dreg:$0x3] =	wrdreg s9  }
0xb3: {  	[dreg:$0x4] =	wrdreg $0xC0  }
0xb4: {  	_ =	task [dreg:s12], $0x5FFFF  }
0xb5: {  	[dreg:$0x1] =	wrdreg $0xFFFFFFFF  }
0xb6: {  	[dreg:$0x0] =	wrdreg $0x60  }
0xb7: {  	[dreg:$0x2] =	wrdreg s2  }
0xb8: {  	[dreg:$0x3] =	wrdreg s4  }
0xb9: {  	[dreg:$0x4] =	wrdreg s5  }
0xba: {  	[dreg:$0x5] =	wrdreg s6  }
0xbb: {  	[dreg:$0x6] =	wrdreg s17  }
0xbc: {  	[dreg:$0x7] =	wrdreg s18  }
0xbd: {  	[dreg:$0x8] =	wrdreg $0x0  }
0xbe: {  	[dreg:$0x9] =	wrdreg $0x9  }
0xbf: {  	_ =	task.clear_ibuf [dreg:s12], $0xAFFFF;
	_ =	strace $0x90000046  }
0xc0: {  	s29 =	simm.s32 $0x9;
	_ =	strace $0x80000048  }
0xc1: {  	_ =	swait.ge [sflag:s29], $0x1  }
0xc2: {  	[sflag:s29] =	ssyncadd.s32 $0xFFFFFFFF  }
0xc3: {  	_ =	strace $0x90000048  }
0xc4: {  	_ =	sfence  }
0xc5: {  	s30 =	sld [smem:$0x0];
	_ =	sdelay $0x2  }
0xc6: {  	s31 =	sshll.u32 s1, $0xD;
	s1 =	sshrl.u32 s1, $0x2  }
0xc7: {  	s3 =	sand.u32 $0x4000, s31;
	s1 =	sadd.s32 s1, s30  }
0xc8: {  	s0 =	sor.u32 s3, s0;
	s1 =	sshll.u32 s1, $0x11  }
0xc9: {  	s0 =	sor.u32 s1, s0  }
0xca: {  	s0 =	sadd.s32 $0x8F2B, s0  }
0xcb: {  	[sflag:s0] =	ssyncadd.remote.s32 $0x1  }
0xcc: {  	_ =	sfence.sel $0xFFFF  }
0xcd: {  	[dreg:$0x0] =	wrdreg $0xFFFFFFFF;
	(pc) =	sbr.abs _section_cstart, $3  }
0xce: {  	[dreg:$0x1] =	wrdreg $0xFFFFFFFF  }
0xcf: {  	_ =	task.clear_ibuf [dreg:s12], $0x2FFFF;
	_ =	strace $0x9FFFFFFF  }
0xd0: {  	(tm) =	ssettm $0x7FFFFFFF  }
0xd1: {  	_ =	shalt  }
tec
execute0_lowered:
.L_overlay_start_1:
0x0: {  	(tag) =	ssettag $0x1  }
0x1: {  	s0 =	rddreg [dreg:$0x0]  }
0x2: {  	s2 =	rddreg [dreg:$0x1]  }
0x3: {  	s1 =	rddreg [dreg:$0x2]  }
0x4: {  	s3 =	rddreg [dreg:$0x3]  }
0x5: {  	s6 =	rddreg [dreg:$0x6]  }
0x6: {  	s4 =	srdreg.scid;
	s9 =	stileid.u32  }
0x7: {  	s5 =	simm.s32 $0x0;
	s4 =	sand.u32 $0x1, s4;
	s8 =	smul.u32 $0x2800, s9  }
0x8: {  	[smem:$0x7FF] =	sst s5;
	s18 =	smul.u32 $0x50000, s9;
	s16 =	ssub.s32 $0x2, s4  }
0x9: {  	_ =	strace $0x80000047;
	p0 =	seq.s32 s4, $0x1;
	s4 =	smul.u32 $0x280, s9  }
0xa: {  	s7 =	sshrl.u32 s16, $0x1;
	[dreg:$0x8] =	wrdreg s8;
	s17 =	sshrl.u32 s8, $0x3  }
0xb: {  	s8 =	sshrl.u32 s18, $0x2;
	s5 =	ssub.s32 s16, s7;
	s19 =	sadd.s32 s1, s17  }
0xc: {  	s20 =	sadd.s32 s3, s17;
	s7 =	sadd.s32 $0x280, s17;
	s11 =	sadd.s32 s8, s6  }
0xd: {  	s21 =	sor.u32 $0x40, s4;
	s23 =	sadd.s32 $0x80, s4;
	s25 =	sadd.s32 $0xC0, s4  }
0xe: {  	s15 =	sadd.s32 $0x100, s4;
	s10 =	sadd.s32 $0x140, s4;
	[dreg:$0x9] =	wrdreg s19  }
0xf: {  	s13 =	sadd.s32 $0x180, s4;
	s14 =	sadd.s32 $0x200, s4;
	[dreg:$0xa] =	wrdreg s20  }
0x10: {  	s1 =	sadd.s32 s1, s7;
	s3 =	sadd.s32 s3, s7;
	s22 =	sshll.u32 s21, $0x7  }
0x11: {  	s24 =	sshll.u32 s23, $0x7;
	s28 =	sshll.u32 s25, $0x7;
	s7 =	sshll.u32 s23, $0x4  }
0x12: {  	s9 =	sshll.u32 s25, $0x4;
	s16 =	sshll.u32 s15, $0x7;
	s12 =	sshll.u32 s10, $0x7  }
0x13: {  	s8 =	sshll.u32 s15, $0x4;
	s18 =	sshll.u32 s13, $0x7;
	s10 =	sshll.u32 s10, $0x4  }
0x14: {  	s20 =	sadd.s32 $0x1C0, s4;
	s13 =	sshll.u32 s13, $0x4;
	[dreg:$0xb] =	wrdreg s1  }
0x15: {  	s4 =	sadd.s32 $0x240, s4;
	s15 =	sshll.u32 s14, $0x7;
	[dreg:$0xc] =	wrdreg s3  }
0x16: {  	s14 =	sshll.u32 s14, $0x4;
	s25 =	smax.u32 s5, $0x1;
	[dreg:$0xe] =	wrdreg s7  }
0x17: {  	s5 =	simm.s32 $0x3;
	s3 =	sadd.s32 s22, s6;
	[dreg:$0xf] =	wrdreg s9  }
0x18: {  	s1 =	sshll.u32 s21, $0x4;
	s26 =	sadd.s32 s24, s6;
	[dreg:$0x10] =	wrdreg s8  }
0x19: {  	s29 =	sadd.s32 s28, s6;
	s9 =	sadd.s32 s16, s6;
	[dreg:$0x11] =	wrdreg s10  }
0x1a: {  	s17 =	sadd.s32 s12, s6;
	s19 =	sadd.s32 s18, s6;
	[dreg:$0x12] =	wrdreg s13  }
0x1b: {  	s21 =	sshll.u32 s20, $0x7;
	s12 =	sshll.u32 s20, $0x4;
	s22 =	sadd.s32 s15, s6  }
0x1c: {  	s23 =	sshll.u32 s4, $0x7;
	[dreg:$0x14] =	wrdreg s14;
	s4 =	sshll.u32 s4, $0x4  }
0x1d: {  	[dreg:$0x16] =	wrdreg s25;
	s7 =	simm.s32 $0x15400;
	s10 =	simm.s32 $0x16800  }
0x1e: {  	s14 =	simm.s32 $0x1E800;
	s15 =	simm.s32 $0x1;
	s8 =	simm.s32 $0x14080  }
0x1f: {  	s16 =	simm.s32 $0x1A800;
	s18 =	simm.s32 $0x140C0;
	[dreg:$0xd] =	wrdreg s1  }
0x20: {  	s20 =	simm.s32 $0x15480;
	s25 =	simm.s32 $0x0;
	[dreg:$0x13] =	wrdreg s12  }
0x21: {  	s13 =	sadd.s32 s21, s6;
	s24 =	sadd.s32 s23, s6;
	[dreg:$0x15] =	wrdreg s4  }
0x22: {  	s3 =	sshrl.u32 s3, $0x3;
	s1 =	sshrl.u32 s26, $0x3;
	s26 =	sshrl.u32 s29, $0x3  }
0x23: {  	s28 =	sshrl.u32 s9, $0x3;
	s29 =	sshrl.u32 s17, $0x3;
	[dreg:$0x17] =	wrdreg s3  }
0x24: {  	s30 =	sshrl.u32 s19, $0x3;
	s4 =	simm.s32 $0x14000;
	[dreg:$0x18] =	wrdreg s1  }
.Ltmp0:
0x25: {  	s9 =	simm.s32 $0x40;
	[dreg:$0x19] =	wrdreg s26;
	(pc) =	sbr.rel .LBB2_1-.Ltmp0, $4  }
0x26: {  	s17 =	simm.s32 $0x15440;
	s19 =	simm.s32 $0x1C800;
	[dreg:$0x1a] =	wrdreg s28  }
0x27: {  	s21 =	simm.s32 $0x2;
	s23 =	simm.s32 $0x154C0;
	[dreg:$0x1b] =	wrdreg s29  }
0x28: {  	s31 =	sshrl.u32 s13, $0x3;
	s1 =	sshrl.u32 s22, $0x3;
	s3 =	sshrl.u32 s24, $0x3  }
0x29: {  	v0 =	vimm.f32 $0.0e+00;
	s13 =	simm.s32 $0x18800;
	s22 =	simm.s32 $0x14100;
	s24 =	simm.s32 $0x14140  }
.LBB2_19:
0x2a: {  	s26 =	sadd.s32 $0x600, s12;
	s12 =	rddreg [dreg:$0x4]  }
.LBB2_20:
0x2b: {  	_ =	swait.ge [sflag:s15], $0x2000  }
0x2c: {  	s26 =	sshra.s32 s26, $0x2;
	[sflag:s15] =	ssyncset.done $0x0  }
0x2d: {  	s26 =	sadd.s32 $0x15440, s26;
	[sflag:s15] =	ssyncadd.s32 $0xFFFFE000  }
0x2e: {  	[spmem:s6] =	stream.indirect.scatter.add.f32 [tilespmem:s19], [sflag:$0x2], $0x80, s26, s9, $0xb8;
	[tilespmem:$0x1F000] =	vst v63  }
0x2f: {  	_ =	swait.ge [sflag:s21], $0x2000  }
0x30: {  	[sflag:s21] =	ssyncset.done $0x0  }
0x31: {  	[sflag:s21] =	ssyncadd.s32 $0xFFFFE000  }
0x32: {  	_ =	swait.ge [sflag:s21], $0x2000  }
0x33: {  	[sflag:s21] =	ssyncset.done $0x0  }
0x34: {  	[sflag:s21] =	ssyncadd.s32 $0xFFFFE000  }
0x35: {  	_ =	swait.ge [sflag:s21], $0x2000  }
0x36: {  	s28 =	rddreg [dreg:$0x8]  }
0x37: {  	[sflag:s21] =	ssyncset.done $0x0;
	s26 =	sadd.s32 s12, s28;
	s28 =	stileid.u32  }
0x38: {  	[sflag:s21] =	ssyncadd.s32 $0xFFFFE000;
	s28 =	sshll.u32 s28, $0x6  }
0x39: {  	s29 =	sshrl.u32 s11, $0x3;
	[bflag:$0x0] =	sbarrier.arrive $0xFFFF;
	s28 =	sor.u32 $0x1C03, s28  }
0x3a: {  	[hbm:s26], [sflag:s28] =	dma.local [spmem:s29], $0x400  }
0x3b: {  	_ =	swait.ge [sflag:s5], $0x400  }
0x3c: {  	[sflag:s5] =	ssyncset.done $0x0;
	s29 =	rddreg [dreg:$0xd]  }
0x3d: {  	s26 =	sadd.s32 s12, s29;
	[sflag:s5] =	ssyncadd.s32 $0xFFFFFC00;
	s29 =	rddreg [dreg:$0x17]  }
0x3e: {  	[hbm:s26], [sflag:s28] =	dma.local [spmem:s29], $0x400  }
0x3f: {  	_ =	swait.ge [sflag:s5], $0x400  }
0x40: {  	[sflag:s5] =	ssyncset.done $0x0;
	s29 =	rddreg [dreg:$0xe]  }
0x41: {  	s26 =	sadd.s32 s12, s29;
	[sflag:s5] =	ssyncadd.s32 $0xFFFFFC00;
	s29 =	rddreg [dreg:$0x18]  }
0x42: {  	[hbm:s26], [sflag:s28] =	dma.local [spmem:s29], $0x400  }
0x43: {  	_ =	swait.ge [sflag:s5], $0x400  }
0x44: {  	[sflag:s5] =	ssyncset.done $0x0;
	s29 =	rddreg [dreg:$0xf]  }
0x45: {  	s26 =	sadd.s32 s12, s29;
	[sflag:s5] =	ssyncadd.s32 $0xFFFFFC00;
	s29 =	rddreg [dreg:$0x19]  }
0x46: {  	[hbm:s26], [sflag:s28] =	dma.local [spmem:s29], $0x400  }
0x47: {  	_ =	swait.ge [sflag:s5], $0x400  }
0x48: {  	[sflag:s5] =	ssyncset.done $0x0;
	s29 =	rddreg [dreg:$0x10]  }
0x49: {  	s26 =	sadd.s32 s12, s29;
	[sflag:s5] =	ssyncadd.s32 $0xFFFFFC00;
	s29 =	rddreg [dreg:$0x1a]  }
0x4a: {  	[hbm:s26], [sflag:s28] =	dma.local [spmem:s29], $0x400  }
0x4b: {  	_ =	swait.ge [sflag:s5], $0x400  }
0x4c: {  	[sflag:s5] =	ssyncset.done $0x0;
	s29 =	rddreg [dreg:$0x11]  }
0x4d: {  	s26 =	sadd.s32 s12, s29;
	[sflag:s5] =	ssyncadd.s32 $0xFFFFFC00;
	s29 =	rddreg [dreg:$0x1b]  }
0x4e: {  	[hbm:s26], [sflag:s28] =	dma.local [spmem:s29], $0x400  }
0x4f: {  	_ =	swait.ge [sflag:s5], $0x400  }
0x50: {  	[sflag:s5] =	ssyncset.done $0x0;
	s29 =	rddreg [dreg:$0x12]  }
0x51: {  	s26 =	sadd.s32 s12, s29;
	[sflag:s5] =	ssyncadd.s32 $0xFFFFFC00  }
0x52: {  	[hbm:s26], [sflag:s28] =	dma.local [spmem:s30], $0x400  }
0x53: {  	_ =	swait.ge [sflag:s5], $0x400  }
0x54: {  	[sflag:s5] =	ssyncset.done $0x0;
	s29 =	rddreg [dreg:$0x13]  }
0x55: {  	s26 =	sadd.s32 s12, s29;
	[sflag:s5] =	ssyncadd.s32 $0xFFFFFC00  }
0x56: {  	[hbm:s26], [sflag:s28] =	dma.local [spmem:s31], $0x400  }
0x57: {  	_ =	swait.ge [sflag:s5], $0x400  }
0x58: {  	[sflag:s5] =	ssyncset.done $0x0;
	s29 =	rddreg [dreg:$0x14]  }
0x59: {  	s26 =	sadd.s32 s12, s29;
	[sflag:s5] =	ssyncadd.s32 $0xFFFFFC00  }
0x5a: {  	[hbm:s26], [sflag:s28] =	dma.local [spmem:s1], $0x400  }
0x5b: {  	_ =	swait.ge [sflag:s5], $0x400  }
0x5c: {  	[sflag:s5] =	ssyncset.done $0x0;
	s29 =	rddreg [dreg:$0x15]  }
0x5d: {  	s26 =	sadd.s32 s12, s29;
	[sflag:s5] =	ssyncadd.s32 $0xFFFFFC00  }
0x5e: {  	[hbm:s26], [sflag:s28] =	dma.local [spmem:s3], $0x400  }
0x5f: {  	_ =	swait.ge [sflag:s5], $0x400  }
0x60: {  	s25 =	sadd.s32 $0x1, s25;
	s29 =	rddreg [dreg:$0x16]  }
0x61: {  	p1 =	sne.s32 s25, s29  }
.Ltmp1:
0x62: {  	_ = 	snop;
	(pc) =	sbr.rel @!p1 .LBB2_21-.Ltmp1, $3  }
0x63: {  	_ =	sdelay $0x1  }
0x64: {  	[sflag:s5] =	ssyncset.done $0x0  }
0x65: {  	[sflag:s5] =	ssyncadd.s32 $0xFFFFFC00  }
.LBB2_1:
0x66: {  	s12 =	simm.s32 $0x0;
	s26 =	rddreg [dreg:$0x9]  }
0x67: {  	[tilespmem:s4], [sflag:$0x3] =	stream.linear.gather [hbm4b:s26+s12], $0x1400, $0x38;
	[tilespmem:$0x1F000] =	vst v63  }
0x68: {  	_ =	swait.ge [sflag:s5], $0x1400  }
0x69: {  	[sflag:s5] =	ssyncset.done $0x0  }
.Ltmp2:
0x6a: {  	s29 =	rddreg [dreg:$0xa];
	[sflag:s5] =	ssyncadd.s32 $0xFFFFEC00;
	(pc) =	sbr.rel @!p0 .LBB2_2-.Ltmp2, $4  }
0x6b: {  	[tilespmem:s7], [sflag:$0x3] =	stream.linear.gather [hbm4b:s29+s12], $0x1400, $0x38;
	[tilespmem:$0x1F000] =	vst v63  }
0x6c: {  	_ =	swait.ge [sflag:s5], $0x1400  }
0x6d: {  	[sflag:s5] =	ssyncset.done $0x0  }
0x6e: {  	[sflag:s5] =	ssyncadd.s32 $0xFFFFEC00  }
0x6f: {  	[tilespmem:s10], [sflag:$0x1] =	stream.indirect.gather [hbm4b:s2+s9], $0x80, s4, s9, $0xb8;
	[tilespmem:$0x1F000] =	vst v63  }
0x70: {  	s12 =	simm.s32 $0x14040  }
0x71: {  	[tilespmem:s13], [sflag:$0x1] =	stream.indirect.gather [hbm4b:s2+s9], $0x80, s12, s9, $0xb8;
	[tilespmem:$0x1F000] =	vst v63  }
0x72: {  	[tilespmem:$0x1E800] =	vst v0  }
0x73: {  	[tilespmem:$0x1E810] =	vst v0  }
0x74: {  	[tilespmem:$0x1E820] =	vst v0  }
0x75: {  	[tilespmem:$0x1E830] =	vst v0  }
0x76: {  	[tilespmem:$0x1E840] =	vst v0  }
0x77: {  	[tilespmem:$0x1E850] =	vst v0  }
0x78: {  	[tilespmem:$0x1E860] =	vst v0  }
0x79: {  	[tilespmem:$0x1E870] =	vst v0  }
0x7a: {  	[tilespmem:$0x1E880] =	vst v0  }
0x7b: {  	[tilespmem:$0x1E890] =	vst v0  }
0x7c: {  	[tilespmem:$0x1E8A0] =	vst v0  }
0x7d: {  	[tilespmem:$0x1E8B0] =	vst v0  }
0x7e: {  	[tilespmem:$0x1E8C0] =	vst v0  }
0x7f: {  	[tilespmem:$0x1E8D0] =	vst v0  }
0x80: {  	[tilespmem:$0x1E8E0] =	vst v0  }
0x81: {  	[tilespmem:$0x1E8F0] =	vst v0  }
0x82: {  	[tilespmem:$0x1E900] =	vst v0  }
0x83: {  	[tilespmem:$0x1E910] =	vst v0  }
0x84: {  	[tilespmem:$0x1E920] =	vst v0  }
0x85: {  	[tilespmem:$0x1E930] =	vst v0  }
0x86: {  	[tilespmem:$0x1E940] =	vst v0  }
0x87: {  	[tilespmem:$0x1E950] =	vst v0  }
0x88: {  	[tilespmem:$0x1E960] =	vst v0  }
0x89: {  	[tilespmem:$0x1E970] =	vst v0  }
0x8a: {  	[tilespmem:$0x1E980] =	vst v0  }
0x8b: {  	[tilespmem:$0x1E990] =	vst v0  }
0x8c: {  	[tilespmem:$0x1E9A0] =	vst v0  }
0x8d: {  	[tilespmem:$0x1E9B0] =	vst v0  }
0x8e: {  	[tilespmem:$0x1E9C0] =	vst v0  }
0x8f: {  	[tilespmem:$0x1E9D0] =	vst v0  }
0x90: {  	[tilespmem:$0x1E9E0] =	vst v0  }
0x91: {  	[tilespmem:$0x1E9F0] =	vst v0  }
0x92: {  	[tilespmem:$0x1EA00] =	vst v0  }
0x93: {  	[tilespmem:$0x1EA10] =	vst v0  }
0x94: {  	[tilespmem:$0x1EA20] =	vst v0  }
0x95: {  	[tilespmem:$0x1EA30] =	vst v0  }
0x96: {  	[tilespmem:$0x1EA40] =	vst v0  }
0x97: {  	[tilespmem:$0x1EA50] =	vst v0  }
0x98: {  	[tilespmem:$0x1EA60] =	vst v0  }
0x99: {  	[tilespmem:$0x1EA70] =	vst v0  }
0x9a: {  	[tilespmem:$0x1EA80] =	vst v0  }
0x9b: {  	[tilespmem:$0x1EA90] =	vst v0  }
0x9c: {  	[tilespmem:$0x1EAA0] =	vst v0  }
0x9d: {  	[tilespmem:$0x1EAB0] =	vst v0  }
0x9e: {  	[tilespmem:$0x1EAC0] =	vst v0  }
0x9f: {  	[tilespmem:$0x1EAD0] =	vst v0  }
0xa0: {  	[tilespmem:$0x1EAE0] =	vst v0  }
0xa1: {  	[tilespmem:$0x1EAF0] =	vst v0  }
0xa2: {  	[tilespmem:$0x1EB00] =	vst v0  }
0xa3: {  	[tilespmem:$0x1EB10] =	vst v0  }
0xa4: {  	[tilespmem:$0x1EB20] =	vst v0  }
0xa5: {  	[tilespmem:$0x1EB30] =	vst v0  }
0xa6: {  	[tilespmem:$0x1EB40] =	vst v0  }
0xa7: {  	[tilespmem:$0x1EB50] =	vst v0  }
0xa8: {  	[tilespmem:$0x1EB60] =	vst v0  }
0xa9: {  	[tilespmem:$0x1EB70] =	vst v0  }
0xaa: {  	[tilespmem:$0x1EB80] =	vst v0  }
0xab: {  	[tilespmem:$0x1EB90] =	vst v0  }
0xac: {  	[tilespmem:$0x1EBA0] =	vst v0  }
0xad: {  	[tilespmem:$0x1EBB0] =	vst v0  }
0xae: {  	[tilespmem:$0x1EBC0] =	vst v0  }
0xaf: {  	[tilespmem:$0x1EBD0] =	vst v0  }
0xb0: {  	[tilespmem:$0x1EBE0] =	vst v0  }
0xb1: {  	[tilespmem:$0x1EBF0] =	vst v0  }
0xb2: {  	[tilespmem:$0x1EC00] =	vst v0  }
0xb3: {  	[tilespmem:$0x1EC10] =	vst v0  }
0xb4: {  	[tilespmem:$0x1EC20] =	vst v0  }
0xb5: {  	[tilespmem:$0x1EC30] =	vst v0  }
0xb6: {  	[tilespmem:$0x1EC40] =	vst v0  }
0xb7: {  	[tilespmem:$0x1EC50] =	vst v0  }
0xb8: {  	[tilespmem:$0x1EC60] =	vst v0  }
0xb9: {  	[tilespmem:$0x1EC70] =	vst v0  }
0xba: {  	[tilespmem:$0x1EC80] =	vst v0  }
0xbb: {  	[tilespmem:$0x1EC90] =	vst v0  }
0xbc: {  	[tilespmem:$0x1ECA0] =	vst v0  }
0xbd: {  	[tilespmem:$0x1ECB0] =	vst v0  }
0xbe: {  	[tilespmem:$0x1ECC0] =	vst v0  }
0xbf: {  	[tilespmem:$0x1ECD0] =	vst v0  }
0xc0: {  	[tilespmem:$0x1ECE0] =	vst v0  }
0xc1: {  	[tilespmem:$0x1ECF0] =	vst v0  }
0xc2: {  	[tilespmem:$0x1ED00] =	vst v0  }
0xc3: {  	[tilespmem:$0x1ED10] =	vst v0  }
0xc4: {  	[tilespmem:$0x1ED20] =	vst v0  }
0xc5: {  	[tilespmem:$0x1ED30] =	vst v0  }
0xc6: {  	[tilespmem:$0x1ED40] =	vst v0  }
0xc7: {  	[tilespmem:$0x1ED50] =	vst v0  }
0xc8: {  	[tilespmem:$0x1ED60] =	vst v0  }
0xc9: {  	[tilespmem:$0x1ED70] =	vst v0  }
0xca: {  	[tilespmem:$0x1ED80] =	vst v0  }
0xcb: {  	[tilespmem:$0x1ED90] =	vst v0  }
0xcc: {  	[tilespmem:$0x1EDA0] =	vst v0  }
0xcd: {  	[tilespmem:$0x1EDB0] =	vst v0  }
0xce: {  	[tilespmem:$0x1EDC0] =	vst v0  }
0xcf: {  	[tilespmem:$0x1EDD0] =	vst v0  }
0xd0: {  	[tilespmem:$0x1EDE0] =	vst v0  }
0xd1: {  	[tilespmem:$0x1EDF0] =	vst v0  }
0xd2: {  	[tilespmem:$0x1EE00] =	vst v0  }
0xd3: {  	[tilespmem:$0x1EE10] =	vst v0  }
0xd4: {  	[tilespmem:$0x1EE20] =	vst v0  }
0xd5: {  	[tilespmem:$0x1EE30] =	vst v0  }
0xd6: {  	[tilespmem:$0x1EE40] =	vst v0  }
0xd7: {  	[tilespmem:$0x1EE50] =	vst v0  }
0xd8: {  	[tilespmem:$0x1EE60] =	vst v0  }
0xd9: {  	[tilespmem:$0x1EE70] =	vst v0  }
0xda: {  	[tilespmem:$0x1EE80] =	vst v0  }
0xdb: {  	[tilespmem:$0x1EE90] =	vst v0  }
0xdc: {  	[tilespmem:$0x1EEA0] =	vst v0  }
0xdd: {  	[tilespmem:$0x1EEB0] =	vst v0  }
0xde: {  	[tilespmem:$0x1EEC0] =	vst v0  }
0xdf: {  	[tilespmem:$0x1EED0] =	vst v0  }
0xe0: {  	[tilespmem:$0x1EEE0] =	vst v0  }
0xe1: {  	[tilespmem:$0x1EEF0] =	vst v0  }
0xe2: {  	[tilespmem:$0x1EF00] =	vst v0  }
0xe3: {  	[tilespmem:$0x1EF10] =	vst v0  }
0xe4: {  	[tilespmem:$0x1EF20] =	vst v0  }
0xe5: {  	[tilespmem:$0x1EF30] =	vst v0  }
0xe6: {  	[tilespmem:$0x1EF40] =	vst v0  }
0xe7: {  	[tilespmem:$0x1EF50] =	vst v0  }
0xe8: {  	[tilespmem:$0x1EF60] =	vst v0  }
0xe9: {  	[tilespmem:$0x1EF70] =	vst v0  }
0xea: {  	[tilespmem:$0x1EF80] =	vst v0  }
0xeb: {  	[tilespmem:$0x1EF90] =	vst v0  }
0xec: {  	[tilespmem:$0x1EFA0] =	vst v0  }
0xed: {  	[tilespmem:$0x1EFB0] =	vst v0  }
0xee: {  	[tilespmem:$0x1EFC0] =	vst v0  }
0xef: {  	[tilespmem:$0x1EFD0] =	vst v0  }
0xf0: {  	[tilespmem:$0x1EFE0] =	vst v0  }
0xf1: {  	s29 =	sadd.s32 $0x0, s11;
	[tilespmem:$0x1EFF0] =	vst v0  }
0xf2: {  	[spmem:s29] =	stream.linear.scatter [tilespmem:s14], [sflag:$0x3], $0x800, $0x38;
	[tilespmem:$0x1F000] =	vst v63  }
0xf3: {  	s12 =	simm.s32 $0x2000;
	_ =	swait.ge [sflag:s5], $0x800  }
.LBB2_11:
0xf4: {  	s26 =	sshra.s32 s12, $0x2;
	[sflag:s5] =	ssyncset.done $0x0;
	p1 =	sne.s32 s12, $0x4E000  }
.Ltmp3:
0xf5: {  	s26 =	sadd.s32 s26, s11;
	[sflag:s5] =	ssyncadd.s32 $0xFFFFF800;
	(pc) =	sbr.rel @p1 .LBB2_11-.Ltmp3, $3  }
0xf6: {  	[spmem:s26] =	stream.linear.scatter [tilespmem:s14], [sflag:$0x3], $0x800, $0x38;
	[tilespmem:$0x1F000] =	vst v63  }
0xf7: {  	s12 =	sadd.s32 $0x2000, s12;
	_ =	sdelay $0x1  }
0xf8: {  	_ =	swait.ge [sflag:s5], $0x800  }
0xf9: {  	[sflag:s5] =	ssyncset.done $0x0  }
0xfa: {  	[sflag:s5] =	ssyncadd.s32 $0xFFFFF800  }
0xfb: {  	[bflag:$0x0] =	sbarrier.arrive $0xFFFF  }
0xfc: {  	_ =	swait.ge [sflag:s15], $0x2000  }
0xfd: {  	[sflag:s15] =	ssyncset.done $0x0  }
0xfe: {  	[sflag:s15] =	ssyncadd.s32 $0xFFFFE000  }
0xff: {  	[spmem:s6] =	stream.indirect.scatter.add.f32 [tilespmem:s10], [sflag:$0x2], $0x80, s7, s9, $0xb8;
	[tilespmem:$0x1F000] =	vst v63  }
0x100: {  	_ = 	snop  }
0x101: {  	[tilespmem:s16], [sflag:$0x1] =	stream.indirect.gather [hbm4b:s2+s9], $0x80, s8, s9, $0xb8;
	[tilespmem:$0x1F000] =	vst v63  }
0x102: {  	_ =	swait.ge [sflag:s15], $0x2000  }
0x103: {  	[sflag:s15] =	ssyncset.done $0x0  }
0x104: {  	[sflag:s15] =	ssyncadd.s32 $0xFFFFE000  }
0x105: {  	[spmem:s6] =	stream.indirect.scatter.add.f32 [tilespmem:s13], [sflag:$0x2], $0x80, s17, s9, $0xb8;
	[tilespmem:$0x1F000] =	vst v63  }
0x106: {  	_ = 	snop  }
0x107: {  	[tilespmem:s19], [sflag:$0x1] =	stream.indirect.gather [hbm4b:s2+s9], $0x80, s18, s9, $0xb8;
	[tilespmem:$0x1F000] =	vst v63  }
0x108: {  	_ =	swait.ge [sflag:s15], $0x2000  }
0x109: {  	[sflag:s15] =	ssyncset.done $0x0  }
0x10a: {  	[sflag:s15] =	ssyncadd.s32 $0xFFFFE000  }
0x10b: {  	[spmem:s6] =	stream.indirect.scatter.add.f32 [tilespmem:s16], [sflag:$0x2], $0x80, s20, s9, $0xb8;
	[tilespmem:$0x1F000] =	vst v63  }
0x10c: {  	_ =	swait.ge [sflag:s21], $0x2000  }
0x10d: {  	[sflag:s21] =	ssyncset.done $0x0  }
0x10e: {  	[sflag:s21] =	ssyncadd.s32 $0xFFFFE000  }
0x10f: {  	[tilespmem:s10], [sflag:$0x1] =	stream.indirect.gather [hbm4b:s2+s9], $0x80, s22, s9, $0xb8;
	[tilespmem:$0x1F000] =	vst v63  }
0x110: {  	_ =	swait.ge [sflag:s15], $0x2000  }
0x111: {  	[sflag:s15] =	ssyncset.done $0x0  }
0x112: {  	[sflag:s15] =	ssyncadd.s32 $0xFFFFE000  }
0x113: {  	[spmem:s6] =	stream.indirect.scatter.add.f32 [tilespmem:s19], [sflag:$0x2], $0x80, s23, s9, $0xb8;
	[tilespmem:$0x1F000] =	vst v63  }
0x114: {  	_ =	swait.ge [sflag:s21], $0x2000  }
0x115: {  	[sflag:s21] =	ssyncset.done $0x0  }
0x116: {  	s12 =	simm.s32 $0x0;
	[sflag:s21] =	ssyncadd.s32 $0xFFFFE000  }
0x117: {  	[tilespmem:s13], [sflag:$0x1] =	stream.indirect.gather [hbm4b:s2+s9], $0x80, s24, s9, $0xb8;
	[tilespmem:$0x1F000] =	vst v63  }
.LBB2_13:
0x118: {  	_ =	swait.ge [sflag:s15], $0x2000  }
0x119: {  	s26 =	sshra.s32 s12, $0x2;
	[sflag:s15] =	ssyncset.done $0x0  }
0x11a: {  	s28 =	sadd.s32 $0x15500, s26;
	[sflag:s15] =	ssyncadd.s32 $0xFFFFE000  }
0x11b: {  	[spmem:s6] =	stream.indirect.scatter.add.f32 [tilespmem:s10], [sflag:$0x2], $0x80, s28, s9, $0xb8;
	[tilespmem:$0x1F000] =	vst v63  }
0x11c: {  	_ =	swait.ge [sflag:s21], $0x2000  }
0x11d: {  	[sflag:s21] =	ssyncset.done $0x0  }
0x11e: {  	s28 =	sadd.s32 $0x14180, s26;
	[sflag:s21] =	ssyncadd.s32 $0xFFFFE000  }
0x11f: {  	[tilespmem:s16], [sflag:$0x1] =	stream.indirect.gather [hbm4b:s2+s9], $0x80, s28, s9, $0xb8;
	[tilespmem:$0x1F000] =	vst v63  }
0x120: {  	_ =	swait.ge [sflag:s15], $0x2000  }
0x121: {  	[sflag:s15] =	ssyncset.done $0x0  }
0x122: {  	s28 =	sadd.s32 $0x15540, s26;
	[sflag:s15] =	ssyncadd.s32 $0xFFFFE000  }
0x123: {  	[spmem:s6] =	stream.indirect.scatter.add.f32 [tilespmem:s13], [sflag:$0x2], $0x80, s28, s9, $0xb8;
	[tilespmem:$0x1F000] =	vst v63  }
0x124: {  	_ =	swait.ge [sflag:s21], $0x2000  }
0x125: {  	[sflag:s21] =	ssyncset.done $0x0  }
0x126: {  	s28 =	sadd.s32 $0x141C0, s26;
	[sflag:s21] =	ssyncadd.s32 $0xFFFFE000  }
0x127: {  	[tilespmem:s19], [sflag:$0x1] =	stream.indirect.gather [hbm4b:s2+s9], $0x80, s28, s9, $0xb8;
	[tilespmem:$0x1F000] =	vst v63  }
0x128: {  	_ =	swait.ge [sflag:s15], $0x2000  }
0x129: {  	p1 =	seq.s32 s12, $0x4800;
	[sflag:s15] =	ssyncset.done $0x0  }
.Ltmp4:
0x12a: {  	s28 =	sadd.s32 $0x15580, s26;
	[sflag:s15] =	ssyncadd.s32 $0xFFFFE000;
	(pc) =	sbr.rel @p1 .LBB2_15-.Ltmp4, $4  }
0x12b: {  	[spmem:s6] =	stream.indirect.scatter.add.f32 [tilespmem:s16], [sflag:$0x2], $0x80, s28, s9, $0xb8;
	[tilespmem:$0x1F000] =	vst v63  }
0x12c: {  	_ =	swait.ge [sflag:s21], $0x2000  }
0x12d: {  	[sflag:s21] =	ssyncset.done $0x0  }
0x12e: {  	s28 =	sadd.s32 $0x155C0, s26;
	[sflag:s21] =	ssyncadd.s32 $0xFFFFE000  }
0x12f: {  	s29 =	sadd.s32 $0x14200, s26  }
0x130: {  	[tilespmem:s10], [sflag:$0x1] =	stream.indirect.gather [hbm4b:s2+s9], $0x80, s29, s9, $0xb8;
	[tilespmem:$0x1F000] =	vst v63  }
0x131: {  	_ =	swait.ge [sflag:s15], $0x2000  }
0x132: {  	[sflag:s15] =	ssyncset.done $0x0  }
0x133: {  	[sflag:s15] =	ssyncadd.s32 $0xFFFFE000  }
0x134: {  	[spmem:s6] =	stream.indirect.scatter.add.f32 [tilespmem:s19], [sflag:$0x2], $0x80, s28, s9, $0xb8;
	[tilespmem:$0x1F000] =	vst v63  }
.Ltmp5:
0x135: {  	_ = 	snop;
	(pc) =	sbr.rel .LBB2_13-.Ltmp5, $4  }
0x136: {  	_ =	swait.ge [sflag:s21], $0x2000  }
0x137: {  	[sflag:s21] =	ssyncset.done $0x0  }
0x138: {  	s12 =	sadd.s32 $0x400, s12;
	s29 =	sadd.s32 $0x14240, s26;
	[sflag:s21] =	ssyncadd.s32 $0xFFFFE000  }
0x139: {  	[tilespmem:s13], [sflag:$0x1] =	stream.indirect.gather [hbm4b:s2+s9], $0x80, s29, s9, $0xb8;
	[tilespmem:$0x1F000] =	vst v63  }
.LBB2_2:
0x13a: {  	[tilespmem:s10], [sflag:$0x1] =	stream.indirect.gather [hbm4b:s0+s9], $0x80, s4, s9, $0xb8;
	[tilespmem:$0x1F000] =	vst v63  }
0x13b: {  	s12 =	simm.s32 $0x14040  }
0x13c: {  	[tilespmem:s13], [sflag:$0x1] =	stream.indirect.gather [hbm4b:s0+s9], $0x80, s12, s9, $0xb8;
	[tilespmem:$0x1F000] =	vst v63  }
0x13d: {  	[tilespmem:$0x1E800] =	vst v0  }
0x13e: {  	[tilespmem:$0x1E810] =	vst v0  }
0x13f: {  	[tilespmem:$0x1E820] =	vst v0  }
0x140: {  	[tilespmem:$0x1E830] =	vst v0  }
0x141: {  	[tilespmem:$0x1E840] =	vst v0  }
0x142: {  	[tilespmem:$0x1E850] =	vst v0  }
0x143: {  	[tilespmem:$0x1E860] =	vst v0  }
0x144: {  	[tilespmem:$0x1E870] =	vst v0  }
0x145: {  	[tilespmem:$0x1E880] =	vst v0  }
0x146: {  	[tilespmem:$0x1E890] =	vst v0  }
0x147: {  	[tilespmem:$0x1E8A0] =	vst v0  }
0x148: {  	[tilespmem:$0x1E8B0] =	vst v0  }
0x149: {  	[tilespmem:$0x1E8C0] =	vst v0  }
0x14a: {  	[tilespmem:$0x1E8D0] =	vst v0  }
0x14b: {  	[tilespmem:$0x1E8E0] =	vst v0  }
0x14c: {  	[tilespmem:$0x1E8F0] =	vst v0  }
0x14d: {  	[tilespmem:$0x1E900] =	vst v0  }
0x14e: {  	[tilespmem:$0x1E910] =	vst v0  }
0x14f: {  	[tilespmem:$0x1E920] =	vst v0  }
0x150: {  	[tilespmem:$0x1E930] =	vst v0  }
0x151: {  	[tilespmem:$0x1E940] =	vst v0  }
0x152: {  	[tilespmem:$0x1E950] =	vst v0  }
0x153: {  	[tilespmem:$0x1E960] =	vst v0  }
0x154: {  	[tilespmem:$0x1E970] =	vst v0  }
0x155: {  	[tilespmem:$0x1E980] =	vst v0  }
0x156: {  	[tilespmem:$0x1E990] =	vst v0  }
0x157: {  	[tilespmem:$0x1E9A0] =	vst v0  }
0x158: {  	[tilespmem:$0x1E9B0] =	vst v0  }
0x159: {  	[tilespmem:$0x1E9C0] =	vst v0  }
0x15a: {  	[tilespmem:$0x1E9D0] =	vst v0  }
0x15b: {  	[tilespmem:$0x1E9E0] =	vst v0  }
0x15c: {  	[tilespmem:$0x1E9F0] =	vst v0  }
0x15d: {  	[tilespmem:$0x1EA00] =	vst v0  }
0x15e: {  	[tilespmem:$0x1EA10] =	vst v0  }
0x15f: {  	[tilespmem:$0x1EA20] =	vst v0  }
0x160: {  	[tilespmem:$0x1EA30] =	vst v0  }
0x161: {  	[tilespmem:$0x1EA40] =	vst v0  }
0x162: {  	[tilespmem:$0x1EA50] =	vst v0  }
0x163: {  	[tilespmem:$0x1EA60] =	vst v0  }
0x164: {  	[tilespmem:$0x1EA70] =	vst v0  }
0x165: {  	[tilespmem:$0x1EA80] =	vst v0  }
0x166: {  	[tilespmem:$0x1EA90] =	vst v0  }
0x167: {  	[tilespmem:$0x1EAA0] =	vst v0  }
0x168: {  	[tilespmem:$0x1EAB0] =	vst v0  }
0x169: {  	[tilespmem:$0x1EAC0] =	vst v0  }
0x16a: {  	[tilespmem:$0x1EAD0] =	vst v0  }
0x16b: {  	[tilespmem:$0x1EAE0] =	vst v0  }
0x16c: {  	[tilespmem:$0x1EAF0] =	vst v0  }
0x16d: {  	[tilespmem:$0x1EB00] =	vst v0  }
0x16e: {  	[tilespmem:$0x1EB10] =	vst v0  }
0x16f: {  	[tilespmem:$0x1EB20] =	vst v0  }
0x170: {  	[tilespmem:$0x1EB30] =	vst v0  }
0x171: {  	[tilespmem:$0x1EB40] =	vst v0  }
0x172: {  	[tilespmem:$0x1EB50] =	vst v0  }
0x173: {  	[tilespmem:$0x1EB60] =	vst v0  }
0x174: {  	[tilespmem:$0x1EB70] =	vst v0  }
0x175: {  	[tilespmem:$0x1EB80] =	vst v0  }
0x176: {  	[tilespmem:$0x1EB90] =	vst v0  }
0x177: {  	[tilespmem:$0x1EBA0] =	vst v0  }
0x178: {  	[tilespmem:$0x1EBB0] =	vst v0  }
0x179: {  	[tilespmem:$0x1EBC0] =	vst v0  }
0x17a: {  	[tilespmem:$0x1EBD0] =	vst v0  }
0x17b: {  	[tilespmem:$0x1EBE0] =	vst v0  }
0x17c: {  	[tilespmem:$0x1EBF0] =	vst v0  }
0x17d: {  	[tilespmem:$0x1EC00] =	vst v0  }
0x17e: {  	[tilespmem:$0x1EC10] =	vst v0  }
0x17f: {  	[tilespmem:$0x1EC20] =	vst v0  }
0x180: {  	[tilespmem:$0x1EC30] =	vst v0  }
0x181: {  	[tilespmem:$0x1EC40] =	vst v0  }
0x182: {  	[tilespmem:$0x1EC50] =	vst v0  }
0x183: {  	[tilespmem:$0x1EC60] =	vst v0  }
0x184: {  	[tilespmem:$0x1EC70] =	vst v0  }
0x185: {  	[tilespmem:$0x1EC80] =	vst v0  }
0x186: {  	[tilespmem:$0x1EC90] =	vst v0  }
0x187: {  	[tilespmem:$0x1ECA0] =	vst v0  }
0x188: {  	[tilespmem:$0x1ECB0] =	vst v0  }
0x189: {  	[tilespmem:$0x1ECC0] =	vst v0  }
0x18a: {  	[tilespmem:$0x1ECD0] =	vst v0  }
0x18b: {  	[tilespmem:$0x1ECE0] =	vst v0  }
0x18c: {  	[tilespmem:$0x1ECF0] =	vst v0  }
0x18d: {  	[tilespmem:$0x1ED00] =	vst v0  }
0x18e: {  	[tilespmem:$0x1ED10] =	vst v0  }
0x18f: {  	[tilespmem:$0x1ED20] =	vst v0  }
0x190: {  	[tilespmem:$0x1ED30] =	vst v0  }
0x191: {  	[tilespmem:$0x1ED40] =	vst v0  }
0x192: {  	[tilespmem:$0x1ED50] =	vst v0  }
0x193: {  	[tilespmem:$0x1ED60] =	vst v0  }
0x194: {  	[tilespmem:$0x1ED70] =	vst v0  }
0x195: {  	[tilespmem:$0x1ED80] =	vst v0  }
0x196: {  	[tilespmem:$0x1ED90] =	vst v0  }
0x197: {  	[tilespmem:$0x1EDA0] =	vst v0  }
0x198: {  	[tilespmem:$0x1EDB0] =	vst v0  }
0x199: {  	[tilespmem:$0x1EDC0] =	vst v0  }
0x19a: {  	[tilespmem:$0x1EDD0] =	vst v0  }
0x19b: {  	[tilespmem:$0x1EDE0] =	vst v0  }
0x19c: {  	[tilespmem:$0x1EDF0] =	vst v0  }
0x19d: {  	[tilespmem:$0x1EE00] =	vst v0  }
0x19e: {  	[tilespmem:$0x1EE10] =	vst v0  }
0x19f: {  	[tilespmem:$0x1EE20] =	vst v0  }
0x1a0: {  	[tilespmem:$0x1EE30] =	vst v0  }
0x1a1: {  	[tilespmem:$0x1EE40] =	vst v0  }
0x1a2: {  	[tilespmem:$0x1EE50] =	vst v0  }
0x1a3: {  	[tilespmem:$0x1EE60] =	vst v0  }
0x1a4: {  	[tilespmem:$0x1EE70] =	vst v0  }
0x1a5: {  	[tilespmem:$0x1EE80] =	vst v0  }
0x1a6: {  	[tilespmem:$0x1EE90] =	vst v0  }
0x1a7: {  	[tilespmem:$0x1EEA0] =	vst v0  }
0x1a8: {  	[tilespmem:$0x1EEB0] =	vst v0  }
0x1a9: {  	[tilespmem:$0x1EEC0] =	vst v0  }
0x1aa: {  	[tilespmem:$0x1EED0] =	vst v0  }
0x1ab: {  	[tilespmem:$0x1EEE0] =	vst v0  }
0x1ac: {  	[tilespmem:$0x1EEF0] =	vst v0  }
0x1ad: {  	[tilespmem:$0x1EF00] =	vst v0  }
0x1ae: {  	[tilespmem:$0x1EF10] =	vst v0  }
0x1af: {  	[tilespmem:$0x1EF20] =	vst v0  }
0x1b0: {  	[tilespmem:$0x1EF30] =	vst v0  }
0x1b1: {  	[tilespmem:$0x1EF40] =	vst v0  }
0x1b2: {  	[tilespmem:$0x1EF50] =	vst v0  }
0x1b3: {  	[tilespmem:$0x1EF60] =	vst v0  }
0x1b4: {  	[tilespmem:$0x1EF70] =	vst v0  }
0x1b5: {  	[tilespmem:$0x1EF80] =	vst v0  }
0x1b6: {  	[tilespmem:$0x1EF90] =	vst v0  }
0x1b7: {  	[tilespmem:$0x1EFA0] =	vst v0  }
0x1b8: {  	[tilespmem:$0x1EFB0] =	vst v0  }
0x1b9: {  	[tilespmem:$0x1EFC0] =	vst v0  }
0x1ba: {  	[tilespmem:$0x1EFD0] =	vst v0  }
0x1bb: {  	[tilespmem:$0x1EFE0] =	vst v0  }
0x1bc: {  	s29 =	sadd.s32 $0x0, s11;
	[tilespmem:$0x1EFF0] =	vst v0  }
0x1bd: {  	[spmem:s29] =	stream.linear.scatter [tilespmem:s14], [sflag:$0x3], $0x800, $0x38;
	[tilespmem:$0x1F000] =	vst v63  }
0x1be: {  	s12 =	simm.s32 $0x2000;
	_ =	swait.ge [sflag:s5], $0x800  }
.LBB2_3:
0x1bf: {  	s26 =	sshra.s32 s12, $0x2;
	[sflag:s5] =	ssyncset.done $0x0;
	p1 =	sne.s32 s12, $0x4E000  }
.Ltmp6:
0x1c0: {  	s26 =	sadd.s32 s26, s11;
	[sflag:s5] =	ssyncadd.s32 $0xFFFFF800;
	(pc) =	sbr.rel @p1 .LBB2_3-.Ltmp6, $3  }
0x1c1: {  	[spmem:s26] =	stream.linear.scatter [tilespmem:s14], [sflag:$0x3], $0x800, $0x38;
	[tilespmem:$0x1F000] =	vst v63  }
0x1c2: {  	s12 =	sadd.s32 $0x2000, s12;
	_ =	sdelay $0x1  }
0x1c3: {  	_ =	swait.ge [sflag:s5], $0x800  }
0x1c4: {  	[sflag:s5] =	ssyncset.done $0x0  }
0x1c5: {  	[sflag:s5] =	ssyncadd.s32 $0xFFFFF800  }
0x1c6: {  	[bflag:$0x0] =	sbarrier.arrive $0xFFFF  }
0x1c7: {  	_ =	swait.ge [sflag:s15], $0x2000  }
0x1c8: {  	[sflag:s15] =	ssyncset.done $0x0  }
0x1c9: {  	[sflag:s15] =	ssyncadd.s32 $0xFFFFE000  }
0x1ca: {  	[spmem:s6] =	stream.indirect.scatter.add.f32 [tilespmem:s10], [sflag:$0x2], $0x80, s7, s9, $0xb8;
	[tilespmem:$0x1F000] =	vst v63  }
0x1cb: {  	_ = 	snop  }
0x1cc: {  	[tilespmem:s16], [sflag:$0x1] =	stream.indirect.gather [hbm4b:s0+s9], $0x80, s8, s9, $0xb8;
	[tilespmem:$0x1F000] =	vst v63  }
0x1cd: {  	_ =	swait.ge [sflag:s15], $0x2000  }
0x1ce: {  	[sflag:s15] =	ssyncset.done $0x0  }
0x1cf: {  	[sflag:s15] =	ssyncadd.s32 $0xFFFFE000  }
0x1d0: {  	[spmem:s6] =	stream.indirect.scatter.add.f32 [tilespmem:s13], [sflag:$0x2], $0x80, s17, s9, $0xb8;
	[tilespmem:$0x1F000] =	vst v63  }
0x1d1: {  	_ = 	snop  }
0x1d2: {  	[tilespmem:s19], [sflag:$0x1] =	stream.indirect.gather [hbm4b:s0+s9], $0x80, s18, s9, $0xb8;
	[tilespmem:$0x1F000] =	vst v63  }
0x1d3: {  	_ =	swait.ge [sflag:s15], $0x2000  }
0x1d4: {  	[sflag:s15] =	ssyncset.done $0x0  }
0x1d5: {  	[sflag:s15] =	ssyncadd.s32 $0xFFFFE000  }
0x1d6: {  	[spmem:s6] =	stream.indirect.scatter.add.f32 [tilespmem:s16], [sflag:$0x2], $0x80, s20, s9, $0xb8;
	[tilespmem:$0x1F000] =	vst v63  }
0x1d7: {  	_ =	swait.ge [sflag:s21], $0x2000  }
0x1d8: {  	[sflag:s21] =	ssyncset.done $0x0  }
0x1d9: {  	[sflag:s21] =	ssyncadd.s32 $0xFFFFE000  }
0x1da: {  	[tilespmem:s10], [sflag:$0x1] =	stream.indirect.gather [hbm4b:s0+s9], $0x80, s22, s9, $0xb8;
	[tilespmem:$0x1F000] =	vst v63  }
0x1db: {  	_ =	swait.ge [sflag:s15], $0x2000  }
0x1dc: {  	[sflag:s15] =	ssyncset.done $0x0  }
0x1dd: {  	[sflag:s15] =	ssyncadd.s32 $0xFFFFE000  }
0x1de: {  	[spmem:s6] =	stream.indirect.scatter.add.f32 [tilespmem:s19], [sflag:$0x2], $0x80, s23, s9, $0xb8;
	[tilespmem:$0x1F000] =	vst v63  }
0x1df: {  	_ =	swait.ge [sflag:s21], $0x2000  }
0x1e0: {  	[sflag:s21] =	ssyncset.done $0x0  }
0x1e1: {  	s12 =	simm.s32 $0x0;
	[sflag:s21] =	ssyncadd.s32 $0xFFFFE000  }
0x1e2: {  	[tilespmem:s13], [sflag:$0x1] =	stream.indirect.gather [hbm4b:s0+s9], $0x80, s24, s9, $0xb8;
	[tilespmem:$0x1F000] =	vst v63  }
.LBB2_5:
0x1e3: {  	_ =	swait.ge [sflag:s15], $0x2000  }
0x1e4: {  	s26 =	sshra.s32 s12, $0x2;
	[sflag:s15] =	ssyncset.done $0x0  }
0x1e5: {  	s28 =	sadd.s32 $0x15500, s26;
	[sflag:s15] =	ssyncadd.s32 $0xFFFFE000  }
0x1e6: {  	[spmem:s6] =	stream.indirect.scatter.add.f32 [tilespmem:s10], [sflag:$0x2], $0x80, s28, s9, $0xb8;
	[tilespmem:$0x1F000] =	vst v63  }
0x1e7: {  	_ =	swait.ge [sflag:s21], $0x2000  }
0x1e8: {  	[sflag:s21] =	ssyncset.done $0x0  }
0x1e9: {  	s28 =	sadd.s32 $0x14180, s26;
	[sflag:s21] =	ssyncadd.s32 $0xFFFFE000  }
0x1ea: {  	[tilespmem:s16], [sflag:$0x1] =	stream.indirect.gather [hbm4b:s0+s9], $0x80, s28, s9, $0xb8;
	[tilespmem:$0x1F000] =	vst v63  }
0x1eb: {  	_ =	swait.ge [sflag:s15], $0x2000  }
0x1ec: {  	[sflag:s15] =	ssyncset.done $0x0  }
0x1ed: {  	s28 =	sadd.s32 $0x15540, s26;
	[sflag:s15] =	ssyncadd.s32 $0xFFFFE000  }
0x1ee: {  	[spmem:s6] =	stream.indirect.scatter.add.f32 [tilespmem:s13], [sflag:$0x2], $0x80, s28, s9, $0xb8;
	[tilespmem:$0x1F000] =	vst v63  }
0x1ef: {  	_ =	swait.ge [sflag:s21], $0x2000  }
0x1f0: {  	[sflag:s21] =	ssyncset.done $0x0  }
0x1f1: {  	s28 =	sadd.s32 $0x141C0, s26;
	[sflag:s21] =	ssyncadd.s32 $0xFFFFE000  }
0x1f2: {  	[tilespmem:s19], [sflag:$0x1] =	stream.indirect.gather [hbm4b:s0+s9], $0x80, s28, s9, $0xb8;
	[tilespmem:$0x1F000] =	vst v63  }
0x1f3: {  	_ =	swait.ge [sflag:s15], $0x2000  }
0x1f4: {  	p1 =	seq.s32 s12, $0x4800;
	[sflag:s15] =	ssyncset.done $0x0  }
.Ltmp7:
0x1f5: {  	s28 =	sadd.s32 $0x15580, s26;
	[sflag:s15] =	ssyncadd.s32 $0xFFFFE000;
	(pc) =	sbr.rel @p1 .LBB2_7-.Ltmp7, $4  }
0x1f6: {  	[spmem:s6] =	stream.indirect.scatter.add.f32 [tilespmem:s16], [sflag:$0x2], $0x80, s28, s9, $0xb8;
	[tilespmem:$0x1F000] =	vst v63  }
0x1f7: {  	_ =	swait.ge [sflag:s21], $0x2000  }
0x1f8: {  	[sflag:s21] =	ssyncset.done $0x0  }
0x1f9: {  	s28 =	sadd.s32 $0x155C0, s26;
	[sflag:s21] =	ssyncadd.s32 $0xFFFFE000  }
0x1fa: {  	s29 =	sadd.s32 $0x14200, s26  }
0x1fb: {  	[tilespmem:s10], [sflag:$0x1] =	stream.indirect.gather [hbm4b:s0+s9], $0x80, s29, s9, $0xb8;
	[tilespmem:$0x1F000] =	vst v63  }
0x1fc: {  	_ =	swait.ge [sflag:s15], $0x2000  }
0x1fd: {  	[sflag:s15] =	ssyncset.done $0x0  }
0x1fe: {  	[sflag:s15] =	ssyncadd.s32 $0xFFFFE000  }
0x1ff: {  	[spmem:s6] =	stream.indirect.scatter.add.f32 [tilespmem:s19], [sflag:$0x2], $0x80, s28, s9, $0xb8;
	[tilespmem:$0x1F000] =	vst v63  }
.Ltmp8:
0x200: {  	_ = 	snop;
	(pc) =	sbr.rel .LBB2_5-.Ltmp8, $4  }
0x201: {  	_ =	swait.ge [sflag:s21], $0x2000  }
0x202: {  	[sflag:s21] =	ssyncset.done $0x0  }
0x203: {  	s12 =	sadd.s32 $0x400, s12;
	s29 =	sadd.s32 $0x14240, s26;
	[sflag:s21] =	ssyncadd.s32 $0xFFFFE000  }
0x204: {  	[tilespmem:s13], [sflag:$0x1] =	stream.indirect.gather [hbm4b:s0+s9], $0x80, s29, s9, $0xb8;
	[tilespmem:$0x1F000] =	vst v63  }
.LBB2_15:
0x205: {  	_ =	swait.ge [sflag:s15], $0x2000  }
0x206: {  	[sflag:s15] =	ssyncset.done $0x0  }
0x207: {  	[sflag:s15] =	ssyncadd.s32 $0xFFFFE000  }
0x208: {  	[spmem:s6] =	stream.indirect.scatter.add.f32 [tilespmem:s19], [sflag:$0x2], $0x80, s28, s9, $0xb8;
	[tilespmem:$0x1F000] =	vst v63  }
0x209: {  	_ =	swait.ge [sflag:s21], $0x2000  }
0x20a: {  	[sflag:s21] =	ssyncset.done $0x0  }
0x20b: {  	[sflag:s21] =	ssyncadd.s32 $0xFFFFE000  }
0x20c: {  	_ =	swait.ge [sflag:s21], $0x2000  }
0x20d: {  	[sflag:s21] =	ssyncset.done $0x0  }
0x20e: {  	[sflag:s21] =	ssyncadd.s32 $0xFFFFE000  }
0x20f: {  	_ =	swait.ge [sflag:s21], $0x2000  }
0x210: {  	[sflag:s21] =	ssyncset.done $0x0  }
0x211: {  	s12 =	simm.s32 $0x0;
	s26 =	rddreg [dreg:$0xb];
	[sflag:s21] =	ssyncadd.s32 $0xFFFFE000  }
0x212: {  	[tilespmem:s4], [sflag:$0x3] =	stream.linear.gather [hbm4b:s26+s12], $0x1400, $0x38;
	[tilespmem:$0x1F000] =	vst v63  }
0x213: {  	_ =	swait.ge [sflag:s5], $0x1400  }
0x214: {  	[sflag:s5] =	ssyncset.done $0x0  }
0x215: {  	s28 =	rddreg [dreg:$0xc];
	[sflag:s5] =	ssyncadd.s32 $0xFFFFEC00  }
0x216: {  	[tilespmem:s7], [sflag:$0x3] =	stream.linear.gather [hbm4b:s28+s12], $0x1400, $0x38;
	[tilespmem:$0x1F000] =	vst v63  }
0x217: {  	_ =	swait.ge [sflag:s5], $0x1400  }
0x218: {  	[sflag:s5] =	ssyncset.done $0x0  }
0x219: {  	[sflag:s5] =	ssyncadd.s32 $0xFFFFEC00  }
0x21a: {  	[tilespmem:s10], [sflag:$0x1] =	stream.indirect.gather [hbm4b:s2+s9], $0x80, s4, s9, $0xb8;
	[tilespmem:$0x1F000] =	vst v63  }
0x21b: {  	s29 =	simm.s32 $0x14040  }
0x21c: {  	[tilespmem:s13], [sflag:$0x1] =	stream.indirect.gather [hbm4b:s2+s9], $0x80, s29, s9, $0xb8;
	[tilespmem:$0x1F000] =	vst v63  }
0x21d: {  	_ =	swait.ge [sflag:s15], $0x2000  }
0x21e: {  	[sflag:s15] =	ssyncset.done $0x0  }
0x21f: {  	[sflag:s15] =	ssyncadd.s32 $0xFFFFE000  }
0x220: {  	[spmem:s6] =	stream.indirect.scatter.add.f32 [tilespmem:s10], [sflag:$0x2], $0x80, s7, s9, $0xb8;
	[tilespmem:$0x1F000] =	vst v63  }
0x221: {  	_ = 	snop  }
0x222: {  	[tilespmem:s16], [sflag:$0x1] =	stream.indirect.gather [hbm4b:s2+s9], $0x80, s8, s9, $0xb8;
	[tilespmem:$0x1F000] =	vst v63  }
0x223: {  	_ =	swait.ge [sflag:s15], $0x2000  }
0x224: {  	[sflag:s15] =	ssyncset.done $0x0  }
0x225: {  	[sflag:s15] =	ssyncadd.s32 $0xFFFFE000  }
0x226: {  	[spmem:s6] =	stream.indirect.scatter.add.f32 [tilespmem:s13], [sflag:$0x2], $0x80, s17, s9, $0xb8;
	[tilespmem:$0x1F000] =	vst v63  }
0x227: {  	_ = 	snop  }
0x228: {  	[tilespmem:s19], [sflag:$0x1] =	stream.indirect.gather [hbm4b:s2+s9], $0x80, s18, s9, $0xb8;
	[tilespmem:$0x1F000] =	vst v63  }
0x229: {  	_ =	swait.ge [sflag:s15], $0x2000  }
0x22a: {  	[sflag:s15] =	ssyncset.done $0x0  }
0x22b: {  	[sflag:s15] =	ssyncadd.s32 $0xFFFFE000  }
0x22c: {  	[spmem:s6] =	stream.indirect.scatter.add.f32 [tilespmem:s16], [sflag:$0x2], $0x80, s20, s9, $0xb8;
	[tilespmem:$0x1F000] =	vst v63  }
0x22d: {  	_ =	swait.ge [sflag:s21], $0x2000  }
0x22e: {  	[sflag:s21] =	ssyncset.done $0x0  }
0x22f: {  	[sflag:s21] =	ssyncadd.s32 $0xFFFFE000  }
0x230: {  	[tilespmem:s10], [sflag:$0x1] =	stream.indirect.gather [hbm4b:s2+s9], $0x80, s22, s9, $0xb8;
	[tilespmem:$0x1F000] =	vst v63  }
0x231: {  	_ =	swait.ge [sflag:s15], $0x2000  }
0x232: {  	[sflag:s15] =	ssyncset.done $0x0  }
0x233: {  	[sflag:s15] =	ssyncadd.s32 $0xFFFFE000  }
0x234: {  	[spmem:s6] =	stream.indirect.scatter.add.f32 [tilespmem:s19], [sflag:$0x2], $0x80, s23, s9, $0xb8;
	[tilespmem:$0x1F000] =	vst v63  }
0x235: {  	_ =	swait.ge [sflag:s21], $0x2000  }
0x236: {  	[sflag:s21] =	ssyncset.done $0x0  }
0x237: {  	[sflag:s21] =	ssyncadd.s32 $0xFFFFE000  }
0x238: {  	[tilespmem:s13], [sflag:$0x1] =	stream.indirect.gather [hbm4b:s2+s9], $0x80, s24, s9, $0xb8;
	[tilespmem:$0x1F000] =	vst v63  }
.LBB2_16:
0x239: {  	_ =	swait.ge [sflag:s15], $0x2000  }
0x23a: {  	s26 =	sshra.s32 s12, $0x2;
	[sflag:s15] =	ssyncset.done $0x0  }
0x23b: {  	s28 =	sadd.s32 $0x15500, s26;
	[sflag:s15] =	ssyncadd.s32 $0xFFFFE000  }
0x23c: {  	[spmem:s6] =	stream.indirect.scatter.add.f32 [tilespmem:s10], [sflag:$0x2], $0x80, s28, s9, $0xb8;
	[tilespmem:$0x1F000] =	vst v63  }
0x23d: {  	_ =	swait.ge [sflag:s21], $0x2000  }
0x23e: {  	[sflag:s21] =	ssyncset.done $0x0  }
0x23f: {  	s29 =	sadd.s32 $0x14180, s26;
	[sflag:s21] =	ssyncadd.s32 $0xFFFFE000  }
0x240: {  	[tilespmem:s16], [sflag:$0x1] =	stream.indirect.gather [hbm4b:s2+s9], $0x80, s29, s9, $0xb8;
	[tilespmem:$0x1F000] =	vst v63  }
0x241: {  	_ =	swait.ge [sflag:s15], $0x2000  }
0x242: {  	[sflag:s15] =	ssyncset.done $0x0  }
0x243: {  	s29 =	sadd.s32 $0x15540, s26;
	[sflag:s15] =	ssyncadd.s32 $0xFFFFE000  }
0x244: {  	[spmem:s6] =	stream.indirect.scatter.add.f32 [tilespmem:s13], [sflag:$0x2], $0x80, s29, s9, $0xb8;
	[tilespmem:$0x1F000] =	vst v63  }
0x245: {  	_ =	swait.ge [sflag:s21], $0x2000  }
0x246: {  	[sflag:s21] =	ssyncset.done $0x0  }
0x247: {  	s29 =	sadd.s32 $0x141C0, s26;
	[sflag:s21] =	ssyncadd.s32 $0xFFFFE000  }
0x248: {  	[tilespmem:s19], [sflag:$0x1] =	stream.indirect.gather [hbm4b:s2+s9], $0x80, s29, s9, $0xb8;
	[tilespmem:$0x1F000] =	vst v63  }
0x249: {  	_ =	swait.ge [sflag:s15], $0x2000  }
0x24a: {  	p1 =	seq.s32 s12, $0x4800;
	[sflag:s15] =	ssyncset.done $0x0  }
.Ltmp9:
0x24b: {  	s29 =	sadd.s32 $0x15580, s26;
	[sflag:s15] =	ssyncadd.s32 $0xFFFFE000;
	(pc) =	sbr.rel @p1 .LBB2_18-.Ltmp9, $4  }
0x24c: {  	[spmem:s6] =	stream.indirect.scatter.add.f32 [tilespmem:s16], [sflag:$0x2], $0x80, s29, s9, $0xb8;
	[tilespmem:$0x1F000] =	vst v63  }
0x24d: {  	_ =	swait.ge [sflag:s21], $0x2000  }
0x24e: {  	[sflag:s21] =	ssyncset.done $0x0  }
0x24f: {  	[sflag:s21] =	ssyncadd.s32 $0xFFFFE000  }
0x250: {  	s28 =	sadd.s32 $0x14200, s26  }
0x251: {  	[tilespmem:s10], [sflag:$0x1] =	stream.indirect.gather [hbm4b:s2+s9], $0x80, s28, s9, $0xb8;
	[tilespmem:$0x1F000] =	vst v63  }
0x252: {  	_ =	swait.ge [sflag:s15], $0x2000  }
0x253: {  	[sflag:s15] =	ssyncset.done $0x0  }
0x254: {  	s29 =	sadd.s32 $0x155C0, s26;
	[sflag:s15] =	ssyncadd.s32 $0xFFFFE000  }
0x255: {  	[spmem:s6] =	stream.indirect.scatter.add.f32 [tilespmem:s19], [sflag:$0x2], $0x80, s29, s9, $0xb8;
	[tilespmem:$0x1F000] =	vst v63  }
.Ltmp10:
0x256: {  	_ = 	snop;
	(pc) =	sbr.rel .LBB2_16-.Ltmp10, $4  }
0x257: {  	_ =	swait.ge [sflag:s21], $0x2000  }
0x258: {  	[sflag:s21] =	ssyncset.done $0x0  }
0x259: {  	s12 =	sadd.s32 $0x400, s12;
	s29 =	sadd.s32 $0x14240, s26;
	[sflag:s21] =	ssyncadd.s32 $0xFFFFE000  }
0x25a: {  	[tilespmem:s13], [sflag:$0x1] =	stream.indirect.gather [hbm4b:s2+s9], $0x80, s29, s9, $0xb8;
	[tilespmem:$0x1F000] =	vst v63  }
.LBB2_7:
0x25b: {  	_ =	swait.ge [sflag:s15], $0x2000  }
0x25c: {  	[sflag:s15] =	ssyncset.done $0x0  }
0x25d: {  	[sflag:s15] =	ssyncadd.s32 $0xFFFFE000  }
0x25e: {  	[spmem:s6] =	stream.indirect.scatter.add.f32 [tilespmem:s19], [sflag:$0x2], $0x80, s28, s9, $0xb8;
	[tilespmem:$0x1F000] =	vst v63  }
0x25f: {  	_ =	swait.ge [sflag:s21], $0x2000  }
0x260: {  	[sflag:s21] =	ssyncset.done $0x0  }
0x261: {  	[sflag:s21] =	ssyncadd.s32 $0xFFFFE000  }
0x262: {  	_ =	swait.ge [sflag:s21], $0x2000  }
0x263: {  	[sflag:s21] =	ssyncset.done $0x0  }
0x264: {  	[sflag:s21] =	ssyncadd.s32 $0xFFFFE000  }
0x265: {  	_ =	swait.ge [sflag:s21], $0x2000  }
0x266: {  	[sflag:s21] =	ssyncset.done $0x0  }
0x267: {  	s12 =	simm.s32 $0x0;
	s26 =	rddreg [dreg:$0xb];
	[sflag:s21] =	ssyncadd.s32 $0xFFFFE000  }
0x268: {  	[tilespmem:s4], [sflag:$0x3] =	stream.linear.gather [hbm4b:s26+s12], $0x1400, $0x38;
	[tilespmem:$0x1F000] =	vst v63  }
0x269: {  	_ =	swait.ge [sflag:s5], $0x1400  }
0x26a: {  	[sflag:s5] =	ssyncset.done $0x0  }
0x26b: {  	s28 =	rddreg [dreg:$0xc];
	[sflag:s5] =	ssyncadd.s32 $0xFFFFEC00  }
0x26c: {  	[tilespmem:s7], [sflag:$0x3] =	stream.linear.gather [hbm4b:s28+s12], $0x1400, $0x38;
	[tilespmem:$0x1F000] =	vst v63  }
0x26d: {  	_ =	swait.ge [sflag:s5], $0x1400  }
0x26e: {  	[sflag:s5] =	ssyncset.done $0x0  }
0x26f: {  	[sflag:s5] =	ssyncadd.s32 $0xFFFFEC00  }
0x270: {  	[tilespmem:s10], [sflag:$0x1] =	stream.indirect.gather [hbm4b:s0+s9], $0x80, s4, s9, $0xb8;
	[tilespmem:$0x1F000] =	vst v63  }
0x271: {  	s29 =	simm.s32 $0x14040  }
0x272: {  	[tilespmem:s13], [sflag:$0x1] =	stream.indirect.gather [hbm4b:s0+s9], $0x80, s29, s9, $0xb8;
	[tilespmem:$0x1F000] =	vst v63  }
0x273: {  	_ =	swait.ge [sflag:s15], $0x2000  }
0x274: {  	[sflag:s15] =	ssyncset.done $0x0  }
0x275: {  	[sflag:s15] =	ssyncadd.s32 $0xFFFFE000  }
0x276: {  	[spmem:s6] =	stream.indirect.scatter.add.f32 [tilespmem:s10], [sflag:$0x2], $0x80, s7, s9, $0xb8;
	[tilespmem:$0x1F000] =	vst v63  }
0x277: {  	_ = 	snop  }
0x278: {  	[tilespmem:s16], [sflag:$0x1] =	stream.indirect.gather [hbm4b:s0+s9], $0x80, s8, s9, $0xb8;
	[tilespmem:$0x1F000] =	vst v63  }
0x279: {  	_ =	swait.ge [sflag:s15], $0x2000  }
0x27a: {  	[sflag:s15] =	ssyncset.done $0x0  }
0x27b: {  	[sflag:s15] =	ssyncadd.s32 $0xFFFFE000  }
0x27c: {  	[spmem:s6] =	stream.indirect.scatter.add.f32 [tilespmem:s13], [sflag:$0x2], $0x80, s17, s9, $0xb8;
	[tilespmem:$0x1F000] =	vst v63  }
0x27d: {  	_ = 	snop  }
0x27e: {  	[tilespmem:s19], [sflag:$0x1] =	stream.indirect.gather [hbm4b:s0+s9], $0x80, s18, s9, $0xb8;
	[tilespmem:$0x1F000] =	vst v63  }
0x27f: {  	_ =	swait.ge [sflag:s15], $0x2000  }
0x280: {  	[sflag:s15] =	ssyncset.done $0x0  }
0x281: {  	[sflag:s15] =	ssyncadd.s32 $0xFFFFE000  }
0x282: {  	[spmem:s6] =	stream.indirect.scatter.add.f32 [tilespmem:s16], [sflag:$0x2], $0x80, s20, s9, $0xb8;
	[tilespmem:$0x1F000] =	vst v63  }
0x283: {  	_ =	swait.ge [sflag:s21], $0x2000  }
0x284: {  	[sflag:s21] =	ssyncset.done $0x0  }
0x285: {  	[sflag:s21] =	ssyncadd.s32 $0xFFFFE000  }
0x286: {  	[tilespmem:s10], [sflag:$0x1] =	stream.indirect.gather [hbm4b:s0+s9], $0x80, s22, s9, $0xb8;
	[tilespmem:$0x1F000] =	vst v63  }
0x287: {  	_ =	swait.ge [sflag:s15], $0x2000  }
0x288: {  	[sflag:s15] =	ssyncset.done $0x0  }
0x289: {  	[sflag:s15] =	ssyncadd.s32 $0xFFFFE000  }
0x28a: {  	[spmem:s6] =	stream.indirect.scatter.add.f32 [tilespmem:s19], [sflag:$0x2], $0x80, s23, s9, $0xb8;
	[tilespmem:$0x1F000] =	vst v63  }
0x28b: {  	_ =	swait.ge [sflag:s21], $0x2000  }
0x28c: {  	[sflag:s21] =	ssyncset.done $0x0  }
0x28d: {  	[sflag:s21] =	ssyncadd.s32 $0xFFFFE000  }
0x28e: {  	[tilespmem:s13], [sflag:$0x1] =	stream.indirect.gather [hbm4b:s0+s9], $0x80, s24, s9, $0xb8;
	[tilespmem:$0x1F000] =	vst v63  }
.LBB2_8:
0x28f: {  	_ =	swait.ge [sflag:s15], $0x2000  }
0x290: {  	s26 =	sshra.s32 s12, $0x2;
	[sflag:s15] =	ssyncset.done $0x0  }
0x291: {  	s28 =	sadd.s32 $0x15500, s26;
	[sflag:s15] =	ssyncadd.s32 $0xFFFFE000  }
0x292: {  	[spmem:s6] =	stream.indirect.scatter.add.f32 [tilespmem:s10], [sflag:$0x2], $0x80, s28, s9, $0xb8;
	[tilespmem:$0x1F000] =	vst v63  }
0x293: {  	_ =	swait.ge [sflag:s21], $0x2000  }
0x294: {  	[sflag:s21] =	ssyncset.done $0x0  }
0x295: {  	s29 =	sadd.s32 $0x14180, s26;
	[sflag:s21] =	ssyncadd.s32 $0xFFFFE000  }
0x296: {  	[tilespmem:s16], [sflag:$0x1] =	stream.indirect.gather [hbm4b:s0+s9], $0x80, s29, s9, $0xb8;
	[tilespmem:$0x1F000] =	vst v63  }
0x297: {  	_ =	swait.ge [sflag:s15], $0x2000  }
0x298: {  	[sflag:s15] =	ssyncset.done $0x0  }
0x299: {  	s29 =	sadd.s32 $0x15540, s26;
	[sflag:s15] =	ssyncadd.s32 $0xFFFFE000  }
0x29a: {  	[spmem:s6] =	stream.indirect.scatter.add.f32 [tilespmem:s13], [sflag:$0x2], $0x80, s29, s9, $0xb8;
	[tilespmem:$0x1F000] =	vst v63  }
0x29b: {  	_ =	swait.ge [sflag:s21], $0x2000  }
0x29c: {  	[sflag:s21] =	ssyncset.done $0x0  }
0x29d: {  	s29 =	sadd.s32 $0x141C0, s26;
	[sflag:s21] =	ssyncadd.s32 $0xFFFFE000  }
0x29e: {  	[tilespmem:s19], [sflag:$0x1] =	stream.indirect.gather [hbm4b:s0+s9], $0x80, s29, s9, $0xb8;
	[tilespmem:$0x1F000] =	vst v63  }
0x29f: {  	_ =	swait.ge [sflag:s15], $0x2000  }
0x2a0: {  	p1 =	seq.s32 s12, $0x4800;
	[sflag:s15] =	ssyncset.done $0x0  }
.Ltmp11:
0x2a1: {  	s29 =	sadd.s32 $0x15580, s26;
	[sflag:s15] =	ssyncadd.s32 $0xFFFFE000;
	(pc) =	sbr.rel @p1 .LBB2_19-.Ltmp11, $4  }
0x2a2: {  	[spmem:s6] =	stream.indirect.scatter.add.f32 [tilespmem:s16], [sflag:$0x2], $0x80, s29, s9, $0xb8;
	[tilespmem:$0x1F000] =	vst v63  }
0x2a3: {  	_ =	swait.ge [sflag:s21], $0x2000  }
0x2a4: {  	[sflag:s21] =	ssyncset.done $0x0  }
0x2a5: {  	[sflag:s21] =	ssyncadd.s32 $0xFFFFE000  }
0x2a6: {  	s28 =	sadd.s32 $0x14200, s26  }
0x2a7: {  	[tilespmem:s10], [sflag:$0x1] =	stream.indirect.gather [hbm4b:s0+s9], $0x80, s28, s9, $0xb8;
	[tilespmem:$0x1F000] =	vst v63  }
0x2a8: {  	_ =	swait.ge [sflag:s15], $0x2000  }
0x2a9: {  	[sflag:s15] =	ssyncset.done $0x0  }
0x2aa: {  	s29 =	sadd.s32 $0x155C0, s26;
	[sflag:s15] =	ssyncadd.s32 $0xFFFFE000  }
0x2ab: {  	[spmem:s6] =	stream.indirect.scatter.add.f32 [tilespmem:s19], [sflag:$0x2], $0x80, s29, s9, $0xb8;
	[tilespmem:$0x1F000] =	vst v63  }
.Ltmp12:
0x2ac: {  	_ = 	snop;
	(pc) =	sbr.rel .LBB2_8-.Ltmp12, $4  }
0x2ad: {  	_ =	swait.ge [sflag:s21], $0x2000  }
0x2ae: {  	[sflag:s21] =	ssyncset.done $0x0  }
0x2af: {  	s12 =	sadd.s32 $0x400, s12;
	s29 =	sadd.s32 $0x14240, s26;
	[sflag:s21] =	ssyncadd.s32 $0xFFFFE000  }
0x2b0: {  	[tilespmem:s13], [sflag:$0x1] =	stream.indirect.gather [hbm4b:s0+s9], $0x80, s29, s9, $0xb8;
	[tilespmem:$0x1F000] =	vst v63  }
.LBB2_18:
.Ltmp13:
0x2b1: {  	(pc) =	sbr.rel .LBB2_20-.Ltmp13, $2  }
0x2b2: {  	_ =	sdelay $0x2  }
0x2b3: {  	s26 =	sadd.s32 $0x600, s12;
	s12 =	rddreg [dreg:$0x5]  }
.LBB2_21:
0x2b4: {  	_ =	sfence.sel $0x180000  }
0x2b5: {  	[bflag:$0x0] =	sbarrier.arrive $0xFFFF  }
0x2b6: {  	_ =	strace $0x90000047  }
0x2b7: {  	s0 =	stileid.u32;
	[bflag:$0x2] =	sbarrier.arrive $0xFFFF  }
0x2b8: {  	p0 =	sne.s32 s0, $0x0;
	s0 =	rddreg [dreg:$0x7]  }
0x2b9: {  	s0 =	sadd.s32 @!p0 $0x100000, s0  }
0x2ba: {  	[sflag:s0] =	ssyncadd.tile.s32 @!p0 $0x1;
	_ =	shalt  }
.Lfunc_end2:
_tile_overlayer_lowered:
.L_overlay_start_2:
0x2bb: {  	(tag) =	ssettag $0x2  }
0x2bc: {  	s0 =	rddreg [dreg:$0x0];
	s2 =	stileid.u32  }
0x2bd: {  	s1 =	rddreg [dreg:$0x1];
	p0 =	sne.s32 s2, $0x0  }
0x2be: {  	s3 =	rddreg [dreg:$0x2];
	[bflag:$0x3] =	sbarrier.arrive $0xFFFF;
	s2 =	simm.s32 @!p0 $0x1C03  }
0x2bf: {  	[timem:s3], [sflag:s2] =	dma.local @!p0 [hbm:s0], s1  }
0x2c0: {  	s0 =	simm.s32 @!p0 $0x3  }
0x2c1: {  	_ =	swait.ge @!p0 [sflag:s0], s1  }
0x2c2: {  	s1 =	ssub.s32 @!p0 $0x0, s1;
	[sflag:s0] =	ssyncset.done @!p0 $0x0  }
0x2c3: {  	[sflag:s0] =	ssyncadd.s32 @!p0 s1  }
0x2c4: {  	[bflag:$0x3] =	sbarrier.arrive $0xFFFF  }
0x2c5: {  	_ =	shalt  }

</sc_bundles>
